<compile_context>
chip_gen: v7x
topology: tpu7x:2x2x1
jax: 0.10.2.dev20260603
libtpu: 0.0.44.dev20260713+nightly
codegen_flags: <defaults>
</compile_context>

<pallas_src>
import functools

import jax
import jax.numpy as jnp
from jax import lax
from jax.experimental import pallas as pl
from jax.experimental.pallas import tpu as pltpu
from jax.experimental.pallas import tpu_sc as plsc

NC = 2
NS = 16
NW = NC * NS
L = 16
C = 40


def _decode(x, src, dst):
    n, d = x.shape
    e = src.shape[0]
    half = e // 2
    per_w = half // NW
    nk = per_w // C

    mesh = plsc.VectorSubcoreMesh(
        core_axis_name="c", subcore_axis_name="s",
        num_cores=NC, num_subcores=NS)

    @functools.partial(
        pl.kernel,
        out_type=jax.ShapeDtypeStruct((half,), jnp.float32),
        mesh=mesh,
        scratch_types=[
            [pltpu.VMEM((4 * C,), jnp.int32) for _ in range(4)],
            pltpu.VMEM((4 * C, d), jnp.float32),
            pltpu.VMEM((4 * C, d), jnp.float32),
            pltpu.VMEM((per_w + 2 * L,), jnp.float32),
            pltpu.VMEM((3 * L * 17,), jnp.float32),
            pltpu.VMEM_SHARED((n, d), jnp.float32),
            [pltpu.SemaphoreType.DMA for _ in range(4)],
            pltpu.SemaphoreType.DMA,
            pltpu.SemaphoreType.DMA,
        ],
        compiler_params=pltpu.CompilerParams(needs_layout_passes=False),
    )
    def decode(x_hbm, src_hbm, dst_hbm, out_hbm,
               ias, set0, set1, ob, stg, xs, sis, sr0, sr1):
        wid = lax.axis_index("s") * NC + lax.axis_index("c")
        sid = lax.axis_index("s")
        base0 = wid * per_w
        lane = lax.iota(jnp.int32, L)
        sets = (set0, set1)
        srs = (sr0, sr1)

        rps = (n // NS) // 8 * 8
        off = pl.multiple_of(sid * rps, 8)
        pltpu.sync_copy(x_hbm.at[pl.ds(off, rps)], xs.at[pl.ds(off, rps)])
        tail = n - rps * NS
        if tail:
            @pl.when(sid == 0)
            def _tail():
                pltpu.sync_copy(x_hbm.at[pl.ds(rps * NS, tail)],
                                xs.at[pl.ds(rps * NS, tail)])
        plsc.subcore_barrier()

        def fire_idx(k, p):
            o = base0 + k * C
            srcs = (src_hbm.at[pl.ds(o, C)],
                    dst_hbm.at[pl.ds(o, C)],
                    src_hbm.at[pl.ds(o + half, C)],
                    dst_hbm.at[pl.ds(o + half, C)])
            for q in range(4):
                pltpu.async_copy(srcs[q], ias[p].at[pl.ds(q * C, C)],
                                 sis[p])

        def drain_idx(p):
            pltpu.make_async_copy(src_hbm.at[pl.ds(0, 4 * C)], ias[p],
                                  sis[p]).wait()

        def fire_rows(p, pi):
            for q in range(4):
                pltpu.async_copy(xs.at[ias[pi].at[pl.ds(q * C, C)]],
                                 sets[p].at[pl.ds(q * C, C)], srs[p])

        def drain_rows(p):
            pltpu.make_async_copy(x_hbm.at[pl.ds(0, 4 * C)], sets[p],
                                  srs[p]).wait()

        def compute(k, p):
            st = sets[p]

            def edge_partial(j):
                ps = []
                for c0 in range(d // L):
                    sl = pl.ds(c0 * L, L)
                    ps.append(st[j, sl] * st[C + j, sl])
                    ps.append(st[2 * C + j, sl] * st[3 * C + j, sl])
                while len(ps) > 1:
                    ps = [a + b for a, b in zip(ps[::2], ps[1::2])]
                return ps[0]

            @plsc.parallel_loop(0, C)
            def _j1(j):
                plsc.store_scatter(stg, [j * 17 + lane], edge_partial(j))

            for g in range((C + L - 1) // L):
                gl = (g * L + lane) * 17
                vs = [plsc.load_gather(stg, [gl + l]) for l in range(L)]
                while len(vs) > 1:
                    vs = [a + b for a, b in zip(vs[::2], vs[1::2])]
                ob[pl.ds(k * C + g * L, L)] = vs[0]

        fire_idx(0, 0)
        fire_idx(1, 1)
        fire_idx(2, 2)
        drain_idx(0)
        fire_rows(0, 0)

        def step(k, p, pi, last=False):
            if not last:
                drain_idx((pi + 1) % 4)
                fire_rows(1 - p, (pi + 1) % 4)
            drain_rows(p)

            @pl.when(k + 3 < nk)
            def _():
                fire_idx(k + 3, (pi + 3) % 4)
            compute(k, p)

        @pl.loop(0, nk // 4)
        def _t(tt):
            k = tt * 4
            for u in range(4):
                step(k + u, u % 2, u)

        for u in range(nk % 4):
            k = nk - (nk % 4) + u
            step(k, k % 2, k % 4, last=(u == nk % 4 - 1))
        pltpu.sync_copy(ob.at[pl.ds(0, per_w)],
                        out_hbm.at[pl.ds(base0, per_w)])

    return decode(x, src, dst)


def kernel(x, edge_index, edge_features, batch_size,
           W1, a_src1, a_dst1, We1, ae1, b1,
           W2, a_src2, a_dst2, We2, ae2, b2):
    res_half = _decode(x, edge_index[0], edge_index[1])
    return res_half.reshape((1000, -1))

# --- scband reference (transcript-rebuilt; emitter-appended) ---
"""Pipeline reference for scband-net-71098888618765 (READ-ONLY COPY).

The authoritative reference and input builder live on the scoring server;
editing this copy changes nothing except your own understanding.
"""

import jax, jax.numpy as jnp
import numpy as np

N = 10000
E = 320000
D = 128
DE = 16
BATCH = 1000


def setup_inputs(seed: int = 0) -> dict:
    key = jax.random.key(seed)
    ks = jax.random.split(key, 16)
    inp = {}
    inp["x"] = jax.random.normal(ks[0], (N, D), dtype=jnp.float32)
    inp["edge_index"] = jax.random.randint(ks[1], (2, E), 0, N, dtype=jnp.int32)
    inp["edge_features"] = jax.random.normal(ks[2], (E, DE), dtype=jnp.float32)
    inp["batch_size"] = BATCH
    # GATConv layer 1 params (heads=1): in=128 -> hidden=128, edge_dim=16
    inp["W1"] = jax.random.normal(ks[3], (D, D), dtype=jnp.float32) * 0.1
    inp["a_src1"] = jax.random.normal(ks[4], (D,), dtype=jnp.float32) * 0.1
    inp["a_dst1"] = jax.random.normal(ks[5], (D,), dtype=jnp.float32) * 0.1
    inp["We1"] = jax.random.normal(ks[6], (DE, D), dtype=jnp.float32) * 0.1
    inp["ae1"] = jax.random.normal(ks[7], (D,), dtype=jnp.float32) * 0.1
    inp["b1"] = jnp.zeros((D,), dtype=jnp.float32)
    # GATConv layer 2 params: hidden=128 -> out=128
    inp["W2"] = jax.random.normal(ks[8], (D, D), dtype=jnp.float32) * 0.1
    inp["a_src2"] = jax.random.normal(ks[9], (D,), dtype=jnp.float32) * 0.1
    inp["a_dst2"] = jax.random.normal(ks[10], (D,), dtype=jnp.float32) * 0.1
    inp["We2"] = jax.random.normal(ks[11], (DE, D), dtype=jnp.float32) * 0.1
    inp["ae2"] = jax.random.normal(ks[12], (D,), dtype=jnp.float32) * 0.1
    inp["b2"] = jnp.zeros((D,), dtype=jnp.float32)
    return inp


def gat_conv(x, edge_index, edge_attr, W, a_src, a_dst, We, ae, b, num_nodes):
    src = edge_index[0]
    dst = edge_index[1]
    h = x @ W  # [N, C]
    alpha_src = (h * a_src).sum(-1)  # [N]
    alpha_dst = (h * a_dst).sum(-1)  # [N]
    e = edge_attr @ We  # [E, C]
    alpha_edge = (e * ae).sum(-1)  # [E]
    alpha = alpha_src[src] + alpha_dst[dst] + alpha_edge
    alpha = jax.nn.leaky_relu(alpha, negative_slope=0.2)
    # segment softmax over destination nodes
    amax = jax.ops.segment_max(alpha, dst, num_segments=num_nodes)
    amax = jnp.where(jnp.isfinite(amax), amax, 0.0)
    ex = jnp.exp(alpha - amax[dst])
    denom = jax.ops.segment_sum(ex, dst, num_segments=num_nodes)
    coef = ex / (denom[dst] + 1e-16)
    msg = h[src] * coef[:, None]
    out = jax.ops.segment_sum(msg, dst, num_segments=num_nodes)
    return out + b


def reference(x, edge_index, edge_features, batch_size,
              W1, a_src1, a_dst1, We1, ae1, b1,
              W2, a_src2, a_dst2, We2, ae2, b2):
    num_nodes = x.shape[0]
    # encode (computed in the original forward, though logits do not depend on z)
    z1 = jax.nn.relu(gat_conv(x, edge_index, edge_features, W1, a_src1, a_dst1, We1, ae1, b1, num_nodes))
    z = gat_conv(z1, edge_index, edge_features, W2, a_src2, a_dst2, We2, ae2, b2, num_nodes)
    # decode: NOTE original forward calls self.decode(x, edge_index) with x, not z
    res = (x[edge_index[0]] * x[edge_index[1]]).sum(-1)  # [E]
    half = res.shape[0] // 2
    res_half = res[:half] + res[half:]
    logits = res_half.reshape((BATCH, -1)) + 0 * batch_size
    return logits


if False:  # reference __main__ guard neutralized (emitter)
    out = reference(**setup_inputs())
    print(out.shape)

if __name__ == "__main__":
    import jax
    _d = setup_inputs()
    print(jax.jit(kernel)(*tuple(_d.values())))

</pallas_src>

<mosaic_0001>
#map = affine_map<(d0, d1) -> (0, 0)>
#map1 = affine_map<(d0, d1) -> (0)>
module attributes {stable_mosaic.version = 14 : i64} {
  func.func @decode(%arg0: i32, %arg1: i32, %arg2: memref<10000x128xf32, #tpu.memory_space<hbm>>, %arg3: memref<320000xi32, #tpu.memory_space<hbm>>, %arg4: memref<320000xi32, #tpu.memory_space<hbm>>, %arg5: memref<160000xf32, #tpu.memory_space<hbm>>, %arg6: memref<160xi32, #tpu.memory_space<vmem>>, %arg7: memref<160xi32, #tpu.memory_space<vmem>>, %arg8: memref<160xi32, #tpu.memory_space<vmem>>, %arg9: memref<160xi32, #tpu.memory_space<vmem>>, %arg10: memref<160x128xf32, #tpu.memory_space<vmem>>, %arg11: memref<160x128xf32, #tpu.memory_space<vmem>>, %arg12: memref<5032xf32, #tpu.memory_space<vmem>>, %arg13: memref<816xf32, #tpu.memory_space<vmem>>, %arg14: memref<10000x128xf32, #tpu.memory_space<vmem_shared>>, %arg15: memref<!tpu.dma_semaphore, #tpu.memory_space<semaphore_mem>>, %arg16: memref<!tpu.dma_semaphore, #tpu.memory_space<semaphore_mem>>, %arg17: memref<!tpu.dma_semaphore, #tpu.memory_space<semaphore_mem>>, %arg18: memref<!tpu.dma_semaphore, #tpu.memory_space<semaphore_mem>>, %arg19: memref<!tpu.dma_semaphore, #tpu.memory_space<semaphore_mem>>, %arg20: memref<!tpu.dma_semaphore, #tpu.memory_space<semaphore_mem>>) attributes {dimension_semantics = [#tpu.dimension_semantics<core_parallel>, #tpu.dimension_semantics<subcore_parallel>], iteration_bounds = array<i64: 2, 16>, scalar_prefetch = 0 : i64, scratch_operands = 15 : i64, tpu.core_type = #tpu.core_type<sc_vector_subcore>, window_params = [{transform_indices = #map}, {transform_indices = #map1}, {transform_indices = #map1}, {transform_indices = #map1}]} {
    %mul3A = arith.constant 2 : i32
    %mul3A_0 = arith.muli %arg1, %mul3A : i32
    %add3A = arith.addi %mul3A_0, %arg0 : i32
    %mul3A_1 = arith.constant 5000 : i32
    %mul3A_2 = arith.muli %add3A, %mul3A_1 : i32
    %iota3A = tpu.iota {dimensions = array<i32: 0>} : vector<16xi32>
    %mul3A_3 = arith.constant 624 : i32
    %mul3A_4 = arith.muli %arg1, %mul3A_3 : i32
    %multiple_of3A = tpu.assume_multiple %mul3A_4, 8 : i32
    "tpu.region"() ({
      %run_scoped3A = tpu.sem_alloc : memref<!tpu.dma_semaphore, #tpu.memory_space<semaphore_mem>>
      %dma_start3A_402 = arith.constant 0 : i32
      %dma_start3A_403 = tpu.memref_slice %arg14[%multiple_of3A, %dma_start3A_402] : memref<10000x128xf32, #tpu.memory_space<vmem_shared>> -> memref<624x128xf32, #tpu.memory_space<vmem_shared>>
      %dma_start3A_404 = arith.constant 0 : i32
      %dma_start3A_405 = tpu.memref_slice %arg2[%multiple_of3A, %dma_start3A_404] : memref<10000x128xf32, #tpu.memory_space<hbm>> -> memref<624x128xf32, #tpu.memory_space<hbm>>
      tpu.enqueue_dma source(%dma_start3A_405 : memref<624x128xf32, #tpu.memory_space<hbm>>) target(%dma_start3A_403 : memref<624x128xf32, #tpu.memory_space<vmem_shared>>) target_semaphore(%run_scoped3A : memref<!tpu.dma_semaphore, #tpu.memory_space<semaphore_mem>>)
      %dma_wait3A_406 = arith.constant 0 : i32
      %dma_wait3A_407 = tpu.memref_slice %arg14[%multiple_of3A, %dma_wait3A_406] : memref<10000x128xf32, #tpu.memory_space<vmem_shared>> -> memref<624x128xf32, #tpu.memory_space<vmem_shared>>
      %dma_wait3A_408 = arith.constant 0 : i32
      %dma_wait3A_409 = tpu.memref_slice %arg2[%multiple_of3A, %dma_wait3A_408] : memref<10000x128xf32, #tpu.memory_space<hbm>> -> memref<624x128xf32, #tpu.memory_space<hbm>>
      tpu.wait_dma2 semaphore(%run_scoped3A : memref<!tpu.dma_semaphore, #tpu.memory_space<semaphore_mem>>) src(%dma_wait3A_409 : memref<624x128xf32, #tpu.memory_space<hbm>>) dst(%dma_wait3A_407 : memref<624x128xf32, #tpu.memory_space<vmem_shared>>)
      tpu.yield
    }) : () -> ()
    %eq3A = arith.constant 0 : i32
    %eq3A_5 = arith.cmpi eq, %arg1, %eq3A : i32
    %convert_element_type3A = arith.extui %eq3A_5 : i1 to i32
    %cond3A = arith.constant 0 : i32
    %cond3A_6 = arith.cmpi ne, %convert_element_type3A, %cond3A : i32
    scf.if %cond3A_6 {
      "tpu.region"() ({
        %run_scoped3A = tpu.sem_alloc : memref<!tpu.dma_semaphore, #tpu.memory_space<semaphore_mem>>
        %dma_start3A_402 = arith.constant 9984 : i32
        %dma_start3A_403 = arith.constant 0 : i32
        %dma_start3A_404 = tpu.memref_slice %arg14[%dma_start3A_402, %dma_start3A_403] : memref<10000x128xf32, #tpu.memory_space<vmem_shared>> -> memref<16x128xf32, #tpu.memory_space<vmem_shared>>
        %dma_start3A_405 = arith.constant 9984 : i32
        %dma_start3A_406 = arith.constant 0 : i32
        %dma_start3A_407 = tpu.memref_slice %arg2[%dma_start3A_405, %dma_start3A_406] : memref<10000x128xf32, #tpu.memory_space<hbm>> -> memref<16x128xf32, #tpu.memory_space<hbm>>
        tpu.enqueue_dma source(%dma_start3A_407 : memref<16x128xf32, #tpu.memory_space<hbm>>) target(%dma_start3A_404 : memref<16x128xf32, #tpu.memory_space<vmem_shared>>) target_semaphore(%run_scoped3A : memref<!tpu.dma_semaphore, #tpu.memory_space<semaphore_mem>>)
        %dma_wait3A_408 = arith.constant 9984 : i32
        %dma_wait3A_409 = arith.constant 0 : i32
        %dma_wait3A_410 = tpu.memref_slice %arg14[%dma_wait3A_408, %dma_wait3A_409] : memref<10000x128xf32, #tpu.memory_space<vmem_shared>> -> memref<16x128xf32, #tpu.memory_space<vmem_shared>>
        %dma_wait3A_411 = arith.constant 9984 : i32
        %dma_wait3A_412 = arith.constant 0 : i32
        %dma_wait3A_413 = tpu.memref_slice %arg2[%dma_wait3A_411, %dma_wait3A_412] : memref<10000x128xf32, #tpu.memory_space<hbm>> -> memref<16x128xf32, #tpu.memory_space<hbm>>
        tpu.wait_dma2 semaphore(%run_scoped3A : memref<!tpu.dma_semaphore, #tpu.memory_space<semaphore_mem>>) src(%dma_wait3A_413 : memref<16x128xf32, #tpu.memory_space<hbm>>) dst(%dma_wait3A_410 : memref<16x128xf32, #tpu.memory_space<vmem_shared>>)
        tpu.yield
      }) : () -> ()
    } else {
    }
    %barrier3A = arith.constant 0 : index
    tpu.barrier barrier_id(%barrier3A)
    %add3A_7 = arith.constant 0 : i32
    %add3A_8 = arith.addi %mul3A_2, %add3A_7 : i32
    %add3A_9 = arith.constant 160000 : i32
    %add3A_10 = arith.addi %add3A_8, %add3A_9 : i32
    %add3A_11 = arith.constant 160000 : i32
    %add3A_12 = arith.addi %add3A_8, %add3A_11 : i32
    %dma_start3A = arith.constant 0 : i32
    %dma_start3A_13 = tpu.memref_slice %arg6[%dma_start3A] : memref<160xi32, #tpu.memory_space<vmem>> -> memref<40xi32, #tpu.memory_space<vmem>>
    %dma_start3A_14 = tpu.memref_slice %arg3[%add3A_8] : memref<320000xi32, #tpu.memory_space<hbm>> -> memref<40xi32, #tpu.memory_space<hbm>>
    %dma_start3A_15 = arith.constant 0 : i32
    %dma_start3A_16 = tpu.memref_slice %arg6[%dma_start3A_15] : memref<160xi32, #tpu.memory_space<vmem>> -> memref<40xi32, #tpu.memory_space<vmem>>
    %dma_start3A_17 = tpu.memref_slice %arg3[%add3A_8] : memref<320000xi32, #tpu.memory_space<hbm>> -> memref<40xi32, #tpu.memory_space<hbm>>
    tpu.enqueue_dma source(%dma_start3A_17 : memref<40xi32, #tpu.memory_space<hbm>>) target(%dma_start3A_16 : memref<40xi32, #tpu.memory_space<vmem>>) target_semaphore(%arg15 : memref<!tpu.dma_semaphore, #tpu.memory_space<semaphore_mem>>)
    %dma_start3A_18 = arith.constant 40 : i32
    %dma_start3A_19 = tpu.memref_slice %arg6[%dma_start3A_18] : memref<160xi32, #tpu.memory_space<vmem>> -> memref<40xi32, #tpu.memory_space<vmem>>
    %dma_start3A_20 = tpu.memref_slice %arg4[%add3A_8] : memref<320000xi32, #tpu.memory_space<hbm>> -> memref<40xi32, #tpu.memory_space<hbm>>
    %dma_start3A_21 = arith.constant 40 : i32
    %dma_start3A_22 = tpu.memref_slice %arg6[%dma_start3A_21] : memref<160xi32, #tpu.memory_space<vmem>> -> memref<40xi32, #tpu.memory_space<vmem>>
    %dma_start3A_23 = tpu.memref_slice %arg4[%add3A_8] : memref<320000xi32, #tpu.memory_space<hbm>> -> memref<40xi32, #tpu.memory_space<hbm>>
    tpu.enqueue_dma source(%dma_start3A_23 : memref<40xi32, #tpu.memory_space<hbm>>) target(%dma_start3A_22 : memref<40xi32, #tpu.memory_space<vmem>>) target_semaphore(%arg15 : memref<!tpu.dma_semaphore, #tpu.memory_space<semaphore_mem>>)
    %dma_start3A_24 = arith.constant 80 : i32
    %dma_start3A_25 = tpu.memref_slice %arg6[%dma_start3A_24] : memref<160xi32, #tpu.memory_space<vmem>> -> memref<40xi32, #tpu.memory_space<vmem>>
    %dma_start3A_26 = tpu.memref_slice %arg3[%add3A_10] : memref<320000xi32, #tpu.memory_space<hbm>> -> memref<40xi32, #tpu.memory_space<hbm>>
    %dma_start3A_27 = arith.constant 80 : i32
    %dma_start3A_28 = tpu.memref_slice %arg6[%dma_start3A_27] : memref<160xi32, #tpu.memory_space<vmem>> -> memref<40xi32, #tpu.memory_space<vmem>>
    %dma_start3A_29 = tpu.memref_slice %arg3[%add3A_10] : memref<320000xi32, #tpu.memory_space<hbm>> -> memref<40xi32, #tpu.memory_space<hbm>>
    tpu.enqueue_dma source(%dma_start3A_29 : memref<40xi32, #tpu.memory_space<hbm>>) target(%dma_start3A_28 : memref<40xi32, #tpu.memory_space<vmem>>) target_semaphore(%arg15 : memref<!tpu.dma_semaphore, #tpu.memory_space<semaphore_mem>>)
    %dma_start3A_30 = arith.constant 120 : i32
    %dma_start3A_31 = tpu.memref_slice %arg6[%dma_start3A_30] : memref<160xi32, #tpu.memory_space<vmem>> -> memref<40xi32, #tpu.memory_space<vmem>>
    %dma_start3A_32 = tpu.memref_slice %arg4[%add3A_12] : memref<320000xi32, #tpu.memory_space<hbm>> -> memref<40xi32, #tpu.memory_space<hbm>>
    %dma_start3A_33 = arith.constant 120 : i32
    %dma_start3A_34 = tpu.memref_slice %arg6[%dma_start3A_33] : memref<160xi32, #tpu.memory_space<vmem>> -> memref<40xi32, #tpu.memory_space<vmem>>
    %dma_start3A_35 = tpu.memref_slice %arg4[%add3A_12] : memref<320000xi32, #tpu.memory_space<hbm>> -> memref<40xi32, #tpu.memory_space<hbm>>
    tpu.enqueue_dma source(%dma_start3A_35 : memref<40xi32, #tpu.memory_space<hbm>>) target(%dma_start3A_34 : memref<40xi32, #tpu.memory_space<vmem>>) target_semaphore(%arg15 : memref<!tpu.dma_semaphore, #tpu.memory_space<semaphore_mem>>)
    %add3A_36 = arith.constant 40 : i32
    %add3A_37 = arith.addi %mul3A_2, %add3A_36 : i32
    %add3A_38 = arith.constant 160000 : i32
    %add3A_39 = arith.addi %add3A_37, %add3A_38 : i32
    %add3A_40 = arith.constant 160000 : i32
    %add3A_41 = arith.addi %add3A_37, %add3A_40 : i32
    %dma_start3A_42 = arith.constant 0 : i32
    %dma_start3A_43 = tpu.memref_slice %arg7[%dma_start3A_42] : memref<160xi32, #tpu.memory_space<vmem>> -> memref<40xi32, #tpu.memory_space<vmem>>
    %dma_start3A_44 = tpu.memref_slice %arg3[%add3A_37] : memref<320000xi32, #tpu.memory_space<hbm>> -> memref<40xi32, #tpu.memory_space<hbm>>
    %dma_start3A_45 = arith.constant 0 : i32
    %dma_start3A_46 = tpu.memref_slice %arg7[%dma_start3A_45] : memref<160xi32, #tpu.memory_space<vmem>> -> memref<40xi32, #tpu.memory_space<vmem>>
    %dma_start3A_47 = tpu.memref_slice %arg3[%add3A_37] : memref<320000xi32, #tpu.memory_space<hbm>> -> memref<40xi32, #tpu.memory_space<hbm>>
    tpu.enqueue_dma source(%dma_start3A_47 : memref<40xi32, #tpu.memory_space<hbm>>) target(%dma_start3A_46 : memref<40xi32, #tpu.memory_space<vmem>>) target_semaphore(%arg16 : memref<!tpu.dma_semaphore, #tpu.memory_space<semaphore_mem>>)
    %dma_start3A_48 = arith.constant 40 : i32
    %dma_start3A_49 = tpu.memref_slice %arg7[%dma_start3A_48] : memref<160xi32, #tpu.memory_space<vmem>> -> memref<40xi32, #tpu.memory_space<vmem>>
    %dma_start3A_50 = tpu.memref_slice %arg4[%add3A_37] : memref<320000xi32, #tpu.memory_space<hbm>> -> memref<40xi32, #tpu.memory_space<hbm>>
    %dma_start3A_51 = arith.constant 40 : i32
    %dma_start3A_52 = tpu.memref_slice %arg7[%dma_start3A_51] : memref<160xi32, #tpu.memory_space<vmem>> -> memref<40xi32, #tpu.memory_space<vmem>>
    %dma_start3A_53 = tpu.memref_slice %arg4[%add3A_37] : memref<320000xi32, #tpu.memory_space<hbm>> -> memref<40xi32, #tpu.memory_space<hbm>>
    tpu.enqueue_dma source(%dma_start3A_53 : memref<40xi32, #tpu.memory_space<hbm>>) target(%dma_start3A_52 : memref<40xi32, #tpu.memory_space<vmem>>) target_semaphore(%arg16 : memref<!tpu.dma_semaphore, #tpu.memory_space<semaphore_mem>>)
    %dma_start3A_54 = arith.constant 80 : i32
    %dma_start3A_55 = tpu.memref_slice %arg7[%dma_start3A_54] : memref<160xi32, #tpu.memory_space<vmem>> -> memref<40xi32, #tpu.memory_space<vmem>>
    %dma_start3A_56 = tpu.memref_slice %arg3[%add3A_39] : memref<320000xi32, #tpu.memory_space<hbm>> -> memref<40xi32, #tpu.memory_space<hbm>>
    %dma_start3A_57 = arith.constant 80 : i32
    %dma_start3A_58 = tpu.memref_slice %arg7[%dma_start3A_57] : memref<160xi32, #tpu.memory_space<vmem>> -> memref<40xi32, #tpu.memory_space<vmem>>
    %dma_start3A_59 = tpu.memref_slice %arg3[%add3A_39] : memref<320000xi32, #tpu.memory_space<hbm>> -> memref<40xi32, #tpu.memory_space<hbm>>
    tpu.enqueue_dma source(%dma_start3A_59 : memref<40xi32, #tpu.memory_space<hbm>>) target(%dma_start3A_58 : memref<40xi32, #tpu.memory_space<vmem>>) target_semaphore(%arg16 : memref<!tpu.dma_semaphore, #tpu.memory_space<semaphore_mem>>)
    %dma_start3A_60 = arith.constant 120 : i32
    %dma_start3A_61 = tpu.memref_slice %arg7[%dma_start3A_60] : memref<160xi32, #tpu.memory_space<vmem>> -> memref<40xi32, #tpu.memory_space<vmem>>
    %dma_start3A_62 = tpu.memref_slice %arg4[%add3A_41] : memref<320000xi32, #tpu.memory_space<hbm>> -> memref<40xi32, #tpu.memory_space<hbm>>
    %dma_start3A_63 = arith.constant 120 : i32
    %dma_start3A_64 = tpu.memref_slice %arg7[%dma_start3A_63] : memref<160xi32, #tpu.memory_space<vmem>> -> memref<40xi32, #tpu.memory_space<vmem>>
    %dma_start3A_65 = tpu.memref_slice %arg4[%add3A_41] : memref<320000xi32, #tpu.memory_space<hbm>> -> memref<40xi32, #tpu.memory_space<hbm>>
    tpu.enqueue_dma source(%dma_start3A_65 : memref<40xi32, #tpu.memory_space<hbm>>) target(%dma_start3A_64 : memref<40xi32, #tpu.memory_space<vmem>>) target_semaphore(%arg16 : memref<!tpu.dma_semaphore, #tpu.memory_space<semaphore_mem>>)
    %add3A_66 = arith.constant 80 : i32
    %add3A_67 = arith.addi %mul3A_2, %add3A_66 : i32
    %add3A_68 = arith.constant 160000 : i32
    %add3A_69 = arith.addi %add3A_67, %add3A_68 : i32
    %add3A_70 = arith.constant 160000 : i32
    %add3A_71 = arith.addi %add3A_67, %add3A_70 : i32
    %dma_start3A_72 = arith.constant 0 : i32
    %dma_start3A_73 = tpu.memref_slice %arg8[%dma_start3A_72] : memref<160xi32, #tpu.memory_space<vmem>> -> memref<40xi32, #tpu.memory_space<vmem>>
    %dma_start3A_74 = tpu.memref_slice %arg3[%add3A_67] : memref<320000xi32, #tpu.memory_space<hbm>> -> memref<40xi32, #tpu.memory_space<hbm>>
    %dma_start3A_75 = arith.constant 0 : i32
    %dma_start3A_76 = tpu.memref_slice %arg8[%dma_start3A_75] : memref<160xi32, #tpu.memory_space<vmem>> -> memref<40xi32, #tpu.memory_space<vmem>>
    %dma_start3A_77 = tpu.memref_slice %arg3[%add3A_67] : memref<320000xi32, #tpu.memory_space<hbm>> -> memref<40xi32, #tpu.memory_space<hbm>>
    tpu.enqueue_dma source(%dma_start3A_77 : memref<40xi32, #tpu.memory_space<hbm>>) target(%dma_start3A_76 : memref<40xi32, #tpu.memory_space<vmem>>) target_semaphore(%arg17 : memref<!tpu.dma_semaphore, #tpu.memory_space<semaphore_mem>>)
    %dma_start3A_78 = arith.constant 40 : i32
    %dma_start3A_79 = tpu.memref_slice %arg8[%dma_start3A_78] : memref<160xi32, #tpu.memory_space<vmem>> -> memref<40xi32, #tpu.memory_space<vmem>>
    %dma_start3A_80 = tpu.memref_slice %arg4[%add3A_67] : memref<320000xi32, #tpu.memory_space<hbm>> -> memref<40xi32, #tpu.memory_space<hbm>>
    %dma_start3A_81 = arith.constant 40 : i32
    %dma_start3A_82 = tpu.memref_slice %arg8[%dma_start3A_81] : memref<160xi32, #tpu.memory_space<vmem>> -> memref<40xi32, #tpu.memory_space<vmem>>
    %dma_start3A_83 = tpu.memref_slice %arg4[%add3A_67] : memref<320000xi32, #tpu.memory_space<hbm>> -> memref<40xi32, #tpu.memory_space<hbm>>
    tpu.enqueue_dma source(%dma_start3A_83 : memref<40xi32, #tpu.memory_space<hbm>>) target(%dma_start3A_82 : memref<40xi32, #tpu.memory_space<vmem>>) target_semaphore(%arg17 : memref<!tpu.dma_semaphore, #tpu.memory_space<semaphore_mem>>)
    %dma_start3A_84 = arith.constant 80 : i32
    %dma_start3A_85 = tpu.memref_slice %arg8[%dma_start3A_84] : memref<160xi32, #tpu.memory_space<vmem>> -> memref<40xi32, #tpu.memory_space<vmem>>
    %dma_start3A_86 = tpu.memref_slice %arg3[%add3A_69] : memref<320000xi32, #tpu.memory_space<hbm>> -> memref<40xi32, #tpu.memory_space<hbm>>
    %dma_start3A_87 = arith.constant 80 : i32
    %dma_start3A_88 = tpu.memref_slice %arg8[%dma_start3A_87] : memref<160xi32, #tpu.memory_space<vmem>> -> memref<40xi32, #tpu.memory_space<vmem>>
    %dma_start3A_89 = tpu.memref_slice %arg3[%add3A_69] : memref<320000xi32, #tpu.memory_space<hbm>> -> memref<40xi32, #tpu.memory_space<hbm>>
    tpu.enqueue_dma source(%dma_start3A_89 : memref<40xi32, #tpu.memory_space<hbm>>) target(%dma_start3A_88 : memref<40xi32, #tpu.memory_space<vmem>>) target_semaphore(%arg17 : memref<!tpu.dma_semaphore, #tpu.memory_space<semaphore_mem>>)
    %dma_start3A_90 = arith.constant 120 : i32
    %dma_start3A_91 = tpu.memref_slice %arg8[%dma_start3A_90] : memref<160xi32, #tpu.memory_space<vmem>> -> memref<40xi32, #tpu.memory_space<vmem>>
    %dma_start3A_92 = tpu.memref_slice %arg4[%add3A_71] : memref<320000xi32, #tpu.memory_space<hbm>> -> memref<40xi32, #tpu.memory_space<hbm>>
    %dma_start3A_93 = arith.constant 120 : i32
    %dma_start3A_94 = tpu.memref_slice %arg8[%dma_start3A_93] : memref<160xi32, #tpu.memory_space<vmem>> -> memref<40xi32, #tpu.memory_space<vmem>>
    %dma_start3A_95 = tpu.memref_slice %arg4[%add3A_71] : memref<320000xi32, #tpu.memory_space<hbm>> -> memref<40xi32, #tpu.memory_space<hbm>>
    tpu.enqueue_dma source(%dma_start3A_95 : memref<40xi32, #tpu.memory_space<hbm>>) target(%dma_start3A_94 : memref<40xi32, #tpu.memory_space<vmem>>) target_semaphore(%arg17 : memref<!tpu.dma_semaphore, #tpu.memory_space<semaphore_mem>>)
    %dma_wait3A = arith.constant 0 : i32
    %dma_wait3A_96 = tpu.memref_slice %arg3[%dma_wait3A] : memref<320000xi32, #tpu.memory_space<hbm>> -> memref<160xi32, #tpu.memory_space<hbm>>
    %dma_wait3A_97 = arith.constant 0 : i32
    %dma_wait3A_98 = tpu.memref_slice %arg3[%dma_wait3A_97] : memref<320000xi32, #tpu.memory_space<hbm>> -> memref<160xi32, #tpu.memory_space<hbm>>
    tpu.wait_dma2 semaphore(%arg15 : memref<!tpu.dma_semaphore, #tpu.memory_space<semaphore_mem>>) src(%dma_wait3A_98 : memref<160xi32, #tpu.memory_space<hbm>>) dst(%arg6 : memref<160xi32, #tpu.memory_space<vmem>>)
    %dma_start3A_99 = arith.constant 0 : i32
    %dma_start3A_100 = arith.constant 0 : i32
    %dma_start3A_101 = tpu.memref_slice %arg10[%dma_start3A_99, %dma_start3A_100] : memref<160x128xf32, #tpu.memory_space<vmem>> -> memref<40x128xf32, #tpu.memory_space<vmem>>
    %dma_start3A_102 = arith.constant 0 : i32
    %dma_start3A_103 = tpu.memref_slice %arg6[%dma_start3A_102] : memref<160xi32, #tpu.memory_space<vmem>> -> memref<40xi32, #tpu.memory_space<vmem>>
    %dma_start3A_104 = arith.constant 0 : i32
    %dma_start3A_105 = arith.constant 0 : i32
    %dma_start3A_106 = tpu.memref_slice %arg14[%dma_start3A_104, %dma_start3A_105] : memref<10000x128xf32, #tpu.memory_space<vmem_shared>> -> memref<10000x128xf32, #tpu.memory_space<vmem_shared>>
    tpu.enqueue_indirect_dma source(%dma_start3A_106 : memref<10000x128xf32, #tpu.memory_space<vmem_shared>>) target(%dma_start3A_101 : memref<40x128xf32, #tpu.memory_space<vmem>>) offsets(%dma_start3A_103 : memref<40xi32, #tpu.memory_space<vmem>>) semaphore(%arg19 : memref<!tpu.dma_semaphore, #tpu.memory_space<semaphore_mem>>)
    %dma_start3A_107 = arith.constant 40 : i32
    %dma_start3A_108 = arith.constant 0 : i32
    %dma_start3A_109 = tpu.memref_slice %arg10[%dma_start3A_107, %dma_start3A_108] : memref<160x128xf32, #tpu.memory_space<vmem>> -> memref<40x128xf32, #tpu.memory_space<vmem>>
    %dma_start3A_110 = arith.constant 40 : i32
    %dma_start3A_111 = tpu.memref_slice %arg6[%dma_start3A_110] : memref<160xi32, #tpu.memory_space<vmem>> -> memref<40xi32, #tpu.memory_space<vmem>>
    %dma_start3A_112 = arith.constant 0 : i32
    %dma_start3A_113 = arith.constant 0 : i32
    %dma_start3A_114 = tpu.memref_slice %arg14[%dma_start3A_112, %dma_start3A_113] : memref<10000x128xf32, #tpu.memory_space<vmem_shared>> -> memref<10000x128xf32, #tpu.memory_space<vmem_shared>>
    tpu.enqueue_indirect_dma source(%dma_start3A_114 : memref<10000x128xf32, #tpu.memory_space<vmem_shared>>) target(%dma_start3A_109 : memref<40x128xf32, #tpu.memory_space<vmem>>) offsets(%dma_start3A_111 : memref<40xi32, #tpu.memory_space<vmem>>) semaphore(%arg19 : memref<!tpu.dma_semaphore, #tpu.memory_space<semaphore_mem>>)
    %dma_start3A_115 = arith.constant 80 : i32
    %dma_start3A_116 = arith.constant 0 : i32
    %dma_start3A_117 = tpu.memref_slice %arg10[%dma_start3A_115, %dma_start3A_116] : memref<160x128xf32, #tpu.memory_space<vmem>> -> memref<40x128xf32, #tpu.memory_space<vmem>>
    %dma_start3A_118 = arith.constant 80 : i32
    %dma_start3A_119 = tpu.memref_slice %arg6[%dma_start3A_118] : memref<160xi32, #tpu.memory_space<vmem>> -> memref<40xi32, #tpu.memory_space<vmem>>
    %dma_start3A_120 = arith.constant 0 : i32
    %dma_start3A_121 = arith.constant 0 : i32
    %dma_start3A_122 = tpu.memref_slice %arg14[%dma_start3A_120, %dma_start3A_121] : memref<10000x128xf32, #tpu.memory_space<vmem_shared>> -> memref<10000x128xf32, #tpu.memory_space<vmem_shared>>
    tpu.enqueue_indirect_dma source(%dma_start3A_122 : memref<10000x128xf32, #tpu.memory_space<vmem_shared>>) target(%dma_start3A_117 : memref<40x128xf32, #tpu.memory_space<vmem>>) offsets(%dma_start3A_119 : memref<40xi32, #tpu.memory_space<vmem>>) semaphore(%arg19 : memref<!tpu.dma_semaphore, #tpu.memory_space<semaphore_mem>>)
    %dma_start3A_123 = arith.constant 120 : i32
    %dma_start3A_124 = arith.constant 0 : i32
    %dma_start3A_125 = tpu.memref_slice %arg10[%dma_start3A_123, %dma_start3A_124] : memref<160x128xf32, #tpu.memory_space<vmem>> -> memref<40x128xf32, #tpu.memory_space<vmem>>
    %dma_start3A_126 = arith.constant 120 : i32
    %dma_start3A_127 = tpu.memref_slice %arg6[%dma_start3A_126] : memref<160xi32, #tpu.memory_space<vmem>> -> memref<40xi32, #tpu.memory_space<vmem>>
    %dma_start3A_128 = arith.constant 0 : i32
    %dma_start3A_129 = arith.constant 0 : i32
    %dma_start3A_130 = tpu.memref_slice %arg14[%dma_start3A_128, %dma_start3A_129] : memref<10000x128xf32, #tpu.memory_space<vmem_shared>> -> memref<10000x128xf32, #tpu.memory_space<vmem_shared>>
    tpu.enqueue_indirect_dma source(%dma_start3A_130 : memref<10000x128xf32, #tpu.memory_space<vmem_shared>>) target(%dma_start3A_125 : memref<40x128xf32, #tpu.memory_space<vmem>>) offsets(%dma_start3A_127 : memref<40xi32, #tpu.memory_space<vmem>>) semaphore(%arg19 : memref<!tpu.dma_semaphore, #tpu.memory_space<semaphore_mem>>)
    %scan3A = arith.constant 0 : i32
    %scan3A_131 = arith.constant 31 : i32
    %scan3A_132 = arith.addi %scan3A, %scan3A_131 : i32
    %scan3A_133 = arith.constant 1 : i32
    scf.for %scan3A_402 = %scan3A to %scan3A_132 step %scan3A_133  : i32 {
      %mul3A_403 = arith.constant 1 : i32
      %mul3A_404 = arith.muli %scan3A_402, %mul3A_403 : i32
      %add3A_405 = arith.constant 0 : i32
      %add3A_406 = arith.addi %add3A_405, %mul3A_404 : i32
      %mul3A_407 = arith.constant 4 : i32
      %mul3A_408 = arith.muli %add3A_406, %mul3A_407 : i32
      %add3A_409 = arith.constant 0 : i32
      %add3A_410 = arith.addi %mul3A_408, %add3A_409 : i32
      %dma_wait3A_411 = arith.constant 0 : i32
      %dma_wait3A_412 = tpu.memref_slice %arg3[%dma_wait3A_411] : memref<320000xi32, #tpu.memory_space<hbm>> -> memref<160xi32, #tpu.memory_space<hbm>>
      %dma_wait3A_413 = arith.constant 0 : i32
      %dma_wait3A_414 = tpu.memref_slice %arg3[%dma_wait3A_413] : memref<320000xi32, #tpu.memory_space<hbm>> -> memref<160xi32, #tpu.memory_space<hbm>>
      tpu.wait_dma2 semaphore(%arg16 : memref<!tpu.dma_semaphore, #tpu.memory_space<semaphore_mem>>) src(%dma_wait3A_414 : memref<160xi32, #tpu.memory_space<hbm>>) dst(%arg7 : memref<160xi32, #tpu.memory_space<vmem>>)
      %dma_start3A_415 = arith.constant 0 : i32
      %dma_start3A_416 = arith.constant 0 : i32
      %dma_start3A_417 = tpu.memref_slice %arg11[%dma_start3A_415, %dma_start3A_416] : memref<160x128xf32, #tpu.memory_space<vmem>> -> memref<40x128xf32, #tpu.memory_space<vmem>>
      %dma_start3A_418 = arith.constant 0 : i32
      %dma_start3A_419 = tpu.memref_slice %arg7[%dma_start3A_418] : memref<160xi32, #tpu.memory_space<vmem>> -> memref<40xi32, #tpu.memory_space<vmem>>
      %dma_start3A_420 = arith.constant 0 : i32
      %dma_start3A_421 = arith.constant 0 : i32
      %dma_start3A_422 = tpu.memref_slice %arg14[%dma_start3A_420, %dma_start3A_421] : memref<10000x128xf32, #tpu.memory_space<vmem_shared>> -> memref<10000x128xf32, #tpu.memory_space<vmem_shared>>
      tpu.enqueue_indirect_dma source(%dma_start3A_422 : memref<10000x128xf32, #tpu.memory_space<vmem_shared>>) target(%dma_start3A_417 : memref<40x128xf32, #tpu.memory_space<vmem>>) offsets(%dma_start3A_419 : memref<40xi32, #tpu.memory_space<vmem>>) semaphore(%arg20 : memref<!tpu.dma_semaphore, #tpu.memory_space<semaphore_mem>>)
      %dma_start3A_423 = arith.constant 40 : i32
      %dma_start3A_424 = arith.constant 0 : i32
      %dma_start3A_425 = tpu.memref_slice %arg11[%dma_start3A_423, %dma_start3A_424] : memref<160x128xf32, #tpu.memory_space<vmem>> -> memref<40x128xf32, #tpu.memory_space<vmem>>
      %dma_start3A_426 = arith.constant 40 : i32
      %dma_start3A_427 = tpu.memref_slice %arg7[%dma_start3A_426] : memref<160xi32, #tpu.memory_space<vmem>> -> memref<40xi32, #tpu.memory_space<vmem>>
      %dma_start3A_428 = arith.constant 0 : i32
      %dma_start3A_429 = arith.constant 0 : i32
      %dma_start3A_430 = tpu.memref_slice %arg14[%dma_start3A_428, %dma_start3A_429] : memref<10000x128xf32, #tpu.memory_space<vmem_shared>> -> memref<10000x128xf32, #tpu.memory_space<vmem_shared>>
      tpu.enqueue_indirect_dma source(%dma_start3A_430 : memref<10000x128xf32, #tpu.memory_space<vmem_shared>>) target(%dma_start3A_425 : memref<40x128xf32, #tpu.memory_space<vmem>>) offsets(%dma_start3A_427 : memref<40xi32, #tpu.memory_space<vmem>>) semaphore(%arg20 : memref<!tpu.dma_semaphore, #tpu.memory_space<semaphore_mem>>)
      %dma_start3A_431 = arith.constant 80 : i32
      %dma_start3A_432 = arith.constant 0 : i32
      %dma_start3A_433 = tpu.memref_slice %arg11[%dma_start3A_431, %dma_start3A_432] : memref<160x128xf32, #tpu.memory_space<vmem>> -> memref<40x128xf32, #tpu.memory_space<vmem>>
      %dma_start3A_434 = arith.constant 80 : i32
      %dma_start3A_435 = tpu.memref_slice %arg7[%dma_start3A_434] : memref<160xi32, #tpu.memory_space<vmem>> -> memref<40xi32, #tpu.memory_space<vmem>>
      %dma_start3A_436 = arith.constant 0 : i32
      %dma_start3A_437 = arith.constant 0 : i32
      %dma_start3A_438 = tpu.memref_slice %arg14[%dma_start3A_436, %dma_start3A_437] : memref<10000x128xf32, #tpu.memory_space<vmem_shared>> -> memref<10000x128xf32, #tpu.memory_space<vmem_shared>>
      tpu.enqueue_indirect_dma source(%dma_start3A_438 : memref<10000x128xf32, #tpu.memory_space<vmem_shared>>) target(%dma_start3A_433 : memref<40x128xf32, #tpu.memory_space<vmem>>) offsets(%dma_start3A_435 : memref<40xi32, #tpu.memory_space<vmem>>) semaphore(%arg20 : memref<!tpu.dma_semaphore, #tpu.memory_space<semaphore_mem>>)
      %dma_start3A_439 = arith.constant 120 : i32
      %dma_start3A_440 = arith.constant 0 : i32
      %dma_start3A_441 = tpu.memref_slice %arg11[%dma_start3A_439, %dma_start3A_440] : memref<160x128xf32, #tpu.memory_space<vmem>> -> memref<40x128xf32, #tpu.memory_space<vmem>>
      %dma_start3A_442 = arith.constant 120 : i32
      %dma_start3A_443 = tpu.memref_slice %arg7[%dma_start3A_442] : memref<160xi32, #tpu.memory_space<vmem>> -> memref<40xi32, #tpu.memory_space<vmem>>
      %dma_start3A_444 = arith.constant 0 : i32
      %dma_start3A_445 = arith.constant 0 : i32
      %dma_start3A_446 = tpu.memref_slice %arg14[%dma_start3A_444, %dma_start3A_445] : memref<10000x128xf32, #tpu.memory_space<vmem_shared>> -> memref<10000x128xf32, #tpu.memory_space<vmem_shared>>
      tpu.enqueue_indirect_dma source(%dma_start3A_446 : memref<10000x128xf32, #tpu.memory_space<vmem_shared>>) target(%dma_start3A_441 : memref<40x128xf32, #tpu.memory_space<vmem>>) offsets(%dma_start3A_443 : memref<40xi32, #tpu.memory_space<vmem>>) semaphore(%arg20 : memref<!tpu.dma_semaphore, #tpu.memory_space<semaphore_mem>>)
      %dma_wait3A_447 = arith.constant 0 : i32
      %dma_wait3A_448 = arith.constant 0 : i32
      %dma_wait3A_449 = tpu.memref_slice %arg2[%dma_wait3A_447, %dma_wait3A_448] : memref<10000x128xf32, #tpu.memory_space<hbm>> -> memref<160x128xf32, #tpu.memory_space<hbm>>
      %dma_wait3A_450 = arith.constant 0 : i32
      %dma_wait3A_451 = arith.constant 0 : i32
      %dma_wait3A_452 = tpu.memref_slice %arg2[%dma_wait3A_450, %dma_wait3A_451] : memref<10000x128xf32, #tpu.memory_space<hbm>> -> memref<160x128xf32, #tpu.memory_space<hbm>>
      tpu.wait_dma2 semaphore(%arg19 : memref<!tpu.dma_semaphore, #tpu.memory_space<semaphore_mem>>) src(%dma_wait3A_452 : memref<160x128xf32, #tpu.memory_space<hbm>>) dst(%arg10 : memref<160x128xf32, #tpu.memory_space<vmem>>)
      %add3A_453 = arith.constant 3 : i32
      %add3A_454 = arith.addi %add3A_410, %add3A_453 : i32
      %lt3A = arith.constant 125 : i32
      %lt3A_455 = arith.cmpi slt, %add3A_454, %lt3A : i32
      %convert_element_type3A_456 = arith.extui %lt3A_455 : i1 to i32
      %cond3A_457 = arith.constant 0 : i32
      %cond3A_458 = arith.cmpi ne, %convert_element_type3A_456, %cond3A_457 : i32
      scf.if %cond3A_458 {
        %add3A_1716 = arith.constant 3 : i32
        %add3A_1717 = arith.addi %add3A_410, %add3A_1716 : i32
        %mul3A_1718 = arith.constant 40 : i32
        %mul3A_1719 = arith.muli %add3A_1717, %mul3A_1718 : i32
        %add3A_1720 = arith.addi %mul3A_2, %mul3A_1719 : i32
        %add3A_1721 = arith.constant 160000 : i32
        %add3A_1722 = arith.addi %add3A_1720, %add3A_1721 : i32
        %add3A_1723 = arith.constant 160000 : i32
        %add3A_1724 = arith.addi %add3A_1720, %add3A_1723 : i32
        %dma_start3A_1725 = arith.constant 0 : i32
        %dma_start3A_1726 = tpu.memref_slice %arg9[%dma_start3A_1725] : memref<160xi32, #tpu.memory_space<vmem>> -> memref<40xi32, #tpu.memory_space<vmem>>
        %dma_start3A_1727 = tpu.memref_slice %arg3[%add3A_1720] : memref<320000xi32, #tpu.memory_space<hbm>> -> memref<40xi32, #tpu.memory_space<hbm>>
        %dma_start3A_1728 = arith.constant 0 : i32
        %dma_start3A_1729 = tpu.memref_slice %arg9[%dma_start3A_1728] : memref<160xi32, #tpu.memory_space<vmem>> -> memref<40xi32, #tpu.memory_space<vmem>>
        %dma_start3A_1730 = tpu.memref_slice %arg3[%add3A_1720] : memref<320000xi32, #tpu.memory_space<hbm>> -> memref<40xi32, #tpu.memory_space<hbm>>
        tpu.enqueue_dma source(%dma_start3A_1730 : memref<40xi32, #tpu.memory_space<hbm>>) target(%dma_start3A_1729 : memref<40xi32, #tpu.memory_space<vmem>>) target_semaphore(%arg18 : memref<!tpu.dma_semaphore, #tpu.memory_space<semaphore_mem>>)
        %dma_start3A_1731 = arith.constant 40 : i32
        %dma_start3A_1732 = tpu.memref_slice %arg9[%dma_start3A_1731] : memref<160xi32, #tpu.memory_space<vmem>> -> memref<40xi32, #tpu.memory_space<vmem>>
        %dma_start3A_1733 = tpu.memref_slice %arg4[%add3A_1720] : memref<320000xi32, #tpu.memory_space<hbm>> -> memref<40xi32, #tpu.memory_space<hbm>>
        %dma_start3A_1734 = arith.constant 40 : i32
        %dma_start3A_1735 = tpu.memref_slice %arg9[%dma_start3A_1734] : memref<160xi32, #tpu.memory_space<vmem>> -> memref<40xi32, #tpu.memory_space<vmem>>
        %dma_start3A_1736 = tpu.memref_slice %arg4[%add3A_1720] : memref<320000xi32, #tpu.memory_space<hbm>> -> memref<40xi32, #tpu.memory_space<hbm>>
        tpu.enqueue_dma source(%dma_start3A_1736 : memref<40xi32, #tpu.memory_space<hbm>>) target(%dma_start3A_1735 : memref<40xi32, #tpu.memory_space<vmem>>) target_semaphore(%arg18 : memref<!tpu.dma_semaphore, #tpu.memory_space<semaphore_mem>>)
        %dma_start3A_1737 = arith.constant 80 : i32
        %dma_start3A_1738 = tpu.memref_slice %arg9[%dma_start3A_1737] : memref<160xi32, #tpu.memory_space<vmem>> -> memref<40xi32, #tpu.memory_space<vmem>>
        %dma_start3A_1739 = tpu.memref_slice %arg3[%add3A_1722] : memref<320000xi32, #tpu.memory_space<hbm>> -> memref<40xi32, #tpu.memory_space<hbm>>
        %dma_start3A_1740 = arith.constant 80 : i32
        %dma_start3A_1741 = tpu.memref_slice %arg9[%dma_start3A_1740] : memref<160xi32, #tpu.memory_space<vmem>> -> memref<40xi32, #tpu.memory_space<vmem>>
        %dma_start3A_1742 = tpu.memref_slice %arg3[%add3A_1722] : memref<320000xi32, #tpu.memory_space<hbm>> -> memref<40xi32, #tpu.memory_space<hbm>>
        tpu.enqueue_dma source(%dma_start3A_1742 : memref<40xi32, #tpu.memory_space<hbm>>) target(%dma_start3A_1741 : memref<40xi32, #tpu.memory_space<vmem>>) target_semaphore(%arg18 : memref<!tpu.dma_semaphore, #tpu.memory_space<semaphore_mem>>)
        %dma_start3A_1743 = arith.constant 120 : i32
        %dma_start3A_1744 = tpu.memref_slice %arg9[%dma_start3A_1743] : memref<160xi32, #tpu.memory_space<vmem>> -> memref<40xi32, #tpu.memory_space<vmem>>
        %dma_start3A_1745 = tpu.memref_slice %arg4[%add3A_1724] : memref<320000xi32, #tpu.memory_space<hbm>> -> memref<40xi32, #tpu.memory_space<hbm>>
        %dma_start3A_1746 = arith.constant 120 : i32
        %dma_start3A_1747 = tpu.memref_slice %arg9[%dma_start3A_1746] : memref<160xi32, #tpu.memory_space<vmem>> -> memref<40xi32, #tpu.memory_space<vmem>>
        %dma_start3A_1748 = tpu.memref_slice %arg4[%add3A_1724] : memref<320000xi32, #tpu.memory_space<hbm>> -> memref<40xi32, #tpu.memory_space<hbm>>
        tpu.enqueue_dma source(%dma_start3A_1748 : memref<40xi32, #tpu.memory_space<hbm>>) target(%dma_start3A_1747 : memref<40xi32, #tpu.memory_space<vmem>>) target_semaphore(%arg18 : memref<!tpu.dma_semaphore, #tpu.memory_space<semaphore_mem>>)
      } else {
      }
      %parallel_loop3A_459 = arith.constant 0 : i32
      %parallel_loop3A_460 = arith.constant 40 : i32
      %parallel_loop3A_461 = arith.constant 1 : i32
      scf.for %parallel_loop3A_1716 = %parallel_loop3A_459 to %parallel_loop3A_460 step %parallel_loop3A_461  : i32 {
        %parallel_loop3A_1717 = arith.constant 17 : i32
        %parallel_loop3A_1718 = arith.muli %parallel_loop3A_1716, %parallel_loop3A_1717 : i32
        %parallel_loop3A_1719 = vector.broadcast %parallel_loop3A_1718 : i32 to vector<16xi32>
        %parallel_loop3A_1720 = arith.addi %parallel_loop3A_1719, %iota3A : vector<16xi32>
        %parallel_loop3A_1721 = arith.index_cast %parallel_loop3A_1716 : i32 to index
        %parallel_loop3A_1722 = arith.constant 0 : index
        %parallel_loop3A_1723 = tpu.vector_load %arg10[%parallel_loop3A_1721, %parallel_loop3A_1722] {strides = array<i32>} : memref<160x128xf32, #tpu.memory_space<vmem>>, vector<16xf32>,
        %parallel_loop3A_1724 = arith.constant 40 : i32
        %parallel_loop3A_1725 = arith.addi %parallel_loop3A_1724, %parallel_loop3A_1716 : i32
        %parallel_loop3A_1726 = arith.index_cast %parallel_loop3A_1725 : i32 to index
        %parallel_loop3A_1727 = arith.constant 0 : index
        %parallel_loop3A_1728 = tpu.vector_load %arg10[%parallel_loop3A_1726, %parallel_loop3A_1727] {strides = array<i32>} : memref<160x128xf32, #tpu.memory_space<vmem>>, vector<16xf32>,
        %parallel_loop3A_1729 = arith.mulf %parallel_loop3A_1723, %parallel_loop3A_1728 : vector<16xf32>
        %parallel_loop3A_1730 = arith.constant 80 : i32
        %parallel_loop3A_1731 = arith.addi %parallel_loop3A_1730, %parallel_loop3A_1716 : i32
        %parallel_loop3A_1732 = arith.index_cast %parallel_loop3A_1731 : i32 to index
        %parallel_loop3A_1733 = arith.constant 0 : index
        %parallel_loop3A_1734 = tpu.vector_load %arg10[%parallel_loop3A_1732, %parallel_loop3A_1733] {strides = array<i32>} : memref<160x128xf32, #tpu.memory_space<vmem>>, vector<16xf32>,
        %parallel_loop3A_1735 = arith.constant 120 : i32
        %parallel_loop3A_1736 = arith.addi %parallel_loop3A_1735, %parallel_loop3A_1716 : i32
        %parallel_loop3A_1737 = arith.index_cast %parallel_loop3A_1736 : i32 to index
        %parallel_loop3A_1738 = arith.constant 0 : index
        %parallel_loop3A_1739 = tpu.vector_load %arg10[%parallel_loop3A_1737, %parallel_loop3A_1738] {strides = array<i32>} : memref<160x128xf32, #tpu.memory_space<vmem>>, vector<16xf32>,
        %parallel_loop3A_1740 = arith.mulf %parallel_loop3A_1734, %parallel_loop3A_1739 : vector<16xf32>
        %parallel_loop3A_1741 = arith.index_cast %parallel_loop3A_1716 : i32 to index
        %parallel_loop3A_1742 = arith.constant 16 : index
        %parallel_loop3A_1743 = tpu.vector_load %arg10[%parallel_loop3A_1741, %parallel_loop3A_1742] {strides = array<i32>} : memref<160x128xf32, #tpu.memory_space<vmem>>, vector<16xf32>,
        %parallel_loop3A_1744 = arith.constant 40 : i32
        %parallel_loop3A_1745 = arith.addi %parallel_loop3A_1744, %parallel_loop3A_1716 : i32
        %parallel_loop3A_1746 = arith.index_cast %parallel_loop3A_1745 : i32 to index
        %parallel_loop3A_1747 = arith.constant 16 : index
        %parallel_loop3A_1748 = tpu.vector_load %arg10[%parallel_loop3A_1746, %parallel_loop3A_1747] {strides = array<i32>} : memref<160x128xf32, #tpu.memory_space<vmem>>, vector<16xf32>,
        %parallel_loop3A_1749 = arith.mulf %parallel_loop3A_1743, %parallel_loop3A_1748 : vector<16xf32>
        %parallel_loop3A_1750 = arith.constant 80 : i32
        %parallel_loop3A_1751 = arith.addi %parallel_loop3A_1750, %parallel_loop3A_1716 : i32
        %parallel_loop3A_1752 = arith.index_cast %parallel_loop3A_1751 : i32 to index
        %parallel_loop3A_1753 = arith.constant 16 : index
        %parallel_loop3A_1754 = tpu.vector_load %arg10[%parallel_loop3A_1752, %parallel_loop3A_1753] {strides = array<i32>} : memref<160x128xf32, #tpu.memory_space<vmem>>, vector<16xf32>,
        %parallel_loop3A_1755 = arith.constant 120 : i32
        %parallel_loop3A_1756 = arith.addi %parallel_loop3A_1755, %parallel_loop3A_1716 : i32
        %parallel_loop3A_1757 = arith.index_cast %parallel_loop3A_1756 : i32 to index
        %parallel_loop3A_1758 = arith.constant 16 : index
        %parallel_loop3A_1759 = tpu.vector_load %arg10[%parallel_loop3A_1757, %parallel_loop3A_1758] {strides = array<i32>} : memref<160x128xf32, #tpu.memory_space<vmem>>, vector<16xf32>,
        %parallel_loop3A_1760 = arith.mulf %parallel_loop3A_1754, %parallel_loop3A_1759 : vector<16xf32>
        %parallel_loop3A_1761 = arith.index_cast %parallel_loop3A_1716 : i32 to index
        %parallel_loop3A_1762 = arith.constant 32 : index
        %parallel_loop3A_1763 = tpu.vector_load %arg10[%parallel_loop3A_1761, %parallel_loop3A_1762] {strides = array<i32>} : memref<160x128xf32, #tpu.memory_space<vmem>>, vector<16xf32>,
        %parallel_loop3A_1764 = arith.constant 40 : i32
        %parallel_loop3A_1765 = arith.addi %parallel_loop3A_1764, %parallel_loop3A_1716 : i32
        %parallel_loop3A_1766 = arith.index_cast %parallel_loop3A_1765 : i32 to index
        %parallel_loop3A_1767 = arith.constant 32 : index
        %parallel_loop3A_1768 = tpu.vector_load %arg10[%parallel_loop3A_1766, %parallel_loop3A_1767] {strides = array<i32>} : memref<160x128xf32, #tpu.memory_space<vmem>>, vector<16xf32>,
        %parallel_loop3A_1769 = arith.mulf %parallel_loop3A_1763, %parallel_loop3A_1768 : vector<16xf32>
        %parallel_loop3A_1770 = arith.constant 80 : i32
        %parallel_loop3A_1771 = arith.addi %parallel_loop3A_1770, %parallel_loop3A_1716 : i32
        %parallel_loop3A_1772 = arith.index_cast %parallel_loop3A_1771 : i32 to index
        %parallel_loop3A_1773 = arith.constant 32 : index
        %parallel_loop3A_1774 = tpu.vector_load %arg10[%parallel_loop3A_1772, %parallel_loop3A_1773] {strides = array<i32>} : memref<160x128xf32, #tpu.memory_space<vmem>>, vector<16xf32>,
        %parallel_loop3A_1775 = arith.constant 120 : i32
        %parallel_loop3A_1776 = arith.addi %parallel_loop3A_1775, %parallel_loop3A_1716 : i32
        %parallel_loop3A_1777 = arith.index_cast %parallel_loop3A_1776 : i32 to index
        %parallel_loop3A_1778 = arith.constant 32 : index
        %parallel_loop3A_1779 = tpu.vector_load %arg10[%parallel_loop3A_1777, %parallel_loop3A_1778] {strides = array<i32>} : memref<160x128xf32, #tpu.memory_space<vmem>>, vector<16xf32>,
        %parallel_loop3A_1780 = arith.mulf %parallel_loop3A_1774, %parallel_loop3A_1779 : vector<16xf32>
        %parallel_loop3A_1781 = arith.index_cast %parallel_loop3A_1716 : i32 to index
        %parallel_loop3A_1782 = arith.constant 48 : index
        %parallel_loop3A_1783 = tpu.vector_load %arg10[%parallel_loop3A_1781, %parallel_loop3A_1782] {strides = array<i32>} : memref<160x128xf32, #tpu.memory_space<vmem>>, vector<16xf32>,
        %parallel_loop3A_1784 = arith.constant 40 : i32
        %parallel_loop3A_1785 = arith.addi %parallel_loop3A_1784, %parallel_loop3A_1716 : i32
        %parallel_loop3A_1786 = arith.index_cast %parallel_loop3A_1785 : i32 to index
        %parallel_loop3A_1787 = arith.constant 48 : index
        %parallel_loop3A_1788 = tpu.vector_load %arg10[%parallel_loop3A_1786, %parallel_loop3A_1787] {strides = array<i32>} : memref<160x128xf32, #tpu.memory_space<vmem>>, vector<16xf32>,
        %parallel_loop3A_1789 = arith.mulf %parallel_loop3A_1783, %parallel_loop3A_1788 : vector<16xf32>
        %parallel_loop3A_1790 = arith.constant 80 : i32
        %parallel_loop3A_1791 = arith.addi %parallel_loop3A_1790, %parallel_loop3A_1716 : i32
        %parallel_loop3A_1792 = arith.index_cast %parallel_loop3A_1791 : i32 to index
        %parallel_loop3A_1793 = arith.constant 48 : index
        %parallel_loop3A_1794 = tpu.vector_load %arg10[%parallel_loop3A_1792, %parallel_loop3A_1793] {strides = array<i32>} : memref<160x128xf32, #tpu.memory_space<vmem>>, vector<16xf32>,
        %parallel_loop3A_1795 = arith.constant 120 : i32
        %parallel_loop3A_1796 = arith.addi %parallel_loop3A_1795, %parallel_loop3A_1716 : i32
        %parallel_loop3A_1797 = arith.index_cast %parallel_loop3A_1796 : i32 to index
        %parallel_loop3A_1798 = arith.constant 48 : index
        %parallel_loop3A_1799 = tpu.vector_load %arg10[%parallel_loop3A_1797, %parallel_loop3A_1798] {strides = array<i32>} : memref<160x128xf32, #tpu.memory_space<vmem>>, vector<16xf32>,
        %parallel_loop3A_1800 = arith.mulf %parallel_loop3A_1794, %parallel_loop3A_1799 : vector<16xf32>
        %parallel_loop3A_1801 = arith.index_cast %parallel_loop3A_1716 : i32 to index
        %parallel_loop3A_1802 = arith.constant 64 : index
        %parallel_loop3A_1803 = tpu.vector_load %arg10[%parallel_loop3A_1801, %parallel_loop3A_1802] {strides = array<i32>} : memref<160x128xf32, #tpu.memory_space<vmem>>, vector<16xf32>,
        %parallel_loop3A_1804 = arith.constant 40 : i32
        %parallel_loop3A_1805 = arith.addi %parallel_loop3A_1804, %parallel_loop3A_1716 : i32
        %parallel_loop3A_1806 = arith.index_cast %parallel_loop3A_1805 : i32 to index
        %parallel_loop3A_1807 = arith.constant 64 : index
        %parallel_loop3A_1808 = tpu.vector_load %arg10[%parallel_loop3A_1806, %parallel_loop3A_1807] {strides = array<i32>} : memref<160x128xf32, #tpu.memory_space<vmem>>, vector<16xf32>,
        %parallel_loop3A_1809 = arith.mulf %parallel_loop3A_1803, %parallel_loop3A_1808 : vector<16xf32>
        %parallel_loop3A_1810 = arith.constant 80 : i32
        %parallel_loop3A_1811 = arith.addi %parallel_loop3A_1810, %parallel_loop3A_1716 : i32
        %parallel_loop3A_1812 = arith.index_cast %parallel_loop3A_1811 : i32 to index
        %parallel_loop3A_1813 = arith.constant 64 : index
        %parallel_loop3A_1814 = tpu.vector_load %arg10[%parallel_loop3A_1812, %parallel_loop3A_1813] {strides = array<i32>} : memref<160x128xf32, #tpu.memory_space<vmem>>, vector<16xf32>,
        %parallel_loop3A_1815 = arith.constant 120 : i32
        %parallel_loop3A_1816 = arith.addi %parallel_loop3A_1815, %parallel_loop3A_1716 : i32
        %parallel_loop3A_1817 = arith.index_cast %parallel_loop3A_1816 : i32 to index
        %parallel_loop3A_1818 = arith.constant 64 : index
        %parallel_loop3A_1819 = tpu.vector_load %arg10[%parallel_loop3A_1817, %parallel_loop3A_1818] {strides = array<i32>} : memref<160x128xf32, #tpu.memory_space<vmem>>, vector<16xf32>,
        %parallel_loop3A_1820 = arith.mulf %parallel_loop3A_1814, %parallel_loop3A_1819 : vector<16xf32>
        %parallel_loop3A_1821 = arith.index_cast %parallel_loop3A_1716 : i32 to index
        %parallel_loop3A_1822 = arith.constant 80 : index
        %parallel_loop3A_1823 = tpu.vector_load %arg10[%parallel_loop3A_1821, %parallel_loop3A_1822] {strides = array<i32>} : memref<160x128xf32, #tpu.memory_space<vmem>>, vector<16xf32>,
        %parallel_loop3A_1824 = arith.constant 40 : i32
        %parallel_loop3A_1825 = arith.addi %parallel_loop3A_1824, %parallel_loop3A_1716 : i32
        %parallel_loop3A_1826 = arith.index_cast %parallel_loop3A_1825 : i32 to index
        %parallel_loop3A_1827 = arith.constant 80 : index
        %parallel_loop3A_1828 = tpu.vector_load %arg10[%parallel_loop3A_1826, %parallel_loop3A_1827] {strides = array<i32>} : memref<160x128xf32, #tpu.memory_space<vmem>>, vector<16xf32>,
        %parallel_loop3A_1829 = arith.mulf %parallel_loop3A_1823, %parallel_loop3A_1828 : vector<16xf32>
        %parallel_loop3A_1830 = arith.constant 80 : i32
        %parallel_loop3A_1831 = arith.addi %parallel_loop3A_1830, %parallel_loop3A_1716 : i32
        %parallel_loop3A_1832 = arith.index_cast %parallel_loop3A_1831 : i32 to index
        %parallel_loop3A_1833 = arith.constant 80 : index
        %parallel_loop3A_1834 = tpu.vector_load %arg10[%parallel_loop3A_1832, %parallel_loop3A_1833] {strides = array<i32>} : memref<160x128xf32, #tpu.memory_space<vmem>>, vector<16xf32>,
        %parallel_loop3A_1835 = arith.constant 120 : i32
        %parallel_loop3A_1836 = arith.addi %parallel_loop3A_1835, %parallel_loop3A_1716 : i32
        %parallel_loop3A_1837 = arith.index_cast %parallel_loop3A_1836 : i32 to index
        %parallel_loop3A_1838 = arith.constant 80 : index
        %parallel_loop3A_1839 = tpu.vector_load %arg10[%parallel_loop3A_1837, %parallel_loop3A_1838] {strides = array<i32>} : memref<160x128xf32, #tpu.memory_space<vmem>>, vector<16xf32>,
        %parallel_loop3A_1840 = arith.mulf %parallel_loop3A_1834, %parallel_loop3A_1839 : vector<16xf32>
        %parallel_loop3A_1841 = arith.index_cast %parallel_loop3A_1716 : i32 to index
        %parallel_loop3A_1842 = arith.constant 96 : index
        %parallel_loop3A_1843 = tpu.vector_load %arg10[%parallel_loop3A_1841, %parallel_loop3A_1842] {strides = array<i32>} : memref<160x128xf32, #tpu.memory_space<vmem>>, vector<16xf32>,
        %parallel_loop3A_1844 = arith.constant 40 : i32
        %parallel_loop3A_1845 = arith.addi %parallel_loop3A_1844, %parallel_loop3A_1716 : i32
        %parallel_loop3A_1846 = arith.index_cast %parallel_loop3A_1845 : i32 to index
        %parallel_loop3A_1847 = arith.constant 96 : index
        %parallel_loop3A_1848 = tpu.vector_load %arg10[%parallel_loop3A_1846, %parallel_loop3A_1847] {strides = array<i32>} : memref<160x128xf32, #tpu.memory_space<vmem>>, vector<16xf32>,
        %parallel_loop3A_1849 = arith.mulf %parallel_loop3A_1843, %parallel_loop3A_1848 : vector<16xf32>
        %parallel_loop3A_1850 = arith.constant 80 : i32
        %parallel_loop3A_1851 = arith.addi %parallel_loop3A_1850, %parallel_loop3A_1716 : i32
        %parallel_loop3A_1852 = arith.index_cast %parallel_loop3A_1851 : i32 to index
        %parallel_loop3A_1853 = arith.constant 96 : index
        %parallel_loop3A_1854 = tpu.vector_load %arg10[%parallel_loop3A_1852, %parallel_loop3A_1853] {strides = array<i32>} : memref<160x128xf32, #tpu.memory_space<vmem>>, vector<16xf32>,
        %parallel_loop3A_1855 = arith.constant 120 : i32
        %parallel_loop3A_1856 = arith.addi %parallel_loop3A_1855, %parallel_loop3A_1716 : i32
        %parallel_loop3A_1857 = arith.index_cast %parallel_loop3A_1856 : i32 to index
        %parallel_loop3A_1858 = arith.constant 96 : index
        %parallel_loop3A_1859 = tpu.vector_load %arg10[%parallel_loop3A_1857, %parallel_loop3A_1858] {strides = array<i32>} : memref<160x128xf32, #tpu.memory_space<vmem>>, vector<16xf32>,
        %parallel_loop3A_1860 = arith.mulf %parallel_loop3A_1854, %parallel_loop3A_1859 : vector<16xf32>
        %parallel_loop3A_1861 = arith.index_cast %parallel_loop3A_1716 : i32 to index
        %parallel_loop3A_1862 = arith.constant 112 : index
        %parallel_loop3A_1863 = tpu.vector_load %arg10[%parallel_loop3A_1861, %parallel_loop3A_1862] {strides = array<i32>} : memref<160x128xf32, #tpu.memory_space<vmem>>, vector<16xf32>,
        %parallel_loop3A_1864 = arith.constant 40 : i32
        %parallel_loop3A_1865 = arith.addi %parallel_loop3A_1864, %parallel_loop3A_1716 : i32
        %parallel_loop3A_1866 = arith.index_cast %parallel_loop3A_1865 : i32 to index
        %parallel_loop3A_1867 = arith.constant 112 : index
        %parallel_loop3A_1868 = tpu.vector_load %arg10[%parallel_loop3A_1866, %parallel_loop3A_1867] {strides = array<i32>} : memref<160x128xf32, #tpu.memory_space<vmem>>, vector<16xf32>,
        %parallel_loop3A_1869 = arith.mulf %parallel_loop3A_1863, %parallel_loop3A_1868 : vector<16xf32>
        %parallel_loop3A_1870 = arith.constant 80 : i32
        %parallel_loop3A_1871 = arith.addi %parallel_loop3A_1870, %parallel_loop3A_1716 : i32
        %parallel_loop3A_1872 = arith.index_cast %parallel_loop3A_1871 : i32 to index
        %parallel_loop3A_1873 = arith.constant 112 : index
        %parallel_loop3A_1874 = tpu.vector_load %arg10[%parallel_loop3A_1872, %parallel_loop3A_1873] {strides = array<i32>} : memref<160x128xf32, #tpu.memory_space<vmem>>, vector<16xf32>,
        %parallel_loop3A_1875 = arith.constant 120 : i32
        %parallel_loop3A_1876 = arith.addi %parallel_loop3A_1875, %parallel_loop3A_1716 : i32
        %parallel_loop3A_1877 = arith.index_cast %parallel_loop3A_1876 : i32 to index
        %parallel_loop3A_1878 = arith.constant 112 : index
        %parallel_loop3A_1879 = tpu.vector_load %arg10[%parallel_loop3A_1877, %parallel_loop3A_1878] {strides = array<i32>} : memref<160x128xf32, #tpu.memory_space<vmem>>, vector<16xf32>,
        %parallel_loop3A_1880 = arith.mulf %parallel_loop3A_1874, %parallel_loop3A_1879 : vector<16xf32>
        %parallel_loop3A_1881 = arith.addf %parallel_loop3A_1729, %parallel_loop3A_1740 : vector<16xf32>
        %parallel_loop3A_1882 = arith.addf %parallel_loop3A_1749, %parallel_loop3A_1760 : vector<16xf32>
        %parallel_loop3A_1883 = arith.addf %parallel_loop3A_1769, %parallel_loop3A_1780 : vector<16xf32>
        %parallel_loop3A_1884 = arith.addf %parallel_loop3A_1789, %parallel_loop3A_1800 : vector<16xf32>
        %parallel_loop3A_1885 = arith.addf %parallel_loop3A_1809, %parallel_loop3A_1820 : vector<16xf32>
        %parallel_loop3A_1886 = arith.addf %parallel_loop3A_1829, %parallel_loop3A_1840 : vector<16xf32>
        %parallel_loop3A_1887 = arith.addf %parallel_loop3A_1849, %parallel_loop3A_1860 : vector<16xf32>
        %parallel_loop3A_1888 = arith.addf %parallel_loop3A_1869, %parallel_loop3A_1880 : vector<16xf32>
        %parallel_loop3A_1889 = arith.addf %parallel_loop3A_1881, %parallel_loop3A_1882 : vector<16xf32>
        %parallel_loop3A_1890 = arith.addf %parallel_loop3A_1883, %parallel_loop3A_1884 : vector<16xf32>
        %parallel_loop3A_1891 = arith.addf %parallel_loop3A_1885, %parallel_loop3A_1886 : vector<16xf32>
        %parallel_loop3A_1892 = arith.addf %parallel_loop3A_1887, %parallel_loop3A_1888 : vector<16xf32>
        %parallel_loop3A_1893 = arith.addf %parallel_loop3A_1889, %parallel_loop3A_1890 : vector<16xf32>
        %parallel_loop3A_1894 = arith.addf %parallel_loop3A_1891, %parallel_loop3A_1892 : vector<16xf32>
        %parallel_loop3A_1895 = arith.addf %parallel_loop3A_1893, %parallel_loop3A_1894 : vector<16xf32>
        tpu.vector_store_idx %arg13[%parallel_loop3A_1720], %parallel_loop3A_1895 : memref<816xf32, #tpu.memory_space<vmem>>[vector<16xi32>], vector<16xf32>,
      } {sc.loop_unroll_factor = 1 : i64, sc.parallel_access}
      %add3A_462 = arith.constant 0 : i32
      %add3A_463 = vector.broadcast %add3A_462 : i32 to vector<16xi32>
      %add3A_464 = arith.addi %add3A_463, %iota3A : vector<16xi32>
      %mul3A_465 = arith.constant 17 : i32
      %mul3A_466 = vector.broadcast %mul3A_465 : i32 to vector<16xi32>
      %mul3A_467 = arith.muli %add3A_464, %mul3A_466 : vector<16xi32>
      %add3A_468 = arith.constant 0 : i32
      %add3A_469 = vector.broadcast %add3A_468 : i32 to vector<16xi32>
      %add3A_470 = arith.addi %mul3A_467, %add3A_469 : vector<16xi32>
      %gather3A_471 = tpu.vector_load_idx %arg13[%add3A_470] : memref<816xf32, #tpu.memory_space<vmem>>[vector<16xi32>], vector<16xf32>,
      %add3A_472 = arith.constant 1 : i32
      %add3A_473 = vector.broadcast %add3A_472 : i32 to vector<16xi32>
      %add3A_474 = arith.addi %mul3A_467, %add3A_473 : vector<16xi32>
      %gather3A_475 = tpu.vector_load_idx %arg13[%add3A_474] : memref<816xf32, #tpu.memory_space<vmem>>[vector<16xi32>], vector<16xf32>,
      %add3A_476 = arith.constant 2 : i32
      %add3A_477 = vector.broadcast %add3A_476 : i32 to vector<16xi32>
      %add3A_478 = arith.addi %mul3A_467, %add3A_477 : vector<16xi32>
      %gather3A_479 = tpu.vector_load_idx %arg13[%add3A_478] : memref<816xf32, #tpu.memory_space<vmem>>[vector<16xi32>], vector<16xf32>,
      %add3A_480 = arith.constant 3 : i32
      %add3A_481 = vector.broadcast %add3A_480 : i32 to vector<16xi32>
      %add3A_482 = arith.addi %mul3A_467, %add3A_481 : vector<16xi32>
      %gather3A_483 = tpu.vector_load_idx %arg13[%add3A_482] : memref<816xf32, #tpu.memory_space<vmem>>[vector<16xi32>], vector<16xf32>,
      %add3A_484 = arith.constant 4 : i32
      %add3A_485 = vector.broadcast %add3A_484 : i32 to vector<16xi32>
      %add3A_486 = arith.addi %mul3A_467, %add3A_485 : vector<16xi32>
      %gather3A_487 = tpu.vector_load_idx %arg13[%add3A_486] : memref<816xf32, #tpu.memory_space<vmem>>[vector<16xi32>], vector<16xf32>,
      %add3A_488 = arith.constant 5 : i32
      %add3A_489 = vector.broadcast %add3A_488 : i32 to vector<16xi32>
      %add3A_490 = arith.addi %mul3A_467, %add3A_489 : vector<16xi32>
      %gather3A_491 = tpu.vector_load_idx %arg13[%add3A_490] : memref<816xf32, #tpu.memory_space<vmem>>[vector<16xi32>], vector<16xf32>,
      %add3A_492 = arith.constant 6 : i32
      %add3A_493 = vector.broadcast %add3A_492 : i32 to vector<16xi32>
      %add3A_494 = arith.addi %mul3A_467, %add3A_493 : vector<16xi32>
      %gather3A_495 = tpu.vector_load_idx %arg13[%add3A_494] : memref<816xf32, #tpu.memory_space<vmem>>[vector<16xi32>], vector<16xf32>,
      %add3A_496 = arith.constant 7 : i32
      %add3A_497 = vector.broadcast %add3A_496 : i32 to vector<16xi32>
      %add3A_498 = arith.addi %mul3A_467, %add3A_497 : vector<16xi32>
      %gather3A_499 = tpu.vector_load_idx %arg13[%add3A_498] : memref<816xf32, #tpu.memory_space<vmem>>[vector<16xi32>], vector<16xf32>,
      %add3A_500 = arith.constant 8 : i32
      %add3A_501 = vector.broadcast %add3A_500 : i32 to vector<16xi32>
      %add3A_502 = arith.addi %mul3A_467, %add3A_501 : vector<16xi32>
      %gather3A_503 = tpu.vector_load_idx %arg13[%add3A_502] : memref<816xf32, #tpu.memory_space<vmem>>[vector<16xi32>], vector<16xf32>,
      %add3A_504 = arith.constant 9 : i32
      %add3A_505 = vector.broadcast %add3A_504 : i32 to vector<16xi32>
      %add3A_506 = arith.addi %mul3A_467, %add3A_505 : vector<16xi32>
      %gather3A_507 = tpu.vector_load_idx %arg13[%add3A_506] : memref<816xf32, #tpu.memory_space<vmem>>[vector<16xi32>], vector<16xf32>,
      %add3A_508 = arith.constant 10 : i32
      %add3A_509 = vector.broadcast %add3A_508 : i32 to vector<16xi32>
      %add3A_510 = arith.addi %mul3A_467, %add3A_509 : vector<16xi32>
      %gather3A_511 = tpu.vector_load_idx %arg13[%add3A_510] : memref<816xf32, #tpu.memory_space<vmem>>[vector<16xi32>], vector<16xf32>,
      %add3A_512 = arith.constant 11 : i32
      %add3A_513 = vector.broadcast %add3A_512 : i32 to vector<16xi32>
      %add3A_514 = arith.addi %mul3A_467, %add3A_513 : vector<16xi32>
      %gather3A_515 = tpu.vector_load_idx %arg13[%add3A_514] : memref<816xf32, #tpu.memory_space<vmem>>[vector<16xi32>], vector<16xf32>,
      %add3A_516 = arith.constant 12 : i32
      %add3A_517 = vector.broadcast %add3A_516 : i32 to vector<16xi32>
      %add3A_518 = arith.addi %mul3A_467, %add3A_517 : vector<16xi32>
      %gather3A_519 = tpu.vector_load_idx %arg13[%add3A_518] : memref<816xf32, #tpu.memory_space<vmem>>[vector<16xi32>], vector<16xf32>,
      %add3A_520 = arith.constant 13 : i32
      %add3A_521 = vector.broadcast %add3A_520 : i32 to vector<16xi32>
      %add3A_522 = arith.addi %mul3A_467, %add3A_521 : vector<16xi32>
      %gather3A_523 = tpu.vector_load_idx %arg13[%add3A_522] : memref<816xf32, #tpu.memory_space<vmem>>[vector<16xi32>], vector<16xf32>,
      %add3A_524 = arith.constant 14 : i32
      %add3A_525 = vector.broadcast %add3A_524 : i32 to vector<16xi32>
      %add3A_526 = arith.addi %mul3A_467, %add3A_525 : vector<16xi32>
      %gather3A_527 = tpu.vector_load_idx %arg13[%add3A_526] : memref<816xf32, #tpu.memory_space<vmem>>[vector<16xi32>], vector<16xf32>,
      %add3A_528 = arith.constant 15 : i32
      %add3A_529 = vector.broadcast %add3A_528 : i32 to vector<16xi32>
      %add3A_530 = arith.addi %mul3A_467, %add3A_529 : vector<16xi32>
      %gather3A_531 = tpu.vector_load_idx %arg13[%add3A_530] : memref<816xf32, #tpu.memory_space<vmem>>[vector<16xi32>], vector<16xf32>,
      %add3A_532 = arith.addf %gather3A_471, %gather3A_475 : vector<16xf32>
      %add3A_533 = arith.addf %gather3A_479, %gather3A_483 : vector<16xf32>
      %add3A_534 = arith.addf %gather3A_487, %gather3A_491 : vector<16xf32>
      %add3A_535 = arith.addf %gather3A_495, %gather3A_499 : vector<16xf32>
      %add3A_536 = arith.addf %gather3A_503, %gather3A_507 : vector<16xf32>
      %add3A_537 = arith.addf %gather3A_511, %gather3A_515 : vector<16xf32>
      %add3A_538 = arith.addf %gather3A_519, %gather3A_523 : vector<16xf32>
      %add3A_539 = arith.addf %gather3A_527, %gather3A_531 : vector<16xf32>
      %add3A_540 = arith.addf %add3A_532, %add3A_533 : vector<16xf32>
      %add3A_541 = arith.addf %add3A_534, %add3A_535 : vector<16xf32>
      %add3A_542 = arith.addf %add3A_536, %add3A_537 : vector<16xf32>
      %add3A_543 = arith.addf %add3A_538, %add3A_539 : vector<16xf32>
      %add3A_544 = arith.addf %add3A_540, %add3A_541 : vector<16xf32>
      %add3A_545 = arith.addf %add3A_542, %add3A_543 : vector<16xf32>
      %add3A_546 = arith.addf %add3A_544, %add3A_545 : vector<16xf32>
      %mul3A_547 = arith.constant 40 : i32
      %mul3A_548 = arith.muli %add3A_410, %mul3A_547 : i32
      %add3A_549 = arith.constant 0 : i32
      %add3A_550 = arith.addi %mul3A_548, %add3A_549 : i32
      %swap3A_551 = arith.index_cast %add3A_550 : i32 to index
      %swap3A_552 = tpu.vector_load %arg12[%swap3A_551] {strides = array<i32>} : memref<5032xf32, #tpu.memory_space<vmem>>, vector<16xf32>,
      tpu.vector_store %arg12[%swap3A_551], %add3A_546 {strides = array<i32>} : memref<5032xf32, #tpu.memory_space<vmem>>, vector<16xf32>,
      %add3A_553 = arith.constant 16 : i32
      %add3A_554 = vector.broadcast %add3A_553 : i32 to vector<16xi32>
      %add3A_555 = arith.addi %add3A_554, %iota3A : vector<16xi32>
      %mul3A_556 = arith.constant 17 : i32
      %mul3A_557 = vector.broadcast %mul3A_556 : i32 to vector<16xi32>
      %mul3A_558 = arith.muli %add3A_555, %mul3A_557 : vector<16xi32>
      %add3A_559 = arith.constant 0 : i32
      %add3A_560 = vector.broadcast %add3A_559 : i32 to vector<16xi32>
      %add3A_561 = arith.addi %mul3A_558, %add3A_560 : vector<16xi32>
      %gather3A_562 = tpu.vector_load_idx %arg13[%add3A_561] : memref<816xf32, #tpu.memory_space<vmem>>[vector<16xi32>], vector<16xf32>,
      %add3A_563 = arith.constant 1 : i32
      %add3A_564 = vector.broadcast %add3A_563 : i32 to vector<16xi32>
      %add3A_565 = arith.addi %mul3A_558, %add3A_564 : vector<16xi32>
      %gather3A_566 = tpu.vector_load_idx %arg13[%add3A_565] : memref<816xf32, #tpu.memory_space<vmem>>[vector<16xi32>], vector<16xf32>,
      %add3A_567 = arith.constant 2 : i32
      %add3A_568 = vector.broadcast %add3A_567 : i32 to vector<16xi32>
      %add3A_569 = arith.addi %mul3A_558, %add3A_568 : vector<16xi32>
      %gather3A_570 = tpu.vector_load_idx %arg13[%add3A_569] : memref<816xf32, #tpu.memory_space<vmem>>[vector<16xi32>], vector<16xf32>,
      %add3A_571 = arith.constant 3 : i32
      %add3A_572 = vector.broadcast %add3A_571 : i32 to vector<16xi32>
      %add3A_573 = arith.addi %mul3A_558, %add3A_572 : vector<16xi32>
      %gather3A_574 = tpu.vector_load_idx %arg13[%add3A_573] : memref<816xf32, #tpu.memory_space<vmem>>[vector<16xi32>], vector<16xf32>,
      %add3A_575 = arith.constant 4 : i32
      %add3A_576 = vector.broadcast %add3A_575 : i32 to vector<16xi32>
      %add3A_577 = arith.addi %mul3A_558, %add3A_576 : vector<16xi32>
      %gather3A_578 = tpu.vector_load_idx %arg13[%add3A_577] : memref<816xf32, #tpu.memory_space<vmem>>[vector<16xi32>], vector<16xf32>,
      %add3A_579 = arith.constant 5 : i32
      %add3A_580 = vector.broadcast %add3A_579 : i32 to vector<16xi32>
      %add3A_581 = arith.addi %mul3A_558, %add3A_580 : vector<16xi32>
      %gather3A_582 = tpu.vector_load_idx %arg13[%add3A_581] : memref<816xf32, #tpu.memory_space<vmem>>[vector<16xi32>], vector<16xf32>,
      %add3A_583 = arith.constant 6 : i32
      %add3A_584 = vector.broadcast %add3A_583 : i32 to vector<16xi32>
      %add3A_585 = arith.addi %mul3A_558, %add3A_584 : vector<16xi32>
      %gather3A_586 = tpu.vector_load_idx %arg13[%add3A_585] : memref<816xf32, #tpu.memory_space<vmem>>[vector<16xi32>], vector<16xf32>,
      %add3A_587 = arith.constant 7 : i32
      %add3A_588 = vector.broadcast %add3A_587 : i32 to vector<16xi32>
      %add3A_589 = arith.addi %mul3A_558, %add3A_588 : vector<16xi32>
      %gather3A_590 = tpu.vector_load_idx %arg13[%add3A_589] : memref<816xf32, #tpu.memory_space<vmem>>[vector<16xi32>], vector<16xf32>,
      %add3A_591 = arith.constant 8 : i32
      %add3A_592 = vector.broadcast %add3A_591 : i32 to vector<16xi32>
      %add3A_593 = arith.addi %mul3A_558, %add3A_592 : vector<16xi32>
      %gather3A_594 = tpu.vector_load_idx %arg13[%add3A_593] : memref<816xf32, #tpu.memory_space<vmem>>[vector<16xi32>], vector<16xf32>,
      %add3A_595 = arith.constant 9 : i32
      %add3A_596 = vector.broadcast %add3A_595 : i32 to vector<16xi32>
      %add3A_597 = arith.addi %mul3A_558, %add3A_596 : vector<16xi32>
      %gather3A_598 = tpu.vector_load_idx %arg13[%add3A_597] : memref<816xf32, #tpu.memory_space<vmem>>[vector<16xi32>], vector<16xf32>,
      %add3A_599 = arith.constant 10 : i32
      %add3A_600 = vector.broadcast %add3A_599 : i32 to vector<16xi32>
      %add3A_601 = arith.addi %mul3A_558, %add3A_600 : vector<16xi32>
      %gather3A_602 = tpu.vector_load_idx %arg13[%add3A_601] : memref<816xf32, #tpu.memory_space<vmem>>[vector<16xi32>], vector<16xf32>,
      %add3A_603 = arith.constant 11 : i32
      %add3A_604 = vector.broadcast %add3A_603 : i32 to vector<16xi32>
      %add3A_605 = arith.addi %mul3A_558, %add3A_604 : vector<16xi32>
      %gather3A_606 = tpu.vector_load_idx %arg13[%add3A_605] : memref<816xf32, #tpu.memory_space<vmem>>[vector<16xi32>], vector<16xf32>,
      %add3A_607 = arith.constant 12 : i32
      %add3A_608 = vector.broadcast %add3A_607 : i32 to vector<16xi32>
      %add3A_609 = arith.addi %mul3A_558, %add3A_608 : vector<16xi32>
      %gather3A_610 = tpu.vector_load_idx %arg13[%add3A_609] : memref<816xf32, #tpu.memory_space<vmem>>[vector<16xi32>], vector<16xf32>,
      %add3A_611 = arith.constant 13 : i32
      %add3A_612 = vector.broadcast %add3A_611 : i32 to vector<16xi32>
      %add3A_613 = arith.addi %mul3A_558, %add3A_612 : vector<16xi32>
      %gather3A_614 = tpu.vector_load_idx %arg13[%add3A_613] : memref<816xf32, #tpu.memory_space<vmem>>[vector<16xi32>], vector<16xf32>,
      %add3A_615 = arith.constant 14 : i32
      %add3A_616 = vector.broadcast %add3A_615 : i32 to vector<16xi32>
      %add3A_617 = arith.addi %mul3A_558, %add3A_616 : vector<16xi32>
      %gather3A_618 = tpu.vector_load_idx %arg13[%add3A_617] : memref<816xf32, #tpu.memory_space<vmem>>[vector<16xi32>], vector<16xf32>,
      %add3A_619 = arith.constant 15 : i32
      %add3A_620 = vector.broadcast %add3A_619 : i32 to vector<16xi32>
      %add3A_621 = arith.addi %mul3A_558, %add3A_620 : vector<16xi32>
      %gather3A_622 = tpu.vector_load_idx %arg13[%add3A_621] : memref<816xf32, #tpu.memory_space<vmem>>[vector<16xi32>], vector<16xf32>,
      %add3A_623 = arith.addf %gather3A_562, %gather3A_566 : vector<16xf32>
      %add3A_624 = arith.addf %gather3A_570, %gather3A_574 : vector<16xf32>
      %add3A_625 = arith.addf %gather3A_578, %gather3A_582 : vector<16xf32>
      %add3A_626 = arith.addf %gather3A_586, %gather3A_590 : vector<16xf32>
      %add3A_627 = arith.addf %gather3A_594, %gather3A_598 : vector<16xf32>
      %add3A_628 = arith.addf %gather3A_602, %gather3A_606 : vector<16xf32>
      %add3A_629 = arith.addf %gather3A_610, %gather3A_614 : vector<16xf32>
      %add3A_630 = arith.addf %gather3A_618, %gather3A_622 : vector<16xf32>
      %add3A_631 = arith.addf %add3A_623, %add3A_624 : vector<16xf32>
      %add3A_632 = arith.addf %add3A_625, %add3A_626 : vector<16xf32>
      %add3A_633 = arith.addf %add3A_627, %add3A_628 : vector<16xf32>
      %add3A_634 = arith.addf %add3A_629, %add3A_630 : vector<16xf32>
      %add3A_635 = arith.addf %add3A_631, %add3A_632 : vector<16xf32>
      %add3A_636 = arith.addf %add3A_633, %add3A_634 : vector<16xf32>
      %add3A_637 = arith.addf %add3A_635, %add3A_636 : vector<16xf32>
      %mul3A_638 = arith.constant 40 : i32
      %mul3A_639 = arith.muli %add3A_410, %mul3A_638 : i32
      %add3A_640 = arith.constant 16 : i32
      %add3A_641 = arith.addi %mul3A_639, %add3A_640 : i32
      %swap3A_642 = arith.index_cast %add3A_641 : i32 to index
      %swap3A_643 = tpu.vector_load %arg12[%swap3A_642] {strides = array<i32>} : memref<5032xf32, #tpu.memory_space<vmem>>, vector<16xf32>,
      tpu.vector_store %arg12[%swap3A_642], %add3A_637 {strides = array<i32>} : memref<5032xf32, #tpu.memory_space<vmem>>, vector<16xf32>,
      %add3A_644 = arith.constant 32 : i32
      %add3A_645 = vector.broadcast %add3A_644 : i32 to vector<16xi32>
      %add3A_646 = arith.addi %add3A_645, %iota3A : vector<16xi32>
      %mul3A_647 = arith.constant 17 : i32
      %mul3A_648 = vector.broadcast %mul3A_647 : i32 to vector<16xi32>
      %mul3A_649 = arith.muli %add3A_646, %mul3A_648 : vector<16xi32>
      %add3A_650 = arith.constant 0 : i32
      %add3A_651 = vector.broadcast %add3A_650 : i32 to vector<16xi32>
      %add3A_652 = arith.addi %mul3A_649, %add3A_651 : vector<16xi32>
      %gather3A_653 = tpu.vector_load_idx %arg13[%add3A_652] : memref<816xf32, #tpu.memory_space<vmem>>[vector<16xi32>], vector<16xf32>,
      %add3A_654 = arith.constant 1 : i32
      %add3A_655 = vector.broadcast %add3A_654 : i32 to vector<16xi32>
      %add3A_656 = arith.addi %mul3A_649, %add3A_655 : vector<16xi32>
      %gather3A_657 = tpu.vector_load_idx %arg13[%add3A_656] : memref<816xf32, #tpu.memory_space<vmem>>[vector<16xi32>], vector<16xf32>,
      %add3A_658 = arith.constant 2 : i32
      %add3A_659 = vector.broadcast %add3A_658 : i32 to vector<16xi32>
      %add3A_660 = arith.addi %mul3A_649, %add3A_659 : vector<16xi32>
      %gather3A_661 = tpu.vector_load_idx %arg13[%add3A_660] : memref<816xf32, #tpu.memory_space<vmem>>[vector<16xi32>], vector<16xf32>,
      %add3A_662 = arith.constant 3 : i32
      %add3A_663 = vector.broadcast %add3A_662 : i32 to vector<16xi32>
      %add3A_664 = arith.addi %mul3A_649, %add3A_663 : vector<16xi32>
      %gather3A_665 = tpu.vector_load_idx %arg13[%add3A_664] : memref<816xf32, #tpu.memory_space<vmem>>[vector<16xi32>], vector<16xf32>,
      %add3A_666 = arith.constant 4 : i32
      %add3A_667 = vector.broadcast %add3A_666 : i32 to vector<16xi32>
      %add3A_668 = arith.addi %mul3A_649, %add3A_667 : vector<16xi32>
      %gather3A_669 = tpu.vector_load_idx %arg13[%add3A_668] : memref<816xf32, #tpu.memory_space<vmem>>[vector<16xi32>], vector<16xf32>,
      %add3A_670 = arith.constant 5 : i32
      %add3A_671 = vector.broadcast %add3A_670 : i32 to vector<16xi32>
      %add3A_672 = arith.addi %mul3A_649, %add3A_671 : vector<16xi32>
      %gather3A_673 = tpu.vector_load_idx %arg13[%add3A_672] : memref<816xf32, #tpu.memory_space<vmem>>[vector<16xi32>], vector<16xf32>,
      %add3A_674 = arith.constant 6 : i32
      %add3A_675 = vector.broadcast %add3A_674 : i32 to vector<16xi32>
      %add3A_676 = arith.addi %mul3A_649, %add3A_675 : vector<16xi32>
      %gather3A_677 = tpu.vector_load_idx %arg13[%add3A_676] : memref<816xf32, #tpu.memory_space<vmem>>[vector<16xi32>], vector<16xf32>,
      %add3A_678 = arith.constant 7 : i32
      %add3A_679 = vector.broadcast %add3A_678 : i32 to vector<16xi32>
      %add3A_680 = arith.addi %mul3A_649, %add3A_679 : vector<16xi32>
      %gather3A_681 = tpu.vector_load_idx %arg13[%add3A_680] : memref<816xf32, #tpu.memory_space<vmem>>[vector<16xi32>], vector<16xf32>,
      %add3A_682 = arith.constant 8 : i32
      %add3A_683 = vector.broadcast %add3A_682 : i32 to vector<16xi32>
      %add3A_684 = arith.addi %mul3A_649, %add3A_683 : vector<16xi32>
      %gather3A_685 = tpu.vector_load_idx %arg13[%add3A_684] : memref<816xf32, #tpu.memory_space<vmem>>[vector<16xi32>], vector<16xf32>,
      %add3A_686 = arith.constant 9 : i32
      %add3A_687 = vector.broadcast %add3A_686 : i32 to vector<16xi32>
      %add3A_688 = arith.addi %mul3A_649, %add3A_687 : vector<16xi32>
      %gather3A_689 = tpu.vector_load_idx %arg13[%add3A_688] : memref<816xf32, #tpu.memory_space<vmem>>[vector<16xi32>], vector<16xf32>,
      %add3A_690 = arith.constant 10 : i32
      %add3A_691 = vector.broadcast %add3A_690 : i32 to vector<16xi32>
      %add3A_692 = arith.addi %mul3A_649, %add3A_691 : vector<16xi32>
      %gather3A_693 = tpu.vector_load_idx %arg13[%add3A_692] : memref<816xf32, #tpu.memory_space<vmem>>[vector<16xi32>], vector<16xf32>,
      %add3A_694 = arith.constant 11 : i32
      %add3A_695 = vector.broadcast %add3A_694 : i32 to vector<16xi32>
      %add3A_696 = arith.addi %mul3A_649, %add3A_695 : vector<16xi32>
      %gather3A_697 = tpu.vector_load_idx %arg13[%add3A_696] : memref<816xf32, #tpu.memory_space<vmem>>[vector<16xi32>], vector<16xf32>,
      %add3A_698 = arith.constant 12 : i32
      %add3A_699 = vector.broadcast %add3A_698 : i32 to vector<16xi32>
      %add3A_700 = arith.addi %mul3A_649, %add3A_699 : vector<16xi32>
      %gather3A_701 = tpu.vector_load_idx %arg13[%add3A_700] : memref<816xf32, #tpu.memory_space<vmem>>[vector<16xi32>], vector<16xf32>,
      %add3A_702 = arith.constant 13 : i32
      %add3A_703 = vector.broadcast %add3A_702 : i32 to vector<16xi32>
      %add3A_704 = arith.addi %mul3A_649, %add3A_703 : vector<16xi32>
      %gather3A_705 = tpu.vector_load_idx %arg13[%add3A_704] : memref<816xf32, #tpu.memory_space<vmem>>[vector<16xi32>], vector<16xf32>,
      %add3A_706 = arith.constant 14 : i32
      %add3A_707 = vector.broadcast %add3A_706 : i32 to vector<16xi32>
      %add3A_708 = arith.addi %mul3A_649, %add3A_707 : vector<16xi32>
      %gather3A_709 = tpu.vector_load_idx %arg13[%add3A_708] : memref<816xf32, #tpu.memory_space<vmem>>[vector<16xi32>], vector<16xf32>,
      %add3A_710 = arith.constant 15 : i32
      %add3A_711 = vector.broadcast %add3A_710 : i32 to vector<16xi32>
      %add3A_712 = arith.addi %mul3A_649, %add3A_711 : vector<16xi32>
      %gather3A_713 = tpu.vector_load_idx %arg13[%add3A_712] : memref<816xf32, #tpu.memory_space<vmem>>[vector<16xi32>], vector<16xf32>,
      %add3A_714 = arith.addf %gather3A_653, %gather3A_657 : vector<16xf32>
      %add3A_715 = arith.addf %gather3A_661, %gather3A_665 : vector<16xf32>
      %add3A_716 = arith.addf %gather3A_669, %gather3A_673 : vector<16xf32>
      %add3A_717 = arith.addf %gather3A_677, %gather3A_681 : vector<16xf32>
      %add3A_718 = arith.addf %gather3A_685, %gather3A_689 : vector<16xf32>
      %add3A_719 = arith.addf %gather3A_693, %gather3A_697 : vector<16xf32>
      %add3A_720 = arith.addf %gather3A_701, %gather3A_705 : vector<16xf32>
      %add3A_721 = arith.addf %gather3A_709, %gather3A_713 : vector<16xf32>
      %add3A_722 = arith.addf %add3A_714, %add3A_715 : vector<16xf32>
      %add3A_723 = arith.addf %add3A_716, %add3A_717 : vector<16xf32>
      %add3A_724 = arith.addf %add3A_718, %add3A_719 : vector<16xf32>
      %add3A_725 = arith.addf %add3A_720, %add3A_721 : vector<16xf32>
      %add3A_726 = arith.addf %add3A_722, %add3A_723 : vector<16xf32>
      %add3A_727 = arith.addf %add3A_724, %add3A_725 : vector<16xf32>
      %add3A_728 = arith.addf %add3A_726, %add3A_727 : vector<16xf32>
      %mul3A_729 = arith.constant 40 : i32
      %mul3A_730 = arith.muli %add3A_410, %mul3A_729 : i32
      %add3A_731 = arith.constant 32 : i32
      %add3A_732 = arith.addi %mul3A_730, %add3A_731 : i32
      %swap3A_733 = arith.index_cast %add3A_732 : i32 to index
      %swap3A_734 = tpu.vector_load %arg12[%swap3A_733] {strides = array<i32>} : memref<5032xf32, #tpu.memory_space<vmem>>, vector<16xf32>,
      tpu.vector_store %arg12[%swap3A_733], %add3A_728 {strides = array<i32>} : memref<5032xf32, #tpu.memory_space<vmem>>, vector<16xf32>,
      %add3A_735 = arith.constant 1 : i32
      %add3A_736 = arith.addi %mul3A_408, %add3A_735 : i32
      %dma_wait3A_737 = arith.constant 0 : i32
      %dma_wait3A_738 = tpu.memref_slice %arg3[%dma_wait3A_737] : memref<320000xi32, #tpu.memory_space<hbm>> -> memref<160xi32, #tpu.memory_space<hbm>>
      %dma_wait3A_739 = arith.constant 0 : i32
      %dma_wait3A_740 = tpu.memref_slice %arg3[%dma_wait3A_739] : memref<320000xi32, #tpu.memory_space<hbm>> -> memref<160xi32, #tpu.memory_space<hbm>>
      tpu.wait_dma2 semaphore(%arg17 : memref<!tpu.dma_semaphore, #tpu.memory_space<semaphore_mem>>) src(%dma_wait3A_740 : memref<160xi32, #tpu.memory_space<hbm>>) dst(%arg8 : memref<160xi32, #tpu.memory_space<vmem>>)
      %dma_start3A_741 = arith.constant 0 : i32
      %dma_start3A_742 = arith.constant 0 : i32
      %dma_start3A_743 = tpu.memref_slice %arg10[%dma_start3A_741, %dma_start3A_742] : memref<160x128xf32, #tpu.memory_space<vmem>> -> memref<40x128xf32, #tpu.memory_space<vmem>>
      %dma_start3A_744 = arith.constant 0 : i32
      %dma_start3A_745 = tpu.memref_slice %arg8[%dma_start3A_744] : memref<160xi32, #tpu.memory_space<vmem>> -> memref<40xi32, #tpu.memory_space<vmem>>
      %dma_start3A_746 = arith.constant 0 : i32
      %dma_start3A_747 = arith.constant 0 : i32
      %dma_start3A_748 = tpu.memref_slice %arg14[%dma_start3A_746, %dma_start3A_747] : memref<10000x128xf32, #tpu.memory_space<vmem_shared>> -> memref<10000x128xf32, #tpu.memory_space<vmem_shared>>
      tpu.enqueue_indirect_dma source(%dma_start3A_748 : memref<10000x128xf32, #tpu.memory_space<vmem_shared>>) target(%dma_start3A_743 : memref<40x128xf32, #tpu.memory_space<vmem>>) offsets(%dma_start3A_745 : memref<40xi32, #tpu.memory_space<vmem>>) semaphore(%arg19 : memref<!tpu.dma_semaphore, #tpu.memory_space<semaphore_mem>>)
      %dma_start3A_749 = arith.constant 40 : i32
      %dma_start3A_750 = arith.constant 0 : i32
      %dma_start3A_751 = tpu.memref_slice %arg10[%dma_start3A_749, %dma_start3A_750] : memref<160x128xf32, #tpu.memory_space<vmem>> -> memref<40x128xf32, #tpu.memory_space<vmem>>
      %dma_start3A_752 = arith.constant 40 : i32
      %dma_start3A_753 = tpu.memref_slice %arg8[%dma_start3A_752] : memref<160xi32, #tpu.memory_space<vmem>> -> memref<40xi32, #tpu.memory_space<vmem>>
      %dma_start3A_754 = arith.constant 0 : i32
      %dma_start3A_755 = arith.constant 0 : i32
      %dma_start3A_756 = tpu.memref_slice %arg14[%dma_start3A_754, %dma_start3A_755] : memref<10000x128xf32, #tpu.memory_space<vmem_shared>> -> memref<10000x128xf32, #tpu.memory_space<vmem_shared>>
      tpu.enqueue_indirect_dma source(%dma_start3A_756 : memref<10000x128xf32, #tpu.memory_space<vmem_shared>>) target(%dma_start3A_751 : memref<40x128xf32, #tpu.memory_space<vmem>>) offsets(%dma_start3A_753 : memref<40xi32, #tpu.memory_space<vmem>>) semaphore(%arg19 : memref<!tpu.dma_semaphore, #tpu.memory_space<semaphore_mem>>)
      %dma_start3A_757 = arith.constant 80 : i32
      %dma_start3A_758 = arith.constant 0 : i32
      %dma_start3A_759 = tpu.memref_slice %arg10[%dma_start3A_757, %dma_start3A_758] : memref<160x128xf32, #tpu.memory_space<vmem>> -> memref<40x128xf32, #tpu.memory_space<vmem>>
      %dma_start3A_760 = arith.constant 80 : i32
      %dma_start3A_761 = tpu.memref_slice %arg8[%dma_start3A_760] : memref<160xi32, #tpu.memory_space<vmem>> -> memref<40xi32, #tpu.memory_space<vmem>>
      %dma_start3A_762 = arith.constant 0 : i32
      %dma_start3A_763 = arith.constant 0 : i32
      %dma_start3A_764 = tpu.memref_slice %arg14[%dma_start3A_762, %dma_start3A_763] : memref<10000x128xf32, #tpu.memory_space<vmem_shared>> -> memref<10000x128xf32, #tpu.memory_space<vmem_shared>>
      tpu.enqueue_indirect_dma source(%dma_start3A_764 : memref<10000x128xf32, #tpu.memory_space<vmem_shared>>) target(%dma_start3A_759 : memref<40x128xf32, #tpu.memory_space<vmem>>) offsets(%dma_start3A_761 : memref<40xi32, #tpu.memory_space<vmem>>) semaphore(%arg19 : memref<!tpu.dma_semaphore, #tpu.memory_space<semaphore_mem>>)
      %dma_start3A_765 = arith.constant 120 : i32
      %dma_start3A_766 = arith.constant 0 : i32
      %dma_start3A_767 = tpu.memref_slice %arg10[%dma_start3A_765, %dma_start3A_766] : memref<160x128xf32, #tpu.memory_space<vmem>> -> memref<40x128xf32, #tpu.memory_space<vmem>>
      %dma_start3A_768 = arith.constant 120 : i32
      %dma_start3A_769 = tpu.memref_slice %arg8[%dma_start3A_768] : memref<160xi32, #tpu.memory_space<vmem>> -> memref<40xi32, #tpu.memory_space<vmem>>
      %dma_start3A_770 = arith.constant 0 : i32
      %dma_start3A_771 = arith.constant 0 : i32
      %dma_start3A_772 = tpu.memref_slice %arg14[%dma_start3A_770, %dma_start3A_771] : memref<10000x128xf32, #tpu.memory_space<vmem_shared>> -> memref<10000x128xf32, #tpu.memory_space<vmem_shared>>
      tpu.enqueue_indirect_dma source(%dma_start3A_772 : memref<10000x128xf32, #tpu.memory_space<vmem_shared>>) target(%dma_start3A_767 : memref<40x128xf32, #tpu.memory_space<vmem>>) offsets(%dma_start3A_769 : memref<40xi32, #tpu.memory_space<vmem>>) semaphore(%arg19 : memref<!tpu.dma_semaphore, #tpu.memory_space<semaphore_mem>>)
      %dma_wait3A_773 = arith.constant 0 : i32
      %dma_wait3A_774 = arith.constant 0 : i32
      %dma_wait3A_775 = tpu.memref_slice %arg2[%dma_wait3A_773, %dma_wait3A_774] : memref<10000x128xf32, #tpu.memory_space<hbm>> -> memref<160x128xf32, #tpu.memory_space<hbm>>
      %dma_wait3A_776 = arith.constant 0 : i32
      %dma_wait3A_777 = arith.constant 0 : i32
      %dma_wait3A_778 = tpu.memref_slice %arg2[%dma_wait3A_776, %dma_wait3A_777] : memref<10000x128xf32, #tpu.memory_space<hbm>> -> memref<160x128xf32, #tpu.memory_space<hbm>>
      tpu.wait_dma2 semaphore(%arg20 : memref<!tpu.dma_semaphore, #tpu.memory_space<semaphore_mem>>) src(%dma_wait3A_778 : memref<160x128xf32, #tpu.memory_space<hbm>>) dst(%arg11 : memref<160x128xf32, #tpu.memory_space<vmem>>)
      %add3A_779 = arith.constant 3 : i32
      %add3A_780 = arith.addi %add3A_736, %add3A_779 : i32
      %lt3A_781 = arith.constant 125 : i32
      %lt3A_782 = arith.cmpi slt, %add3A_780, %lt3A_781 : i32
      %convert_element_type3A_783 = arith.extui %lt3A_782 : i1 to i32
      %cond3A_784 = arith.constant 0 : i32
      %cond3A_785 = arith.cmpi ne, %convert_element_type3A_783, %cond3A_784 : i32
      scf.if %cond3A_785 {
        %add3A_1716 = arith.constant 3 : i32
        %add3A_1717 = arith.addi %add3A_736, %add3A_1716 : i32
        %mul3A_1718 = arith.constant 40 : i32
        %mul3A_1719 = arith.muli %add3A_1717, %mul3A_1718 : i32
        %add3A_1720 = arith.addi %mul3A_2, %mul3A_1719 : i32
        %add3A_1721 = arith.constant 160000 : i32
        %add3A_1722 = arith.addi %add3A_1720, %add3A_1721 : i32
        %add3A_1723 = arith.constant 160000 : i32
        %add3A_1724 = arith.addi %add3A_1720, %add3A_1723 : i32
        %dma_start3A_1725 = arith.constant 0 : i32
        %dma_start3A_1726 = tpu.memref_slice %arg6[%dma_start3A_1725] : memref<160xi32, #tpu.memory_space<vmem>> -> memref<40xi32, #tpu.memory_space<vmem>>
        %dma_start3A_1727 = tpu.memref_slice %arg3[%add3A_1720] : memref<320000xi32, #tpu.memory_space<hbm>> -> memref<40xi32, #tpu.memory_space<hbm>>
        %dma_start3A_1728 = arith.constant 0 : i32
        %dma_start3A_1729 = tpu.memref_slice %arg6[%dma_start3A_1728] : memref<160xi32, #tpu.memory_space<vmem>> -> memref<40xi32, #tpu.memory_space<vmem>>
        %dma_start3A_1730 = tpu.memref_slice %arg3[%add3A_1720] : memref<320000xi32, #tpu.memory_space<hbm>> -> memref<40xi32, #tpu.memory_space<hbm>>
        tpu.enqueue_dma source(%dma_start3A_1730 : memref<40xi32, #tpu.memory_space<hbm>>) target(%dma_start3A_1729 : memref<40xi32, #tpu.memory_space<vmem>>) target_semaphore(%arg15 : memref<!tpu.dma_semaphore, #tpu.memory_space<semaphore_mem>>)
        %dma_start3A_1731 = arith.constant 40 : i32
        %dma_start3A_1732 = tpu.memref_slice %arg6[%dma_start3A_1731] : memref<160xi32, #tpu.memory_space<vmem>> -> memref<40xi32, #tpu.memory_space<vmem>>
        %dma_start3A_1733 = tpu.memref_slice %arg4[%add3A_1720] : memref<320000xi32, #tpu.memory_space<hbm>> -> memref<40xi32, #tpu.memory_space<hbm>>
        %dma_start3A_1734 = arith.constant 40 : i32
        %dma_start3A_1735 = tpu.memref_slice %arg6[%dma_start3A_1734] : memref<160xi32, #tpu.memory_space<vmem>> -> memref<40xi32, #tpu.memory_space<vmem>>
        %dma_start3A_1736 = tpu.memref_slice %arg4[%add3A_1720] : memref<320000xi32, #tpu.memory_space<hbm>> -> memref<40xi32, #tpu.memory_space<hbm>>
        tpu.enqueue_dma source(%dma_start3A_1736 : memref<40xi32, #tpu.memory_space<hbm>>) target(%dma_start3A_1735 : memref<40xi32, #tpu.memory_space<vmem>>) target_semaphore(%arg15 : memref<!tpu.dma_semaphore, #tpu.memory_space<semaphore_mem>>)
        %dma_start3A_1737 = arith.constant 80 : i32
        %dma_start3A_1738 = tpu.memref_slice %arg6[%dma_start3A_1737] : memref<160xi32, #tpu.memory_space<vmem>> -> memref<40xi32, #tpu.memory_space<vmem>>
        %dma_start3A_1739 = tpu.memref_slice %arg3[%add3A_1722] : memref<320000xi32, #tpu.memory_space<hbm>> -> memref<40xi32, #tpu.memory_space<hbm>>
        %dma_start3A_1740 = arith.constant 80 : i32
        %dma_start3A_1741 = tpu.memref_slice %arg6[%dma_start3A_1740] : memref<160xi32, #tpu.memory_space<vmem>> -> memref<40xi32, #tpu.memory_space<vmem>>
        %dma_start3A_1742 = tpu.memref_slice %arg3[%add3A_1722] : memref<320000xi32, #tpu.memory_space<hbm>> -> memref<40xi32, #tpu.memory_space<hbm>>
        tpu.enqueue_dma source(%dma_start3A_1742 : memref<40xi32, #tpu.memory_space<hbm>>) target(%dma_start3A_1741 : memref<40xi32, #tpu.memory_space<vmem>>) target_semaphore(%arg15 : memref<!tpu.dma_semaphore, #tpu.memory_space<semaphore_mem>>)
        %dma_start3A_1743 = arith.constant 120 : i32
        %dma_start3A_1744 = tpu.memref_slice %arg6[%dma_start3A_1743] : memref<160xi32, #tpu.memory_space<vmem>> -> memref<40xi32, #tpu.memory_space<vmem>>
        %dma_start3A_1745 = tpu.memref_slice %arg4[%add3A_1724] : memref<320000xi32, #tpu.memory_space<hbm>> -> memref<40xi32, #tpu.memory_space<hbm>>
        %dma_start3A_1746 = arith.constant 120 : i32
        %dma_start3A_1747 = tpu.memref_slice %arg6[%dma_start3A_1746] : memref<160xi32, #tpu.memory_space<vmem>> -> memref<40xi32, #tpu.memory_space<vmem>>
        %dma_start3A_1748 = tpu.memref_slice %arg4[%add3A_1724] : memref<320000xi32, #tpu.memory_space<hbm>> -> memref<40xi32, #tpu.memory_space<hbm>>
        tpu.enqueue_dma source(%dma_start3A_1748 : memref<40xi32, #tpu.memory_space<hbm>>) target(%dma_start3A_1747 : memref<40xi32, #tpu.memory_space<vmem>>) target_semaphore(%arg15 : memref<!tpu.dma_semaphore, #tpu.memory_space<semaphore_mem>>)
      } else {
      }
      %parallel_loop3A_786 = arith.constant 0 : i32
      %parallel_loop3A_787 = arith.constant 40 : i32
      %parallel_loop3A_788 = arith.constant 1 : i32
      scf.for %parallel_loop3A_1716 = %parallel_loop3A_786 to %parallel_loop3A_787 step %parallel_loop3A_788  : i32 {
        %parallel_loop3A_1717 = arith.constant 17 : i32
        %parallel_loop3A_1718 = arith.muli %parallel_loop3A_1716, %parallel_loop3A_1717 : i32
        %parallel_loop3A_1719 = vector.broadcast %parallel_loop3A_1718 : i32 to vector<16xi32>
        %parallel_loop3A_1720 = arith.addi %parallel_loop3A_1719, %iota3A : vector<16xi32>
        %parallel_loop3A_1721 = arith.index_cast %parallel_loop3A_1716 : i32 to index
        %parallel_loop3A_1722 = arith.constant 0 : index
        %parallel_loop3A_1723 = tpu.vector_load %arg11[%parallel_loop3A_1721, %parallel_loop3A_1722] {strides = array<i32>} : memref<160x128xf32, #tpu.memory_space<vmem>>, vector<16xf32>,
        %parallel_loop3A_1724 = arith.constant 40 : i32
        %parallel_loop3A_1725 = arith.addi %parallel_loop3A_1724, %parallel_loop3A_1716 : i32
        %parallel_loop3A_1726 = arith.index_cast %parallel_loop3A_1725 : i32 to index
        %parallel_loop3A_1727 = arith.constant 0 : index
        %parallel_loop3A_1728 = tpu.vector_load %arg11[%parallel_loop3A_1726, %parallel_loop3A_1727] {strides = array<i32>} : memref<160x128xf32, #tpu.memory_space<vmem>>, vector<16xf32>,
        %parallel_loop3A_1729 = arith.mulf %parallel_loop3A_1723, %parallel_loop3A_1728 : vector<16xf32>
        %parallel_loop3A_1730 = arith.constant 80 : i32
        %parallel_loop3A_1731 = arith.addi %parallel_loop3A_1730, %parallel_loop3A_1716 : i32
        %parallel_loop3A_1732 = arith.index_cast %parallel_loop3A_1731 : i32 to index
        %parallel_loop3A_1733 = arith.constant 0 : index
        %parallel_loop3A_1734 = tpu.vector_load %arg11[%parallel_loop3A_1732, %parallel_loop3A_1733] {strides = array<i32>} : memref<160x128xf32, #tpu.memory_space<vmem>>, vector<16xf32>,
        %parallel_loop3A_1735 = arith.constant 120 : i32
        %parallel_loop3A_1736 = arith.addi %parallel_loop3A_1735, %parallel_loop3A_1716 : i32
        %parallel_loop3A_1737 = arith.index_cast %parallel_loop3A_1736 : i32 to index
        %parallel_loop3A_1738 = arith.constant 0 : index
        %parallel_loop3A_1739 = tpu.vector_load %arg11[%parallel_loop3A_1737, %parallel_loop3A_1738] {strides = array<i32>} : memref<160x128xf32, #tpu.memory_space<vmem>>, vector<16xf32>,
        %parallel_loop3A_1740 = arith.mulf %parallel_loop3A_1734, %parallel_loop3A_1739 : vector<16xf32>
        %parallel_loop3A_1741 = arith.index_cast %parallel_loop3A_1716 : i32 to index
        %parallel_loop3A_1742 = arith.constant 16 : index
        %parallel_loop3A_1743 = tpu.vector_load %arg11[%parallel_loop3A_1741, %parallel_loop3A_1742] {strides = array<i32>} : memref<160x128xf32, #tpu.memory_space<vmem>>, vector<16xf32>,
        %parallel_loop3A_1744 = arith.constant 40 : i32
        %parallel_loop3A_1745 = arith.addi %parallel_loop3A_1744, %parallel_loop3A_1716 : i32
        %parallel_loop3A_1746 = arith.index_cast %parallel_loop3A_1745 : i32 to index
        %parallel_loop3A_1747 = arith.constant 16 : index
        %parallel_loop3A_1748 = tpu.vector_load %arg11[%parallel_loop3A_1746, %parallel_loop3A_1747] {strides = array<i32>} : memref<160x128xf32, #tpu.memory_space<vmem>>, vector<16xf32>,
        %parallel_loop3A_1749 = arith.mulf %parallel_loop3A_1743, %parallel_loop3A_1748 : vector<16xf32>
        %parallel_loop3A_1750 = arith.constant 80 : i32
        %parallel_loop3A_1751 = arith.addi %parallel_loop3A_1750, %parallel_loop3A_1716 : i32
        %parallel_loop3A_1752 = arith.index_cast %parallel_loop3A_1751 : i32 to index
        %parallel_loop3A_1753 = arith.constant 16 : index
        %parallel_loop3A_1754 = tpu.vector_load %arg11[%parallel_loop3A_1752, %parallel_loop3A_1753] {strides = array<i32>} : memref<160x128xf32, #tpu.memory_space<vmem>>, vector<16xf32>,
        %parallel_loop3A_1755 = arith.constant 120 : i32
        %parallel_loop3A_1756 = arith.addi %parallel_loop3A_1755, %parallel_loop3A_1716 : i32
        %parallel_loop3A_1757 = arith.index_cast %parallel_loop3A_1756 : i32 to index
        %parallel_loop3A_1758 = arith.constant 16 : index
        %parallel_loop3A_1759 = tpu.vector_load %arg11[%parallel_loop3A_1757, %parallel_loop3A_1758] {strides = array<i32>} : memref<160x128xf32, #tpu.memory_space<vmem>>, vector<16xf32>,
        %parallel_loop3A_1760 = arith.mulf %parallel_loop3A_1754, %parallel_loop3A_1759 : vector<16xf32>
        %parallel_loop3A_1761 = arith.index_cast %parallel_loop3A_1716 : i32 to index
        %parallel_loop3A_1762 = arith.constant 32 : index
        %parallel_loop3A_1763 = tpu.vector_load %arg11[%parallel_loop3A_1761, %parallel_loop3A_1762] {strides = array<i32>} : memref<160x128xf32, #tpu.memory_space<vmem>>, vector<16xf32>,
        %parallel_loop3A_1764 = arith.constant 40 : i32
        %parallel_loop3A_1765 = arith.addi %parallel_loop3A_1764, %parallel_loop3A_1716 : i32
        %parallel_loop3A_1766 = arith.index_cast %parallel_loop3A_1765 : i32 to index
        %parallel_loop3A_1767 = arith.constant 32 : index
        %parallel_loop3A_1768 = tpu.vector_load %arg11[%parallel_loop3A_1766, %parallel_loop3A_1767] {strides = array<i32>} : memref<160x128xf32, #tpu.memory_space<vmem>>, vector<16xf32>,
        %parallel_loop3A_1769 = arith.mulf %parallel_loop3A_1763, %parallel_loop3A_1768 : vector<16xf32>
        %parallel_loop3A_1770 = arith.constant 80 : i32
        %parallel_loop3A_1771 = arith.addi %parallel_loop3A_1770, %parallel_loop3A_1716 : i32
        %parallel_loop3A_1772 = arith.index_cast %parallel_loop3A_1771 : i32 to index
        %parallel_loop3A_1773 = arith.constant 32 : index
        %parallel_loop3A_1774 = tpu.vector_load %arg11[%parallel_loop3A_1772, %parallel_loop3A_1773] {strides = array<i32>} : memref<160x128xf32, #tpu.memory_space<vmem>>, vector<16xf32>,
        %parallel_loop3A_1775 = arith.constant 120 : i32
        %parallel_loop3A_1776 = arith.addi %parallel_loop3A_1775, %parallel_loop3A_1716 : i32
        %parallel_loop3A_1777 = arith.index_cast %parallel_loop3A_1776 : i32 to index
        %parallel_loop3A_1778 = arith.constant 32 : index
        %parallel_loop3A_1779 = tpu.vector_load %arg11[%parallel_loop3A_1777, %parallel_loop3A_1778] {strides = array<i32>} : memref<160x128xf32, #tpu.memory_space<vmem>>, vector<16xf32>,
        %parallel_loop3A_1780 = arith.mulf %parallel_loop3A_1774, %parallel_loop3A_1779 : vector<16xf32>
        %parallel_loop3A_1781 = arith.index_cast %parallel_loop3A_1716 : i32 to index
        %parallel_loop3A_1782 = arith.constant 48 : index
        %parallel_loop3A_1783 = tpu.vector_load %arg11[%parallel_loop3A_1781, %parallel_loop3A_1782] {strides = array<i32>} : memref<160x128xf32, #tpu.memory_space<vmem>>, vector<16xf32>,
        %parallel_loop3A_1784 = arith.constant 40 : i32
        %parallel_loop3A_1785 = arith.addi %parallel_loop3A_1784, %parallel_loop3A_1716 : i32
        %parallel_loop3A_1786 = arith.index_cast %parallel_loop3A_1785 : i32 to index
        %parallel_loop3A_1787 = arith.constant 48 : index
        %parallel_loop3A_1788 = tpu.vector_load %arg11[%parallel_loop3A_1786, %parallel_loop3A_1787] {strides = array<i32>} : memref<160x128xf32, #tpu.memory_space<vmem>>, vector<16xf32>,
        %parallel_loop3A_1789 = arith.mulf %parallel_loop3A_1783, %parallel_loop3A_1788 : vector<16xf32>
        %parallel_loop3A_1790 = arith.constant 80 : i32
        %parallel_loop3A_1791 = arith.addi %parallel_loop3A_1790, %parallel_loop3A_1716 : i32
        %parallel_loop3A_1792 = arith.index_cast %parallel_loop3A_1791 : i32 to index
        %parallel_loop3A_1793 = arith.constant 48 : index
        %parallel_loop3A_1794 = tpu.vector_load %arg11[%parallel_loop3A_1792, %parallel_loop3A_1793] {strides = array<i32>} : memref<160x128xf32, #tpu.memory_space<vmem>>, vector<16xf32>,
        %parallel_loop3A_1795 = arith.constant 120 : i32
        %parallel_loop3A_1796 = arith.addi %parallel_loop3A_1795, %parallel_loop3A_1716 : i32
        %parallel_loop3A_1797 = arith.index_cast %parallel_loop3A_1796 : i32 to index
        %parallel_loop3A_1798 = arith.constant 48 : index
        %parallel_loop3A_1799 = tpu.vector_load %arg11[%parallel_loop3A_1797, %parallel_loop3A_1798] {strides = array<i32>} : memref<160x128xf32, #tpu.memory_space<vmem>>, vector<16xf32>,
        %parallel_loop3A_1800 = arith.mulf %parallel_loop3A_1794, %parallel_loop3A_1799 : vector<16xf32>
        %parallel_loop3A_1801 = arith.index_cast %parallel_loop3A_1716 : i32 to index
        %parallel_loop3A_1802 = arith.constant 64 : index
        %parallel_loop3A_1803 = tpu.vector_load %arg11[%parallel_loop3A_1801, %parallel_loop3A_1802] {strides = array<i32>} : memref<160x128xf32, #tpu.memory_space<vmem>>, vector<16xf32>,
        %parallel_loop3A_1804 = arith.constant 40 : i32
        %parallel_loop3A_1805 = arith.addi %parallel_loop3A_1804, %parallel_loop3A_1716 : i32
        %parallel_loop3A_1806 = arith.index_cast %parallel_loop3A_1805 : i32 to index
        %parallel_loop3A_1807 = arith.constant 64 : index
        %parallel_loop3A_1808 = tpu.vector_load %arg11[%parallel_loop3A_1806, %parallel_loop3A_1807] {strides = array<i32>} : memref<160x128xf32, #tpu.memory_space<vmem>>, vector<16xf32>,
        %parallel_loop3A_1809 = arith.mulf %parallel_loop3A_1803, %parallel_loop3A_1808 : vector<16xf32>
        %parallel_loop3A_1810 = arith.constant 80 : i32
        %parallel_loop3A_1811 = arith.addi %parallel_loop3A_1810, %parallel_loop3A_1716 : i32
        %parallel_loop3A_1812 = arith.index_cast %parallel_loop3A_1811 : i32 to index
        %parallel_loop3A_1813 = arith.constant 64 : index
        %parallel_loop3A_1814 = tpu.vector_load %arg11[%parallel_loop3A_1812, %parallel_loop3A_1813] {strides = array<i32>} : memref<160x128xf32, #tpu.memory_space<vmem>>, vector<16xf32>,
        %parallel_loop3A_1815 = arith.constant 120 : i32
        %parallel_loop3A_1816 = arith.addi %parallel_loop3A_1815, %parallel_loop3A_1716 : i32
        %parallel_loop3A_1817 = arith.index_cast %parallel_loop3A_1816 : i32 to index
        %parallel_loop3A_1818 = arith.constant 64 : index
        %parallel_loop3A_1819 = tpu.vector_load %arg11[%parallel_loop3A_1817, %parallel_loop3A_1818] {strides = array<i32>} : memref<160x128xf32, #tpu.memory_space<vmem>>, vector<16xf32>,
        %parallel_loop3A_1820 = arith.mulf %parallel_loop3A_1814, %parallel_loop3A_1819 : vector<16xf32>
        %parallel_loop3A_1821 = arith.index_cast %parallel_loop3A_1716 : i32 to index
        %parallel_loop3A_1822 = arith.constant 80 : index
        %parallel_loop3A_1823 = tpu.vector_load %arg11[%parallel_loop3A_1821, %parallel_loop3A_1822] {strides = array<i32>} : memref<160x128xf32, #tpu.memory_space<vmem>>, vector<16xf32>,
        %parallel_loop3A_1824 = arith.constant 40 : i32
        %parallel_loop3A_1825 = arith.addi %parallel_loop3A_1824, %parallel_loop3A_1716 : i32
        %parallel_loop3A_1826 = arith.index_cast %parallel_loop3A_1825 : i32 to index
        %parallel_loop3A_1827 = arith.constant 80 : index
        %parallel_loop3A_1828 = tpu.vector_load %arg11[%parallel_loop3A_1826, %parallel_loop3A_1827] {strides = array<i32>} : memref<160x128xf32, #tpu.memory_space<vmem>>, vector<16xf32>,
        %parallel_loop3A_1829 = arith.mulf %parallel_loop3A_1823, %parallel_loop3A_1828 : vector<16xf32>
        %parallel_loop3A_1830 = arith.constant 80 : i32
        %parallel_loop3A_1831 = arith.addi %parallel_loop3A_1830, %parallel_loop3A_1716 : i32
        %parallel_loop3A_1832 = arith.index_cast %parallel_loop3A_1831 : i32 to index
        %parallel_loop3A_1833 = arith.constant 80 : index
        %parallel_loop3A_1834 = tpu.vector_load %arg11[%parallel_loop3A_1832, %parallel_loop3A_1833] {strides = array<i32>} : memref<160x128xf32, #tpu.memory_space<vmem>>, vector<16xf32>,
        %parallel_loop3A_1835 = arith.constant 120 : i32
        %parallel_loop3A_1836 = arith.addi %parallel_loop3A_1835, %parallel_loop3A_1716 : i32
        %parallel_loop3A_1837 = arith.index_cast %parallel_loop3A_1836 : i32 to index
        %parallel_loop3A_1838 = arith.constant 80 : index
        %parallel_loop3A_1839 = tpu.vector_load %arg11[%parallel_loop3A_1837, %parallel_loop3A_1838] {strides = array<i32>} : memref<160x128xf32, #tpu.memory_space<vmem>>, vector<16xf32>,
        %parallel_loop3A_1840 = arith.mulf %parallel_loop3A_1834, %parallel_loop3A_1839 : vector<16xf32>
        %parallel_loop3A_1841 = arith.index_cast %parallel_loop3A_1716 : i32 to index
        %parallel_loop3A_1842 = arith.constant 96 : index
        %parallel_loop3A_1843 = tpu.vector_load %arg11[%parallel_loop3A_1841, %parallel_loop3A_1842] {strides = array<i32>} : memref<160x128xf32, #tpu.memory_space<vmem>>, vector<16xf32>,
        %parallel_loop3A_1844 = arith.constant 40 : i32
        %parallel_loop3A_1845 = arith.addi %parallel_loop3A_1844, %parallel_loop3A_1716 : i32
        %parallel_loop3A_1846 = arith.index_cast %parallel_loop3A_1845 : i32 to index
        %parallel_loop3A_1847 = arith.constant 96 : index
        %parallel_loop3A_1848 = tpu.vector_load %arg11[%parallel_loop3A_1846, %parallel_loop3A_1847] {strides = array<i32>} : memref<160x128xf32, #tpu.memory_space<vmem>>, vector<16xf32>,
        %parallel_loop3A_1849 = arith.mulf %parallel_loop3A_1843, %parallel_loop3A_1848 : vector<16xf32>
        %parallel_loop3A_1850 = arith.constant 80 : i32
        %parallel_loop3A_1851 = arith.addi %parallel_loop3A_1850, %parallel_loop3A_1716 : i32
        %parallel_loop3A_1852 = arith.index_cast %parallel_loop3A_1851 : i32 to index
        %parallel_loop3A_1853 = arith.constant 96 : index
        %parallel_loop3A_1854 = tpu.vector_load %arg11[%parallel_loop3A_1852, %parallel_loop3A_1853] {strides = array<i32>} : memref<160x128xf32, #tpu.memory_space<vmem>>, vector<16xf32>,
        %parallel_loop3A_1855 = arith.constant 120 : i32
        %parallel_loop3A_1856 = arith.addi %parallel_loop3A_1855, %parallel_loop3A_1716 : i32
        %parallel_loop3A_1857 = arith.index_cast %parallel_loop3A_1856 : i32 to index
        %parallel_loop3A_1858 = arith.constant 96 : index
        %parallel_loop3A_1859 = tpu.vector_load %arg11[%parallel_loop3A_1857, %parallel_loop3A_1858] {strides = array<i32>} : memref<160x128xf32, #tpu.memory_space<vmem>>, vector<16xf32>,
        %parallel_loop3A_1860 = arith.mulf %parallel_loop3A_1854, %parallel_loop3A_1859 : vector<16xf32>
        %parallel_loop3A_1861 = arith.index_cast %parallel_loop3A_1716 : i32 to index
        %parallel_loop3A_1862 = arith.constant 112 : index
        %parallel_loop3A_1863 = tpu.vector_load %arg11[%parallel_loop3A_1861, %parallel_loop3A_1862] {strides = array<i32>} : memref<160x128xf32, #tpu.memory_space<vmem>>, vector<16xf32>,
        %parallel_loop3A_1864 = arith.constant 40 : i32
        %parallel_loop3A_1865 = arith.addi %parallel_loop3A_1864, %parallel_loop3A_1716 : i32
        %parallel_loop3A_1866 = arith.index_cast %parallel_loop3A_1865 : i32 to index
        %parallel_loop3A_1867 = arith.constant 112 : index
        %parallel_loop3A_1868 = tpu.vector_load %arg11[%parallel_loop3A_1866, %parallel_loop3A_1867] {strides = array<i32>} : memref<160x128xf32, #tpu.memory_space<vmem>>, vector<16xf32>,
        %parallel_loop3A_1869 = arith.mulf %parallel_loop3A_1863, %parallel_loop3A_1868 : vector<16xf32>
        %parallel_loop3A_1870 = arith.constant 80 : i32
        %parallel_loop3A_1871 = arith.addi %parallel_loop3A_1870, %parallel_loop3A_1716 : i32
        %parallel_loop3A_1872 = arith.index_cast %parallel_loop3A_1871 : i32 to index
        %parallel_loop3A_1873 = arith.constant 112 : index
        %parallel_loop3A_1874 = tpu.vector_load %arg11[%parallel_loop3A_1872, %parallel_loop3A_1873] {strides = array<i32>} : memref<160x128xf32, #tpu.memory_space<vmem>>, vector<16xf32>,
        %parallel_loop3A_1875 = arith.constant 120 : i32
        %parallel_loop3A_1876 = arith.addi %parallel_loop3A_1875, %parallel_loop3A_1716 : i32
        %parallel_loop3A_1877 = arith.index_cast %parallel_loop3A_1876 : i32 to index
        %parallel_loop3A_1878 = arith.constant 112 : index
        %parallel_loop3A_1879 = tpu.vector_load %arg11[%parallel_loop3A_1877, %parallel_loop3A_1878] {strides = array<i32>} : memref<160x128xf32, #tpu.memory_space<vmem>>, vector<16xf32>,
        %parallel_loop3A_1880 = arith.mulf %parallel_loop3A_1874, %parallel_loop3A_1879 : vector<16xf32>
        %parallel_loop3A_1881 = arith.addf %parallel_loop3A_1729, %parallel_loop3A_1740 : vector<16xf32>
        %parallel_loop3A_1882 = arith.addf %parallel_loop3A_1749, %parallel_loop3A_1760 : vector<16xf32>
        %parallel_loop3A_1883 = arith.addf %parallel_loop3A_1769, %parallel_loop3A_1780 : vector<16xf32>
        %parallel_loop3A_1884 = arith.addf %parallel_loop3A_1789, %parallel_loop3A_1800 : vector<16xf32>
        %parallel_loop3A_1885 = arith.addf %parallel_loop3A_1809, %parallel_loop3A_1820 : vector<16xf32>
        %parallel_loop3A_1886 = arith.addf %parallel_loop3A_1829, %parallel_loop3A_1840 : vector<16xf32>
        %parallel_loop3A_1887 = arith.addf %parallel_loop3A_1849, %parallel_loop3A_1860 : vector<16xf32>
        %parallel_loop3A_1888 = arith.addf %parallel_loop3A_1869, %parallel_loop3A_1880 : vector<16xf32>
        %parallel_loop3A_1889 = arith.addf %parallel_loop3A_1881, %parallel_loop3A_1882 : vector<16xf32>
        %parallel_loop3A_1890 = arith.addf %parallel_loop3A_1883, %parallel_loop3A_1884 : vector<16xf32>
        %parallel_loop3A_1891 = arith.addf %parallel_loop3A_1885, %parallel_loop3A_1886 : vector<16xf32>
        %parallel_loop3A_1892 = arith.addf %parallel_loop3A_1887, %parallel_loop3A_1888 : vector<16xf32>
        %parallel_loop3A_1893 = arith.addf %parallel_loop3A_1889, %parallel_loop3A_1890 : vector<16xf32>
        %parallel_loop3A_1894 = arith.addf %parallel_loop3A_1891, %parallel_loop3A_1892 : vector<16xf32>
        %parallel_loop3A_1895 = arith.addf %parallel_loop3A_1893, %parallel_loop3A_1894 : vector<16xf32>
        tpu.vector_store_idx %arg13[%parallel_loop3A_1720], %parallel_loop3A_1895 : memref<816xf32, #tpu.memory_space<vmem>>[vector<16xi32>], vector<16xf32>,
      } {sc.loop_unroll_factor = 1 : i64, sc.parallel_access}
      %add3A_789 = arith.constant 0 : i32
      %add3A_790 = vector.broadcast %add3A_789 : i32 to vector<16xi32>
      %add3A_791 = arith.addi %add3A_790, %iota3A : vector<16xi32>
      %mul3A_792 = arith.constant 17 : i32
      %mul3A_793 = vector.broadcast %mul3A_792 : i32 to vector<16xi32>
      %mul3A_794 = arith.muli %add3A_791, %mul3A_793 : vector<16xi32>
      %add3A_795 = arith.constant 0 : i32
      %add3A_796 = vector.broadcast %add3A_795 : i32 to vector<16xi32>
      %add3A_797 = arith.addi %mul3A_794, %add3A_796 : vector<16xi32>
      %gather3A_798 = tpu.vector_load_idx %arg13[%add3A_797] : memref<816xf32, #tpu.memory_space<vmem>>[vector<16xi32>], vector<16xf32>,
      %add3A_799 = arith.constant 1 : i32
      %add3A_800 = vector.broadcast %add3A_799 : i32 to vector<16xi32>
      %add3A_801 = arith.addi %mul3A_794, %add3A_800 : vector<16xi32>
      %gather3A_802 = tpu.vector_load_idx %arg13[%add3A_801] : memref<816xf32, #tpu.memory_space<vmem>>[vector<16xi32>], vector<16xf32>,
      %add3A_803 = arith.constant 2 : i32
      %add3A_804 = vector.broadcast %add3A_803 : i32 to vector<16xi32>
      %add3A_805 = arith.addi %mul3A_794, %add3A_804 : vector<16xi32>
      %gather3A_806 = tpu.vector_load_idx %arg13[%add3A_805] : memref<816xf32, #tpu.memory_space<vmem>>[vector<16xi32>], vector<16xf32>,
      %add3A_807 = arith.constant 3 : i32
      %add3A_808 = vector.broadcast %add3A_807 : i32 to vector<16xi32>
      %add3A_809 = arith.addi %mul3A_794, %add3A_808 : vector<16xi32>
      %gather3A_810 = tpu.vector_load_idx %arg13[%add3A_809] : memref<816xf32, #tpu.memory_space<vmem>>[vector<16xi32>], vector<16xf32>,
      %add3A_811 = arith.constant 4 : i32
      %add3A_812 = vector.broadcast %add3A_811 : i32 to vector<16xi32>
      %add3A_813 = arith.addi %mul3A_794, %add3A_812 : vector<16xi32>
      %gather3A_814 = tpu.vector_load_idx %arg13[%add3A_813] : memref<816xf32, #tpu.memory_space<vmem>>[vector<16xi32>], vector<16xf32>,
      %add3A_815 = arith.constant 5 : i32
      %add3A_816 = vector.broadcast %add3A_815 : i32 to vector<16xi32>
      %add3A_817 = arith.addi %mul3A_794, %add3A_816 : vector<16xi32>
      %gather3A_818 = tpu.vector_load_idx %arg13[%add3A_817] : memref<816xf32, #tpu.memory_space<vmem>>[vector<16xi32>], vector<16xf32>,
      %add3A_819 = arith.constant 6 : i32
      %add3A_820 = vector.broadcast %add3A_819 : i32 to vector<16xi32>
      %add3A_821 = arith.addi %mul3A_794, %add3A_820 : vector<16xi32>
      %gather3A_822 = tpu.vector_load_idx %arg13[%add3A_821] : memref<816xf32, #tpu.memory_space<vmem>>[vector<16xi32>], vector<16xf32>,
      %add3A_823 = arith.constant 7 : i32
      %add3A_824 = vector.broadcast %add3A_823 : i32 to vector<16xi32>
      %add3A_825 = arith.addi %mul3A_794, %add3A_824 : vector<16xi32>
      %gather3A_826 = tpu.vector_load_idx %arg13[%add3A_825] : memref<816xf32, #tpu.memory_space<vmem>>[vector<16xi32>], vector<16xf32>,
      %add3A_827 = arith.constant 8 : i32
      %add3A_828 = vector.broadcast %add3A_827 : i32 to vector<16xi32>
      %add3A_829 = arith.addi %mul3A_794, %add3A_828 : vector<16xi32>
      %gather3A_830 = tpu.vector_load_idx %arg13[%add3A_829] : memref<816xf32, #tpu.memory_space<vmem>>[vector<16xi32>], vector<16xf32>,
      %add3A_831 = arith.constant 9 : i32
      %add3A_832 = vector.broadcast %add3A_831 : i32 to vector<16xi32>
      %add3A_833 = arith.addi %mul3A_794, %add3A_832 : vector<16xi32>
      %gather3A_834 = tpu.vector_load_idx %arg13[%add3A_833] : memref<816xf32, #tpu.memory_space<vmem>>[vector<16xi32>], vector<16xf32>,
      %add3A_835 = arith.constant 10 : i32
      %add3A_836 = vector.broadcast %add3A_835 : i32 to vector<16xi32>
      %add3A_837 = arith.addi %mul3A_794, %add3A_836 : vector<16xi32>
      %gather3A_838 = tpu.vector_load_idx %arg13[%add3A_837] : memref<816xf32, #tpu.memory_space<vmem>>[vector<16xi32>], vector<16xf32>,
      %add3A_839 = arith.constant 11 : i32
      %add3A_840 = vector.broadcast %add3A_839 : i32 to vector<16xi32>
      %add3A_841 = arith.addi %mul3A_794, %add3A_840 : vector<16xi32>
      %gather3A_842 = tpu.vector_load_idx %arg13[%add3A_841] : memref<816xf32, #tpu.memory_space<vmem>>[vector<16xi32>], vector<16xf32>,
      %add3A_843 = arith.constant 12 : i32
      %add3A_844 = vector.broadcast %add3A_843 : i32 to vector<16xi32>
      %add3A_845 = arith.addi %mul3A_794, %add3A_844 : vector<16xi32>
      %gather3A_846 = tpu.vector_load_idx %arg13[%add3A_845] : memref<816xf32, #tpu.memory_space<vmem>>[vector<16xi32>], vector<16xf32>,
      %add3A_847 = arith.constant 13 : i32
      %add3A_848 = vector.broadcast %add3A_847 : i32 to vector<16xi32>
      %add3A_849 = arith.addi %mul3A_794, %add3A_848 : vector<16xi32>
      %gather3A_850 = tpu.vector_load_idx %arg13[%add3A_849] : memref<816xf32, #tpu.memory_space<vmem>>[vector<16xi32>], vector<16xf32>,
      %add3A_851 = arith.constant 14 : i32
      %add3A_852 = vector.broadcast %add3A_851 : i32 to vector<16xi32>
      %add3A_853 = arith.addi %mul3A_794, %add3A_852 : vector<16xi32>
      %gather3A_854 = tpu.vector_load_idx %arg13[%add3A_853] : memref<816xf32, #tpu.memory_space<vmem>>[vector<16xi32>], vector<16xf32>,
      %add3A_855 = arith.constant 15 : i32
      %add3A_856 = vector.broadcast %add3A_855 : i32 to vector<16xi32>
      %add3A_857 = arith.addi %mul3A_794, %add3A_856 : vector<16xi32>
      %gather3A_858 = tpu.vector_load_idx %arg13[%add3A_857] : memref<816xf32, #tpu.memory_space<vmem>>[vector<16xi32>], vector<16xf32>,
      %add3A_859 = arith.addf %gather3A_798, %gather3A_802 : vector<16xf32>
      %add3A_860 = arith.addf %gather3A_806, %gather3A_810 : vector<16xf32>
      %add3A_861 = arith.addf %gather3A_814, %gather3A_818 : vector<16xf32>
      %add3A_862 = arith.addf %gather3A_822, %gather3A_826 : vector<16xf32>
      %add3A_863 = arith.addf %gather3A_830, %gather3A_834 : vector<16xf32>
      %add3A_864 = arith.addf %gather3A_838, %gather3A_842 : vector<16xf32>
      %add3A_865 = arith.addf %gather3A_846, %gather3A_850 : vector<16xf32>
      %add3A_866 = arith.addf %gather3A_854, %gather3A_858 : vector<16xf32>
      %add3A_867 = arith.addf %add3A_859, %add3A_860 : vector<16xf32>
      %add3A_868 = arith.addf %add3A_861, %add3A_862 : vector<16xf32>
      %add3A_869 = arith.addf %add3A_863, %add3A_864 : vector<16xf32>
      %add3A_870 = arith.addf %add3A_865, %add3A_866 : vector<16xf32>
      %add3A_871 = arith.addf %add3A_867, %add3A_868 : vector<16xf32>
      %add3A_872 = arith.addf %add3A_869, %add3A_870 : vector<16xf32>
      %add3A_873 = arith.addf %add3A_871, %add3A_872 : vector<16xf32>
      %mul3A_874 = arith.constant 40 : i32
      %mul3A_875 = arith.muli %add3A_736, %mul3A_874 : i32
      %add3A_876 = arith.constant 0 : i32
      %add3A_877 = arith.addi %mul3A_875, %add3A_876 : i32
      %swap3A_878 = arith.index_cast %add3A_877 : i32 to index
      %swap3A_879 = tpu.vector_load %arg12[%swap3A_878] {strides = array<i32>} : memref<5032xf32, #tpu.memory_space<vmem>>, vector<16xf32>,
      tpu.vector_store %arg12[%swap3A_878], %add3A_873 {strides = array<i32>} : memref<5032xf32, #tpu.memory_space<vmem>>, vector<16xf32>,
      %add3A_880 = arith.constant 16 : i32
      %add3A_881 = vector.broadcast %add3A_880 : i32 to vector<16xi32>
      %add3A_882 = arith.addi %add3A_881, %iota3A : vector<16xi32>
      %mul3A_883 = arith.constant 17 : i32
      %mul3A_884 = vector.broadcast %mul3A_883 : i32 to vector<16xi32>
      %mul3A_885 = arith.muli %add3A_882, %mul3A_884 : vector<16xi32>
      %add3A_886 = arith.constant 0 : i32
      %add3A_887 = vector.broadcast %add3A_886 : i32 to vector<16xi32>
      %add3A_888 = arith.addi %mul3A_885, %add3A_887 : vector<16xi32>
      %gather3A_889 = tpu.vector_load_idx %arg13[%add3A_888] : memref<816xf32, #tpu.memory_space<vmem>>[vector<16xi32>], vector<16xf32>,
      %add3A_890 = arith.constant 1 : i32
      %add3A_891 = vector.broadcast %add3A_890 : i32 to vector<16xi32>
      %add3A_892 = arith.addi %mul3A_885, %add3A_891 : vector<16xi32>
      %gather3A_893 = tpu.vector_load_idx %arg13[%add3A_892] : memref<816xf32, #tpu.memory_space<vmem>>[vector<16xi32>], vector<16xf32>,
      %add3A_894 = arith.constant 2 : i32
      %add3A_895 = vector.broadcast %add3A_894 : i32 to vector<16xi32>
      %add3A_896 = arith.addi %mul3A_885, %add3A_895 : vector<16xi32>
      %gather3A_897 = tpu.vector_load_idx %arg13[%add3A_896] : memref<816xf32, #tpu.memory_space<vmem>>[vector<16xi32>], vector<16xf32>,
      %add3A_898 = arith.constant 3 : i32
      %add3A_899 = vector.broadcast %add3A_898 : i32 to vector<16xi32>
      %add3A_900 = arith.addi %mul3A_885, %add3A_899 : vector<16xi32>
      %gather3A_901 = tpu.vector_load_idx %arg13[%add3A_900] : memref<816xf32, #tpu.memory_space<vmem>>[vector<16xi32>], vector<16xf32>,
      %add3A_902 = arith.constant 4 : i32
      %add3A_903 = vector.broadcast %add3A_902 : i32 to vector<16xi32>
      %add3A_904 = arith.addi %mul3A_885, %add3A_903 : vector<16xi32>
      %gather3A_905 = tpu.vector_load_idx %arg13[%add3A_904] : memref<816xf32, #tpu.memory_space<vmem>>[vector<16xi32>], vector<16xf32>,
      %add3A_906 = arith.constant 5 : i32
      %add3A_907 = vector.broadcast %add3A_906 : i32 to vector<16xi32>
      %add3A_908 = arith.addi %mul3A_885, %add3A_907 : vector<16xi32>
      %gather3A_909 = tpu.vector_load_idx %arg13[%add3A_908] : memref<816xf32, #tpu.memory_space<vmem>>[vector<16xi32>], vector<16xf32>,
      %add3A_910 = arith.constant 6 : i32
      %add3A_911 = vector.broadcast %add3A_910 : i32 to vector<16xi32>
      %add3A_912 = arith.addi %mul3A_885, %add3A_911 : vector<16xi32>
      %gather3A_913 = tpu.vector_load_idx %arg13[%add3A_912] : memref<816xf32, #tpu.memory_space<vmem>>[vector<16xi32>], vector<16xf32>,
      %add3A_914 = arith.constant 7 : i32
      %add3A_915 = vector.broadcast %add3A_914 : i32 to vector<16xi32>
      %add3A_916 = arith.addi %mul3A_885, %add3A_915 : vector<16xi32>
      %gather3A_917 = tpu.vector_load_idx %arg13[%add3A_916] : memref<816xf32, #tpu.memory_space<vmem>>[vector<16xi32>], vector<16xf32>,
      %add3A_918 = arith.constant 8 : i32
      %add3A_919 = vector.broadcast %add3A_918 : i32 to vector<16xi32>
      %add3A_920 = arith.addi %mul3A_885, %add3A_919 : vector<16xi32>
      %gather3A_921 = tpu.vector_load_idx %arg13[%add3A_920] : memref<816xf32, #tpu.memory_space<vmem>>[vector<16xi32>], vector<16xf32>,
      %add3A_922 = arith.constant 9 : i32
      %add3A_923 = vector.broadcast %add3A_922 : i32 to vector<16xi32>
      %add3A_924 = arith.addi %mul3A_885, %add3A_923 : vector<16xi32>
      %gather3A_925 = tpu.vector_load_idx %arg13[%add3A_924] : memref<816xf32, #tpu.memory_space<vmem>>[vector<16xi32>], vector<16xf32>,
      %add3A_926 = arith.constant 10 : i32
      %add3A_927 = vector.broadcast %add3A_926 : i32 to vector<16xi32>
      %add3A_928 = arith.addi %mul3A_885, %add3A_927 : vector<16xi32>
      %gather3A_929 = tpu.vector_load_idx %arg13[%add3A_928] : memref<816xf32, #tpu.memory_space<vmem>>[vector<16xi32>], vector<16xf32>,
      %add3A_930 = arith.constant 11 : i32
      %add3A_931 = vector.broadcast %add3A_930 : i32 to vector<16xi32>
      %add3A_932 = arith.addi %mul3A_885, %add3A_931 : vector<16xi32>
      %gather3A_933 = tpu.vector_load_idx %arg13[%add3A_932] : memref<816xf32, #tpu.memory_space<vmem>>[vector<16xi32>], vector<16xf32>,
      %add3A_934 = arith.constant 12 : i32
      %add3A_935 = vector.broadcast %add3A_934 : i32 to vector<16xi32>
      %add3A_936 = arith.addi %mul3A_885, %add3A_935 : vector<16xi32>
      %gather3A_937 = tpu.vector_load_idx %arg13[%add3A_936] : memref<816xf32, #tpu.memory_space<vmem>>[vector<16xi32>], vector<16xf32>,
      %add3A_938 = arith.constant 13 : i32
      %add3A_939 = vector.broadcast %add3A_938 : i32 to vector<16xi32>
      %add3A_940 = arith.addi %mul3A_885, %add3A_939 : vector<16xi32>
      %gather3A_941 = tpu.vector_load_idx %arg13[%add3A_940] : memref<816xf32, #tpu.memory_space<vmem>>[vector<16xi32>], vector<16xf32>,
      %add3A_942 = arith.constant 14 : i32
      %add3A_943 = vector.broadcast %add3A_942 : i32 to vector<16xi32>
      %add3A_944 = arith.addi %mul3A_885, %add3A_943 : vector<16xi32>
      %gather3A_945 = tpu.vector_load_idx %arg13[%add3A_944] : memref<816xf32, #tpu.memory_space<vmem>>[vector<16xi32>], vector<16xf32>,
      %add3A_946 = arith.constant 15 : i32
      %add3A_947 = vector.broadcast %add3A_946 : i32 to vector<16xi32>
      %add3A_948 = arith.addi %mul3A_885, %add3A_947 : vector<16xi32>
      %gather3A_949 = tpu.vector_load_idx %arg13[%add3A_948] : memref<816xf32, #tpu.memory_space<vmem>>[vector<16xi32>], vector<16xf32>,
      %add3A_950 = arith.addf %gather3A_889, %gather3A_893 : vector<16xf32>
      %add3A_951 = arith.addf %gather3A_897, %gather3A_901 : vector<16xf32>
      %add3A_952 = arith.addf %gather3A_905, %gather3A_909 : vector<16xf32>
      %add3A_953 = arith.addf %gather3A_913, %gather3A_917 : vector<16xf32>
      %add3A_954 = arith.addf %gather3A_921, %gather3A_925 : vector<16xf32>
      %add3A_955 = arith.addf %gather3A_929, %gather3A_933 : vector<16xf32>
      %add3A_956 = arith.addf %gather3A_937, %gather3A_941 : vector<16xf32>
      %add3A_957 = arith.addf %gather3A_945, %gather3A_949 : vector<16xf32>
      %add3A_958 = arith.addf %add3A_950, %add3A_951 : vector<16xf32>
      %add3A_959 = arith.addf %add3A_952, %add3A_953 : vector<16xf32>
      %add3A_960 = arith.addf %add3A_954, %add3A_955 : vector<16xf32>
      %add3A_961 = arith.addf %add3A_956, %add3A_957 : vector<16xf32>
      %add3A_962 = arith.addf %add3A_958, %add3A_959 : vector<16xf32>
      %add3A_963 = arith.addf %add3A_960, %add3A_961 : vector<16xf32>
      %add3A_964 = arith.addf %add3A_962, %add3A_963 : vector<16xf32>
      %mul3A_965 = arith.constant 40 : i32
      %mul3A_966 = arith.muli %add3A_736, %mul3A_965 : i32
      %add3A_967 = arith.constant 16 : i32
      %add3A_968 = arith.addi %mul3A_966, %add3A_967 : i32
      %swap3A_969 = arith.index_cast %add3A_968 : i32 to index
      %swap3A_970 = tpu.vector_load %arg12[%swap3A_969] {strides = array<i32>} : memref<5032xf32, #tpu.memory_space<vmem>>, vector<16xf32>,
      tpu.vector_store %arg12[%swap3A_969], %add3A_964 {strides = array<i32>} : memref<5032xf32, #tpu.memory_space<vmem>>, vector<16xf32>,
      %add3A_971 = arith.constant 32 : i32
      %add3A_972 = vector.broadcast %add3A_971 : i32 to vector<16xi32>
      %add3A_973 = arith.addi %add3A_972, %iota3A : vector<16xi32>
      %mul3A_974 = arith.constant 17 : i32
      %mul3A_975 = vector.broadcast %mul3A_974 : i32 to vector<16xi32>
      %mul3A_976 = arith.muli %add3A_973, %mul3A_975 : vector<16xi32>
      %add3A_977 = arith.constant 0 : i32
      %add3A_978 = vector.broadcast %add3A_977 : i32 to vector<16xi32>
      %add3A_979 = arith.addi %mul3A_976, %add3A_978 : vector<16xi32>
      %gather3A_980 = tpu.vector_load_idx %arg13[%add3A_979] : memref<816xf32, #tpu.memory_space<vmem>>[vector<16xi32>], vector<16xf32>,
      %add3A_981 = arith.constant 1 : i32
      %add3A_982 = vector.broadcast %add3A_981 : i32 to vector<16xi32>
      %add3A_983 = arith.addi %mul3A_976, %add3A_982 : vector<16xi32>
      %gather3A_984 = tpu.vector_load_idx %arg13[%add3A_983] : memref<816xf32, #tpu.memory_space<vmem>>[vector<16xi32>], vector<16xf32>,
      %add3A_985 = arith.constant 2 : i32
      %add3A_986 = vector.broadcast %add3A_985 : i32 to vector<16xi32>
      %add3A_987 = arith.addi %mul3A_976, %add3A_986 : vector<16xi32>
      %gather3A_988 = tpu.vector_load_idx %arg13[%add3A_987] : memref<816xf32, #tpu.memory_space<vmem>>[vector<16xi32>], vector<16xf32>,
      %add3A_989 = arith.constant 3 : i32
      %add3A_990 = vector.broadcast %add3A_989 : i32 to vector<16xi32>
      %add3A_991 = arith.addi %mul3A_976, %add3A_990 : vector<16xi32>
      %gather3A_992 = tpu.vector_load_idx %arg13[%add3A_991] : memref<816xf32, #tpu.memory_space<vmem>>[vector<16xi32>], vector<16xf32>,
      %add3A_993 = arith.constant 4 : i32
      %add3A_994 = vector.broadcast %add3A_993 : i32 to vector<16xi32>
      %add3A_995 = arith.addi %mul3A_976, %add3A_994 : vector<16xi32>
      %gather3A_996 = tpu.vector_load_idx %arg13[%add3A_995] : memref<816xf32, #tpu.memory_space<vmem>>[vector<16xi32>], vector<16xf32>,
      %add3A_997 = arith.constant 5 : i32
      %add3A_998 = vector.broadcast %add3A_997 : i32 to vector<16xi32>
      %add3A_999 = arith.addi %mul3A_976, %add3A_998 : vector<16xi32>
      %gather3A_1000 = tpu.vector_load_idx %arg13[%add3A_999] : memref<816xf32, #tpu.memory_space<vmem>>[vector<16xi32>], vector<16xf32>,
      %add3A_1001 = arith.constant 6 : i32
      %add3A_1002 = vector.broadcast %add3A_1001 : i32 to vector<16xi32>
      %add3A_1003 = arith.addi %mul3A_976, %add3A_1002 : vector<16xi32>
      %gather3A_1004 = tpu.vector_load_idx %arg13[%add3A_1003] : memref<816xf32, #tpu.memory_space<vmem>>[vector<16xi32>], vector<16xf32>,
      %add3A_1005 = arith.constant 7 : i32
      %add3A_1006 = vector.broadcast %add3A_1005 : i32 to vector<16xi32>
      %add3A_1007 = arith.addi %mul3A_976, %add3A_1006 : vector<16xi32>
      %gather3A_1008 = tpu.vector_load_idx %arg13[%add3A_1007] : memref<816xf32, #tpu.memory_space<vmem>>[vector<16xi32>], vector<16xf32>,
      %add3A_1009 = arith.constant 8 : i32
      %add3A_1010 = vector.broadcast %add3A_1009 : i32 to vector<16xi32>
      %add3A_1011 = arith.addi %mul3A_976, %add3A_1010 : vector<16xi32>
      %gather3A_1012 = tpu.vector_load_idx %arg13[%add3A_1011] : memref<816xf32, #tpu.memory_space<vmem>>[vector<16xi32>], vector<16xf32>,
      %add3A_1013 = arith.constant 9 : i32
      %add3A_1014 = vector.broadcast %add3A_1013 : i32 to vector<16xi32>
      %add3A_1015 = arith.addi %mul3A_976, %add3A_1014 : vector<16xi32>
      %gather3A_1016 = tpu.vector_load_idx %arg13[%add3A_1015] : memref<816xf32, #tpu.memory_space<vmem>>[vector<16xi32>], vector<16xf32>,
      %add3A_1017 = arith.constant 10 : i32
      %add3A_1018 = vector.broadcast %add3A_1017 : i32 to vector<16xi32>
      %add3A_1019 = arith.addi %mul3A_976, %add3A_1018 : vector<16xi32>
      %gather3A_1020 = tpu.vector_load_idx %arg13[%add3A_1019] : memref<816xf32, #tpu.memory_space<vmem>>[vector<16xi32>], vector<16xf32>,
      %add3A_1021 = arith.constant 11 : i32
      %add3A_1022 = vector.broadcast %add3A_1021 : i32 to vector<16xi32>
      %add3A_1023 = arith.addi %mul3A_976, %add3A_1022 : vector<16xi32>
      %gather3A_1024 = tpu.vector_load_idx %arg13[%add3A_1023] : memref<816xf32, #tpu.memory_space<vmem>>[vector<16xi32>], vector<16xf32>,
      %add3A_1025 = arith.constant 12 : i32
      %add3A_1026 = vector.broadcast %add3A_1025 : i32 to vector<16xi32>
      %add3A_1027 = arith.addi %mul3A_976, %add3A_1026 : vector<16xi32>
      %gather3A_1028 = tpu.vector_load_idx %arg13[%add3A_1027] : memref<816xf32, #tpu.memory_space<vmem>>[vector<16xi32>], vector<16xf32>,
      %add3A_1029 = arith.constant 13 : i32
      %add3A_1030 = vector.broadcast %add3A_1029 : i32 to vector<16xi32>
      %add3A_1031 = arith.addi %mul3A_976, %add3A_1030 : vector<16xi32>
      %gather3A_1032 = tpu.vector_load_idx %arg13[%add3A_1031] : memref<816xf32, #tpu.memory_space<vmem>>[vector<16xi32>], vector<16xf32>,
      %add3A_1033 = arith.constant 14 : i32
      %add3A_1034 = vector.broadcast %add3A_1033 : i32 to vector<16xi32>
      %add3A_1035 = arith.addi %mul3A_976, %add3A_1034 : vector<16xi32>
      %gather3A_1036 = tpu.vector_load_idx %arg13[%add3A_1035] : memref<816xf32, #tpu.memory_space<vmem>>[vector<16xi32>], vector<16xf32>,
      %add3A_1037 = arith.constant 15 : i32
      %add3A_1038 = vector.broadcast %add3A_1037 : i32 to vector<16xi32>
      %add3A_1039 = arith.addi %mul3A_976, %add3A_1038 : vector<16xi32>
      %gather3A_1040 = tpu.vector_load_idx %arg13[%add3A_1039] : memref<816xf32, #tpu.memory_space<vmem>>[vector<16xi32>], vector<16xf32>,
      %add3A_1041 = arith.addf %gather3A_980, %gather3A_984 : vector<16xf32>
      %add3A_1042 = arith.addf %gather3A_988, %gather3A_992 : vector<16xf32>
      %add3A_1043 = arith.addf %gather3A_996, %gather3A_1000 : vector<16xf32>
      %add3A_1044 = arith.addf %gather3A_1004, %gather3A_1008 : vector<16xf32>
      %add3A_1045 = arith.addf %gather3A_1012, %gather3A_1016 : vector<16xf32>
      %add3A_1046 = arith.addf %gather3A_1020, %gather3A_1024 : vector<16xf32>
      %add3A_1047 = arith.addf %gather3A_1028, %gather3A_1032 : vector<16xf32>
      %add3A_1048 = arith.addf %gather3A_1036, %gather3A_1040 : vector<16xf32>
      %add3A_1049 = arith.addf %add3A_1041, %add3A_1042 : vector<16xf32>
      %add3A_1050 = arith.addf %add3A_1043, %add3A_1044 : vector<16xf32>
      %add3A_1051 = arith.addf %add3A_1045, %add3A_1046 : vector<16xf32>
      %add3A_1052 = arith.addf %add3A_1047, %add3A_1048 : vector<16xf32>
      %add3A_1053 = arith.addf %add3A_1049, %add3A_1050 : vector<16xf32>
      %add3A_1054 = arith.addf %add3A_1051, %add3A_1052 : vector<16xf32>
      %add3A_1055 = arith.addf %add3A_1053, %add3A_1054 : vector<16xf32>
      %mul3A_1056 = arith.constant 40 : i32
      %mul3A_1057 = arith.muli %add3A_736, %mul3A_1056 : i32
      %add3A_1058 = arith.constant 32 : i32
      %add3A_1059 = arith.addi %mul3A_1057, %add3A_1058 : i32
      %swap3A_1060 = arith.index_cast %add3A_1059 : i32 to index
      %swap3A_1061 = tpu.vector_load %arg12[%swap3A_1060] {strides = array<i32>} : memref<5032xf32, #tpu.memory_space<vmem>>, vector<16xf32>,
      tpu.vector_store %arg12[%swap3A_1060], %add3A_1055 {strides = array<i32>} : memref<5032xf32, #tpu.memory_space<vmem>>, vector<16xf32>,
      %add3A_1062 = arith.constant 2 : i32
      %add3A_1063 = arith.addi %mul3A_408, %add3A_1062 : i32
      %dma_wait3A_1064 = arith.constant 0 : i32
      %dma_wait3A_1065 = tpu.memref_slice %arg3[%dma_wait3A_1064] : memref<320000xi32, #tpu.memory_space<hbm>> -> memref<160xi32, #tpu.memory_space<hbm>>
      %dma_wait3A_1066 = arith.constant 0 : i32
      %dma_wait3A_1067 = tpu.memref_slice %arg3[%dma_wait3A_1066] : memref<320000xi32, #tpu.memory_space<hbm>> -> memref<160xi32, #tpu.memory_space<hbm>>
      tpu.wait_dma2 semaphore(%arg18 : memref<!tpu.dma_semaphore, #tpu.memory_space<semaphore_mem>>) src(%dma_wait3A_1067 : memref<160xi32, #tpu.memory_space<hbm>>) dst(%arg9 : memref<160xi32, #tpu.memory_space<vmem>>)
      %dma_start3A_1068 = arith.constant 0 : i32
      %dma_start3A_1069 = arith.constant 0 : i32
      %dma_start3A_1070 = tpu.memref_slice %arg11[%dma_start3A_1068, %dma_start3A_1069] : memref<160x128xf32, #tpu.memory_space<vmem>> -> memref<40x128xf32, #tpu.memory_space<vmem>>
      %dma_start3A_1071 = arith.constant 0 : i32
      %dma_start3A_1072 = tpu.memref_slice %arg9[%dma_start3A_1071] : memref<160xi32, #tpu.memory_space<vmem>> -> memref<40xi32, #tpu.memory_space<vmem>>
      %dma_start3A_1073 = arith.constant 0 : i32
      %dma_start3A_1074 = arith.constant 0 : i32
      %dma_start3A_1075 = tpu.memref_slice %arg14[%dma_start3A_1073, %dma_start3A_1074] : memref<10000x128xf32, #tpu.memory_space<vmem_shared>> -> memref<10000x128xf32, #tpu.memory_space<vmem_shared>>
      tpu.enqueue_indirect_dma source(%dma_start3A_1075 : memref<10000x128xf32, #tpu.memory_space<vmem_shared>>) target(%dma_start3A_1070 : memref<40x128xf32, #tpu.memory_space<vmem>>) offsets(%dma_start3A_1072 : memref<40xi32, #tpu.memory_space<vmem>>) semaphore(%arg20 : memref<!tpu.dma_semaphore, #tpu.memory_space<semaphore_mem>>)
      %dma_start3A_1076 = arith.constant 40 : i32
      %dma_start3A_1077 = arith.constant 0 : i32
      %dma_start3A_1078 = tpu.memref_slice %arg11[%dma_start3A_1076, %dma_start3A_1077] : memref<160x128xf32, #tpu.memory_space<vmem>> -> memref<40x128xf32, #tpu.memory_space<vmem>>
      %dma_start3A_1079 = arith.constant 40 : i32
      %dma_start3A_1080 = tpu.memref_slice %arg9[%dma_start3A_1079] : memref<160xi32, #tpu.memory_space<vmem>> -> memref<40xi32, #tpu.memory_space<vmem>>
      %dma_start3A_1081 = arith.constant 0 : i32
      %dma_start3A_1082 = arith.constant 0 : i32
      %dma_start3A_1083 = tpu.memref_slice %arg14[%dma_start3A_1081, %dma_start3A_1082] : memref<10000x128xf32, #tpu.memory_space<vmem_shared>> -> memref<10000x128xf32, #tpu.memory_space<vmem_shared>>
      tpu.enqueue_indirect_dma source(%dma_start3A_1083 : memref<10000x128xf32, #tpu.memory_space<vmem_shared>>) target(%dma_start3A_1078 : memref<40x128xf32, #tpu.memory_space<vmem>>) offsets(%dma_start3A_1080 : memref<40xi32, #tpu.memory_space<vmem>>) semaphore(%arg20 : memref<!tpu.dma_semaphore, #tpu.memory_space<semaphore_mem>>)
      %dma_start3A_1084 = arith.constant 80 : i32
      %dma_start3A_1085 = arith.constant 0 : i32
      %dma_start3A_1086 = tpu.memref_slice %arg11[%dma_start3A_1084, %dma_start3A_1085] : memref<160x128xf32, #tpu.memory_space<vmem>> -> memref<40x128xf32, #tpu.memory_space<vmem>>
      %dma_start3A_1087 = arith.constant 80 : i32
      %dma_start3A_1088 = tpu.memref_slice %arg9[%dma_start3A_1087] : memref<160xi32, #tpu.memory_space<vmem>> -> memref<40xi32, #tpu.memory_space<vmem>>
      %dma_start3A_1089 = arith.constant 0 : i32
      %dma_start3A_1090 = arith.constant 0 : i32
      %dma_start3A_1091 = tpu.memref_slice %arg14[%dma_start3A_1089, %dma_start3A_1090] : memref<10000x128xf32, #tpu.memory_space<vmem_shared>> -> memref<10000x128xf32, #tpu.memory_space<vmem_shared>>
      tpu.enqueue_indirect_dma source(%dma_start3A_1091 : memref<10000x128xf32, #tpu.memory_space<vmem_shared>>) target(%dma_start3A_1086 : memref<40x128xf32, #tpu.memory_space<vmem>>) offsets(%dma_start3A_1088 : memref<40xi32, #tpu.memory_space<vmem>>) semaphore(%arg20 : memref<!tpu.dma_semaphore, #tpu.memory_space<semaphore_mem>>)
      %dma_start3A_1092 = arith.constant 120 : i32
      %dma_start3A_1093 = arith.constant 0 : i32
      %dma_start3A_1094 = tpu.memref_slice %arg11[%dma_start3A_1092, %dma_start3A_1093] : memref<160x128xf32, #tpu.memory_space<vmem>> -> memref<40x128xf32, #tpu.memory_space<vmem>>
      %dma_start3A_1095 = arith.constant 120 : i32
      %dma_start3A_1096 = tpu.memref_slice %arg9[%dma_start3A_1095] : memref<160xi32, #tpu.memory_space<vmem>> -> memref<40xi32, #tpu.memory_space<vmem>>
      %dma_start3A_1097 = arith.constant 0 : i32
      %dma_start3A_1098 = arith.constant 0 : i32
      %dma_start3A_1099 = tpu.memref_slice %arg14[%dma_start3A_1097, %dma_start3A_1098] : memref<10000x128xf32, #tpu.memory_space<vmem_shared>> -> memref<10000x128xf32, #tpu.memory_space<vmem_shared>>
      tpu.enqueue_indirect_dma source(%dma_start3A_1099 : memref<10000x128xf32, #tpu.memory_space<vmem_shared>>) target(%dma_start3A_1094 : memref<40x128xf32, #tpu.memory_space<vmem>>) offsets(%dma_start3A_1096 : memref<40xi32, #tpu.memory_space<vmem>>) semaphore(%arg20 : memref<!tpu.dma_semaphore, #tpu.memory_space<semaphore_mem>>)
      %dma_wait3A_1100 = arith.constant 0 : i32
      %dma_wait3A_1101 = arith.constant 0 : i32
      %dma_wait3A_1102 = tpu.memref_slice %arg2[%dma_wait3A_1100, %dma_wait3A_1101] : memref<10000x128xf32, #tpu.memory_space<hbm>> -> memref<160x128xf32, #tpu.memory_space<hbm>>
      %dma_wait3A_1103 = arith.constant 0 : i32
      %dma_wait3A_1104 = arith.constant 0 : i32
      %dma_wait3A_1105 = tpu.memref_slice %arg2[%dma_wait3A_1103, %dma_wait3A_1104] : memref<10000x128xf32, #tpu.memory_space<hbm>> -> memref<160x128xf32, #tpu.memory_space<hbm>>
      tpu.wait_dma2 semaphore(%arg19 : memref<!tpu.dma_semaphore, #tpu.memory_space<semaphore_mem>>) src(%dma_wait3A_1105 : memref<160x128xf32, #tpu.memory_space<hbm>>) dst(%arg10 : memref<160x128xf32, #tpu.memory_space<vmem>>)
      %add3A_1106 = arith.constant 3 : i32
      %add3A_1107 = arith.addi %add3A_1063, %add3A_1106 : i32
      %lt3A_1108 = arith.constant 125 : i32
      %lt3A_1109 = arith.cmpi slt, %add3A_1107, %lt3A_1108 : i32
      %convert_element_type3A_1110 = arith.extui %lt3A_1109 : i1 to i32
      %cond3A_1111 = arith.constant 0 : i32
      %cond3A_1112 = arith.cmpi ne, %convert_element_type3A_1110, %cond3A_1111 : i32
      scf.if %cond3A_1112 {
        %add3A_1716 = arith.constant 3 : i32
        %add3A_1717 = arith.addi %add3A_1063, %add3A_1716 : i32
        %mul3A_1718 = arith.constant 40 : i32
        %mul3A_1719 = arith.muli %add3A_1717, %mul3A_1718 : i32
        %add3A_1720 = arith.addi %mul3A_2, %mul3A_1719 : i32
        %add3A_1721 = arith.constant 160000 : i32
        %add3A_1722 = arith.addi %add3A_1720, %add3A_1721 : i32
        %add3A_1723 = arith.constant 160000 : i32
        %add3A_1724 = arith.addi %add3A_1720, %add3A_1723 : i32
        %dma_start3A_1725 = arith.constant 0 : i32
        %dma_start3A_1726 = tpu.memref_slice %arg7[%dma_start3A_1725] : memref<160xi32, #tpu.memory_space<vmem>> -> memref<40xi32, #tpu.memory_space<vmem>>
        %dma_start3A_1727 = tpu.memref_slice %arg3[%add3A_1720] : memref<320000xi32, #tpu.memory_space<hbm>> -> memref<40xi32, #tpu.memory_space<hbm>>
        %dma_start3A_1728 = arith.constant 0 : i32
        %dma_start3A_1729 = tpu.memref_slice %arg7[%dma_start3A_1728] : memref<160xi32, #tpu.memory_space<vmem>> -> memref<40xi32, #tpu.memory_space<vmem>>
        %dma_start3A_1730 = tpu.memref_slice %arg3[%add3A_1720] : memref<320000xi32, #tpu.memory_space<hbm>> -> memref<40xi32, #tpu.memory_space<hbm>>
        tpu.enqueue_dma source(%dma_start3A_1730 : memref<40xi32, #tpu.memory_space<hbm>>) target(%dma_start3A_1729 : memref<40xi32, #tpu.memory_space<vmem>>) target_semaphore(%arg16 : memref<!tpu.dma_semaphore, #tpu.memory_space<semaphore_mem>>)
        %dma_start3A_1731 = arith.constant 40 : i32
        %dma_start3A_1732 = tpu.memref_slice %arg7[%dma_start3A_1731] : memref<160xi32, #tpu.memory_space<vmem>> -> memref<40xi32, #tpu.memory_space<vmem>>
        %dma_start3A_1733 = tpu.memref_slice %arg4[%add3A_1720] : memref<320000xi32, #tpu.memory_space<hbm>> -> memref<40xi32, #tpu.memory_space<hbm>>
        %dma_start3A_1734 = arith.constant 40 : i32
        %dma_start3A_1735 = tpu.memref_slice %arg7[%dma_start3A_1734] : memref<160xi32, #tpu.memory_space<vmem>> -> memref<40xi32, #tpu.memory_space<vmem>>
        %dma_start3A_1736 = tpu.memref_slice %arg4[%add3A_1720] : memref<320000xi32, #tpu.memory_space<hbm>> -> memref<40xi32, #tpu.memory_space<hbm>>
        tpu.enqueue_dma source(%dma_start3A_1736 : memref<40xi32, #tpu.memory_space<hbm>>) target(%dma_start3A_1735 : memref<40xi32, #tpu.memory_space<vmem>>) target_semaphore(%arg16 : memref<!tpu.dma_semaphore, #tpu.memory_space<semaphore_mem>>)
        %dma_start3A_1737 = arith.constant 80 : i32
        %dma_start3A_1738 = tpu.memref_slice %arg7[%dma_start3A_1737] : memref<160xi32, #tpu.memory_space<vmem>> -> memref<40xi32, #tpu.memory_space<vmem>>
        %dma_start3A_1739 = tpu.memref_slice %arg3[%add3A_1722] : memref<320000xi32, #tpu.memory_space<hbm>> -> memref<40xi32, #tpu.memory_space<hbm>>
        %dma_start3A_1740 = arith.constant 80 : i32
        %dma_start3A_1741 = tpu.memref_slice %arg7[%dma_start3A_1740] : memref<160xi32, #tpu.memory_space<vmem>> -> memref<40xi32, #tpu.memory_space<vmem>>
        %dma_start3A_1742 = tpu.memref_slice %arg3[%add3A_1722] : memref<320000xi32, #tpu.memory_space<hbm>> -> memref<40xi32, #tpu.memory_space<hbm>>
        tpu.enqueue_dma source(%dma_start3A_1742 : memref<40xi32, #tpu.memory_space<hbm>>) target(%dma_start3A_1741 : memref<40xi32, #tpu.memory_space<vmem>>) target_semaphore(%arg16 : memref<!tpu.dma_semaphore, #tpu.memory_space<semaphore_mem>>)
        %dma_start3A_1743 = arith.constant 120 : i32
        %dma_start3A_1744 = tpu.memref_slice %arg7[%dma_start3A_1743] : memref<160xi32, #tpu.memory_space<vmem>> -> memref<40xi32, #tpu.memory_space<vmem>>
        %dma_start3A_1745 = tpu.memref_slice %arg4[%add3A_1724] : memref<320000xi32, #tpu.memory_space<hbm>> -> memref<40xi32, #tpu.memory_space<hbm>>
        %dma_start3A_1746 = arith.constant 120 : i32
        %dma_start3A_1747 = tpu.memref_slice %arg7[%dma_start3A_1746] : memref<160xi32, #tpu.memory_space<vmem>> -> memref<40xi32, #tpu.memory_space<vmem>>
        %dma_start3A_1748 = tpu.memref_slice %arg4[%add3A_1724] : memref<320000xi32, #tpu.memory_space<hbm>> -> memref<40xi32, #tpu.memory_space<hbm>>
        tpu.enqueue_dma source(%dma_start3A_1748 : memref<40xi32, #tpu.memory_space<hbm>>) target(%dma_start3A_1747 : memref<40xi32, #tpu.memory_space<vmem>>) target_semaphore(%arg16 : memref<!tpu.dma_semaphore, #tpu.memory_space<semaphore_mem>>)
      } else {
      }
      %parallel_loop3A_1113 = arith.constant 0 : i32
      %parallel_loop3A_1114 = arith.constant 40 : i32
      %parallel_loop3A_1115 = arith.constant 1 : i32
      scf.for %parallel_loop3A_1716 = %parallel_loop3A_1113 to %parallel_loop3A_1114 step %parallel_loop3A_1115  : i32 {
        %parallel_loop3A_1717 = arith.constant 17 : i32
        %parallel_loop3A_1718 = arith.muli %parallel_loop3A_1716, %parallel_loop3A_1717 : i32
        %parallel_loop3A_1719 = vector.broadcast %parallel_loop3A_1718 : i32 to vector<16xi32>
        %parallel_loop3A_1720 = arith.addi %parallel_loop3A_1719, %iota3A : vector<16xi32>
        %parallel_loop3A_1721 = arith.index_cast %parallel_loop3A_1716 : i32 to index
        %parallel_loop3A_1722 = arith.constant 0 : index
        %parallel_loop3A_1723 = tpu.vector_load %arg10[%parallel_loop3A_1721, %parallel_loop3A_1722] {strides = array<i32>} : memref<160x128xf32, #tpu.memory_space<vmem>>, vector<16xf32>,
        %parallel_loop3A_1724 = arith.constant 40 : i32
        %parallel_loop3A_1725 = arith.addi %parallel_loop3A_1724, %parallel_loop3A_1716 : i32
        %parallel_loop3A_1726 = arith.index_cast %parallel_loop3A_1725 : i32 to index
        %parallel_loop3A_1727 = arith.constant 0 : index
        %parallel_loop3A_1728 = tpu.vector_load %arg10[%parallel_loop3A_1726, %parallel_loop3A_1727] {strides = array<i32>} : memref<160x128xf32, #tpu.memory_space<vmem>>, vector<16xf32>,
        %parallel_loop3A_1729 = arith.mulf %parallel_loop3A_1723, %parallel_loop3A_1728 : vector<16xf32>
        %parallel_loop3A_1730 = arith.constant 80 : i32
        %parallel_loop3A_1731 = arith.addi %parallel_loop3A_1730, %parallel_loop3A_1716 : i32
        %parallel_loop3A_1732 = arith.index_cast %parallel_loop3A_1731 : i32 to index
        %parallel_loop3A_1733 = arith.constant 0 : index
        %parallel_loop3A_1734 = tpu.vector_load %arg10[%parallel_loop3A_1732, %parallel_loop3A_1733] {strides = array<i32>} : memref<160x128xf32, #tpu.memory_space<vmem>>, vector<16xf32>,
        %parallel_loop3A_1735 = arith.constant 120 : i32
        %parallel_loop3A_1736 = arith.addi %parallel_loop3A_1735, %parallel_loop3A_1716 : i32
        %parallel_loop3A_1737 = arith.index_cast %parallel_loop3A_1736 : i32 to index
        %parallel_loop3A_1738 = arith.constant 0 : index
        %parallel_loop3A_1739 = tpu.vector_load %arg10[%parallel_loop3A_1737, %parallel_loop3A_1738] {strides = array<i32>} : memref<160x128xf32, #tpu.memory_space<vmem>>, vector<16xf32>,
        %parallel_loop3A_1740 = arith.mulf %parallel_loop3A_1734, %parallel_loop3A_1739 : vector<16xf32>
        %parallel_loop3A_1741 = arith.index_cast %parallel_loop3A_1716 : i32 to index
        %parallel_loop3A_1742 = arith.constant 16 : index
        %parallel_loop3A_1743 = tpu.vector_load %arg10[%parallel_loop3A_1741, %parallel_loop3A_1742] {strides = array<i32>} : memref<160x128xf32, #tpu.memory_space<vmem>>, vector<16xf32>,
        %parallel_loop3A_1744 = arith.constant 40 : i32
        %parallel_loop3A_1745 = arith.addi %parallel_loop3A_1744, %parallel_loop3A_1716 : i32
        %parallel_loop3A_1746 = arith.index_cast %parallel_loop3A_1745 : i32 to index
        %parallel_loop3A_1747 = arith.constant 16 : index
        %parallel_loop3A_1748 = tpu.vector_load %arg10[%parallel_loop3A_1746, %parallel_loop3A_1747] {strides = array<i32>} : memref<160x128xf32, #tpu.memory_space<vmem>>, vector<16xf32>,
        %parallel_loop3A_1749 = arith.mulf %parallel_loop3A_1743, %parallel_loop3A_1748 : vector<16xf32>
        %parallel_loop3A_1750 = arith.constant 80 : i32
        %parallel_loop3A_1751 = arith.addi %parallel_loop3A_1750, %parallel_loop3A_1716 : i32
        %parallel_loop3A_1752 = arith.index_cast %parallel_loop3A_1751 : i32 to index
        %parallel_loop3A_1753 = arith.constant 16 : index
        %parallel_loop3A_1754 = tpu.vector_load %arg10[%parallel_loop3A_1752, %parallel_loop3A_1753] {strides = array<i32>} : memref<160x128xf32, #tpu.memory_space<vmem>>, vector<16xf32>,
        %parallel_loop3A_1755 = arith.constant 120 : i32
        %parallel_loop3A_1756 = arith.addi %parallel_loop3A_1755, %parallel_loop3A_1716 : i32
        %parallel_loop3A_1757 = arith.index_cast %parallel_loop3A_1756 : i32 to index
        %parallel_loop3A_1758 = arith.constant 16 : index
        %parallel_loop3A_1759 = tpu.vector_load %arg10[%parallel_loop3A_1757, %parallel_loop3A_1758] {strides = array<i32>} : memref<160x128xf32, #tpu.memory_space<vmem>>, vector<16xf32>,
        %parallel_loop3A_1760 = arith.mulf %parallel_loop3A_1754, %parallel_loop3A_1759 : vector<16xf32>
        %parallel_loop3A_1761 = arith.index_cast %parallel_loop3A_1716 : i32 to index
        %parallel_loop3A_1762 = arith.constant 32 : index
        %parallel_loop3A_1763 = tpu.vector_load %arg10[%parallel_loop3A_1761, %parallel_loop3A_1762] {strides = array<i32>} : memref<160x128xf32, #tpu.memory_space<vmem>>, vector<16xf32>,
        %parallel_loop3A_1764 = arith.constant 40 : i32
        %parallel_loop3A_1765 = arith.addi %parallel_loop3A_1764, %parallel_loop3A_1716 : i32
        %parallel_loop3A_1766 = arith.index_cast %parallel_loop3A_1765 : i32 to index
        %parallel_loop3A_1767 = arith.constant 32 : index
        %parallel_loop3A_1768 = tpu.vector_load %arg10[%parallel_loop3A_1766, %parallel_loop3A_1767] {strides = array<i32>} : memref<160x128xf32, #tpu.memory_space<vmem>>, vector<16xf32>,
        %parallel_loop3A_1769 = arith.mulf %parallel_loop3A_1763, %parallel_loop3A_1768 : vector<16xf32>
        %parallel_loop3A_1770 = arith.constant 80 : i32
        %parallel_loop3A_1771 = arith.addi %parallel_loop3A_1770, %parallel_loop3A_1716 : i32
        %parallel_loop3A_1772 = arith.index_cast %parallel_loop3A_1771 : i32 to index
        %parallel_loop3A_1773 = arith.constant 32 : index
        %parallel_loop3A_1774 = tpu.vector_load %arg10[%parallel_loop3A_1772, %parallel_loop3A_1773] {strides = array<i32>} : memref<160x128xf32, #tpu.memory_space<vmem>>, vector<16xf32>,
        %parallel_loop3A_1775 = arith.constant 120 : i32
        %parallel_loop3A_1776 = arith.addi %parallel_loop3A_1775, %parallel_loop3A_1716 : i32
        %parallel_loop3A_1777 = arith.index_cast %parallel_loop3A_1776 : i32 to index
        %parallel_loop3A_1778 = arith.constant 32 : index
        %parallel_loop3A_1779 = tpu.vector_load %arg10[%parallel_loop3A_1777, %parallel_loop3A_1778] {strides = array<i32>} : memref<160x128xf32, #tpu.memory_space<vmem>>, vector<16xf32>,
        %parallel_loop3A_1780 = arith.mulf %parallel_loop3A_1774, %parallel_loop3A_1779 : vector<16xf32>
        %parallel_loop3A_1781 = arith.index_cast %parallel_loop3A_1716 : i32 to index
        %parallel_loop3A_1782 = arith.constant 48 : index
        %parallel_loop3A_1783 = tpu.vector_load %arg10[%parallel_loop3A_1781, %parallel_loop3A_1782] {strides = array<i32>} : memref<160x128xf32, #tpu.memory_space<vmem>>, vector<16xf32>,
        %parallel_loop3A_1784 = arith.constant 40 : i32
        %parallel_loop3A_1785 = arith.addi %parallel_loop3A_1784, %parallel_loop3A_1716 : i32
        %parallel_loop3A_1786 = arith.index_cast %parallel_loop3A_1785 : i32 to index
        %parallel_loop3A_1787 = arith.constant 48 : index
        %parallel_loop3A_1788 = tpu.vector_load %arg10[%parallel_loop3A_1786, %parallel_loop3A_1787] {strides = array<i32>} : memref<160x128xf32, #tpu.memory_space<vmem>>, vector<16xf32>,
        %parallel_loop3A_1789 = arith.mulf %parallel_loop3A_1783, %parallel_loop3A_1788 : vector<16xf32>
        %parallel_loop3A_1790 = arith.constant 80 : i32
        %parallel_loop3A_1791 = arith.addi %parallel_loop3A_1790, %parallel_loop3A_1716 : i32
        %parallel_loop3A_1792 = arith.index_cast %parallel_loop3A_1791 : i32 to index
        %parallel_loop3A_1793 = arith.constant 48 : index
        %parallel_loop3A_1794 = tpu.vector_load %arg10[%parallel_loop3A_1792, %parallel_loop3A_1793] {strides = array<i32>} : memref<160x128xf32, #tpu.memory_space<vmem>>, vector<16xf32>,
        %parallel_loop3A_1795 = arith.constant 120 : i32
        %parallel_loop3A_1796 = arith.addi %parallel_loop3A_1795, %parallel_loop3A_1716 : i32
        %parallel_loop3A_1797 = arith.index_cast %parallel_loop3A_1796 : i32 to index
        %parallel_loop3A_1798 = arith.constant 48 : index
        %parallel_loop3A_1799 = tpu.vector_load %arg10[%parallel_loop3A_1797, %parallel_loop3A_1798] {strides = array<i32>} : memref<160x128xf32, #tpu.memory_space<vmem>>, vector<16xf32>,
        %parallel_loop3A_1800 = arith.mulf %parallel_loop3A_1794, %parallel_loop3A_1799 : vector<16xf32>
        %parallel_loop3A_1801 = arith.index_cast %parallel_loop3A_1716 : i32 to index
        %parallel_loop3A_1802 = arith.constant 64 : index
        %parallel_loop3A_1803 = tpu.vector_load %arg10[%parallel_loop3A_1801, %parallel_loop3A_1802] {strides = array<i32>} : memref<160x128xf32, #tpu.memory_space<vmem>>, vector<16xf32>,
        %parallel_loop3A_1804 = arith.constant 40 : i32
        %parallel_loop3A_1805 = arith.addi %parallel_loop3A_1804, %parallel_loop3A_1716 : i32
        %parallel_loop3A_1806 = arith.index_cast %parallel_loop3A_1805 : i32 to index
        %parallel_loop3A_1807 = arith.constant 64 : index
        %parallel_loop3A_1808 = tpu.vector_load %arg10[%parallel_loop3A_1806, %parallel_loop3A_1807] {strides = array<i32>} : memref<160x128xf32, #tpu.memory_space<vmem>>, vector<16xf32>,
        %parallel_loop3A_1809 = arith.mulf %parallel_loop3A_1803, %parallel_loop3A_1808 : vector<16xf32>
        %parallel_loop3A_1810 = arith.constant 80 : i32
        %parallel_loop3A_1811 = arith.addi %parallel_loop3A_1810, %parallel_loop3A_1716 : i32
        %parallel_loop3A_1812 = arith.index_cast %parallel_loop3A_1811 : i32 to index
        %parallel_loop3A_1813 = arith.constant 64 : index
        %parallel_loop3A_1814 = tpu.vector_load %arg10[%parallel_loop3A_1812, %parallel_loop3A_1813] {strides = array<i32>} : memref<160x128xf32, #tpu.memory_space<vmem>>, vector<16xf32>,
        %parallel_loop3A_1815 = arith.constant 120 : i32
        %parallel_loop3A_1816 = arith.addi %parallel_loop3A_1815, %parallel_loop3A_1716 : i32
        %parallel_loop3A_1817 = arith.index_cast %parallel_loop3A_1816 : i32 to index
        %parallel_loop3A_1818 = arith.constant 64 : index
        %parallel_loop3A_1819 = tpu.vector_load %arg10[%parallel_loop3A_1817, %parallel_loop3A_1818] {strides = array<i32>} : memref<160x128xf32, #tpu.memory_space<vmem>>, vector<16xf32>,
        %parallel_loop3A_1820 = arith.mulf %parallel_loop3A_1814, %parallel_loop3A_1819 : vector<16xf32>
        %parallel_loop3A_1821 = arith.index_cast %parallel_loop3A_1716 : i32 to index
        %parallel_loop3A_1822 = arith.constant 80 : index
        %parallel_loop3A_1823 = tpu.vector_load %arg10[%parallel_loop3A_1821, %parallel_loop3A_1822] {strides = array<i32>} : memref<160x128xf32, #tpu.memory_space<vmem>>, vector<16xf32>,
        %parallel_loop3A_1824 = arith.constant 40 : i32
        %parallel_loop3A_1825 = arith.addi %parallel_loop3A_1824, %parallel_loop3A_1716 : i32
        %parallel_loop3A_1826 = arith.index_cast %parallel_loop3A_1825 : i32 to index
        %parallel_loop3A_1827 = arith.constant 80 : index
        %parallel_loop3A_1828 = tpu.vector_load %arg10[%parallel_loop3A_1826, %parallel_loop3A_1827] {strides = array<i32>} : memref<160x128xf32, #tpu.memory_space<vmem>>, vector<16xf32>,
        %parallel_loop3A_1829 = arith.mulf %parallel_loop3A_1823, %parallel_loop3A_1828 : vector<16xf32>
        %parallel_loop3A_1830 = arith.constant 80 : i32
        %parallel_loop3A_1831 = arith.addi %parallel_loop3A_1830, %parallel_loop3A_1716 : i32
        %parallel_loop3A_1832 = arith.index_cast %parallel_loop3A_1831 : i32 to index
        %parallel_loop3A_1833 = arith.constant 80 : index
        %parallel_loop3A_1834 = tpu.vector_load %arg10[%parallel_loop3A_1832, %parallel_loop3A_1833] {strides = array<i32>} : memref<160x128xf32, #tpu.memory_space<vmem>>, vector<16xf32>,
        %parallel_loop3A_1835 = arith.constant 120 : i32
        %parallel_loop3A_1836 = arith.addi %parallel_loop3A_1835, %parallel_loop3A_1716 : i32
        %parallel_loop3A_1837 = arith.index_cast %parallel_loop3A_1836 : i32 to index
        %parallel_loop3A_1838 = arith.constant 80 : index
        %parallel_loop3A_1839 = tpu.vector_load %arg10[%parallel_loop3A_1837, %parallel_loop3A_1838] {strides = array<i32>} : memref<160x128xf32, #tpu.memory_space<vmem>>, vector<16xf32>,
        %parallel_loop3A_1840 = arith.mulf %parallel_loop3A_1834, %parallel_loop3A_1839 : vector<16xf32>
        %parallel_loop3A_1841 = arith.index_cast %parallel_loop3A_1716 : i32 to index
        %parallel_loop3A_1842 = arith.constant 96 : index
        %parallel_loop3A_1843 = tpu.vector_load %arg10[%parallel_loop3A_1841, %parallel_loop3A_1842] {strides = array<i32>} : memref<160x128xf32, #tpu.memory_space<vmem>>, vector<16xf32>,
        %parallel_loop3A_1844 = arith.constant 40 : i32
        %parallel_loop3A_1845 = arith.addi %parallel_loop3A_1844, %parallel_loop3A_1716 : i32
        %parallel_loop3A_1846 = arith.index_cast %parallel_loop3A_1845 : i32 to index
        %parallel_loop3A_1847 = arith.constant 96 : index
        %parallel_loop3A_1848 = tpu.vector_load %arg10[%parallel_loop3A_1846, %parallel_loop3A_1847] {strides = array<i32>} : memref<160x128xf32, #tpu.memory_space<vmem>>, vector<16xf32>,
        %parallel_loop3A_1849 = arith.mulf %parallel_loop3A_1843, %parallel_loop3A_1848 : vector<16xf32>
        %parallel_loop3A_1850 = arith.constant 80 : i32
        %parallel_loop3A_1851 = arith.addi %parallel_loop3A_1850, %parallel_loop3A_1716 : i32
        %parallel_loop3A_1852 = arith.index_cast %parallel_loop3A_1851 : i32 to index
        %parallel_loop3A_1853 = arith.constant 96 : index
        %parallel_loop3A_1854 = tpu.vector_load %arg10[%parallel_loop3A_1852, %parallel_loop3A_1853] {strides = array<i32>} : memref<160x128xf32, #tpu.memory_space<vmem>>, vector<16xf32>,
        %parallel_loop3A_1855 = arith.constant 120 : i32
        %parallel_loop3A_1856 = arith.addi %parallel_loop3A_1855, %parallel_loop3A_1716 : i32
        %parallel_loop3A_1857 = arith.index_cast %parallel_loop3A_1856 : i32 to index
        %parallel_loop3A_1858 = arith.constant 96 : index
        %parallel_loop3A_1859 = tpu.vector_load %arg10[%parallel_loop3A_1857, %parallel_loop3A_1858] {strides = array<i32>} : memref<160x128xf32, #tpu.memory_space<vmem>>, vector<16xf32>,
        %parallel_loop3A_1860 = arith.mulf %parallel_loop3A_1854, %parallel_loop3A_1859 : vector<16xf32>
        %parallel_loop3A_1861 = arith.index_cast %parallel_loop3A_1716 : i32 to index
        %parallel_loop3A_1862 = arith.constant 112 : index
        %parallel_loop3A_1863 = tpu.vector_load %arg10[%parallel_loop3A_1861, %parallel_loop3A_1862] {strides = array<i32>} : memref<160x128xf32, #tpu.memory_space<vmem>>, vector<16xf32>,
        %parallel_loop3A_1864 = arith.constant 40 : i32
        %parallel_loop3A_1865 = arith.addi %parallel_loop3A_1864, %parallel_loop3A_1716 : i32
        %parallel_loop3A_1866 = arith.index_cast %parallel_loop3A_1865 : i32 to index
        %parallel_loop3A_1867 = arith.constant 112 : index
        %parallel_loop3A_1868 = tpu.vector_load %arg10[%parallel_loop3A_1866, %parallel_loop3A_1867] {strides = array<i32>} : memref<160x128xf32, #tpu.memory_space<vmem>>, vector<16xf32>,
        %parallel_loop3A_1869 = arith.mulf %parallel_loop3A_1863, %parallel_loop3A_1868 : vector<16xf32>
        %parallel_loop3A_1870 = arith.constant 80 : i32
        %parallel_loop3A_1871 = arith.addi %parallel_loop3A_1870, %parallel_loop3A_1716 : i32
        %parallel_loop3A_1872 = arith.index_cast %parallel_loop3A_1871 : i32 to index
        %parallel_loop3A_1873 = arith.constant 112 : index
        %parallel_loop3A_1874 = tpu.vector_load %arg10[%parallel_loop3A_1872, %parallel_loop3A_1873] {strides = array<i32>} : memref<160x128xf32, #tpu.memory_space<vmem>>, vector<16xf32>,
        %parallel_loop3A_1875 = arith.constant 120 : i32
        %parallel_loop3A_1876 = arith.addi %parallel_loop3A_1875, %parallel_loop3A_1716 : i32
        %parallel_loop3A_1877 = arith.index_cast %parallel_loop3A_1876 : i32 to index
        %parallel_loop3A_1878 = arith.constant 112 : index
        %parallel_loop3A_1879 = tpu.vector_load %arg10[%parallel_loop3A_1877, %parallel_loop3A_1878] {strides = array<i32>} : memref<160x128xf32, #tpu.memory_space<vmem>>, vector<16xf32>,
        %parallel_loop3A_1880 = arith.mulf %parallel_loop3A_1874, %parallel_loop3A_1879 : vector<16xf32>
        %parallel_loop3A_1881 = arith.addf %parallel_loop3A_1729, %parallel_loop3A_1740 : vector<16xf32>
        %parallel_loop3A_1882 = arith.addf %parallel_loop3A_1749, %parallel_loop3A_1760 : vector<16xf32>
        %parallel_loop3A_1883 = arith.addf %parallel_loop3A_1769, %parallel_loop3A_1780 : vector<16xf32>
        %parallel_loop3A_1884 = arith.addf %parallel_loop3A_1789, %parallel_loop3A_1800 : vector<16xf32>
        %parallel_loop3A_1885 = arith.addf %parallel_loop3A_1809, %parallel_loop3A_1820 : vector<16xf32>
        %parallel_loop3A_1886 = arith.addf %parallel_loop3A_1829, %parallel_loop3A_1840 : vector<16xf32>
        %parallel_loop3A_1887 = arith.addf %parallel_loop3A_1849, %parallel_loop3A_1860 : vector<16xf32>
        %parallel_loop3A_1888 = arith.addf %parallel_loop3A_1869, %parallel_loop3A_1880 : vector<16xf32>
        %parallel_loop3A_1889 = arith.addf %parallel_loop3A_1881, %parallel_loop3A_1882 : vector<16xf32>
        %parallel_loop3A_1890 = arith.addf %parallel_loop3A_1883, %parallel_loop3A_1884 : vector<16xf32>
        %parallel_loop3A_1891 = arith.addf %parallel_loop3A_1885, %parallel_loop3A_1886 : vector<16xf32>
        %parallel_loop3A_1892 = arith.addf %parallel_loop3A_1887, %parallel_loop3A_1888 : vector<16xf32>
        %parallel_loop3A_1893 = arith.addf %parallel_loop3A_1889, %parallel_loop3A_1890 : vector<16xf32>
        %parallel_loop3A_1894 = arith.addf %parallel_loop3A_1891, %parallel_loop3A_1892 : vector<16xf32>
        %parallel_loop3A_1895 = arith.addf %parallel_loop3A_1893, %parallel_loop3A_1894 : vector<16xf32>
        tpu.vector_store_idx %arg13[%parallel_loop3A_1720], %parallel_loop3A_1895 : memref<816xf32, #tpu.memory_space<vmem>>[vector<16xi32>], vector<16xf32>,
      } {sc.loop_unroll_factor = 1 : i64, sc.parallel_access}
      %add3A_1116 = arith.constant 0 : i32
      %add3A_1117 = vector.broadcast %add3A_1116 : i32 to vector<16xi32>
      %add3A_1118 = arith.addi %add3A_1117, %iota3A : vector<16xi32>
      %mul3A_1119 = arith.constant 17 : i32
      %mul3A_1120 = vector.broadcast %mul3A_1119 : i32 to vector<16xi32>
      %mul3A_1121 = arith.muli %add3A_1118, %mul3A_1120 : vector<16xi32>
      %add3A_1122 = arith.constant 0 : i32
      %add3A_1123 = vector.broadcast %add3A_1122 : i32 to vector<16xi32>
      %add3A_1124 = arith.addi %mul3A_1121, %add3A_1123 : vector<16xi32>
      %gather3A_1125 = tpu.vector_load_idx %arg13[%add3A_1124] : memref<816xf32, #tpu.memory_space<vmem>>[vector<16xi32>], vector<16xf32>,
      %add3A_1126 = arith.constant 1 : i32
      %add3A_1127 = vector.broadcast %add3A_1126 : i32 to vector<16xi32>
      %add3A_1128 = arith.addi %mul3A_1121, %add3A_1127 : vector<16xi32>
      %gather3A_1129 = tpu.vector_load_idx %arg13[%add3A_1128] : memref<816xf32, #tpu.memory_space<vmem>>[vector<16xi32>], vector<16xf32>,
      %add3A_1130 = arith.constant 2 : i32
      %add3A_1131 = vector.broadcast %add3A_1130 : i32 to vector<16xi32>
      %add3A_1132 = arith.addi %mul3A_1121, %add3A_1131 : vector<16xi32>
      %gather3A_1133 = tpu.vector_load_idx %arg13[%add3A_1132] : memref<816xf32, #tpu.memory_space<vmem>>[vector<16xi32>], vector<16xf32>,
      %add3A_1134 = arith.constant 3 : i32
      %add3A_1135 = vector.broadcast %add3A_1134 : i32 to vector<16xi32>
      %add3A_1136 = arith.addi %mul3A_1121, %add3A_1135 : vector<16xi32>
      %gather3A_1137 = tpu.vector_load_idx %arg13[%add3A_1136] : memref<816xf32, #tpu.memory_space<vmem>>[vector<16xi32>], vector<16xf32>,
      %add3A_1138 = arith.constant 4 : i32
      %add3A_1139 = vector.broadcast %add3A_1138 : i32 to vector<16xi32>
      %add3A_1140 = arith.addi %mul3A_1121, %add3A_1139 : vector<16xi32>
      %gather3A_1141 = tpu.vector_load_idx %arg13[%add3A_1140] : memref<816xf32, #tpu.memory_space<vmem>>[vector<16xi32>], vector<16xf32>,
      %add3A_1142 = arith.constant 5 : i32
      %add3A_1143 = vector.broadcast %add3A_1142 : i32 to vector<16xi32>
      %add3A_1144 = arith.addi %mul3A_1121, %add3A_1143 : vector<16xi32>
      %gather3A_1145 = tpu.vector_load_idx %arg13[%add3A_1144] : memref<816xf32, #tpu.memory_space<vmem>>[vector<16xi32>], vector<16xf32>,
      %add3A_1146 = arith.constant 6 : i32
      %add3A_1147 = vector.broadcast %add3A_1146 : i32 to vector<16xi32>
      %add3A_1148 = arith.addi %mul3A_1121, %add3A_1147 : vector<16xi32>
      %gather3A_1149 = tpu.vector_load_idx %arg13[%add3A_1148] : memref<816xf32, #tpu.memory_space<vmem>>[vector<16xi32>], vector<16xf32>,
      %add3A_1150 = arith.constant 7 : i32
      %add3A_1151 = vector.broadcast %add3A_1150 : i32 to vector<16xi32>
      %add3A_1152 = arith.addi %mul3A_1121, %add3A_1151 : vector<16xi32>
      %gather3A_1153 = tpu.vector_load_idx %arg13[%add3A_1152] : memref<816xf32, #tpu.memory_space<vmem>>[vector<16xi32>], vector<16xf32>,
      %add3A_1154 = arith.constant 8 : i32
      %add3A_1155 = vector.broadcast %add3A_1154 : i32 to vector<16xi32>
      %add3A_1156 = arith.addi %mul3A_1121, %add3A_1155 : vector<16xi32>
      %gather3A_1157 = tpu.vector_load_idx %arg13[%add3A_1156] : memref<816xf32, #tpu.memory_space<vmem>>[vector<16xi32>], vector<16xf32>,
      %add3A_1158 = arith.constant 9 : i32
      %add3A_1159 = vector.broadcast %add3A_1158 : i32 to vector<16xi32>
      %add3A_1160 = arith.addi %mul3A_1121, %add3A_1159 : vector<16xi32>
      %gather3A_1161 = tpu.vector_load_idx %arg13[%add3A_1160] : memref<816xf32, #tpu.memory_space<vmem>>[vector<16xi32>], vector<16xf32>,
      %add3A_1162 = arith.constant 10 : i32
      %add3A_1163 = vector.broadcast %add3A_1162 : i32 to vector<16xi32>
      %add3A_1164 = arith.addi %mul3A_1121, %add3A_1163 : vector<16xi32>
      %gather3A_1165 = tpu.vector_load_idx %arg13[%add3A_1164] : memref<816xf32, #tpu.memory_space<vmem>>[vector<16xi32>], vector<16xf32>,
      %add3A_1166 = arith.constant 11 : i32
      %add3A_1167 = vector.broadcast %add3A_1166 : i32 to vector<16xi32>
      %add3A_1168 = arith.addi %mul3A_1121, %add3A_1167 : vector<16xi32>
      %gather3A_1169 = tpu.vector_load_idx %arg13[%add3A_1168] : memref<816xf32, #tpu.memory_space<vmem>>[vector<16xi32>], vector<16xf32>,
      %add3A_1170 = arith.constant 12 : i32
      %add3A_1171 = vector.broadcast %add3A_1170 : i32 to vector<16xi32>
      %add3A_1172 = arith.addi %mul3A_1121, %add3A_1171 : vector<16xi32>
      %gather3A_1173 = tpu.vector_load_idx %arg13[%add3A_1172] : memref<816xf32, #tpu.memory_space<vmem>>[vector<16xi32>], vector<16xf32>,
      %add3A_1174 = arith.constant 13 : i32
      %add3A_1175 = vector.broadcast %add3A_1174 : i32 to vector<16xi32>
      %add3A_1176 = arith.addi %mul3A_1121, %add3A_1175 : vector<16xi32>
      %gather3A_1177 = tpu.vector_load_idx %arg13[%add3A_1176] : memref<816xf32, #tpu.memory_space<vmem>>[vector<16xi32>], vector<16xf32>,
      %add3A_1178 = arith.constant 14 : i32
      %add3A_1179 = vector.broadcast %add3A_1178 : i32 to vector<16xi32>
      %add3A_1180 = arith.addi %mul3A_1121, %add3A_1179 : vector<16xi32>
      %gather3A_1181 = tpu.vector_load_idx %arg13[%add3A_1180] : memref<816xf32, #tpu.memory_space<vmem>>[vector<16xi32>], vector<16xf32>,
      %add3A_1182 = arith.constant 15 : i32
      %add3A_1183 = vector.broadcast %add3A_1182 : i32 to vector<16xi32>
      %add3A_1184 = arith.addi %mul3A_1121, %add3A_1183 : vector<16xi32>
      %gather3A_1185 = tpu.vector_load_idx %arg13[%add3A_1184] : memref<816xf32, #tpu.memory_space<vmem>>[vector<16xi32>], vector<16xf32>,
      %add3A_1186 = arith.addf %gather3A_1125, %gather3A_1129 : vector<16xf32>
      %add3A_1187 = arith.addf %gather3A_1133, %gather3A_1137 : vector<16xf32>
      %add3A_1188 = arith.addf %gather3A_1141, %gather3A_1145 : vector<16xf32>
      %add3A_1189 = arith.addf %gather3A_1149, %gather3A_1153 : vector<16xf32>
      %add3A_1190 = arith.addf %gather3A_1157, %gather3A_1161 : vector<16xf32>
      %add3A_1191 = arith.addf %gather3A_1165, %gather3A_1169 : vector<16xf32>
      %add3A_1192 = arith.addf %gather3A_1173, %gather3A_1177 : vector<16xf32>
      %add3A_1193 = arith.addf %gather3A_1181, %gather3A_1185 : vector<16xf32>
      %add3A_1194 = arith.addf %add3A_1186, %add3A_1187 : vector<16xf32>
      %add3A_1195 = arith.addf %add3A_1188, %add3A_1189 : vector<16xf32>
      %add3A_1196 = arith.addf %add3A_1190, %add3A_1191 : vector<16xf32>
      %add3A_1197 = arith.addf %add3A_1192, %add3A_1193 : vector<16xf32>
      %add3A_1198 = arith.addf %add3A_1194, %add3A_1195 : vector<16xf32>
      %add3A_1199 = arith.addf %add3A_1196, %add3A_1197 : vector<16xf32>
      %add3A_1200 = arith.addf %add3A_1198, %add3A_1199 : vector<16xf32>
      %mul3A_1201 = arith.constant 40 : i32
      %mul3A_1202 = arith.muli %add3A_1063, %mul3A_1201 : i32
      %add3A_1203 = arith.constant 0 : i32
      %add3A_1204 = arith.addi %mul3A_1202, %add3A_1203 : i32
      %swap3A_1205 = arith.index_cast %add3A_1204 : i32 to index
      %swap3A_1206 = tpu.vector_load %arg12[%swap3A_1205] {strides = array<i32>} : memref<5032xf32, #tpu.memory_space<vmem>>, vector<16xf32>,
      tpu.vector_store %arg12[%swap3A_1205], %add3A_1200 {strides = array<i32>} : memref<5032xf32, #tpu.memory_space<vmem>>, vector<16xf32>,
      %add3A_1207 = arith.constant 16 : i32
      %add3A_1208 = vector.broadcast %add3A_1207 : i32 to vector<16xi32>
      %add3A_1209 = arith.addi %add3A_1208, %iota3A : vector<16xi32>
      %mul3A_1210 = arith.constant 17 : i32
      %mul3A_1211 = vector.broadcast %mul3A_1210 : i32 to vector<16xi32>
      %mul3A_1212 = arith.muli %add3A_1209, %mul3A_1211 : vector<16xi32>
      %add3A_1213 = arith.constant 0 : i32
      %add3A_1214 = vector.broadcast %add3A_1213 : i32 to vector<16xi32>
      %add3A_1215 = arith.addi %mul3A_1212, %add3A_1214 : vector<16xi32>
      %gather3A_1216 = tpu.vector_load_idx %arg13[%add3A_1215] : memref<816xf32, #tpu.memory_space<vmem>>[vector<16xi32>], vector<16xf32>,
      %add3A_1217 = arith.constant 1 : i32
      %add3A_1218 = vector.broadcast %add3A_1217 : i32 to vector<16xi32>
      %add3A_1219 = arith.addi %mul3A_1212, %add3A_1218 : vector<16xi32>
      %gather3A_1220 = tpu.vector_load_idx %arg13[%add3A_1219] : memref<816xf32, #tpu.memory_space<vmem>>[vector<16xi32>], vector<16xf32>,
      %add3A_1221 = arith.constant 2 : i32
      %add3A_1222 = vector.broadcast %add3A_1221 : i32 to vector<16xi32>
      %add3A_1223 = arith.addi %mul3A_1212, %add3A_1222 : vector<16xi32>
      %gather3A_1224 = tpu.vector_load_idx %arg13[%add3A_1223] : memref<816xf32, #tpu.memory_space<vmem>>[vector<16xi32>], vector<16xf32>,
      %add3A_1225 = arith.constant 3 : i32
      %add3A_1226 = vector.broadcast %add3A_1225 : i32 to vector<16xi32>
      %add3A_1227 = arith.addi %mul3A_1212, %add3A_1226 : vector<16xi32>
      %gather3A_1228 = tpu.vector_load_idx %arg13[%add3A_1227] : memref<816xf32, #tpu.memory_space<vmem>>[vector<16xi32>], vector<16xf32>,
      %add3A_1229 = arith.constant 4 : i32
      %add3A_1230 = vector.broadcast %add3A_1229 : i32 to vector<16xi32>
      %add3A_1231 = arith.addi %mul3A_1212, %add3A_1230 : vector<16xi32>
      %gather3A_1232 = tpu.vector_load_idx %arg13[%add3A_1231] : memref<816xf32, #tpu.memory_space<vmem>>[vector<16xi32>], vector<16xf32>,
      %add3A_1233 = arith.constant 5 : i32
      %add3A_1234 = vector.broadcast %add3A_1233 : i32 to vector<16xi32>
      %add3A_1235 = arith.addi %mul3A_1212, %add3A_1234 : vector<16xi32>
      %gather3A_1236 = tpu.vector_load_idx %arg13[%add3A_1235] : memref<816xf32, #tpu.memory_space<vmem>>[vector<16xi32>], vector<16xf32>,
      %add3A_1237 = arith.constant 6 : i32
      %add3A_1238 = vector.broadcast %add3A_1237 : i32 to vector<16xi32>
      %add3A_1239 = arith.addi %mul3A_1212, %add3A_1238 : vector<16xi32>
      %gather3A_1240 = tpu.vector_load_idx %arg13[%add3A_1239] : memref<816xf32, #tpu.memory_space<vmem>>[vector<16xi32>], vector<16xf32>,
      %add3A_1241 = arith.constant 7 : i32
      %add3A_1242 = vector.broadcast %add3A_1241 : i32 to vector<16xi32>
      %add3A_1243 = arith.addi %mul3A_1212, %add3A_1242 : vector<16xi32>
      %gather3A_1244 = tpu.vector_load_idx %arg13[%add3A_1243] : memref<816xf32, #tpu.memory_space<vmem>>[vector<16xi32>], vector<16xf32>,
      %add3A_1245 = arith.constant 8 : i32
      %add3A_1246 = vector.broadcast %add3A_1245 : i32 to vector<16xi32>
      %add3A_1247 = arith.addi %mul3A_1212, %add3A_1246 : vector<16xi32>
      %gather3A_1248 = tpu.vector_load_idx %arg13[%add3A_1247] : memref<816xf32, #tpu.memory_space<vmem>>[vector<16xi32>], vector<16xf32>,
      %add3A_1249 = arith.constant 9 : i32
      %add3A_1250 = vector.broadcast %add3A_1249 : i32 to vector<16xi32>
      %add3A_1251 = arith.addi %mul3A_1212, %add3A_1250 : vector<16xi32>
      %gather3A_1252 = tpu.vector_load_idx %arg13[%add3A_1251] : memref<816xf32, #tpu.memory_space<vmem>>[vector<16xi32>], vector<16xf32>,
      %add3A_1253 = arith.constant 10 : i32
      %add3A_1254 = vector.broadcast %add3A_1253 : i32 to vector<16xi32>
      %add3A_1255 = arith.addi %mul3A_1212, %add3A_1254 : vector<16xi32>
      %gather3A_1256 = tpu.vector_load_idx %arg13[%add3A_1255] : memref<816xf32, #tpu.memory_space<vmem>>[vector<16xi32>], vector<16xf32>,
      %add3A_1257 = arith.constant 11 : i32
      %add3A_1258 = vector.broadcast %add3A_1257 : i32 to vector<16xi32>
      %add3A_1259 = arith.addi %mul3A_1212, %add3A_1258 : vector<16xi32>
      %gather3A_1260 = tpu.vector_load_idx %arg13[%add3A_1259] : memref<816xf32, #tpu.memory_space<vmem>>[vector<16xi32>], vector<16xf32>,
      %add3A_1261 = arith.constant 12 : i32
      %add3A_1262 = vector.broadcast %add3A_1261 : i32 to vector<16xi32>
      %add3A_1263 = arith.addi %mul3A_1212, %add3A_1262 : vector<16xi32>
      %gather3A_1264 = tpu.vector_load_idx %arg13[%add3A_1263] : memref<816xf32, #tpu.memory_space<vmem>>[vector<16xi32>], vector<16xf32>,
      %add3A_1265 = arith.constant 13 : i32
      %add3A_1266 = vector.broadcast %add3A_1265 : i32 to vector<16xi32>
      %add3A_1267 = arith.addi %mul3A_1212, %add3A_1266 : vector<16xi32>
      %gather3A_1268 = tpu.vector_load_idx %arg13[%add3A_1267] : memref<816xf32, #tpu.memory_space<vmem>>[vector<16xi32>], vector<16xf32>,
      %add3A_1269 = arith.constant 14 : i32
      %add3A_1270 = vector.broadcast %add3A_1269 : i32 to vector<16xi32>
      %add3A_1271 = arith.addi %mul3A_1212, %add3A_1270 : vector<16xi32>
      %gather3A_1272 = tpu.vector_load_idx %arg13[%add3A_1271] : memref<816xf32, #tpu.memory_space<vmem>>[vector<16xi32>], vector<16xf32>,
      %add3A_1273 = arith.constant 15 : i32
      %add3A_1274 = vector.broadcast %add3A_1273 : i32 to vector<16xi32>
      %add3A_1275 = arith.addi %mul3A_1212, %add3A_1274 : vector<16xi32>
      %gather3A_1276 = tpu.vector_load_idx %arg13[%add3A_1275] : memref<816xf32, #tpu.memory_space<vmem>>[vector<16xi32>], vector<16xf32>,
      %add3A_1277 = arith.addf %gather3A_1216, %gather3A_1220 : vector<16xf32>
      %add3A_1278 = arith.addf %gather3A_1224, %gather3A_1228 : vector<16xf32>
      %add3A_1279 = arith.addf %gather3A_1232, %gather3A_1236 : vector<16xf32>
      %add3A_1280 = arith.addf %gather3A_1240, %gather3A_1244 : vector<16xf32>
      %add3A_1281 = arith.addf %gather3A_1248, %gather3A_1252 : vector<16xf32>
      %add3A_1282 = arith.addf %gather3A_1256, %gather3A_1260 : vector<16xf32>
      %add3A_1283 = arith.addf %gather3A_1264, %gather3A_1268 : vector<16xf32>
      %add3A_1284 = arith.addf %gather3A_1272, %gather3A_1276 : vector<16xf32>
      %add3A_1285 = arith.addf %add3A_1277, %add3A_1278 : vector<16xf32>
      %add3A_1286 = arith.addf %add3A_1279, %add3A_1280 : vector<16xf32>
      %add3A_1287 = arith.addf %add3A_1281, %add3A_1282 : vector<16xf32>
      %add3A_1288 = arith.addf %add3A_1283, %add3A_1284 : vector<16xf32>
      %add3A_1289 = arith.addf %add3A_1285, %add3A_1286 : vector<16xf32>
      %add3A_1290 = arith.addf %add3A_1287, %add3A_1288 : vector<16xf32>
      %add3A_1291 = arith.addf %add3A_1289, %add3A_1290 : vector<16xf32>
      %mul3A_1292 = arith.constant 40 : i32
      %mul3A_1293 = arith.muli %add3A_1063, %mul3A_1292 : i32
      %add3A_1294 = arith.constant 16 : i32
      %add3A_1295 = arith.addi %mul3A_1293, %add3A_1294 : i32
      %swap3A_1296 = arith.index_cast %add3A_1295 : i32 to index
      %swap3A_1297 = tpu.vector_load %arg12[%swap3A_1296] {strides = array<i32>} : memref<5032xf32, #tpu.memory_space<vmem>>, vector<16xf32>,
      tpu.vector_store %arg12[%swap3A_1296], %add3A_1291 {strides = array<i32>} : memref<5032xf32, #tpu.memory_space<vmem>>, vector<16xf32>,
      %add3A_1298 = arith.constant 32 : i32
      %add3A_1299 = vector.broadcast %add3A_1298 : i32 to vector<16xi32>
      %add3A_1300 = arith.addi %add3A_1299, %iota3A : vector<16xi32>
      %mul3A_1301 = arith.constant 17 : i32
      %mul3A_1302 = vector.broadcast %mul3A_1301 : i32 to vector<16xi32>
      %mul3A_1303 = arith.muli %add3A_1300, %mul3A_1302 : vector<16xi32>
      %add3A_1304 = arith.constant 0 : i32
      %add3A_1305 = vector.broadcast %add3A_1304 : i32 to vector<16xi32>
      %add3A_1306 = arith.addi %mul3A_1303, %add3A_1305 : vector<16xi32>
      %gather3A_1307 = tpu.vector_load_idx %arg13[%add3A_1306] : memref<816xf32, #tpu.memory_space<vmem>>[vector<16xi32>], vector<16xf32>,
      %add3A_1308 = arith.constant 1 : i32
      %add3A_1309 = vector.broadcast %add3A_1308 : i32 to vector<16xi32>
      %add3A_1310 = arith.addi %mul3A_1303, %add3A_1309 : vector<16xi32>
      %gather3A_1311 = tpu.vector_load_idx %arg13[%add3A_1310] : memref<816xf32, #tpu.memory_space<vmem>>[vector<16xi32>], vector<16xf32>,
      %add3A_1312 = arith.constant 2 : i32
      %add3A_1313 = vector.broadcast %add3A_1312 : i32 to vector<16xi32>
      %add3A_1314 = arith.addi %mul3A_1303, %add3A_1313 : vector<16xi32>
      %gather3A_1315 = tpu.vector_load_idx %arg13[%add3A_1314] : memref<816xf32, #tpu.memory_space<vmem>>[vector<16xi32>], vector<16xf32>,
      %add3A_1316 = arith.constant 3 : i32
      %add3A_1317 = vector.broadcast %add3A_1316 : i32 to vector<16xi32>
      %add3A_1318 = arith.addi %mul3A_1303, %add3A_1317 : vector<16xi32>
      %gather3A_1319 = tpu.vector_load_idx %arg13[%add3A_1318] : memref<816xf32, #tpu.memory_space<vmem>>[vector<16xi32>], vector<16xf32>,
      %add3A_1320 = arith.constant 4 : i32
      %add3A_1321 = vector.broadcast %add3A_1320 : i32 to vector<16xi32>
      %add3A_1322 = arith.addi %mul3A_1303, %add3A_1321 : vector<16xi32>
      %gather3A_1323 = tpu.vector_load_idx %arg13[%add3A_1322] : memref<816xf32, #tpu.memory_space<vmem>>[vector<16xi32>], vector<16xf32>,
      %add3A_1324 = arith.constant 5 : i32
      %add3A_1325 = vector.broadcast %add3A_1324 : i32 to vector<16xi32>
      %add3A_1326 = arith.addi %mul3A_1303, %add3A_1325 : vector<16xi32>
      %gather3A_1327 = tpu.vector_load_idx %arg13[%add3A_1326] : memref<816xf32, #tpu.memory_space<vmem>>[vector<16xi32>], vector<16xf32>,
      %add3A_1328 = arith.constant 6 : i32
      %add3A_1329 = vector.broadcast %add3A_1328 : i32 to vector<16xi32>
      %add3A_1330 = arith.addi %mul3A_1303, %add3A_1329 : vector<16xi32>
      %gather3A_1331 = tpu.vector_load_idx %arg13[%add3A_1330] : memref<816xf32, #tpu.memory_space<vmem>>[vector<16xi32>], vector<16xf32>,
      %add3A_1332 = arith.constant 7 : i32
      %add3A_1333 = vector.broadcast %add3A_1332 : i32 to vector<16xi32>
      %add3A_1334 = arith.addi %mul3A_1303, %add3A_1333 : vector<16xi32>
      %gather3A_1335 = tpu.vector_load_idx %arg13[%add3A_1334] : memref<816xf32, #tpu.memory_space<vmem>>[vector<16xi32>], vector<16xf32>,
      %add3A_1336 = arith.constant 8 : i32
      %add3A_1337 = vector.broadcast %add3A_1336 : i32 to vector<16xi32>
      %add3A_1338 = arith.addi %mul3A_1303, %add3A_1337 : vector<16xi32>
      %gather3A_1339 = tpu.vector_load_idx %arg13[%add3A_1338] : memref<816xf32, #tpu.memory_space<vmem>>[vector<16xi32>], vector<16xf32>,
      %add3A_1340 = arith.constant 9 : i32
      %add3A_1341 = vector.broadcast %add3A_1340 : i32 to vector<16xi32>
      %add3A_1342 = arith.addi %mul3A_1303, %add3A_1341 : vector<16xi32>
      %gather3A_1343 = tpu.vector_load_idx %arg13[%add3A_1342] : memref<816xf32, #tpu.memory_space<vmem>>[vector<16xi32>], vector<16xf32>,
      %add3A_1344 = arith.constant 10 : i32
      %add3A_1345 = vector.broadcast %add3A_1344 : i32 to vector<16xi32>
      %add3A_1346 = arith.addi %mul3A_1303, %add3A_1345 : vector<16xi32>
      %gather3A_1347 = tpu.vector_load_idx %arg13[%add3A_1346] : memref<816xf32, #tpu.memory_space<vmem>>[vector<16xi32>], vector<16xf32>,
      %add3A_1348 = arith.constant 11 : i32
      %add3A_1349 = vector.broadcast %add3A_1348 : i32 to vector<16xi32>
      %add3A_1350 = arith.addi %mul3A_1303, %add3A_1349 : vector<16xi32>
      %gather3A_1351 = tpu.vector_load_idx %arg13[%add3A_1350] : memref<816xf32, #tpu.memory_space<vmem>>[vector<16xi32>], vector<16xf32>,
      %add3A_1352 = arith.constant 12 : i32
      %add3A_1353 = vector.broadcast %add3A_1352 : i32 to vector<16xi32>
      %add3A_1354 = arith.addi %mul3A_1303, %add3A_1353 : vector<16xi32>
      %gather3A_1355 = tpu.vector_load_idx %arg13[%add3A_1354] : memref<816xf32, #tpu.memory_space<vmem>>[vector<16xi32>], vector<16xf32>,
      %add3A_1356 = arith.constant 13 : i32
      %add3A_1357 = vector.broadcast %add3A_1356 : i32 to vector<16xi32>
      %add3A_1358 = arith.addi %mul3A_1303, %add3A_1357 : vector<16xi32>
      %gather3A_1359 = tpu.vector_load_idx %arg13[%add3A_1358] : memref<816xf32, #tpu.memory_space<vmem>>[vector<16xi32>], vector<16xf32>,
      %add3A_1360 = arith.constant 14 : i32
      %add3A_1361 = vector.broadcast %add3A_1360 : i32 to vector<16xi32>
      %add3A_1362 = arith.addi %mul3A_1303, %add3A_1361 : vector<16xi32>
      %gather3A_1363 = tpu.vector_load_idx %arg13[%add3A_1362] : memref<816xf32, #tpu.memory_space<vmem>>[vector<16xi32>], vector<16xf32>,
      %add3A_1364 = arith.constant 15 : i32
      %add3A_1365 = vector.broadcast %add3A_1364 : i32 to vector<16xi32>
      %add3A_1366 = arith.addi %mul3A_1303, %add3A_1365 : vector<16xi32>
      %gather3A_1367 = tpu.vector_load_idx %arg13[%add3A_1366] : memref<816xf32, #tpu.memory_space<vmem>>[vector<16xi32>], vector<16xf32>,
      %add3A_1368 = arith.addf %gather3A_1307, %gather3A_1311 : vector<16xf32>
      %add3A_1369 = arith.addf %gather3A_1315, %gather3A_1319 : vector<16xf32>
      %add3A_1370 = arith.addf %gather3A_1323, %gather3A_1327 : vector<16xf32>
      %add3A_1371 = arith.addf %gather3A_1331, %gather3A_1335 : vector<16xf32>
      %add3A_1372 = arith.addf %gather3A_1339, %gather3A_1343 : vector<16xf32>
      %add3A_1373 = arith.addf %gather3A_1347, %gather3A_1351 : vector<16xf32>
      %add3A_1374 = arith.addf %gather3A_1355, %gather3A_1359 : vector<16xf32>
      %add3A_1375 = arith.addf %gather3A_1363, %gather3A_1367 : vector<16xf32>
      %add3A_1376 = arith.addf %add3A_1368, %add3A_1369 : vector<16xf32>
      %add3A_1377 = arith.addf %add3A_1370, %add3A_1371 : vector<16xf32>
      %add3A_1378 = arith.addf %add3A_1372, %add3A_1373 : vector<16xf32>
      %add3A_1379 = arith.addf %add3A_1374, %add3A_1375 : vector<16xf32>
      %add3A_1380 = arith.addf %add3A_1376, %add3A_1377 : vector<16xf32>
      %add3A_1381 = arith.addf %add3A_1378, %add3A_1379 : vector<16xf32>
      %add3A_1382 = arith.addf %add3A_1380, %add3A_1381 : vector<16xf32>
      %mul3A_1383 = arith.constant 40 : i32
      %mul3A_1384 = arith.muli %add3A_1063, %mul3A_1383 : i32
      %add3A_1385 = arith.constant 32 : i32
      %add3A_1386 = arith.addi %mul3A_1384, %add3A_1385 : i32
      %swap3A_1387 = arith.index_cast %add3A_1386 : i32 to index
      %swap3A_1388 = tpu.vector_load %arg12[%swap3A_1387] {strides = array<i32>} : memref<5032xf32, #tpu.memory_space<vmem>>, vector<16xf32>,
      tpu.vector_store %arg12[%swap3A_1387], %add3A_1382 {strides = array<i32>} : memref<5032xf32, #tpu.memory_space<vmem>>, vector<16xf32>,
      %add3A_1389 = arith.constant 3 : i32
      %add3A_1390 = arith.addi %mul3A_408, %add3A_1389 : i32
      %dma_wait3A_1391 = arith.constant 0 : i32
      %dma_wait3A_1392 = tpu.memref_slice %arg3[%dma_wait3A_1391] : memref<320000xi32, #tpu.memory_space<hbm>> -> memref<160xi32, #tpu.memory_space<hbm>>
      %dma_wait3A_1393 = arith.constant 0 : i32
      %dma_wait3A_1394 = tpu.memref_slice %arg3[%dma_wait3A_1393] : memref<320000xi32, #tpu.memory_space<hbm>> -> memref<160xi32, #tpu.memory_space<hbm>>
      tpu.wait_dma2 semaphore(%arg15 : memref<!tpu.dma_semaphore, #tpu.memory_space<semaphore_mem>>) src(%dma_wait3A_1394 : memref<160xi32, #tpu.memory_space<hbm>>) dst(%arg6 : memref<160xi32, #tpu.memory_space<vmem>>)
      %dma_start3A_1395 = arith.constant 0 : i32
      %dma_start3A_1396 = arith.constant 0 : i32
      %dma_start3A_1397 = tpu.memref_slice %arg10[%dma_start3A_1395, %dma_start3A_1396] : memref<160x128xf32, #tpu.memory_space<vmem>> -> memref<40x128xf32, #tpu.memory_space<vmem>>
      %dma_start3A_1398 = arith.constant 0 : i32
      %dma_start3A_1399 = tpu.memref_slice %arg6[%dma_start3A_1398] : memref<160xi32, #tpu.memory_space<vmem>> -> memref<40xi32, #tpu.memory_space<vmem>>
      %dma_start3A_1400 = arith.constant 0 : i32
      %dma_start3A_1401 = arith.constant 0 : i32
      %dma_start3A_1402 = tpu.memref_slice %arg14[%dma_start3A_1400, %dma_start3A_1401] : memref<10000x128xf32, #tpu.memory_space<vmem_shared>> -> memref<10000x128xf32, #tpu.memory_space<vmem_shared>>
      tpu.enqueue_indirect_dma source(%dma_start3A_1402 : memref<10000x128xf32, #tpu.memory_space<vmem_shared>>) target(%dma_start3A_1397 : memref<40x128xf32, #tpu.memory_space<vmem>>) offsets(%dma_start3A_1399 : memref<40xi32, #tpu.memory_space<vmem>>) semaphore(%arg19 : memref<!tpu.dma_semaphore, #tpu.memory_space<semaphore_mem>>)
      %dma_start3A_1403 = arith.constant 40 : i32
      %dma_start3A_1404 = arith.constant 0 : i32
      %dma_start3A_1405 = tpu.memref_slice %arg10[%dma_start3A_1403, %dma_start3A_1404] : memref<160x128xf32, #tpu.memory_space<vmem>> -> memref<40x128xf32, #tpu.memory_space<vmem>>
      %dma_start3A_1406 = arith.constant 40 : i32
      %dma_start3A_1407 = tpu.memref_slice %arg6[%dma_start3A_1406] : memref<160xi32, #tpu.memory_space<vmem>> -> memref<40xi32, #tpu.memory_space<vmem>>
      %dma_start3A_1408 = arith.constant 0 : i32
      %dma_start3A_1409 = arith.constant 0 : i32
      %dma_start3A_1410 = tpu.memref_slice %arg14[%dma_start3A_1408, %dma_start3A_1409] : memref<10000x128xf32, #tpu.memory_space<vmem_shared>> -> memref<10000x128xf32, #tpu.memory_space<vmem_shared>>
      tpu.enqueue_indirect_dma source(%dma_start3A_1410 : memref<10000x128xf32, #tpu.memory_space<vmem_shared>>) target(%dma_start3A_1405 : memref<40x128xf32, #tpu.memory_space<vmem>>) offsets(%dma_start3A_1407 : memref<40xi32, #tpu.memory_space<vmem>>) semaphore(%arg19 : memref<!tpu.dma_semaphore, #tpu.memory_space<semaphore_mem>>)
      %dma_start3A_1411 = arith.constant 80 : i32
      %dma_start3A_1412 = arith.constant 0 : i32
      %dma_start3A_1413 = tpu.memref_slice %arg10[%dma_start3A_1411, %dma_start3A_1412] : memref<160x128xf32, #tpu.memory_space<vmem>> -> memref<40x128xf32, #tpu.memory_space<vmem>>
      %dma_start3A_1414 = arith.constant 80 : i32
      %dma_start3A_1415 = tpu.memref_slice %arg6[%dma_start3A_1414] : memref<160xi32, #tpu.memory_space<vmem>> -> memref<40xi32, #tpu.memory_space<vmem>>
      %dma_start3A_1416 = arith.constant 0 : i32
      %dma_start3A_1417 = arith.constant 0 : i32
      %dma_start3A_1418 = tpu.memref_slice %arg14[%dma_start3A_1416, %dma_start3A_1417] : memref<10000x128xf32, #tpu.memory_space<vmem_shared>> -> memref<10000x128xf32, #tpu.memory_space<vmem_shared>>
      tpu.enqueue_indirect_dma source(%dma_start3A_1418 : memref<10000x128xf32, #tpu.memory_space<vmem_shared>>) target(%dma_start3A_1413 : memref<40x128xf32, #tpu.memory_space<vmem>>) offsets(%dma_start3A_1415 : memref<40xi32, #tpu.memory_space<vmem>>) semaphore(%arg19 : memref<!tpu.dma_semaphore, #tpu.memory_space<semaphore_mem>>)
      %dma_start3A_1419 = arith.constant 120 : i32
      %dma_start3A_1420 = arith.constant 0 : i32
      %dma_start3A_1421 = tpu.memref_slice %arg10[%dma_start3A_1419, %dma_start3A_1420] : memref<160x128xf32, #tpu.memory_space<vmem>> -> memref<40x128xf32, #tpu.memory_space<vmem>>
      %dma_start3A_1422 = arith.constant 120 : i32
      %dma_start3A_1423 = tpu.memref_slice %arg6[%dma_start3A_1422] : memref<160xi32, #tpu.memory_space<vmem>> -> memref<40xi32, #tpu.memory_space<vmem>>
      %dma_start3A_1424 = arith.constant 0 : i32
      %dma_start3A_1425 = arith.constant 0 : i32
      %dma_start3A_1426 = tpu.memref_slice %arg14[%dma_start3A_1424, %dma_start3A_1425] : memref<10000x128xf32, #tpu.memory_space<vmem_shared>> -> memref<10000x128xf32, #tpu.memory_space<vmem_shared>>
      tpu.enqueue_indirect_dma source(%dma_start3A_1426 : memref<10000x128xf32, #tpu.memory_space<vmem_shared>>) target(%dma_start3A_1421 : memref<40x128xf32, #tpu.memory_space<vmem>>) offsets(%dma_start3A_1423 : memref<40xi32, #tpu.memory_space<vmem>>) semaphore(%arg19 : memref<!tpu.dma_semaphore, #tpu.memory_space<semaphore_mem>>)
      %dma_wait3A_1427 = arith.constant 0 : i32
      %dma_wait3A_1428 = arith.constant 0 : i32
      %dma_wait3A_1429 = tpu.memref_slice %arg2[%dma_wait3A_1427, %dma_wait3A_1428] : memref<10000x128xf32, #tpu.memory_space<hbm>> -> memref<160x128xf32, #tpu.memory_space<hbm>>
      %dma_wait3A_1430 = arith.constant 0 : i32
      %dma_wait3A_1431 = arith.constant 0 : i32
      %dma_wait3A_1432 = tpu.memref_slice %arg2[%dma_wait3A_1430, %dma_wait3A_1431] : memref<10000x128xf32, #tpu.memory_space<hbm>> -> memref<160x128xf32, #tpu.memory_space<hbm>>
      tpu.wait_dma2 semaphore(%arg20 : memref<!tpu.dma_semaphore, #tpu.memory_space<semaphore_mem>>) src(%dma_wait3A_1432 : memref<160x128xf32, #tpu.memory_space<hbm>>) dst(%arg11 : memref<160x128xf32, #tpu.memory_space<vmem>>)
      %add3A_1433 = arith.constant 3 : i32
      %add3A_1434 = arith.addi %add3A_1390, %add3A_1433 : i32
      %lt3A_1435 = arith.constant 125 : i32
      %lt3A_1436 = arith.cmpi slt, %add3A_1434, %lt3A_1435 : i32
      %convert_element_type3A_1437 = arith.extui %lt3A_1436 : i1 to i32
      %cond3A_1438 = arith.constant 0 : i32
      %cond3A_1439 = arith.cmpi ne, %convert_element_type3A_1437, %cond3A_1438 : i32
      scf.if %cond3A_1439 {
        %add3A_1716 = arith.constant 3 : i32
        %add3A_1717 = arith.addi %add3A_1390, %add3A_1716 : i32
        %mul3A_1718 = arith.constant 40 : i32
        %mul3A_1719 = arith.muli %add3A_1717, %mul3A_1718 : i32
        %add3A_1720 = arith.addi %mul3A_2, %mul3A_1719 : i32
        %add3A_1721 = arith.constant 160000 : i32
        %add3A_1722 = arith.addi %add3A_1720, %add3A_1721 : i32
        %add3A_1723 = arith.constant 160000 : i32
        %add3A_1724 = arith.addi %add3A_1720, %add3A_1723 : i32
        %dma_start3A_1725 = arith.constant 0 : i32
        %dma_start3A_1726 = tpu.memref_slice %arg8[%dma_start3A_1725] : memref<160xi32, #tpu.memory_space<vmem>> -> memref<40xi32, #tpu.memory_space<vmem>>
        %dma_start3A_1727 = tpu.memref_slice %arg3[%add3A_1720] : memref<320000xi32, #tpu.memory_space<hbm>> -> memref<40xi32, #tpu.memory_space<hbm>>
        %dma_start3A_1728 = arith.constant 0 : i32
        %dma_start3A_1729 = tpu.memref_slice %arg8[%dma_start3A_1728] : memref<160xi32, #tpu.memory_space<vmem>> -> memref<40xi32, #tpu.memory_space<vmem>>
        %dma_start3A_1730 = tpu.memref_slice %arg3[%add3A_1720] : memref<320000xi32, #tpu.memory_space<hbm>> -> memref<40xi32, #tpu.memory_space<hbm>>
        tpu.enqueue_dma source(%dma_start3A_1730 : memref<40xi32, #tpu.memory_space<hbm>>) target(%dma_start3A_1729 : memref<40xi32, #tpu.memory_space<vmem>>) target_semaphore(%arg17 : memref<!tpu.dma_semaphore, #tpu.memory_space<semaphore_mem>>)
        %dma_start3A_1731 = arith.constant 40 : i32
        %dma_start3A_1732 = tpu.memref_slice %arg8[%dma_start3A_1731] : memref<160xi32, #tpu.memory_space<vmem>> -> memref<40xi32, #tpu.memory_space<vmem>>
        %dma_start3A_1733 = tpu.memref_slice %arg4[%add3A_1720] : memref<320000xi32, #tpu.memory_space<hbm>> -> memref<40xi32, #tpu.memory_space<hbm>>
        %dma_start3A_1734 = arith.constant 40 : i32
        %dma_start3A_1735 = tpu.memref_slice %arg8[%dma_start3A_1734] : memref<160xi32, #tpu.memory_space<vmem>> -> memref<40xi32, #tpu.memory_space<vmem>>
        %dma_start3A_1736 = tpu.memref_slice %arg4[%add3A_1720] : memref<320000xi32, #tpu.memory_space<hbm>> -> memref<40xi32, #tpu.memory_space<hbm>>
        tpu.enqueue_dma source(%dma_start3A_1736 : memref<40xi32, #tpu.memory_space<hbm>>) target(%dma_start3A_1735 : memref<40xi32, #tpu.memory_space<vmem>>) target_semaphore(%arg17 : memref<!tpu.dma_semaphore, #tpu.memory_space<semaphore_mem>>)
        %dma_start3A_1737 = arith.constant 80 : i32
        %dma_start3A_1738 = tpu.memref_slice %arg8[%dma_start3A_1737] : memref<160xi32, #tpu.memory_space<vmem>> -> memref<40xi32, #tpu.memory_space<vmem>>
        %dma_start3A_1739 = tpu.memref_slice %arg3[%add3A_1722] : memref<320000xi32, #tpu.memory_space<hbm>> -> memref<40xi32, #tpu.memory_space<hbm>>
        %dma_start3A_1740 = arith.constant 80 : i32
        %dma_start3A_1741 = tpu.memref_slice %arg8[%dma_start3A_1740] : memref<160xi32, #tpu.memory_space<vmem>> -> memref<40xi32, #tpu.memory_space<vmem>>
        %dma_start3A_1742 = tpu.memref_slice %arg3[%add3A_1722] : memref<320000xi32, #tpu.memory_space<hbm>> -> memref<40xi32, #tpu.memory_space<hbm>>
        tpu.enqueue_dma source(%dma_start3A_1742 : memref<40xi32, #tpu.memory_space<hbm>>) target(%dma_start3A_1741 : memref<40xi32, #tpu.memory_space<vmem>>) target_semaphore(%arg17 : memref<!tpu.dma_semaphore, #tpu.memory_space<semaphore_mem>>)
        %dma_start3A_1743 = arith.constant 120 : i32
        %dma_start3A_1744 = tpu.memref_slice %arg8[%dma_start3A_1743] : memref<160xi32, #tpu.memory_space<vmem>> -> memref<40xi32, #tpu.memory_space<vmem>>
        %dma_start3A_1745 = tpu.memref_slice %arg4[%add3A_1724] : memref<320000xi32, #tpu.memory_space<hbm>> -> memref<40xi32, #tpu.memory_space<hbm>>
        %dma_start3A_1746 = arith.constant 120 : i32
        %dma_start3A_1747 = tpu.memref_slice %arg8[%dma_start3A_1746] : memref<160xi32, #tpu.memory_space<vmem>> -> memref<40xi32, #tpu.memory_space<vmem>>
        %dma_start3A_1748 = tpu.memref_slice %arg4[%add3A_1724] : memref<320000xi32, #tpu.memory_space<hbm>> -> memref<40xi32, #tpu.memory_space<hbm>>
        tpu.enqueue_dma source(%dma_start3A_1748 : memref<40xi32, #tpu.memory_space<hbm>>) target(%dma_start3A_1747 : memref<40xi32, #tpu.memory_space<vmem>>) target_semaphore(%arg17 : memref<!tpu.dma_semaphore, #tpu.memory_space<semaphore_mem>>)
      } else {
      }
      %parallel_loop3A_1440 = arith.constant 0 : i32
      %parallel_loop3A_1441 = arith.constant 40 : i32
      %parallel_loop3A_1442 = arith.constant 1 : i32
      scf.for %parallel_loop3A_1716 = %parallel_loop3A_1440 to %parallel_loop3A_1441 step %parallel_loop3A_1442  : i32 {
        %parallel_loop3A_1717 = arith.constant 17 : i32
        %parallel_loop3A_1718 = arith.muli %parallel_loop3A_1716, %parallel_loop3A_1717 : i32
        %parallel_loop3A_1719 = vector.broadcast %parallel_loop3A_1718 : i32 to vector<16xi32>
        %parallel_loop3A_1720 = arith.addi %parallel_loop3A_1719, %iota3A : vector<16xi32>
        %parallel_loop3A_1721 = arith.index_cast %parallel_loop3A_1716 : i32 to index
        %parallel_loop3A_1722 = arith.constant 0 : index
        %parallel_loop3A_1723 = tpu.vector_load %arg11[%parallel_loop3A_1721, %parallel_loop3A_1722] {strides = array<i32>} : memref<160x128xf32, #tpu.memory_space<vmem>>, vector<16xf32>,
        %parallel_loop3A_1724 = arith.constant 40 : i32
        %parallel_loop3A_1725 = arith.addi %parallel_loop3A_1724, %parallel_loop3A_1716 : i32
        %parallel_loop3A_1726 = arith.index_cast %parallel_loop3A_1725 : i32 to index
        %parallel_loop3A_1727 = arith.constant 0 : index
        %parallel_loop3A_1728 = tpu.vector_load %arg11[%parallel_loop3A_1726, %parallel_loop3A_1727] {strides = array<i32>} : memref<160x128xf32, #tpu.memory_space<vmem>>, vector<16xf32>,
        %parallel_loop3A_1729 = arith.mulf %parallel_loop3A_1723, %parallel_loop3A_1728 : vector<16xf32>
        %parallel_loop3A_1730 = arith.constant 80 : i32
        %parallel_loop3A_1731 = arith.addi %parallel_loop3A_1730, %parallel_loop3A_1716 : i32
        %parallel_loop3A_1732 = arith.index_cast %parallel_loop3A_1731 : i32 to index
        %parallel_loop3A_1733 = arith.constant 0 : index
        %parallel_loop3A_1734 = tpu.vector_load %arg11[%parallel_loop3A_1732, %parallel_loop3A_1733] {strides = array<i32>} : memref<160x128xf32, #tpu.memory_space<vmem>>, vector<16xf32>,
        %parallel_loop3A_1735 = arith.constant 120 : i32
        %parallel_loop3A_1736 = arith.addi %parallel_loop3A_1735, %parallel_loop3A_1716 : i32
        %parallel_loop3A_1737 = arith.index_cast %parallel_loop3A_1736 : i32 to index
        %parallel_loop3A_1738 = arith.constant 0 : index
        %parallel_loop3A_1739 = tpu.vector_load %arg11[%parallel_loop3A_1737, %parallel_loop3A_1738] {strides = array<i32>} : memref<160x128xf32, #tpu.memory_space<vmem>>, vector<16xf32>,
        %parallel_loop3A_1740 = arith.mulf %parallel_loop3A_1734, %parallel_loop3A_1739 : vector<16xf32>
        %parallel_loop3A_1741 = arith.index_cast %parallel_loop3A_1716 : i32 to index
        %parallel_loop3A_1742 = arith.constant 16 : index
        %parallel_loop3A_1743 = tpu.vector_load %arg11[%parallel_loop3A_1741, %parallel_loop3A_1742] {strides = array<i32>} : memref<160x128xf32, #tpu.memory_space<vmem>>, vector<16xf32>,
        %parallel_loop3A_1744 = arith.constant 40 : i32
        %parallel_loop3A_1745 = arith.addi %parallel_loop3A_1744, %parallel_loop3A_1716 : i32
        %parallel_loop3A_1746 = arith.index_cast %parallel_loop3A_1745 : i32 to index
        %parallel_loop3A_1747 = arith.constant 16 : index
        %parallel_loop3A_1748 = tpu.vector_load %arg11[%parallel_loop3A_1746, %parallel_loop3A_1747] {strides = array<i32>} : memref<160x128xf32, #tpu.memory_space<vmem>>, vector<16xf32>,
        %parallel_loop3A_1749 = arith.mulf %parallel_loop3A_1743, %parallel_loop3A_1748 : vector<16xf32>
        %parallel_loop3A_1750 = arith.constant 80 : i32
        %parallel_loop3A_1751 = arith.addi %parallel_loop3A_1750, %parallel_loop3A_1716 : i32
        %parallel_loop3A_1752 = arith.index_cast %parallel_loop3A_1751 : i32 to index
        %parallel_loop3A_1753 = arith.constant 16 : index
        %parallel_loop3A_1754 = tpu.vector_load %arg11[%parallel_loop3A_1752, %parallel_loop3A_1753] {strides = array<i32>} : memref<160x128xf32, #tpu.memory_space<vmem>>, vector<16xf32>,
        %parallel_loop3A_1755 = arith.constant 120 : i32
        %parallel_loop3A_1756 = arith.addi %parallel_loop3A_1755, %parallel_loop3A_1716 : i32
        %parallel_loop3A_1757 = arith.index_cast %parallel_loop3A_1756 : i32 to index
        %parallel_loop3A_1758 = arith.constant 16 : index
        %parallel_loop3A_1759 = tpu.vector_load %arg11[%parallel_loop3A_1757, %parallel_loop3A_1758] {strides = array<i32>} : memref<160x128xf32, #tpu.memory_space<vmem>>, vector<16xf32>,
        %parallel_loop3A_1760 = arith.mulf %parallel_loop3A_1754, %parallel_loop3A_1759 : vector<16xf32>
        %parallel_loop3A_1761 = arith.index_cast %parallel_loop3A_1716 : i32 to index
        %parallel_loop3A_1762 = arith.constant 32 : index
        %parallel_loop3A_1763 = tpu.vector_load %arg11[%parallel_loop3A_1761, %parallel_loop3A_1762] {strides = array<i32>} : memref<160x128xf32, #tpu.memory_space<vmem>>, vector<16xf32>,
        %parallel_loop3A_1764 = arith.constant 40 : i32
        %parallel_loop3A_1765 = arith.addi %parallel_loop3A_1764, %parallel_loop3A_1716 : i32
        %parallel_loop3A_1766 = arith.index_cast %parallel_loop3A_1765 : i32 to index
        %parallel_loop3A_1767 = arith.constant 32 : index
        %parallel_loop3A_1768 = tpu.vector_load %arg11[%parallel_loop3A_1766, %parallel_loop3A_1767] {strides = array<i32>} : memref<160x128xf32, #tpu.memory_space<vmem>>, vector<16xf32>,
        %parallel_loop3A_1769 = arith.mulf %parallel_loop3A_1763, %parallel_loop3A_1768 : vector<16xf32>
        %parallel_loop3A_1770 = arith.constant 80 : i32
        %parallel_loop3A_1771 = arith.addi %parallel_loop3A_1770, %parallel_loop3A_1716 : i32
        %parallel_loop3A_1772 = arith.index_cast %parallel_loop3A_1771 : i32 to index
        %parallel_loop3A_1773 = arith.constant 32 : index
        %parallel_loop3A_1774 = tpu.vector_load %arg11[%parallel_loop3A_1772, %parallel_loop3A_1773] {strides = array<i32>} : memref<160x128xf32, #tpu.memory_space<vmem>>, vector<16xf32>,
        %parallel_loop3A_1775 = arith.constant 120 : i32
        %parallel_loop3A_1776 = arith.addi %parallel_loop3A_1775, %parallel_loop3A_1716 : i32
        %parallel_loop3A_1777 = arith.index_cast %parallel_loop3A_1776 : i32 to index
        %parallel_loop3A_1778 = arith.constant 32 : index
        %parallel_loop3A_1779 = tpu.vector_load %arg11[%parallel_loop3A_1777, %parallel_loop3A_1778] {strides = array<i32>} : memref<160x128xf32, #tpu.memory_space<vmem>>, vector<16xf32>,
        %parallel_loop3A_1780 = arith.mulf %parallel_loop3A_1774, %parallel_loop3A_1779 : vector<16xf32>
        %parallel_loop3A_1781 = arith.index_cast %parallel_loop3A_1716 : i32 to index
        %parallel_loop3A_1782 = arith.constant 48 : index
        %parallel_loop3A_1783 = tpu.vector_load %arg11[%parallel_loop3A_1781, %parallel_loop3A_1782] {strides = array<i32>} : memref<160x128xf32, #tpu.memory_space<vmem>>, vector<16xf32>,
        %parallel_loop3A_1784 = arith.constant 40 : i32
        %parallel_loop3A_1785 = arith.addi %parallel_loop3A_1784, %parallel_loop3A_1716 : i32
        %parallel_loop3A_1786 = arith.index_cast %parallel_loop3A_1785 : i32 to index
        %parallel_loop3A_1787 = arith.constant 48 : index
        %parallel_loop3A_1788 = tpu.vector_load %arg11[%parallel_loop3A_1786, %parallel_loop3A_1787] {strides = array<i32>} : memref<160x128xf32, #tpu.memory_space<vmem>>, vector<16xf32>,
        %parallel_loop3A_1789 = arith.mulf %parallel_loop3A_1783, %parallel_loop3A_1788 : vector<16xf32>
        %parallel_loop3A_1790 = arith.constant 80 : i32
        %parallel_loop3A_1791 = arith.addi %parallel_loop3A_1790, %parallel_loop3A_1716 : i32
        %parallel_loop3A_1792 = arith.index_cast %parallel_loop3A_1791 : i32 to index
        %parallel_loop3A_1793 = arith.constant 48 : index
        %parallel_loop3A_1794 = tpu.vector_load %arg11[%parallel_loop3A_1792, %parallel_loop3A_1793] {strides = array<i32>} : memref<160x128xf32, #tpu.memory_space<vmem>>, vector<16xf32>,
        %parallel_loop3A_1795 = arith.constant 120 : i32
        %parallel_loop3A_1796 = arith.addi %parallel_loop3A_1795, %parallel_loop3A_1716 : i32
        %parallel_loop3A_1797 = arith.index_cast %parallel_loop3A_1796 : i32 to index
        %parallel_loop3A_1798 = arith.constant 48 : index
        %parallel_loop3A_1799 = tpu.vector_load %arg11[%parallel_loop3A_1797, %parallel_loop3A_1798] {strides = array<i32>} : memref<160x128xf32, #tpu.memory_space<vmem>>, vector<16xf32>,
        %parallel_loop3A_1800 = arith.mulf %parallel_loop3A_1794, %parallel_loop3A_1799 : vector<16xf32>
        %parallel_loop3A_1801 = arith.index_cast %parallel_loop3A_1716 : i32 to index
        %parallel_loop3A_1802 = arith.constant 64 : index
        %parallel_loop3A_1803 = tpu.vector_load %arg11[%parallel_loop3A_1801, %parallel_loop3A_1802] {strides = array<i32>} : memref<160x128xf32, #tpu.memory_space<vmem>>, vector<16xf32>,
        %parallel_loop3A_1804 = arith.constant 40 : i32
        %parallel_loop3A_1805 = arith.addi %parallel_loop3A_1804, %parallel_loop3A_1716 : i32
        %parallel_loop3A_1806 = arith.index_cast %parallel_loop3A_1805 : i32 to index
        %parallel_loop3A_1807 = arith.constant 64 : index
        %parallel_loop3A_1808 = tpu.vector_load %arg11[%parallel_loop3A_1806, %parallel_loop3A_1807] {strides = array<i32>} : memref<160x128xf32, #tpu.memory_space<vmem>>, vector<16xf32>,
        %parallel_loop3A_1809 = arith.mulf %parallel_loop3A_1803, %parallel_loop3A_1808 : vector<16xf32>
        %parallel_loop3A_1810 = arith.constant 80 : i32
        %parallel_loop3A_1811 = arith.addi %parallel_loop3A_1810, %parallel_loop3A_1716 : i32
        %parallel_loop3A_1812 = arith.index_cast %parallel_loop3A_1811 : i32 to index
        %parallel_loop3A_1813 = arith.constant 64 : index
        %parallel_loop3A_1814 = tpu.vector_load %arg11[%parallel_loop3A_1812, %parallel_loop3A_1813] {strides = array<i32>} : memref<160x128xf32, #tpu.memory_space<vmem>>, vector<16xf32>,
        %parallel_loop3A_1815 = arith.constant 120 : i32
        %parallel_loop3A_1816 = arith.addi %parallel_loop3A_1815, %parallel_loop3A_1716 : i32
        %parallel_loop3A_1817 = arith.index_cast %parallel_loop3A_1816 : i32 to index
        %parallel_loop3A_1818 = arith.constant 64 : index
        %parallel_loop3A_1819 = tpu.vector_load %arg11[%parallel_loop3A_1817, %parallel_loop3A_1818] {strides = array<i32>} : memref<160x128xf32, #tpu.memory_space<vmem>>, vector<16xf32>,
        %parallel_loop3A_1820 = arith.mulf %parallel_loop3A_1814, %parallel_loop3A_1819 : vector<16xf32>
        %parallel_loop3A_1821 = arith.index_cast %parallel_loop3A_1716 : i32 to index
        %parallel_loop3A_1822 = arith.constant 80 : index
        %parallel_loop3A_1823 = tpu.vector_load %arg11[%parallel_loop3A_1821, %parallel_loop3A_1822] {strides = array<i32>} : memref<160x128xf32, #tpu.memory_space<vmem>>, vector<16xf32>,
        %parallel_loop3A_1824 = arith.constant 40 : i32
        %parallel_loop3A_1825 = arith.addi %parallel_loop3A_1824, %parallel_loop3A_1716 : i32
        %parallel_loop3A_1826 = arith.index_cast %parallel_loop3A_1825 : i32 to index
        %parallel_loop3A_1827 = arith.constant 80 : index
        %parallel_loop3A_1828 = tpu.vector_load %arg11[%parallel_loop3A_1826, %parallel_loop3A_1827] {strides = array<i32>} : memref<160x128xf32, #tpu.memory_space<vmem>>, vector<16xf32>,
        %parallel_loop3A_1829 = arith.mulf %parallel_loop3A_1823, %parallel_loop3A_1828 : vector<16xf32>
        %parallel_loop3A_1830 = arith.constant 80 : i32
        %parallel_loop3A_1831 = arith.addi %parallel_loop3A_1830, %parallel_loop3A_1716 : i32
        %parallel_loop3A_1832 = arith.index_cast %parallel_loop3A_1831 : i32 to index
        %parallel_loop3A_1833 = arith.constant 80 : index
        %parallel_loop3A_1834 = tpu.vector_load %arg11[%parallel_loop3A_1832, %parallel_loop3A_1833] {strides = array<i32>} : memref<160x128xf32, #tpu.memory_space<vmem>>, vector<16xf32>,
        %parallel_loop3A_1835 = arith.constant 120 : i32
        %parallel_loop3A_1836 = arith.addi %parallel_loop3A_1835, %parallel_loop3A_1716 : i32
        %parallel_loop3A_1837 = arith.index_cast %parallel_loop3A_1836 : i32 to index
        %parallel_loop3A_1838 = arith.constant 80 : index
        %parallel_loop3A_1839 = tpu.vector_load %arg11[%parallel_loop3A_1837, %parallel_loop3A_1838] {strides = array<i32>} : memref<160x128xf32, #tpu.memory_space<vmem>>, vector<16xf32>,
        %parallel_loop3A_1840 = arith.mulf %parallel_loop3A_1834, %parallel_loop3A_1839 : vector<16xf32>
        %parallel_loop3A_1841 = arith.index_cast %parallel_loop3A_1716 : i32 to index
        %parallel_loop3A_1842 = arith.constant 96 : index
        %parallel_loop3A_1843 = tpu.vector_load %arg11[%parallel_loop3A_1841, %parallel_loop3A_1842] {strides = array<i32>} : memref<160x128xf32, #tpu.memory_space<vmem>>, vector<16xf32>,
        %parallel_loop3A_1844 = arith.constant 40 : i32
        %parallel_loop3A_1845 = arith.addi %parallel_loop3A_1844, %parallel_loop3A_1716 : i32
        %parallel_loop3A_1846 = arith.index_cast %parallel_loop3A_1845 : i32 to index
        %parallel_loop3A_1847 = arith.constant 96 : index
        %parallel_loop3A_1848 = tpu.vector_load %arg11[%parallel_loop3A_1846, %parallel_loop3A_1847] {strides = array<i32>} : memref<160x128xf32, #tpu.memory_space<vmem>>, vector<16xf32>,
        %parallel_loop3A_1849 = arith.mulf %parallel_loop3A_1843, %parallel_loop3A_1848 : vector<16xf32>
        %parallel_loop3A_1850 = arith.constant 80 : i32
        %parallel_loop3A_1851 = arith.addi %parallel_loop3A_1850, %parallel_loop3A_1716 : i32
        %parallel_loop3A_1852 = arith.index_cast %parallel_loop3A_1851 : i32 to index
        %parallel_loop3A_1853 = arith.constant 96 : index
        %parallel_loop3A_1854 = tpu.vector_load %arg11[%parallel_loop3A_1852, %parallel_loop3A_1853] {strides = array<i32>} : memref<160x128xf32, #tpu.memory_space<vmem>>, vector<16xf32>,
        %parallel_loop3A_1855 = arith.constant 120 : i32
        %parallel_loop3A_1856 = arith.addi %parallel_loop3A_1855, %parallel_loop3A_1716 : i32
        %parallel_loop3A_1857 = arith.index_cast %parallel_loop3A_1856 : i32 to index
        %parallel_loop3A_1858 = arith.constant 96 : index
        %parallel_loop3A_1859 = tpu.vector_load %arg11[%parallel_loop3A_1857, %parallel_loop3A_1858] {strides = array<i32>} : memref<160x128xf32, #tpu.memory_space<vmem>>, vector<16xf32>,
        %parallel_loop3A_1860 = arith.mulf %parallel_loop3A_1854, %parallel_loop3A_1859 : vector<16xf32>
        %parallel_loop3A_1861 = arith.index_cast %parallel_loop3A_1716 : i32 to index
        %parallel_loop3A_1862 = arith.constant 112 : index
        %parallel_loop3A_1863 = tpu.vector_load %arg11[%parallel_loop3A_1861, %parallel_loop3A_1862] {strides = array<i32>} : memref<160x128xf32, #tpu.memory_space<vmem>>, vector<16xf32>,
        %parallel_loop3A_1864 = arith.constant 40 : i32
        %parallel_loop3A_1865 = arith.addi %parallel_loop3A_1864, %parallel_loop3A_1716 : i32
        %parallel_loop3A_1866 = arith.index_cast %parallel_loop3A_1865 : i32 to index
        %parallel_loop3A_1867 = arith.constant 112 : index
        %parallel_loop3A_1868 = tpu.vector_load %arg11[%parallel_loop3A_1866, %parallel_loop3A_1867] {strides = array<i32>} : memref<160x128xf32, #tpu.memory_space<vmem>>, vector<16xf32>,
        %parallel_loop3A_1869 = arith.mulf %parallel_loop3A_1863, %parallel_loop3A_1868 : vector<16xf32>
        %parallel_loop3A_1870 = arith.constant 80 : i32
        %parallel_loop3A_1871 = arith.addi %parallel_loop3A_1870, %parallel_loop3A_1716 : i32
        %parallel_loop3A_1872 = arith.index_cast %parallel_loop3A_1871 : i32 to index
        %parallel_loop3A_1873 = arith.constant 112 : index
        %parallel_loop3A_1874 = tpu.vector_load %arg11[%parallel_loop3A_1872, %parallel_loop3A_1873] {strides = array<i32>} : memref<160x128xf32, #tpu.memory_space<vmem>>, vector<16xf32>,
        %parallel_loop3A_1875 = arith.constant 120 : i32
        %parallel_loop3A_1876 = arith.addi %parallel_loop3A_1875, %parallel_loop3A_1716 : i32
        %parallel_loop3A_1877 = arith.index_cast %parallel_loop3A_1876 : i32 to index
        %parallel_loop3A_1878 = arith.constant 112 : index
        %parallel_loop3A_1879 = tpu.vector_load %arg11[%parallel_loop3A_1877, %parallel_loop3A_1878] {strides = array<i32>} : memref<160x128xf32, #tpu.memory_space<vmem>>, vector<16xf32>,
        %parallel_loop3A_1880 = arith.mulf %parallel_loop3A_1874, %parallel_loop3A_1879 : vector<16xf32>
        %parallel_loop3A_1881 = arith.addf %parallel_loop3A_1729, %parallel_loop3A_1740 : vector<16xf32>
        %parallel_loop3A_1882 = arith.addf %parallel_loop3A_1749, %parallel_loop3A_1760 : vector<16xf32>
        %parallel_loop3A_1883 = arith.addf %parallel_loop3A_1769, %parallel_loop3A_1780 : vector<16xf32>
        %parallel_loop3A_1884 = arith.addf %parallel_loop3A_1789, %parallel_loop3A_1800 : vector<16xf32>
        %parallel_loop3A_1885 = arith.addf %parallel_loop3A_1809, %parallel_loop3A_1820 : vector<16xf32>
        %parallel_loop3A_1886 = arith.addf %parallel_loop3A_1829, %parallel_loop3A_1840 : vector<16xf32>
        %parallel_loop3A_1887 = arith.addf %parallel_loop3A_1849, %parallel_loop3A_1860 : vector<16xf32>
        %parallel_loop3A_1888 = arith.addf %parallel_loop3A_1869, %parallel_loop3A_1880 : vector<16xf32>
        %parallel_loop3A_1889 = arith.addf %parallel_loop3A_1881, %parallel_loop3A_1882 : vector<16xf32>
        %parallel_loop3A_1890 = arith.addf %parallel_loop3A_1883, %parallel_loop3A_1884 : vector<16xf32>
        %parallel_loop3A_1891 = arith.addf %parallel_loop3A_1885, %parallel_loop3A_1886 : vector<16xf32>
        %parallel_loop3A_1892 = arith.addf %parallel_loop3A_1887, %parallel_loop3A_1888 : vector<16xf32>
        %parallel_loop3A_1893 = arith.addf %parallel_loop3A_1889, %parallel_loop3A_1890 : vector<16xf32>
        %parallel_loop3A_1894 = arith.addf %parallel_loop3A_1891, %parallel_loop3A_1892 : vector<16xf32>
        %parallel_loop3A_1895 = arith.addf %parallel_loop3A_1893, %parallel_loop3A_1894 : vector<16xf32>
        tpu.vector_store_idx %arg13[%parallel_loop3A_1720], %parallel_loop3A_1895 : memref<816xf32, #tpu.memory_space<vmem>>[vector<16xi32>], vector<16xf32>,
      } {sc.loop_unroll_factor = 1 : i64, sc.parallel_access}
      %add3A_1443 = arith.constant 0 : i32
      %add3A_1444 = vector.broadcast %add3A_1443 : i32 to vector<16xi32>
      %add3A_1445 = arith.addi %add3A_1444, %iota3A : vector<16xi32>
      %mul3A_1446 = arith.constant 17 : i32
      %mul3A_1447 = vector.broadcast %mul3A_1446 : i32 to vector<16xi32>
      %mul3A_1448 = arith.muli %add3A_1445, %mul3A_1447 : vector<16xi32>
      %add3A_1449 = arith.constant 0 : i32
      %add3A_1450 = vector.broadcast %add3A_1449 : i32 to vector<16xi32>
      %add3A_1451 = arith.addi %mul3A_1448, %add3A_1450 : vector<16xi32>
      %gather3A_1452 = tpu.vector_load_idx %arg13[%add3A_1451] : memref<816xf32, #tpu.memory_space<vmem>>[vector<16xi32>], vector<16xf32>,
      %add3A_1453 = arith.constant 1 : i32
      %add3A_1454 = vector.broadcast %add3A_1453 : i32 to vector<16xi32>
      %add3A_1455 = arith.addi %mul3A_1448, %add3A_1454 : vector<16xi32>
      %gather3A_1456 = tpu.vector_load_idx %arg13[%add3A_1455] : memref<816xf32, #tpu.memory_space<vmem>>[vector<16xi32>], vector<16xf32>,
      %add3A_1457 = arith.constant 2 : i32
      %add3A_1458 = vector.broadcast %add3A_1457 : i32 to vector<16xi32>
      %add3A_1459 = arith.addi %mul3A_1448, %add3A_1458 : vector<16xi32>
      %gather3A_1460 = tpu.vector_load_idx %arg13[%add3A_1459] : memref<816xf32, #tpu.memory_space<vmem>>[vector<16xi32>], vector<16xf32>,
      %add3A_1461 = arith.constant 3 : i32
      %add3A_1462 = vector.broadcast %add3A_1461 : i32 to vector<16xi32>
      %add3A_1463 = arith.addi %mul3A_1448, %add3A_1462 : vector<16xi32>
      %gather3A_1464 = tpu.vector_load_idx %arg13[%add3A_1463] : memref<816xf32, #tpu.memory_space<vmem>>[vector<16xi32>], vector<16xf32>,
      %add3A_1465 = arith.constant 4 : i32
      %add3A_1466 = vector.broadcast %add3A_1465 : i32 to vector<16xi32>
      %add3A_1467 = arith.addi %mul3A_1448, %add3A_1466 : vector<16xi32>
      %gather3A_1468 = tpu.vector_load_idx %arg13[%add3A_1467] : memref<816xf32, #tpu.memory_space<vmem>>[vector<16xi32>], vector<16xf32>,
      %add3A_1469 = arith.constant 5 : i32
      %add3A_1470 = vector.broadcast %add3A_1469 : i32 to vector<16xi32>
      %add3A_1471 = arith.addi %mul3A_1448, %add3A_1470 : vector<16xi32>
      %gather3A_1472 = tpu.vector_load_idx %arg13[%add3A_1471] : memref<816xf32, #tpu.memory_space<vmem>>[vector<16xi32>], vector<16xf32>,
      %add3A_1473 = arith.constant 6 : i32
      %add3A_1474 = vector.broadcast %add3A_1473 : i32 to vector<16xi32>
      %add3A_1475 = arith.addi %mul3A_1448, %add3A_1474 : vector<16xi32>
      %gather3A_1476 = tpu.vector_load_idx %arg13[%add3A_1475] : memref<816xf32, #tpu.memory_space<vmem>>[vector<16xi32>], vector<16xf32>,
      %add3A_1477 = arith.constant 7 : i32
      %add3A_1478 = vector.broadcast %add3A_1477 : i32 to vector<16xi32>
      %add3A_1479 = arith.addi %mul3A_1448, %add3A_1478 : vector<16xi32>
      %gather3A_1480 = tpu.vector_load_idx %arg13[%add3A_1479] : memref<816xf32, #tpu.memory_space<vmem>>[vector<16xi32>], vector<16xf32>,
      %add3A_1481 = arith.constant 8 : i32
      %add3A_1482 = vector.broadcast %add3A_1481 : i32 to vector<16xi32>
      %add3A_1483 = arith.addi %mul3A_1448, %add3A_1482 : vector<16xi32>
      %gather3A_1484 = tpu.vector_load_idx %arg13[%add3A_1483] : memref<816xf32, #tpu.memory_space<vmem>>[vector<16xi32>], vector<16xf32>,
      %add3A_1485 = arith.constant 9 : i32
      %add3A_1486 = vector.broadcast %add3A_1485 : i32 to vector<16xi32>
      %add3A_1487 = arith.addi %mul3A_1448, %add3A_1486 : vector<16xi32>
      %gather3A_1488 = tpu.vector_load_idx %arg13[%add3A_1487] : memref<816xf32, #tpu.memory_space<vmem>>[vector<16xi32>], vector<16xf32>,
      %add3A_1489 = arith.constant 10 : i32
      %add3A_1490 = vector.broadcast %add3A_1489 : i32 to vector<16xi32>
      %add3A_1491 = arith.addi %mul3A_1448, %add3A_1490 : vector<16xi32>
      %gather3A_1492 = tpu.vector_load_idx %arg13[%add3A_1491] : memref<816xf32, #tpu.memory_space<vmem>>[vector<16xi32>], vector<16xf32>,
      %add3A_1493 = arith.constant 11 : i32
      %add3A_1494 = vector.broadcast %add3A_1493 : i32 to vector<16xi32>
      %add3A_1495 = arith.addi %mul3A_1448, %add3A_1494 : vector<16xi32>
      %gather3A_1496 = tpu.vector_load_idx %arg13[%add3A_1495] : memref<816xf32, #tpu.memory_space<vmem>>[vector<16xi32>], vector<16xf32>,
      %add3A_1497 = arith.constant 12 : i32
      %add3A_1498 = vector.broadcast %add3A_1497 : i32 to vector<16xi32>
      %add3A_1499 = arith.addi %mul3A_1448, %add3A_1498 : vector<16xi32>
      %gather3A_1500 = tpu.vector_load_idx %arg13[%add3A_1499] : memref<816xf32, #tpu.memory_space<vmem>>[vector<16xi32>], vector<16xf32>,
      %add3A_1501 = arith.constant 13 : i32
      %add3A_1502 = vector.broadcast %add3A_1501 : i32 to vector<16xi32>
      %add3A_1503 = arith.addi %mul3A_1448, %add3A_1502 : vector<16xi32>
      %gather3A_1504 = tpu.vector_load_idx %arg13[%add3A_1503] : memref<816xf32, #tpu.memory_space<vmem>>[vector<16xi32>], vector<16xf32>,
      %add3A_1505 = arith.constant 14 : i32
      %add3A_1506 = vector.broadcast %add3A_1505 : i32 to vector<16xi32>
      %add3A_1507 = arith.addi %mul3A_1448, %add3A_1506 : vector<16xi32>
      %gather3A_1508 = tpu.vector_load_idx %arg13[%add3A_1507] : memref<816xf32, #tpu.memory_space<vmem>>[vector<16xi32>], vector<16xf32>,
      %add3A_1509 = arith.constant 15 : i32
      %add3A_1510 = vector.broadcast %add3A_1509 : i32 to vector<16xi32>
      %add3A_1511 = arith.addi %mul3A_1448, %add3A_1510 : vector<16xi32>
      %gather3A_1512 = tpu.vector_load_idx %arg13[%add3A_1511] : memref<816xf32, #tpu.memory_space<vmem>>[vector<16xi32>], vector<16xf32>,
      %add3A_1513 = arith.addf %gather3A_1452, %gather3A_1456 : vector<16xf32>
      %add3A_1514 = arith.addf %gather3A_1460, %gather3A_1464 : vector<16xf32>
      %add3A_1515 = arith.addf %gather3A_1468, %gather3A_1472 : vector<16xf32>
      %add3A_1516 = arith.addf %gather3A_1476, %gather3A_1480 : vector<16xf32>
      %add3A_1517 = arith.addf %gather3A_1484, %gather3A_1488 : vector<16xf32>
      %add3A_1518 = arith.addf %gather3A_1492, %gather3A_1496 : vector<16xf32>
      %add3A_1519 = arith.addf %gather3A_1500, %gather3A_1504 : vector<16xf32>
      %add3A_1520 = arith.addf %gather3A_1508, %gather3A_1512 : vector<16xf32>
      %add3A_1521 = arith.addf %add3A_1513, %add3A_1514 : vector<16xf32>
      %add3A_1522 = arith.addf %add3A_1515, %add3A_1516 : vector<16xf32>
      %add3A_1523 = arith.addf %add3A_1517, %add3A_1518 : vector<16xf32>
      %add3A_1524 = arith.addf %add3A_1519, %add3A_1520 : vector<16xf32>
      %add3A_1525 = arith.addf %add3A_1521, %add3A_1522 : vector<16xf32>
      %add3A_1526 = arith.addf %add3A_1523, %add3A_1524 : vector<16xf32>
      %add3A_1527 = arith.addf %add3A_1525, %add3A_1526 : vector<16xf32>
      %mul3A_1528 = arith.constant 40 : i32
      %mul3A_1529 = arith.muli %add3A_1390, %mul3A_1528 : i32
      %add3A_1530 = arith.constant 0 : i32
      %add3A_1531 = arith.addi %mul3A_1529, %add3A_1530 : i32
      %swap3A_1532 = arith.index_cast %add3A_1531 : i32 to index
      %swap3A_1533 = tpu.vector_load %arg12[%swap3A_1532] {strides = array<i32>} : memref<5032xf32, #tpu.memory_space<vmem>>, vector<16xf32>,
      tpu.vector_store %arg12[%swap3A_1532], %add3A_1527 {strides = array<i32>} : memref<5032xf32, #tpu.memory_space<vmem>>, vector<16xf32>,
      %add3A_1534 = arith.constant 16 : i32
      %add3A_1535 = vector.broadcast %add3A_1534 : i32 to vector<16xi32>
      %add3A_1536 = arith.addi %add3A_1535, %iota3A : vector<16xi32>
      %mul3A_1537 = arith.constant 17 : i32
      %mul3A_1538 = vector.broadcast %mul3A_1537 : i32 to vector<16xi32>
      %mul3A_1539 = arith.muli %add3A_1536, %mul3A_1538 : vector<16xi32>
      %add3A_1540 = arith.constant 0 : i32
      %add3A_1541 = vector.broadcast %add3A_1540 : i32 to vector<16xi32>
      %add3A_1542 = arith.addi %mul3A_1539, %add3A_1541 : vector<16xi32>
      %gather3A_1543 = tpu.vector_load_idx %arg13[%add3A_1542] : memref<816xf32, #tpu.memory_space<vmem>>[vector<16xi32>], vector<16xf32>,
      %add3A_1544 = arith.constant 1 : i32
      %add3A_1545 = vector.broadcast %add3A_1544 : i32 to vector<16xi32>
      %add3A_1546 = arith.addi %mul3A_1539, %add3A_1545 : vector<16xi32>
      %gather3A_1547 = tpu.vector_load_idx %arg13[%add3A_1546] : memref<816xf32, #tpu.memory_space<vmem>>[vector<16xi32>], vector<16xf32>,
      %add3A_1548 = arith.constant 2 : i32
      %add3A_1549 = vector.broadcast %add3A_1548 : i32 to vector<16xi32>
      %add3A_1550 = arith.addi %mul3A_1539, %add3A_1549 : vector<16xi32>
      %gather3A_1551 = tpu.vector_load_idx %arg13[%add3A_1550] : memref<816xf32, #tpu.memory_space<vmem>>[vector<16xi32>], vector<16xf32>,
      %add3A_1552 = arith.constant 3 : i32
      %add3A_1553 = vector.broadcast %add3A_1552 : i32 to vector<16xi32>
      %add3A_1554 = arith.addi %mul3A_1539, %add3A_1553 : vector<16xi32>
      %gather3A_1555 = tpu.vector_load_idx %arg13[%add3A_1554] : memref<816xf32, #tpu.memory_space<vmem>>[vector<16xi32>], vector<16xf32>,
      %add3A_1556 = arith.constant 4 : i32
      %add3A_1557 = vector.broadcast %add3A_1556 : i32 to vector<16xi32>
      %add3A_1558 = arith.addi %mul3A_1539, %add3A_1557 : vector<16xi32>
      %gather3A_1559 = tpu.vector_load_idx %arg13[%add3A_1558] : memref<816xf32, #tpu.memory_space<vmem>>[vector<16xi32>], vector<16xf32>,
      %add3A_1560 = arith.constant 5 : i32
      %add3A_1561 = vector.broadcast %add3A_1560 : i32 to vector<16xi32>
      %add3A_1562 = arith.addi %mul3A_1539, %add3A_1561 : vector<16xi32>
      %gather3A_1563 = tpu.vector_load_idx %arg13[%add3A_1562] : memref<816xf32, #tpu.memory_space<vmem>>[vector<16xi32>], vector<16xf32>,
      %add3A_1564 = arith.constant 6 : i32
      %add3A_1565 = vector.broadcast %add3A_1564 : i32 to vector<16xi32>
      %add3A_1566 = arith.addi %mul3A_1539, %add3A_1565 : vector<16xi32>
      %gather3A_1567 = tpu.vector_load_idx %arg13[%add3A_1566] : memref<816xf32, #tpu.memory_space<vmem>>[vector<16xi32>], vector<16xf32>,
      %add3A_1568 = arith.constant 7 : i32
      %add3A_1569 = vector.broadcast %add3A_1568 : i32 to vector<16xi32>
      %add3A_1570 = arith.addi %mul3A_1539, %add3A_1569 : vector<16xi32>
      %gather3A_1571 = tpu.vector_load_idx %arg13[%add3A_1570] : memref<816xf32, #tpu.memory_space<vmem>>[vector<16xi32>], vector<16xf32>,
      %add3A_1572 = arith.constant 8 : i32
      %add3A_1573 = vector.broadcast %add3A_1572 : i32 to vector<16xi32>
      %add3A_1574 = arith.addi %mul3A_1539, %add3A_1573 : vector<16xi32>
      %gather3A_1575 = tpu.vector_load_idx %arg13[%add3A_1574] : memref<816xf32, #tpu.memory_space<vmem>>[vector<16xi32>], vector<16xf32>,
      %add3A_1576 = arith.constant 9 : i32
      %add3A_1577 = vector.broadcast %add3A_1576 : i32 to vector<16xi32>
      %add3A_1578 = arith.addi %mul3A_1539, %add3A_1577 : vector<16xi32>
      %gather3A_1579 = tpu.vector_load_idx %arg13[%add3A_1578] : memref<816xf32, #tpu.memory_space<vmem>>[vector<16xi32>], vector<16xf32>,
      %add3A_1580 = arith.constant 10 : i32
      %add3A_1581 = vector.broadcast %add3A_1580 : i32 to vector<16xi32>
      %add3A_1582 = arith.addi %mul3A_1539, %add3A_1581 : vector<16xi32>
      %gather3A_1583 = tpu.vector_load_idx %arg13[%add3A_1582] : memref<816xf32, #tpu.memory_space<vmem>>[vector<16xi32>], vector<16xf32>,
      %add3A_1584 = arith.constant 11 : i32
      %add3A_1585 = vector.broadcast %add3A_1584 : i32 to vector<16xi32>
      %add3A_1586 = arith.addi %mul3A_1539, %add3A_1585 : vector<16xi32>
      %gather3A_1587 = tpu.vector_load_idx %arg13[%add3A_1586] : memref<816xf32, #tpu.memory_space<vmem>>[vector<16xi32>], vector<16xf32>,
      %add3A_1588 = arith.constant 12 : i32
      %add3A_1589 = vector.broadcast %add3A_1588 : i32 to vector<16xi32>
      %add3A_1590 = arith.addi %mul3A_1539, %add3A_1589 : vector<16xi32>
      %gather3A_1591 = tpu.vector_load_idx %arg13[%add3A_1590] : memref<816xf32, #tpu.memory_space<vmem>>[vector<16xi32>], vector<16xf32>,
      %add3A_1592 = arith.constant 13 : i32
      %add3A_1593 = vector.broadcast %add3A_1592 : i32 to vector<16xi32>
      %add3A_1594 = arith.addi %mul3A_1539, %add3A_1593 : vector<16xi32>
      %gather3A_1595 = tpu.vector_load_idx %arg13[%add3A_1594] : memref<816xf32, #tpu.memory_space<vmem>>[vector<16xi32>], vector<16xf32>,
      %add3A_1596 = arith.constant 14 : i32
      %add3A_1597 = vector.broadcast %add3A_1596 : i32 to vector<16xi32>
      %add3A_1598 = arith.addi %mul3A_1539, %add3A_1597 : vector<16xi32>
      %gather3A_1599 = tpu.vector_load_idx %arg13[%add3A_1598] : memref<816xf32, #tpu.memory_space<vmem>>[vector<16xi32>], vector<16xf32>,
      %add3A_1600 = arith.constant 15 : i32
      %add3A_1601 = vector.broadcast %add3A_1600 : i32 to vector<16xi32>
      %add3A_1602 = arith.addi %mul3A_1539, %add3A_1601 : vector<16xi32>
      %gather3A_1603 = tpu.vector_load_idx %arg13[%add3A_1602] : memref<816xf32, #tpu.memory_space<vmem>>[vector<16xi32>], vector<16xf32>,
      %add3A_1604 = arith.addf %gather3A_1543, %gather3A_1547 : vector<16xf32>
      %add3A_1605 = arith.addf %gather3A_1551, %gather3A_1555 : vector<16xf32>
      %add3A_1606 = arith.addf %gather3A_1559, %gather3A_1563 : vector<16xf32>
      %add3A_1607 = arith.addf %gather3A_1567, %gather3A_1571 : vector<16xf32>
      %add3A_1608 = arith.addf %gather3A_1575, %gather3A_1579 : vector<16xf32>
      %add3A_1609 = arith.addf %gather3A_1583, %gather3A_1587 : vector<16xf32>
      %add3A_1610 = arith.addf %gather3A_1591, %gather3A_1595 : vector<16xf32>
      %add3A_1611 = arith.addf %gather3A_1599, %gather3A_1603 : vector<16xf32>
      %add3A_1612 = arith.addf %add3A_1604, %add3A_1605 : vector<16xf32>
      %add3A_1613 = arith.addf %add3A_1606, %add3A_1607 : vector<16xf32>
      %add3A_1614 = arith.addf %add3A_1608, %add3A_1609 : vector<16xf32>
      %add3A_1615 = arith.addf %add3A_1610, %add3A_1611 : vector<16xf32>
      %add3A_1616 = arith.addf %add3A_1612, %add3A_1613 : vector<16xf32>
      %add3A_1617 = arith.addf %add3A_1614, %add3A_1615 : vector<16xf32>
      %add3A_1618 = arith.addf %add3A_1616, %add3A_1617 : vector<16xf32>
      %mul3A_1619 = arith.constant 40 : i32
      %mul3A_1620 = arith.muli %add3A_1390, %mul3A_1619 : i32
      %add3A_1621 = arith.constant 16 : i32
      %add3A_1622 = arith.addi %mul3A_1620, %add3A_1621 : i32
      %swap3A_1623 = arith.index_cast %add3A_1622 : i32 to index
      %swap3A_1624 = tpu.vector_load %arg12[%swap3A_1623] {strides = array<i32>} : memref<5032xf32, #tpu.memory_space<vmem>>, vector<16xf32>,
      tpu.vector_store %arg12[%swap3A_1623], %add3A_1618 {strides = array<i32>} : memref<5032xf32, #tpu.memory_space<vmem>>, vector<16xf32>,
      %add3A_1625 = arith.constant 32 : i32
      %add3A_1626 = vector.broadcast %add3A_1625 : i32 to vector<16xi32>
      %add3A_1627 = arith.addi %add3A_1626, %iota3A : vector<16xi32>
      %mul3A_1628 = arith.constant 17 : i32
      %mul3A_1629 = vector.broadcast %mul3A_1628 : i32 to vector<16xi32>
      %mul3A_1630 = arith.muli %add3A_1627, %mul3A_1629 : vector<16xi32>
      %add3A_1631 = arith.constant 0 : i32
      %add3A_1632 = vector.broadcast %add3A_1631 : i32 to vector<16xi32>
      %add3A_1633 = arith.addi %mul3A_1630, %add3A_1632 : vector<16xi32>
      %gather3A_1634 = tpu.vector_load_idx %arg13[%add3A_1633] : memref<816xf32, #tpu.memory_space<vmem>>[vector<16xi32>], vector<16xf32>,
      %add3A_1635 = arith.constant 1 : i32
      %add3A_1636 = vector.broadcast %add3A_1635 : i32 to vector<16xi32>
      %add3A_1637 = arith.addi %mul3A_1630, %add3A_1636 : vector<16xi32>
      %gather3A_1638 = tpu.vector_load_idx %arg13[%add3A_1637] : memref<816xf32, #tpu.memory_space<vmem>>[vector<16xi32>], vector<16xf32>,
      %add3A_1639 = arith.constant 2 : i32
      %add3A_1640 = vector.broadcast %add3A_1639 : i32 to vector<16xi32>
      %add3A_1641 = arith.addi %mul3A_1630, %add3A_1640 : vector<16xi32>
      %gather3A_1642 = tpu.vector_load_idx %arg13[%add3A_1641] : memref<816xf32, #tpu.memory_space<vmem>>[vector<16xi32>], vector<16xf32>,
      %add3A_1643 = arith.constant 3 : i32
      %add3A_1644 = vector.broadcast %add3A_1643 : i32 to vector<16xi32>
      %add3A_1645 = arith.addi %mul3A_1630, %add3A_1644 : vector<16xi32>
      %gather3A_1646 = tpu.vector_load_idx %arg13[%add3A_1645] : memref<816xf32, #tpu.memory_space<vmem>>[vector<16xi32>], vector<16xf32>,
      %add3A_1647 = arith.constant 4 : i32
      %add3A_1648 = vector.broadcast %add3A_1647 : i32 to vector<16xi32>
      %add3A_1649 = arith.addi %mul3A_1630, %add3A_1648 : vector<16xi32>
      %gather3A_1650 = tpu.vector_load_idx %arg13[%add3A_1649] : memref<816xf32, #tpu.memory_space<vmem>>[vector<16xi32>], vector<16xf32>,
      %add3A_1651 = arith.constant 5 : i32
      %add3A_1652 = vector.broadcast %add3A_1651 : i32 to vector<16xi32>
      %add3A_1653 = arith.addi %mul3A_1630, %add3A_1652 : vector<16xi32>
      %gather3A_1654 = tpu.vector_load_idx %arg13[%add3A_1653] : memref<816xf32, #tpu.memory_space<vmem>>[vector<16xi32>], vector<16xf32>,
      %add3A_1655 = arith.constant 6 : i32
      %add3A_1656 = vector.broadcast %add3A_1655 : i32 to vector<16xi32>
      %add3A_1657 = arith.addi %mul3A_1630, %add3A_1656 : vector<16xi32>
      %gather3A_1658 = tpu.vector_load_idx %arg13[%add3A_1657] : memref<816xf32, #tpu.memory_space<vmem>>[vector<16xi32>], vector<16xf32>,
      %add3A_1659 = arith.constant 7 : i32
      %add3A_1660 = vector.broadcast %add3A_1659 : i32 to vector<16xi32>
      %add3A_1661 = arith.addi %mul3A_1630, %add3A_1660 : vector<16xi32>
      %gather3A_1662 = tpu.vector_load_idx %arg13[%add3A_1661] : memref<816xf32, #tpu.memory_space<vmem>>[vector<16xi32>], vector<16xf32>,
      %add3A_1663 = arith.constant 8 : i32
      %add3A_1664 = vector.broadcast %add3A_1663 : i32 to vector<16xi32>
      %add3A_1665 = arith.addi %mul3A_1630, %add3A_1664 : vector<16xi32>
      %gather3A_1666 = tpu.vector_load_idx %arg13[%add3A_1665] : memref<816xf32, #tpu.memory_space<vmem>>[vector<16xi32>], vector<16xf32>,
      %add3A_1667 = arith.constant 9 : i32
      %add3A_1668 = vector.broadcast %add3A_1667 : i32 to vector<16xi32>
      %add3A_1669 = arith.addi %mul3A_1630, %add3A_1668 : vector<16xi32>
      %gather3A_1670 = tpu.vector_load_idx %arg13[%add3A_1669] : memref<816xf32, #tpu.memory_space<vmem>>[vector<16xi32>], vector<16xf32>,
      %add3A_1671 = arith.constant 10 : i32
      %add3A_1672 = vector.broadcast %add3A_1671 : i32 to vector<16xi32>
      %add3A_1673 = arith.addi %mul3A_1630, %add3A_1672 : vector<16xi32>
      %gather3A_1674 = tpu.vector_load_idx %arg13[%add3A_1673] : memref<816xf32, #tpu.memory_space<vmem>>[vector<16xi32>], vector<16xf32>,
      %add3A_1675 = arith.constant 11 : i32
      %add3A_1676 = vector.broadcast %add3A_1675 : i32 to vector<16xi32>
      %add3A_1677 = arith.addi %mul3A_1630, %add3A_1676 : vector<16xi32>
      %gather3A_1678 = tpu.vector_load_idx %arg13[%add3A_1677] : memref<816xf32, #tpu.memory_space<vmem>>[vector<16xi32>], vector<16xf32>,
      %add3A_1679 = arith.constant 12 : i32
      %add3A_1680 = vector.broadcast %add3A_1679 : i32 to vector<16xi32>
      %add3A_1681 = arith.addi %mul3A_1630, %add3A_1680 : vector<16xi32>
      %gather3A_1682 = tpu.vector_load_idx %arg13[%add3A_1681] : memref<816xf32, #tpu.memory_space<vmem>>[vector<16xi32>], vector<16xf32>,
      %add3A_1683 = arith.constant 13 : i32
      %add3A_1684 = vector.broadcast %add3A_1683 : i32 to vector<16xi32>
      %add3A_1685 = arith.addi %mul3A_1630, %add3A_1684 : vector<16xi32>
      %gather3A_1686 = tpu.vector_load_idx %arg13[%add3A_1685] : memref<816xf32, #tpu.memory_space<vmem>>[vector<16xi32>], vector<16xf32>,
      %add3A_1687 = arith.constant 14 : i32
      %add3A_1688 = vector.broadcast %add3A_1687 : i32 to vector<16xi32>
      %add3A_1689 = arith.addi %mul3A_1630, %add3A_1688 : vector<16xi32>
      %gather3A_1690 = tpu.vector_load_idx %arg13[%add3A_1689] : memref<816xf32, #tpu.memory_space<vmem>>[vector<16xi32>], vector<16xf32>,
      %add3A_1691 = arith.constant 15 : i32
      %add3A_1692 = vector.broadcast %add3A_1691 : i32 to vector<16xi32>
      %add3A_1693 = arith.addi %mul3A_1630, %add3A_1692 : vector<16xi32>
      %gather3A_1694 = tpu.vector_load_idx %arg13[%add3A_1693] : memref<816xf32, #tpu.memory_space<vmem>>[vector<16xi32>], vector<16xf32>,
      %add3A_1695 = arith.addf %gather3A_1634, %gather3A_1638 : vector<16xf32>
      %add3A_1696 = arith.addf %gather3A_1642, %gather3A_1646 : vector<16xf32>
      %add3A_1697 = arith.addf %gather3A_1650, %gather3A_1654 : vector<16xf32>
      %add3A_1698 = arith.addf %gather3A_1658, %gather3A_1662 : vector<16xf32>
      %add3A_1699 = arith.addf %gather3A_1666, %gather3A_1670 : vector<16xf32>
      %add3A_1700 = arith.addf %gather3A_1674, %gather3A_1678 : vector<16xf32>
      %add3A_1701 = arith.addf %gather3A_1682, %gather3A_1686 : vector<16xf32>
      %add3A_1702 = arith.addf %gather3A_1690, %gather3A_1694 : vector<16xf32>
      %add3A_1703 = arith.addf %add3A_1695, %add3A_1696 : vector<16xf32>
      %add3A_1704 = arith.addf %add3A_1697, %add3A_1698 : vector<16xf32>
      %add3A_1705 = arith.addf %add3A_1699, %add3A_1700 : vector<16xf32>
      %add3A_1706 = arith.addf %add3A_1701, %add3A_1702 : vector<16xf32>
      %add3A_1707 = arith.addf %add3A_1703, %add3A_1704 : vector<16xf32>
      %add3A_1708 = arith.addf %add3A_1705, %add3A_1706 : vector<16xf32>
      %add3A_1709 = arith.addf %add3A_1707, %add3A_1708 : vector<16xf32>
      %mul3A_1710 = arith.constant 40 : i32
      %mul3A_1711 = arith.muli %add3A_1390, %mul3A_1710 : i32
      %add3A_1712 = arith.constant 32 : i32
      %add3A_1713 = arith.addi %mul3A_1711, %add3A_1712 : i32
      %swap3A_1714 = arith.index_cast %add3A_1713 : i32 to index
      %swap3A_1715 = tpu.vector_load %arg12[%swap3A_1714] {strides = array<i32>} : memref<5032xf32, #tpu.memory_space<vmem>>, vector<16xf32>,
      tpu.vector_store %arg12[%swap3A_1714], %add3A_1709 {strides = array<i32>} : memref<5032xf32, #tpu.memory_space<vmem>>, vector<16xf32>,
    }
    %scan3A_134 = arith.constant 31 : i32
    %dma_wait3A_135 = arith.constant 0 : i32
    %dma_wait3A_136 = arith.constant 0 : i32
    %dma_wait3A_137 = tpu.memref_slice %arg2[%dma_wait3A_135, %dma_wait3A_136] : memref<10000x128xf32, #tpu.memory_space<hbm>> -> memref<160x128xf32, #tpu.memory_space<hbm>>
    %dma_wait3A_138 = arith.constant 0 : i32
    %dma_wait3A_139 = arith.constant 0 : i32
    %dma_wait3A_140 = tpu.memref_slice %arg2[%dma_wait3A_138, %dma_wait3A_139] : memref<10000x128xf32, #tpu.memory_space<hbm>> -> memref<160x128xf32, #tpu.memory_space<hbm>>
    tpu.wait_dma2 semaphore(%arg19 : memref<!tpu.dma_semaphore, #tpu.memory_space<semaphore_mem>>) src(%dma_wait3A_140 : memref<160x128xf32, #tpu.memory_space<hbm>>) dst(%arg10 : memref<160x128xf32, #tpu.memory_space<vmem>>)
    %parallel_loop3A = arith.constant 0 : i32
    %parallel_loop3A_141 = arith.constant 40 : i32
    %parallel_loop3A_142 = arith.constant 1 : i32
    scf.for %parallel_loop3A_402 = %parallel_loop3A to %parallel_loop3A_141 step %parallel_loop3A_142  : i32 {
      %parallel_loop3A_403 = arith.constant 17 : i32
      %parallel_loop3A_404 = arith.muli %parallel_loop3A_402, %parallel_loop3A_403 : i32
      %parallel_loop3A_405 = vector.broadcast %parallel_loop3A_404 : i32 to vector<16xi32>
      %parallel_loop3A_406 = arith.addi %parallel_loop3A_405, %iota3A : vector<16xi32>
      %parallel_loop3A_407 = arith.index_cast %parallel_loop3A_402 : i32 to index
      %parallel_loop3A_408 = arith.constant 0 : index
      %parallel_loop3A_409 = tpu.vector_load %arg10[%parallel_loop3A_407, %parallel_loop3A_408] {strides = array<i32>} : memref<160x128xf32, #tpu.memory_space<vmem>>, vector<16xf32>,
      %parallel_loop3A_410 = arith.constant 40 : i32
      %parallel_loop3A_411 = arith.addi %parallel_loop3A_410, %parallel_loop3A_402 : i32
      %parallel_loop3A_412 = arith.index_cast %parallel_loop3A_411 : i32 to index
      %parallel_loop3A_413 = arith.constant 0 : index
      %parallel_loop3A_414 = tpu.vector_load %arg10[%parallel_loop3A_412, %parallel_loop3A_413] {strides = array<i32>} : memref<160x128xf32, #tpu.memory_space<vmem>>, vector<16xf32>,
      %parallel_loop3A_415 = arith.mulf %parallel_loop3A_409, %parallel_loop3A_414 : vector<16xf32>
      %parallel_loop3A_416 = arith.constant 80 : i32
      %parallel_loop3A_417 = arith.addi %parallel_loop3A_416, %parallel_loop3A_402 : i32
      %parallel_loop3A_418 = arith.index_cast %parallel_loop3A_417 : i32 to index
      %parallel_loop3A_419 = arith.constant 0 : index
      %parallel_loop3A_420 = tpu.vector_load %arg10[%parallel_loop3A_418, %parallel_loop3A_419] {strides = array<i32>} : memref<160x128xf32, #tpu.memory_space<vmem>>, vector<16xf32>,
      %parallel_loop3A_421 = arith.constant 120 : i32
      %parallel_loop3A_422 = arith.addi %parallel_loop3A_421, %parallel_loop3A_402 : i32
      %parallel_loop3A_423 = arith.index_cast %parallel_loop3A_422 : i32 to index
      %parallel_loop3A_424 = arith.constant 0 : index
      %parallel_loop3A_425 = tpu.vector_load %arg10[%parallel_loop3A_423, %parallel_loop3A_424] {strides = array<i32>} : memref<160x128xf32, #tpu.memory_space<vmem>>, vector<16xf32>,
      %parallel_loop3A_426 = arith.mulf %parallel_loop3A_420, %parallel_loop3A_425 : vector<16xf32>
      %parallel_loop3A_427 = arith.index_cast %parallel_loop3A_402 : i32 to index
      %parallel_loop3A_428 = arith.constant 16 : index
      %parallel_loop3A_429 = tpu.vector_load %arg10[%parallel_loop3A_427, %parallel_loop3A_428] {strides = array<i32>} : memref<160x128xf32, #tpu.memory_space<vmem>>, vector<16xf32>,
      %parallel_loop3A_430 = arith.constant 40 : i32
      %parallel_loop3A_431 = arith.addi %parallel_loop3A_430, %parallel_loop3A_402 : i32
      %parallel_loop3A_432 = arith.index_cast %parallel_loop3A_431 : i32 to index
      %parallel_loop3A_433 = arith.constant 16 : index
      %parallel_loop3A_434 = tpu.vector_load %arg10[%parallel_loop3A_432, %parallel_loop3A_433] {strides = array<i32>} : memref<160x128xf32, #tpu.memory_space<vmem>>, vector<16xf32>,
      %parallel_loop3A_435 = arith.mulf %parallel_loop3A_429, %parallel_loop3A_434 : vector<16xf32>
      %parallel_loop3A_436 = arith.constant 80 : i32
      %parallel_loop3A_437 = arith.addi %parallel_loop3A_436, %parallel_loop3A_402 : i32
      %parallel_loop3A_438 = arith.index_cast %parallel_loop3A_437 : i32 to index
      %parallel_loop3A_439 = arith.constant 16 : index
      %parallel_loop3A_440 = tpu.vector_load %arg10[%parallel_loop3A_438, %parallel_loop3A_439] {strides = array<i32>} : memref<160x128xf32, #tpu.memory_space<vmem>>, vector<16xf32>,
      %parallel_loop3A_441 = arith.constant 120 : i32
      %parallel_loop3A_442 = arith.addi %parallel_loop3A_441, %parallel_loop3A_402 : i32
      %parallel_loop3A_443 = arith.index_cast %parallel_loop3A_442 : i32 to index
      %parallel_loop3A_444 = arith.constant 16 : index
      %parallel_loop3A_445 = tpu.vector_load %arg10[%parallel_loop3A_443, %parallel_loop3A_444] {strides = array<i32>} : memref<160x128xf32, #tpu.memory_space<vmem>>, vector<16xf32>,
      %parallel_loop3A_446 = arith.mulf %parallel_loop3A_440, %parallel_loop3A_445 : vector<16xf32>
      %parallel_loop3A_447 = arith.index_cast %parallel_loop3A_402 : i32 to index
      %parallel_loop3A_448 = arith.constant 32 : index
      %parallel_loop3A_449 = tpu.vector_load %arg10[%parallel_loop3A_447, %parallel_loop3A_448] {strides = array<i32>} : memref<160x128xf32, #tpu.memory_space<vmem>>, vector<16xf32>,
      %parallel_loop3A_450 = arith.constant 40 : i32
      %parallel_loop3A_451 = arith.addi %parallel_loop3A_450, %parallel_loop3A_402 : i32
      %parallel_loop3A_452 = arith.index_cast %parallel_loop3A_451 : i32 to index
      %parallel_loop3A_453 = arith.constant 32 : index
      %parallel_loop3A_454 = tpu.vector_load %arg10[%parallel_loop3A_452, %parallel_loop3A_453] {strides = array<i32>} : memref<160x128xf32, #tpu.memory_space<vmem>>, vector<16xf32>,
      %parallel_loop3A_455 = arith.mulf %parallel_loop3A_449, %parallel_loop3A_454 : vector<16xf32>
      %parallel_loop3A_456 = arith.constant 80 : i32
      %parallel_loop3A_457 = arith.addi %parallel_loop3A_456, %parallel_loop3A_402 : i32
      %parallel_loop3A_458 = arith.index_cast %parallel_loop3A_457 : i32 to index
      %parallel_loop3A_459 = arith.constant 32 : index
      %parallel_loop3A_460 = tpu.vector_load %arg10[%parallel_loop3A_458, %parallel_loop3A_459] {strides = array<i32>} : memref<160x128xf32, #tpu.memory_space<vmem>>, vector<16xf32>,
      %parallel_loop3A_461 = arith.constant 120 : i32
      %parallel_loop3A_462 = arith.addi %parallel_loop3A_461, %parallel_loop3A_402 : i32
      %parallel_loop3A_463 = arith.index_cast %parallel_loop3A_462 : i32 to index
      %parallel_loop3A_464 = arith.constant 32 : index
      %parallel_loop3A_465 = tpu.vector_load %arg10[%parallel_loop3A_463, %parallel_loop3A_464] {strides = array<i32>} : memref<160x128xf32, #tpu.memory_space<vmem>>, vector<16xf32>,
      %parallel_loop3A_466 = arith.mulf %parallel_loop3A_460, %parallel_loop3A_465 : vector<16xf32>
      %parallel_loop3A_467 = arith.index_cast %parallel_loop3A_402 : i32 to index
      %parallel_loop3A_468 = arith.constant 48 : index
      %parallel_loop3A_469 = tpu.vector_load %arg10[%parallel_loop3A_467, %parallel_loop3A_468] {strides = array<i32>} : memref<160x128xf32, #tpu.memory_space<vmem>>, vector<16xf32>,
      %parallel_loop3A_470 = arith.constant 40 : i32
      %parallel_loop3A_471 = arith.addi %parallel_loop3A_470, %parallel_loop3A_402 : i32
      %parallel_loop3A_472 = arith.index_cast %parallel_loop3A_471 : i32 to index
      %parallel_loop3A_473 = arith.constant 48 : index
      %parallel_loop3A_474 = tpu.vector_load %arg10[%parallel_loop3A_472, %parallel_loop3A_473] {strides = array<i32>} : memref<160x128xf32, #tpu.memory_space<vmem>>, vector<16xf32>,
      %parallel_loop3A_475 = arith.mulf %parallel_loop3A_469, %parallel_loop3A_474 : vector<16xf32>
      %parallel_loop3A_476 = arith.constant 80 : i32
      %parallel_loop3A_477 = arith.addi %parallel_loop3A_476, %parallel_loop3A_402 : i32
      %parallel_loop3A_478 = arith.index_cast %parallel_loop3A_477 : i32 to index
      %parallel_loop3A_479 = arith.constant 48 : index
      %parallel_loop3A_480 = tpu.vector_load %arg10[%parallel_loop3A_478, %parallel_loop3A_479] {strides = array<i32>} : memref<160x128xf32, #tpu.memory_space<vmem>>, vector<16xf32>,
      %parallel_loop3A_481 = arith.constant 120 : i32
      %parallel_loop3A_482 = arith.addi %parallel_loop3A_481, %parallel_loop3A_402 : i32
      %parallel_loop3A_483 = arith.index_cast %parallel_loop3A_482 : i32 to index
      %parallel_loop3A_484 = arith.constant 48 : index
      %parallel_loop3A_485 = tpu.vector_load %arg10[%parallel_loop3A_483, %parallel_loop3A_484] {strides = array<i32>} : memref<160x128xf32, #tpu.memory_space<vmem>>, vector<16xf32>,
      %parallel_loop3A_486 = arith.mulf %parallel_loop3A_480, %parallel_loop3A_485 : vector<16xf32>
      %parallel_loop3A_487 = arith.index_cast %parallel_loop3A_402 : i32 to index
      %parallel_loop3A_488 = arith.constant 64 : index
      %parallel_loop3A_489 = tpu.vector_load %arg10[%parallel_loop3A_487, %parallel_loop3A_488] {strides = array<i32>} : memref<160x128xf32, #tpu.memory_space<vmem>>, vector<16xf32>,
      %parallel_loop3A_490 = arith.constant 40 : i32
      %parallel_loop3A_491 = arith.addi %parallel_loop3A_490, %parallel_loop3A_402 : i32
      %parallel_loop3A_492 = arith.index_cast %parallel_loop3A_491 : i32 to index
      %parallel_loop3A_493 = arith.constant 64 : index
      %parallel_loop3A_494 = tpu.vector_load %arg10[%parallel_loop3A_492, %parallel_loop3A_493] {strides = array<i32>} : memref<160x128xf32, #tpu.memory_space<vmem>>, vector<16xf32>,
      %parallel_loop3A_495 = arith.mulf %parallel_loop3A_489, %parallel_loop3A_494 : vector<16xf32>
      %parallel_loop3A_496 = arith.constant 80 : i32
      %parallel_loop3A_497 = arith.addi %parallel_loop3A_496, %parallel_loop3A_402 : i32
      %parallel_loop3A_498 = arith.index_cast %parallel_loop3A_497 : i32 to index
      %parallel_loop3A_499 = arith.constant 64 : index
      %parallel_loop3A_500 = tpu.vector_load %arg10[%parallel_loop3A_498, %parallel_loop3A_499] {strides = array<i32>} : memref<160x128xf32, #tpu.memory_space<vmem>>, vector<16xf32>,
      %parallel_loop3A_501 = arith.constant 120 : i32
      %parallel_loop3A_502 = arith.addi %parallel_loop3A_501, %parallel_loop3A_402 : i32
      %parallel_loop3A_503 = arith.index_cast %parallel_loop3A_502 : i32 to index
      %parallel_loop3A_504 = arith.constant 64 : index
      %parallel_loop3A_505 = tpu.vector_load %arg10[%parallel_loop3A_503, %parallel_loop3A_504] {strides = array<i32>} : memref<160x128xf32, #tpu.memory_space<vmem>>, vector<16xf32>,
      %parallel_loop3A_506 = arith.mulf %parallel_loop3A_500, %parallel_loop3A_505 : vector<16xf32>
      %parallel_loop3A_507 = arith.index_cast %parallel_loop3A_402 : i32 to index
      %parallel_loop3A_508 = arith.constant 80 : index
      %parallel_loop3A_509 = tpu.vector_load %arg10[%parallel_loop3A_507, %parallel_loop3A_508] {strides = array<i32>} : memref<160x128xf32, #tpu.memory_space<vmem>>, vector<16xf32>,
      %parallel_loop3A_510 = arith.constant 40 : i32
      %parallel_loop3A_511 = arith.addi %parallel_loop3A_510, %parallel_loop3A_402 : i32
      %parallel_loop3A_512 = arith.index_cast %parallel_loop3A_511 : i32 to index
      %parallel_loop3A_513 = arith.constant 80 : index
      %parallel_loop3A_514 = tpu.vector_load %arg10[%parallel_loop3A_512, %parallel_loop3A_513] {strides = array<i32>} : memref<160x128xf32, #tpu.memory_space<vmem>>, vector<16xf32>,
      %parallel_loop3A_515 = arith.mulf %parallel_loop3A_509, %parallel_loop3A_514 : vector<16xf32>
      %parallel_loop3A_516 = arith.constant 80 : i32
      %parallel_loop3A_517 = arith.addi %parallel_loop3A_516, %parallel_loop3A_402 : i32
      %parallel_loop3A_518 = arith.index_cast %parallel_loop3A_517 : i32 to index
      %parallel_loop3A_519 = arith.constant 80 : index
      %parallel_loop3A_520 = tpu.vector_load %arg10[%parallel_loop3A_518, %parallel_loop3A_519] {strides = array<i32>} : memref<160x128xf32, #tpu.memory_space<vmem>>, vector<16xf32>,
      %parallel_loop3A_521 = arith.constant 120 : i32
      %parallel_loop3A_522 = arith.addi %parallel_loop3A_521, %parallel_loop3A_402 : i32
      %parallel_loop3A_523 = arith.index_cast %parallel_loop3A_522 : i32 to index
      %parallel_loop3A_524 = arith.constant 80 : index
      %parallel_loop3A_525 = tpu.vector_load %arg10[%parallel_loop3A_523, %parallel_loop3A_524] {strides = array<i32>} : memref<160x128xf32, #tpu.memory_space<vmem>>, vector<16xf32>,
      %parallel_loop3A_526 = arith.mulf %parallel_loop3A_520, %parallel_loop3A_525 : vector<16xf32>
      %parallel_loop3A_527 = arith.index_cast %parallel_loop3A_402 : i32 to index
      %parallel_loop3A_528 = arith.constant 96 : index
      %parallel_loop3A_529 = tpu.vector_load %arg10[%parallel_loop3A_527, %parallel_loop3A_528] {strides = array<i32>} : memref<160x128xf32, #tpu.memory_space<vmem>>, vector<16xf32>,
      %parallel_loop3A_530 = arith.constant 40 : i32
      %parallel_loop3A_531 = arith.addi %parallel_loop3A_530, %parallel_loop3A_402 : i32
      %parallel_loop3A_532 = arith.index_cast %parallel_loop3A_531 : i32 to index
      %parallel_loop3A_533 = arith.constant 96 : index
      %parallel_loop3A_534 = tpu.vector_load %arg10[%parallel_loop3A_532, %parallel_loop3A_533] {strides = array<i32>} : memref<160x128xf32, #tpu.memory_space<vmem>>, vector<16xf32>,
      %parallel_loop3A_535 = arith.mulf %parallel_loop3A_529, %parallel_loop3A_534 : vector<16xf32>
      %parallel_loop3A_536 = arith.constant 80 : i32
      %parallel_loop3A_537 = arith.addi %parallel_loop3A_536, %parallel_loop3A_402 : i32
      %parallel_loop3A_538 = arith.index_cast %parallel_loop3A_537 : i32 to index
      %parallel_loop3A_539 = arith.constant 96 : index
      %parallel_loop3A_540 = tpu.vector_load %arg10[%parallel_loop3A_538, %parallel_loop3A_539] {strides = array<i32>} : memref<160x128xf32, #tpu.memory_space<vmem>>, vector<16xf32>,
      %parallel_loop3A_541 = arith.constant 120 : i32
      %parallel_loop3A_542 = arith.addi %parallel_loop3A_541, %parallel_loop3A_402 : i32
      %parallel_loop3A_543 = arith.index_cast %parallel_loop3A_542 : i32 to index
      %parallel_loop3A_544 = arith.constant 96 : index
      %parallel_loop3A_545 = tpu.vector_load %arg10[%parallel_loop3A_543, %parallel_loop3A_544] {strides = array<i32>} : memref<160x128xf32, #tpu.memory_space<vmem>>, vector<16xf32>,
      %parallel_loop3A_546 = arith.mulf %parallel_loop3A_540, %parallel_loop3A_545 : vector<16xf32>
      %parallel_loop3A_547 = arith.index_cast %parallel_loop3A_402 : i32 to index
      %parallel_loop3A_548 = arith.constant 112 : index
      %parallel_loop3A_549 = tpu.vector_load %arg10[%parallel_loop3A_547, %parallel_loop3A_548] {strides = array<i32>} : memref<160x128xf32, #tpu.memory_space<vmem>>, vector<16xf32>,
      %parallel_loop3A_550 = arith.constant 40 : i32
      %parallel_loop3A_551 = arith.addi %parallel_loop3A_550, %parallel_loop3A_402 : i32
      %parallel_loop3A_552 = arith.index_cast %parallel_loop3A_551 : i32 to index
      %parallel_loop3A_553 = arith.constant 112 : index
      %parallel_loop3A_554 = tpu.vector_load %arg10[%parallel_loop3A_552, %parallel_loop3A_553] {strides = array<i32>} : memref<160x128xf32, #tpu.memory_space<vmem>>, vector<16xf32>,
      %parallel_loop3A_555 = arith.mulf %parallel_loop3A_549, %parallel_loop3A_554 : vector<16xf32>
      %parallel_loop3A_556 = arith.constant 80 : i32
      %parallel_loop3A_557 = arith.addi %parallel_loop3A_556, %parallel_loop3A_402 : i32
      %parallel_loop3A_558 = arith.index_cast %parallel_loop3A_557 : i32 to index
      %parallel_loop3A_559 = arith.constant 112 : index
      %parallel_loop3A_560 = tpu.vector_load %arg10[%parallel_loop3A_558, %parallel_loop3A_559] {strides = array<i32>} : memref<160x128xf32, #tpu.memory_space<vmem>>, vector<16xf32>,
      %parallel_loop3A_561 = arith.constant 120 : i32
      %parallel_loop3A_562 = arith.addi %parallel_loop3A_561, %parallel_loop3A_402 : i32
      %parallel_loop3A_563 = arith.index_cast %parallel_loop3A_562 : i32 to index
      %parallel_loop3A_564 = arith.constant 112 : index
      %parallel_loop3A_565 = tpu.vector_load %arg10[%parallel_loop3A_563, %parallel_loop3A_564] {strides = array<i32>} : memref<160x128xf32, #tpu.memory_space<vmem>>, vector<16xf32>,
      %parallel_loop3A_566 = arith.mulf %parallel_loop3A_560, %parallel_loop3A_565 : vector<16xf32>
      %parallel_loop3A_567 = arith.addf %parallel_loop3A_415, %parallel_loop3A_426 : vector<16xf32>
      %parallel_loop3A_568 = arith.addf %parallel_loop3A_435, %parallel_loop3A_446 : vector<16xf32>
      %parallel_loop3A_569 = arith.addf %parallel_loop3A_455, %parallel_loop3A_466 : vector<16xf32>
      %parallel_loop3A_570 = arith.addf %parallel_loop3A_475, %parallel_loop3A_486 : vector<16xf32>
      %parallel_loop3A_571 = arith.addf %parallel_loop3A_495, %parallel_loop3A_506 : vector<16xf32>
      %parallel_loop3A_572 = arith.addf %parallel_loop3A_515, %parallel_loop3A_526 : vector<16xf32>
      %parallel_loop3A_573 = arith.addf %parallel_loop3A_535, %parallel_loop3A_546 : vector<16xf32>
      %parallel_loop3A_574 = arith.addf %parallel_loop3A_555, %parallel_loop3A_566 : vector<16xf32>
      %parallel_loop3A_575 = arith.addf %parallel_loop3A_567, %parallel_loop3A_568 : vector<16xf32>
      %parallel_loop3A_576 = arith.addf %parallel_loop3A_569, %parallel_loop3A_570 : vector<16xf32>
      %parallel_loop3A_577 = arith.addf %parallel_loop3A_571, %parallel_loop3A_572 : vector<16xf32>
      %parallel_loop3A_578 = arith.addf %parallel_loop3A_573, %parallel_loop3A_574 : vector<16xf32>
      %parallel_loop3A_579 = arith.addf %parallel_loop3A_575, %parallel_loop3A_576 : vector<16xf32>
      %parallel_loop3A_580 = arith.addf %parallel_loop3A_577, %parallel_loop3A_578 : vector<16xf32>
      %parallel_loop3A_581 = arith.addf %parallel_loop3A_579, %parallel_loop3A_580 : vector<16xf32>
      tpu.vector_store_idx %arg13[%parallel_loop3A_406], %parallel_loop3A_581 : memref<816xf32, #tpu.memory_space<vmem>>[vector<16xi32>], vector<16xf32>,
    } {sc.loop_unroll_factor = 1 : i64, sc.parallel_access}
    %add3A_143 = arith.constant 0 : i32
    %add3A_144 = vector.broadcast %add3A_143 : i32 to vector<16xi32>
    %add3A_145 = arith.addi %add3A_144, %iota3A : vector<16xi32>
    %mul3A_146 = arith.constant 17 : i32
    %mul3A_147 = vector.broadcast %mul3A_146 : i32 to vector<16xi32>
    %mul3A_148 = arith.muli %add3A_145, %mul3A_147 : vector<16xi32>
    %add3A_149 = arith.constant 0 : i32
    %add3A_150 = vector.broadcast %add3A_149 : i32 to vector<16xi32>
    %add3A_151 = arith.addi %mul3A_148, %add3A_150 : vector<16xi32>
    %gather3A = tpu.vector_load_idx %arg13[%add3A_151] : memref<816xf32, #tpu.memory_space<vmem>>[vector<16xi32>], vector<16xf32>,
    %add3A_152 = arith.constant 1 : i32
    %add3A_153 = vector.broadcast %add3A_152 : i32 to vector<16xi32>
    %add3A_154 = arith.addi %mul3A_148, %add3A_153 : vector<16xi32>
    %gather3A_155 = tpu.vector_load_idx %arg13[%add3A_154] : memref<816xf32, #tpu.memory_space<vmem>>[vector<16xi32>], vector<16xf32>,
    %add3A_156 = arith.constant 2 : i32
    %add3A_157 = vector.broadcast %add3A_156 : i32 to vector<16xi32>
    %add3A_158 = arith.addi %mul3A_148, %add3A_157 : vector<16xi32>
    %gather3A_159 = tpu.vector_load_idx %arg13[%add3A_158] : memref<816xf32, #tpu.memory_space<vmem>>[vector<16xi32>], vector<16xf32>,
    %add3A_160 = arith.constant 3 : i32
    %add3A_161 = vector.broadcast %add3A_160 : i32 to vector<16xi32>
    %add3A_162 = arith.addi %mul3A_148, %add3A_161 : vector<16xi32>
    %gather3A_163 = tpu.vector_load_idx %arg13[%add3A_162] : memref<816xf32, #tpu.memory_space<vmem>>[vector<16xi32>], vector<16xf32>,
    %add3A_164 = arith.constant 4 : i32
    %add3A_165 = vector.broadcast %add3A_164 : i32 to vector<16xi32>
    %add3A_166 = arith.addi %mul3A_148, %add3A_165 : vector<16xi32>
    %gather3A_167 = tpu.vector_load_idx %arg13[%add3A_166] : memref<816xf32, #tpu.memory_space<vmem>>[vector<16xi32>], vector<16xf32>,
    %add3A_168 = arith.constant 5 : i32
    %add3A_169 = vector.broadcast %add3A_168 : i32 to vector<16xi32>
    %add3A_170 = arith.addi %mul3A_148, %add3A_169 : vector<16xi32>
    %gather3A_171 = tpu.vector_load_idx %arg13[%add3A_170] : memref<816xf32, #tpu.memory_space<vmem>>[vector<16xi32>], vector<16xf32>,
    %add3A_172 = arith.constant 6 : i32
    %add3A_173 = vector.broadcast %add3A_172 : i32 to vector<16xi32>
    %add3A_174 = arith.addi %mul3A_148, %add3A_173 : vector<16xi32>
    %gather3A_175 = tpu.vector_load_idx %arg13[%add3A_174] : memref<816xf32, #tpu.memory_space<vmem>>[vector<16xi32>], vector<16xf32>,
    %add3A_176 = arith.constant 7 : i32
    %add3A_177 = vector.broadcast %add3A_176 : i32 to vector<16xi32>
    %add3A_178 = arith.addi %mul3A_148, %add3A_177 : vector<16xi32>
    %gather3A_179 = tpu.vector_load_idx %arg13[%add3A_178] : memref<816xf32, #tpu.memory_space<vmem>>[vector<16xi32>], vector<16xf32>,
    %add3A_180 = arith.constant 8 : i32
    %add3A_181 = vector.broadcast %add3A_180 : i32 to vector<16xi32>
    %add3A_182 = arith.addi %mul3A_148, %add3A_181 : vector<16xi32>
    %gather3A_183 = tpu.vector_load_idx %arg13[%add3A_182] : memref<816xf32, #tpu.memory_space<vmem>>[vector<16xi32>], vector<16xf32>,
    %add3A_184 = arith.constant 9 : i32
    %add3A_185 = vector.broadcast %add3A_184 : i32 to vector<16xi32>
    %add3A_186 = arith.addi %mul3A_148, %add3A_185 : vector<16xi32>
    %gather3A_187 = tpu.vector_load_idx %arg13[%add3A_186] : memref<816xf32, #tpu.memory_space<vmem>>[vector<16xi32>], vector<16xf32>,
    %add3A_188 = arith.constant 10 : i32
    %add3A_189 = vector.broadcast %add3A_188 : i32 to vector<16xi32>
    %add3A_190 = arith.addi %mul3A_148, %add3A_189 : vector<16xi32>
    %gather3A_191 = tpu.vector_load_idx %arg13[%add3A_190] : memref<816xf32, #tpu.memory_space<vmem>>[vector<16xi32>], vector<16xf32>,
    %add3A_192 = arith.constant 11 : i32
    %add3A_193 = vector.broadcast %add3A_192 : i32 to vector<16xi32>
    %add3A_194 = arith.addi %mul3A_148, %add3A_193 : vector<16xi32>
    %gather3A_195 = tpu.vector_load_idx %arg13[%add3A_194] : memref<816xf32, #tpu.memory_space<vmem>>[vector<16xi32>], vector<16xf32>,
    %add3A_196 = arith.constant 12 : i32
    %add3A_197 = vector.broadcast %add3A_196 : i32 to vector<16xi32>
    %add3A_198 = arith.addi %mul3A_148, %add3A_197 : vector<16xi32>
    %gather3A_199 = tpu.vector_load_idx %arg13[%add3A_198] : memref<816xf32, #tpu.memory_space<vmem>>[vector<16xi32>], vector<16xf32>,
    %add3A_200 = arith.constant 13 : i32
    %add3A_201 = vector.broadcast %add3A_200 : i32 to vector<16xi32>
    %add3A_202 = arith.addi %mul3A_148, %add3A_201 : vector<16xi32>
    %gather3A_203 = tpu.vector_load_idx %arg13[%add3A_202] : memref<816xf32, #tpu.memory_space<vmem>>[vector<16xi32>], vector<16xf32>,
    %add3A_204 = arith.constant 14 : i32
    %add3A_205 = vector.broadcast %add3A_204 : i32 to vector<16xi32>
    %add3A_206 = arith.addi %mul3A_148, %add3A_205 : vector<16xi32>
    %gather3A_207 = tpu.vector_load_idx %arg13[%add3A_206] : memref<816xf32, #tpu.memory_space<vmem>>[vector<16xi32>], vector<16xf32>,
    %add3A_208 = arith.constant 15 : i32
    %add3A_209 = vector.broadcast %add3A_208 : i32 to vector<16xi32>
    %add3A_210 = arith.addi %mul3A_148, %add3A_209 : vector<16xi32>
    %gather3A_211 = tpu.vector_load_idx %arg13[%add3A_210] : memref<816xf32, #tpu.memory_space<vmem>>[vector<16xi32>], vector<16xf32>,
    %add3A_212 = arith.addf %gather3A, %gather3A_155 : vector<16xf32>
    %add3A_213 = arith.addf %gather3A_159, %gather3A_163 : vector<16xf32>
    %add3A_214 = arith.addf %gather3A_167, %gather3A_171 : vector<16xf32>
    %add3A_215 = arith.addf %gather3A_175, %gather3A_179 : vector<16xf32>
    %add3A_216 = arith.addf %gather3A_183, %gather3A_187 : vector<16xf32>
    %add3A_217 = arith.addf %gather3A_191, %gather3A_195 : vector<16xf32>
    %add3A_218 = arith.addf %gather3A_199, %gather3A_203 : vector<16xf32>
    %add3A_219 = arith.addf %gather3A_207, %gather3A_211 : vector<16xf32>
    %add3A_220 = arith.addf %add3A_212, %add3A_213 : vector<16xf32>
    %add3A_221 = arith.addf %add3A_214, %add3A_215 : vector<16xf32>
    %add3A_222 = arith.addf %add3A_216, %add3A_217 : vector<16xf32>
    %add3A_223 = arith.addf %add3A_218, %add3A_219 : vector<16xf32>
    %add3A_224 = arith.addf %add3A_220, %add3A_221 : vector<16xf32>
    %add3A_225 = arith.addf %add3A_222, %add3A_223 : vector<16xf32>
    %add3A_226 = arith.addf %add3A_224, %add3A_225 : vector<16xf32>
    %swap3A = arith.constant 4960 : index
    %swap3A_227 = tpu.vector_load %arg12[%swap3A] {strides = array<i32>} : memref<5032xf32, #tpu.memory_space<vmem>>, vector<16xf32>,
    tpu.vector_store %arg12[%swap3A], %add3A_226 {strides = array<i32>} : memref<5032xf32, #tpu.memory_space<vmem>>, vector<16xf32>,
    %add3A_228 = arith.constant 16 : i32
    %add3A_229 = vector.broadcast %add3A_228 : i32 to vector<16xi32>
    %add3A_230 = arith.addi %add3A_229, %iota3A : vector<16xi32>
    %mul3A_231 = arith.constant 17 : i32
    %mul3A_232 = vector.broadcast %mul3A_231 : i32 to vector<16xi32>
    %mul3A_233 = arith.muli %add3A_230, %mul3A_232 : vector<16xi32>
    %add3A_234 = arith.constant 0 : i32
    %add3A_235 = vector.broadcast %add3A_234 : i32 to vector<16xi32>
    %add3A_236 = arith.addi %mul3A_233, %add3A_235 : vector<16xi32>
    %gather3A_237 = tpu.vector_load_idx %arg13[%add3A_236] : memref<816xf32, #tpu.memory_space<vmem>>[vector<16xi32>], vector<16xf32>,
    %add3A_238 = arith.constant 1 : i32
    %add3A_239 = vector.broadcast %add3A_238 : i32 to vector<16xi32>
    %add3A_240 = arith.addi %mul3A_233, %add3A_239 : vector<16xi32>
    %gather3A_241 = tpu.vector_load_idx %arg13[%add3A_240] : memref<816xf32, #tpu.memory_space<vmem>>[vector<16xi32>], vector<16xf32>,
    %add3A_242 = arith.constant 2 : i32
    %add3A_243 = vector.broadcast %add3A_242 : i32 to vector<16xi32>
    %add3A_244 = arith.addi %mul3A_233, %add3A_243 : vector<16xi32>
    %gather3A_245 = tpu.vector_load_idx %arg13[%add3A_244] : memref<816xf32, #tpu.memory_space<vmem>>[vector<16xi32>], vector<16xf32>,
    %add3A_246 = arith.constant 3 : i32
    %add3A_247 = vector.broadcast %add3A_246 : i32 to vector<16xi32>
    %add3A_248 = arith.addi %mul3A_233, %add3A_247 : vector<16xi32>
    %gather3A_249 = tpu.vector_load_idx %arg13[%add3A_248] : memref<816xf32, #tpu.memory_space<vmem>>[vector<16xi32>], vector<16xf32>,
    %add3A_250 = arith.constant 4 : i32
    %add3A_251 = vector.broadcast %add3A_250 : i32 to vector<16xi32>
    %add3A_252 = arith.addi %mul3A_233, %add3A_251 : vector<16xi32>
    %gather3A_253 = tpu.vector_load_idx %arg13[%add3A_252] : memref<816xf32, #tpu.memory_space<vmem>>[vector<16xi32>], vector<16xf32>,
    %add3A_254 = arith.constant 5 : i32
    %add3A_255 = vector.broadcast %add3A_254 : i32 to vector<16xi32>
    %add3A_256 = arith.addi %mul3A_233, %add3A_255 : vector<16xi32>
    %gather3A_257 = tpu.vector_load_idx %arg13[%add3A_256] : memref<816xf32, #tpu.memory_space<vmem>>[vector<16xi32>], vector<16xf32>,
    %add3A_258 = arith.constant 6 : i32
    %add3A_259 = vector.broadcast %add3A_258 : i32 to vector<16xi32>
    %add3A_260 = arith.addi %mul3A_233, %add3A_259 : vector<16xi32>
    %gather3A_261 = tpu.vector_load_idx %arg13[%add3A_260] : memref<816xf32, #tpu.memory_space<vmem>>[vector<16xi32>], vector<16xf32>,
    %add3A_262 = arith.constant 7 : i32
    %add3A_263 = vector.broadcast %add3A_262 : i32 to vector<16xi32>
    %add3A_264 = arith.addi %mul3A_233, %add3A_263 : vector<16xi32>
    %gather3A_265 = tpu.vector_load_idx %arg13[%add3A_264] : memref<816xf32, #tpu.memory_space<vmem>>[vector<16xi32>], vector<16xf32>,
    %add3A_266 = arith.constant 8 : i32
    %add3A_267 = vector.broadcast %add3A_266 : i32 to vector<16xi32>
    %add3A_268 = arith.addi %mul3A_233, %add3A_267 : vector<16xi32>
    %gather3A_269 = tpu.vector_load_idx %arg13[%add3A_268] : memref<816xf32, #tpu.memory_space<vmem>>[vector<16xi32>], vector<16xf32>,
    %add3A_270 = arith.constant 9 : i32
    %add3A_271 = vector.broadcast %add3A_270 : i32 to vector<16xi32>
    %add3A_272 = arith.addi %mul3A_233, %add3A_271 : vector<16xi32>
    %gather3A_273 = tpu.vector_load_idx %arg13[%add3A_272] : memref<816xf32, #tpu.memory_space<vmem>>[vector<16xi32>], vector<16xf32>,
    %add3A_274 = arith.constant 10 : i32
    %add3A_275 = vector.broadcast %add3A_274 : i32 to vector<16xi32>
    %add3A_276 = arith.addi %mul3A_233, %add3A_275 : vector<16xi32>
    %gather3A_277 = tpu.vector_load_idx %arg13[%add3A_276] : memref<816xf32, #tpu.memory_space<vmem>>[vector<16xi32>], vector<16xf32>,
    %add3A_278 = arith.constant 11 : i32
    %add3A_279 = vector.broadcast %add3A_278 : i32 to vector<16xi32>
    %add3A_280 = arith.addi %mul3A_233, %add3A_279 : vector<16xi32>
    %gather3A_281 = tpu.vector_load_idx %arg13[%add3A_280] : memref<816xf32, #tpu.memory_space<vmem>>[vector<16xi32>], vector<16xf32>,
    %add3A_282 = arith.constant 12 : i32
    %add3A_283 = vector.broadcast %add3A_282 : i32 to vector<16xi32>
    %add3A_284 = arith.addi %mul3A_233, %add3A_283 : vector<16xi32>
    %gather3A_285 = tpu.vector_load_idx %arg13[%add3A_284] : memref<816xf32, #tpu.memory_space<vmem>>[vector<16xi32>], vector<16xf32>,
    %add3A_286 = arith.constant 13 : i32
    %add3A_287 = vector.broadcast %add3A_286 : i32 to vector<16xi32>
    %add3A_288 = arith.addi %mul3A_233, %add3A_287 : vector<16xi32>
    %gather3A_289 = tpu.vector_load_idx %arg13[%add3A_288] : memref<816xf32, #tpu.memory_space<vmem>>[vector<16xi32>], vector<16xf32>,
    %add3A_290 = arith.constant 14 : i32
    %add3A_291 = vector.broadcast %add3A_290 : i32 to vector<16xi32>
    %add3A_292 = arith.addi %mul3A_233, %add3A_291 : vector<16xi32>
    %gather3A_293 = tpu.vector_load_idx %arg13[%add3A_292] : memref<816xf32, #tpu.memory_space<vmem>>[vector<16xi32>], vector<16xf32>,
    %add3A_294 = arith.constant 15 : i32
    %add3A_295 = vector.broadcast %add3A_294 : i32 to vector<16xi32>
    %add3A_296 = arith.addi %mul3A_233, %add3A_295 : vector<16xi32>
    %gather3A_297 = tpu.vector_load_idx %arg13[%add3A_296] : memref<816xf32, #tpu.memory_space<vmem>>[vector<16xi32>], vector<16xf32>,
    %add3A_298 = arith.addf %gather3A_237, %gather3A_241 : vector<16xf32>
    %add3A_299 = arith.addf %gather3A_245, %gather3A_249 : vector<16xf32>
    %add3A_300 = arith.addf %gather3A_253, %gather3A_257 : vector<16xf32>
    %add3A_301 = arith.addf %gather3A_261, %gather3A_265 : vector<16xf32>
    %add3A_302 = arith.addf %gather3A_269, %gather3A_273 : vector<16xf32>
    %add3A_303 = arith.addf %gather3A_277, %gather3A_281 : vector<16xf32>
    %add3A_304 = arith.addf %gather3A_285, %gather3A_289 : vector<16xf32>
    %add3A_305 = arith.addf %gather3A_293, %gather3A_297 : vector<16xf32>
    %add3A_306 = arith.addf %add3A_298, %add3A_299 : vector<16xf32>
    %add3A_307 = arith.addf %add3A_300, %add3A_301 : vector<16xf32>
    %add3A_308 = arith.addf %add3A_302, %add3A_303 : vector<16xf32>
    %add3A_309 = arith.addf %add3A_304, %add3A_305 : vector<16xf32>
    %add3A_310 = arith.addf %add3A_306, %add3A_307 : vector<16xf32>
    %add3A_311 = arith.addf %add3A_308, %add3A_309 : vector<16xf32>
    %add3A_312 = arith.addf %add3A_310, %add3A_311 : vector<16xf32>
    %swap3A_313 = arith.constant 4976 : index
    %swap3A_314 = tpu.vector_load %arg12[%swap3A_313] {strides = array<i32>} : memref<5032xf32, #tpu.memory_space<vmem>>, vector<16xf32>,
    tpu.vector_store %arg12[%swap3A_313], %add3A_312 {strides = array<i32>} : memref<5032xf32, #tpu.memory_space<vmem>>, vector<16xf32>,
    %add3A_315 = arith.constant 32 : i32
    %add3A_316 = vector.broadcast %add3A_315 : i32 to vector<16xi32>
    %add3A_317 = arith.addi %add3A_316, %iota3A : vector<16xi32>
    %mul3A_318 = arith.constant 17 : i32
    %mul3A_319 = vector.broadcast %mul3A_318 : i32 to vector<16xi32>
    %mul3A_320 = arith.muli %add3A_317, %mul3A_319 : vector<16xi32>
    %add3A_321 = arith.constant 0 : i32
    %add3A_322 = vector.broadcast %add3A_321 : i32 to vector<16xi32>
    %add3A_323 = arith.addi %mul3A_320, %add3A_322 : vector<16xi32>
    %gather3A_324 = tpu.vector_load_idx %arg13[%add3A_323] : memref<816xf32, #tpu.memory_space<vmem>>[vector<16xi32>], vector<16xf32>,
    %add3A_325 = arith.constant 1 : i32
    %add3A_326 = vector.broadcast %add3A_325 : i32 to vector<16xi32>
    %add3A_327 = arith.addi %mul3A_320, %add3A_326 : vector<16xi32>
    %gather3A_328 = tpu.vector_load_idx %arg13[%add3A_327] : memref<816xf32, #tpu.memory_space<vmem>>[vector<16xi32>], vector<16xf32>,
    %add3A_329 = arith.constant 2 : i32
    %add3A_330 = vector.broadcast %add3A_329 : i32 to vector<16xi32>
    %add3A_331 = arith.addi %mul3A_320, %add3A_330 : vector<16xi32>
    %gather3A_332 = tpu.vector_load_idx %arg13[%add3A_331] : memref<816xf32, #tpu.memory_space<vmem>>[vector<16xi32>], vector<16xf32>,
    %add3A_333 = arith.constant 3 : i32
    %add3A_334 = vector.broadcast %add3A_333 : i32 to vector<16xi32>
    %add3A_335 = arith.addi %mul3A_320, %add3A_334 : vector<16xi32>
    %gather3A_336 = tpu.vector_load_idx %arg13[%add3A_335] : memref<816xf32, #tpu.memory_space<vmem>>[vector<16xi32>], vector<16xf32>,
    %add3A_337 = arith.constant 4 : i32
    %add3A_338 = vector.broadcast %add3A_337 : i32 to vector<16xi32>
    %add3A_339 = arith.addi %mul3A_320, %add3A_338 : vector<16xi32>
    %gather3A_340 = tpu.vector_load_idx %arg13[%add3A_339] : memref<816xf32, #tpu.memory_space<vmem>>[vector<16xi32>], vector<16xf32>,
    %add3A_341 = arith.constant 5 : i32
    %add3A_342 = vector.broadcast %add3A_341 : i32 to vector<16xi32>
    %add3A_343 = arith.addi %mul3A_320, %add3A_342 : vector<16xi32>
    %gather3A_344 = tpu.vector_load_idx %arg13[%add3A_343] : memref<816xf32, #tpu.memory_space<vmem>>[vector<16xi32>], vector<16xf32>,
    %add3A_345 = arith.constant 6 : i32
    %add3A_346 = vector.broadcast %add3A_345 : i32 to vector<16xi32>
    %add3A_347 = arith.addi %mul3A_320, %add3A_346 : vector<16xi32>
    %gather3A_348 = tpu.vector_load_idx %arg13[%add3A_347] : memref<816xf32, #tpu.memory_space<vmem>>[vector<16xi32>], vector<16xf32>,
    %add3A_349 = arith.constant 7 : i32
    %add3A_350 = vector.broadcast %add3A_349 : i32 to vector<16xi32>
    %add3A_351 = arith.addi %mul3A_320, %add3A_350 : vector<16xi32>
    %gather3A_352 = tpu.vector_load_idx %arg13[%add3A_351] : memref<816xf32, #tpu.memory_space<vmem>>[vector<16xi32>], vector<16xf32>,
    %add3A_353 = arith.constant 8 : i32
    %add3A_354 = vector.broadcast %add3A_353 : i32 to vector<16xi32>
    %add3A_355 = arith.addi %mul3A_320, %add3A_354 : vector<16xi32>
    %gather3A_356 = tpu.vector_load_idx %arg13[%add3A_355] : memref<816xf32, #tpu.memory_space<vmem>>[vector<16xi32>], vector<16xf32>,
    %add3A_357 = arith.constant 9 : i32
    %add3A_358 = vector.broadcast %add3A_357 : i32 to vector<16xi32>
    %add3A_359 = arith.addi %mul3A_320, %add3A_358 : vector<16xi32>
    %gather3A_360 = tpu.vector_load_idx %arg13[%add3A_359] : memref<816xf32, #tpu.memory_space<vmem>>[vector<16xi32>], vector<16xf32>,
    %add3A_361 = arith.constant 10 : i32
    %add3A_362 = vector.broadcast %add3A_361 : i32 to vector<16xi32>
    %add3A_363 = arith.addi %mul3A_320, %add3A_362 : vector<16xi32>
    %gather3A_364 = tpu.vector_load_idx %arg13[%add3A_363] : memref<816xf32, #tpu.memory_space<vmem>>[vector<16xi32>], vector<16xf32>,
    %add3A_365 = arith.constant 11 : i32
    %add3A_366 = vector.broadcast %add3A_365 : i32 to vector<16xi32>
    %add3A_367 = arith.addi %mul3A_320, %add3A_366 : vector<16xi32>
    %gather3A_368 = tpu.vector_load_idx %arg13[%add3A_367] : memref<816xf32, #tpu.memory_space<vmem>>[vector<16xi32>], vector<16xf32>,
    %add3A_369 = arith.constant 12 : i32
    %add3A_370 = vector.broadcast %add3A_369 : i32 to vector<16xi32>
    %add3A_371 = arith.addi %mul3A_320, %add3A_370 : vector<16xi32>
    %gather3A_372 = tpu.vector_load_idx %arg13[%add3A_371] : memref<816xf32, #tpu.memory_space<vmem>>[vector<16xi32>], vector<16xf32>,
    %add3A_373 = arith.constant 13 : i32
    %add3A_374 = vector.broadcast %add3A_373 : i32 to vector<16xi32>
    %add3A_375 = arith.addi %mul3A_320, %add3A_374 : vector<16xi32>
    %gather3A_376 = tpu.vector_load_idx %arg13[%add3A_375] : memref<816xf32, #tpu.memory_space<vmem>>[vector<16xi32>], vector<16xf32>,
    %add3A_377 = arith.constant 14 : i32
    %add3A_378 = vector.broadcast %add3A_377 : i32 to vector<16xi32>
    %add3A_379 = arith.addi %mul3A_320, %add3A_378 : vector<16xi32>
    %gather3A_380 = tpu.vector_load_idx %arg13[%add3A_379] : memref<816xf32, #tpu.memory_space<vmem>>[vector<16xi32>], vector<16xf32>,
    %add3A_381 = arith.constant 15 : i32
    %add3A_382 = vector.broadcast %add3A_381 : i32 to vector<16xi32>
    %add3A_383 = arith.addi %mul3A_320, %add3A_382 : vector<16xi32>
    %gather3A_384 = tpu.vector_load_idx %arg13[%add3A_383] : memref<816xf32, #tpu.memory_space<vmem>>[vector<16xi32>], vector<16xf32>,
    %add3A_385 = arith.addf %gather3A_324, %gather3A_328 : vector<16xf32>
    %add3A_386 = arith.addf %gather3A_332, %gather3A_336 : vector<16xf32>
    %add3A_387 = arith.addf %gather3A_340, %gather3A_344 : vector<16xf32>
    %add3A_388 = arith.addf %gather3A_348, %gather3A_352 : vector<16xf32>
    %add3A_389 = arith.addf %gather3A_356, %gather3A_360 : vector<16xf32>
    %add3A_390 = arith.addf %gather3A_364, %gather3A_368 : vector<16xf32>
    %add3A_391 = arith.addf %gather3A_372, %gather3A_376 : vector<16xf32>
    %add3A_392 = arith.addf %gather3A_380, %gather3A_384 : vector<16xf32>
    %add3A_393 = arith.addf %add3A_385, %add3A_386 : vector<16xf32>
    %add3A_394 = arith.addf %add3A_387, %add3A_388 : vector<16xf32>
    %add3A_395 = arith.addf %add3A_389, %add3A_390 : vector<16xf32>
    %add3A_396 = arith.addf %add3A_391, %add3A_392 : vector<16xf32>
    %add3A_397 = arith.addf %add3A_393, %add3A_394 : vector<16xf32>
    %add3A_398 = arith.addf %add3A_395, %add3A_396 : vector<16xf32>
    %add3A_399 = arith.addf %add3A_397, %add3A_398 : vector<16xf32>
    %swap3A_400 = arith.constant 4992 : index
    %swap3A_401 = tpu.vector_load %arg12[%swap3A_400] {strides = array<i32>} : memref<5032xf32, #tpu.memory_space<vmem>>, vector<16xf32>,
    tpu.vector_store %arg12[%swap3A_400], %add3A_399 {strides = array<i32>} : memref<5032xf32, #tpu.memory_space<vmem>>, vector<16xf32>,
    "tpu.region"() ({
      %run_scoped3A = tpu.sem_alloc : memref<!tpu.dma_semaphore, #tpu.memory_space<semaphore_mem>>
      %dma_start3A_402 = arith.constant 0 : i32
      %dma_start3A_403 = tpu.memref_slice %arg12[%dma_start3A_402] : memref<5032xf32, #tpu.memory_space<vmem>> -> memref<5000xf32, #tpu.memory_space<vmem>>
      %dma_start3A_404 = tpu.memref_slice %arg5[%mul3A_2] : memref<160000xf32, #tpu.memory_space<hbm>> -> memref<5000xf32, #tpu.memory_space<hbm>>
      %dma_start3A_405 = tpu.memref_slice %arg5[%mul3A_2] : memref<160000xf32, #tpu.memory_space<hbm>> -> memref<5000xf32, #tpu.memory_space<hbm>>
      %dma_start3A_406 = arith.constant 0 : i32
      %dma_start3A_407 = tpu.memref_slice %arg12[%dma_start3A_406] : memref<5032xf32, #tpu.memory_space<vmem>> -> memref<5000xf32, #tpu.memory_space<vmem>>
      tpu.enqueue_dma source(%dma_start3A_407 : memref<5000xf32, #tpu.memory_space<vmem>>) target(%dma_start3A_405 : memref<5000xf32, #tpu.memory_space<hbm>>) target_semaphore(%run_scoped3A : memref<!tpu.dma_semaphore, #tpu.memory_space<semaphore_mem>>)
      %dma_wait3A_408 = arith.constant 0 : i32
      %dma_wait3A_409 = tpu.memref_slice %arg12[%dma_wait3A_408] : memref<5032xf32, #tpu.memory_space<vmem>> -> memref<5000xf32, #tpu.memory_space<vmem>>
      %dma_wait3A_410 = tpu.memref_slice %arg5[%mul3A_2] : memref<160000xf32, #tpu.memory_space<hbm>> -> memref<5000xf32, #tpu.memory_space<hbm>>
      %dma_wait3A_411 = tpu.memref_slice %arg5[%mul3A_2] : memref<160000xf32, #tpu.memory_space<hbm>> -> memref<5000xf32, #tpu.memory_space<hbm>>
      %dma_wait3A_412 = arith.constant 0 : i32
      %dma_wait3A_413 = tpu.memref_slice %arg12[%dma_wait3A_412] : memref<5032xf32, #tpu.memory_space<vmem>> -> memref<5000xf32, #tpu.memory_space<vmem>>
      tpu.wait_dma2 semaphore(%run_scoped3A : memref<!tpu.dma_semaphore, #tpu.memory_space<semaphore_mem>>) src(%dma_wait3A_413 : memref<5000xf32, #tpu.memory_space<vmem>>) dst(%dma_wait3A_411 : memref<5000xf32, #tpu.memory_space<hbm>>)
      tpu.yield
    }) : () -> ()
    return
  }
}

</mosaic_0001>

<sc_bundles>
// kernel: kernel.3.cloned.1.call-start
scs
__scs_entry_jumppad:
0x0: {  	(pc) =	sbr.rel $0x88, $3  }
0x1: {  	(tag) =	ssettag $0x0;
	lr =	simm.s32 $0x1  }
0x2: {  	[smem:$0x3F9F] =	sst lr;
	_ =	strace $0xD0000000  }
0x3: {  	_ = 	snop  }
0x4: {  	_ = 	snop  }
0x5: {  	_ = 	snop  }
0x6: {  	_ = 	snop  }
0x7: {  	_ = 	snop  }
__scs_overlays_trampoline_lowered:
0x8: {  	[smem:$0x3FAE] =	sst s0  }
0x9: {  	[smem:$0x3FAF] =	sst s1  }
0xa: {  	[smem:$0x3FB0] =	sst s2  }
0xb: {  	[smem:$0x3FB1] =	sst s3  }
0xc: {  	[smem:$0x3FB2] =	sst s4  }
0xd: {  	[smem:$0x3FB3] =	sst s5  }
0xe: {  	[smem:$0x3FB4] =	sst s6  }
0xf: {  	[smem:$0x3FB5] =	sst s7  }
0x10: {  	[smem:$0x3FB6] =	sst s8  }
0x11: {  	[smem:$0x3FB7] =	sst s9;
	s0 =	simm.s32 @!p0 $0x0  }
0x12: {  	s1 =	sld [smem:$0x3F9D];
	s0 =	simm.s32 @p0 $0x1  }
0x13: {  	[smem:$0x3FB8] =	sst s0;
	s0 =	simm.s32 @!p1 $0x0  }
0x14: {  	s2 =	sld [smem:$0x3F9C];
	s0 =	simm.s32 @p1 $0x1  }
0x15: {  	[smem:$0x3FB9] =	sst s0;
	s0 =	simm.s32 @!p2 $0x0  }
0x16: {  	s3 =	sld [smem:$0x3FDB];
	s0 =	simm.s32 @p2 $0x1  }
0x17: {  	s4 =	simm.s32 $0x1BF5;
	[smem:$0x3FBB] =	sst s0  }
0x18: {  	s0 =	sld [smem:$0x3F9E];
	_ =	swait.ge [sflag:s4], $0x0  }
0x19: {  	s7 =	sld [smem:$0x3F9F]  }
0x1a: {  	s8 =	sadd.s32 $0xFFFFE003, lr  }
0x1b: {  	s9 =	sadd.s32 $0xFFFFFEF7, lr;
	s5 =	simm.s32 $0xFFFFFFFF;
	p2 =	slt.u32 s8, $0xFFFFF086  }
0x1c: {  	p1 =	slt.u32 s9, $0xF7A;
	s5 =	simm.s32 @!p2 $0x0  }
0x1d: {  	s5 =	simm.s32 @p1 $0x1;
	p0 =	seq.s32 s7, s2  }
0x1e: {  	s7 =	smul.u32 @!p0 $0xF7A, s2;
	p2 =	seq.s32 @!p0 s5, $0x0  }
0x1f: {  	s9 =	smul.u32 $0xF7A, s1;
	s8 =	simm.s32 @!p0 $0x1BF5;
	p2 =	por !p2, p0  }
0x20: {  	[sflag:s8] =	ssyncset.s32 @!p0 $0xFFFFF086;
	s6 =	sadd.s32 @!p0 s3, s7;
	s7 =	simm.s32 @!p0 $0x108  }
0x21: {  	s3 =	sadd.s32 s3, s9;
	s6 =	sadd.s32 @!p0 $0x88, s6;
	s7 =	simm.s32 @p2 $0x1082  }
0x22: {  	[simem:s7], [sflag:s8] =	dma.local @!p0 [hbm:s6], $0xF7A  }
0x23: {  	s9 =	sor.u32 $0xD0000000, s2;
	s6 =	simm.s32 $0x108;
	_ =	swait.ge @!p0 [sflag:s8], $0x0  }
0x24: {  	s3 =	sadd.s32 $0x88, s3;
	s6 =	simm.s32 @!p1 $0x1082;
	[sflag:s4] =	ssyncset.s32 $0xFFFFF086  }
0x25: {  	[simem:s6], [sflag:s4] =	dma.local [hbm:s3], $0xF7A  }
0x26: {  	[smem:$0x3F9F] =	sst s1;
	(tag) =	ssettag s2;
	_ =	strace s9  }
0x27: {  	s1 =	sld [smem:$0x3FAF]  }
0x28: {  	s2 =	sld [smem:$0x3FB0]  }
0x29: {  	s4 =	sld [smem:$0x3FB2]  }
0x2a: {  	p0 =	seq.s32 s5, $0x0;
	s5 =	sld [smem:$0x3FB3]  }
0x2b: {  	s6 =	sld [smem:$0x3FB4]  }
0x2c: {  	s7 =	sld [smem:$0x3FB5]  }
0x2d: {  	s3 =	simm.s32 $0x108;
	s8 =	sld [smem:$0x3FB6]  }
0x2e: {  	s3 =	simm.s32 @!p0 $0x1082;
	s9 =	sld [smem:$0x3FB7]  }
0x2f: {  	lr =	sadd.s32 s0, s3;
	s0 =	sld [smem:$0x3FAE]  }
0x30: {  	s3 =	sld [smem:$0x3FB1]  }
0x31: {  	[smem:$0x3FBA] =	sst s10  }
0x32: {  	s10 =	sld [smem:$0x3FB8];
	_ =	sdelay $0x3  }
0x33: {  	p0 =	seq.s32 s10, $0x1;
	s10 =	sld [smem:$0x3FBA];
	_ =	sdelay $0x3  }
0x34: {  	[smem:$0x3FBA] =	sst s10  }
0x35: {  	s10 =	sld [smem:$0x3FB9];
	_ =	sdelay $0x3  }
0x36: {  	p1 =	seq.s32 s10, $0x1;
	s10 =	sld [smem:$0x3FBA];
	_ =	sdelay $0x3  }
0x37: {  	[smem:$0x3FBA] =	sst s10  }
0x38: {  	s10 =	sld [smem:$0x3FBB]  }
0x39: {  	_ = 	snop;
	(pc) =	sbr.ind lr, $3  }
0x3a: {  	_ = 	snop  }
0x3b: {  	_ = 	snop  }
0x3c: {  	p2 =	seq.s32 s10, $0x1;
	s10 =	sld [smem:$0x3FBA]  }
0x3d: {  	_ =	shalt  }
0x3e: {  	_ =	shalt  }
0x3f: {  	_ =	shalt  }
0x40: {  	_ =	shalt  }
0x41: {  	_ =	shalt  }
0x42: {  	_ =	shalt  }
0x43: {  	_ =	shalt  }
0x44: {  	_ =	shalt  }
0x45: {  	_ =	shalt  }
0x46: {  	_ =	shalt  }
0x47: {  	_ =	shalt  }
0x48: {  	_ =	shalt  }
0x49: {  	_ =	shalt  }
0x4a: {  	_ =	shalt  }
0x4b: {  	_ =	shalt  }
0x4c: {  	_ =	shalt  }
0x4d: {  	_ =	shalt  }
0x4e: {  	_ =	shalt  }
0x4f: {  	_ =	shalt  }
0x50: {  	_ =	shalt  }
0x51: {  	_ =	shalt  }
0x52: {  	_ =	shalt  }
0x53: {  	_ =	shalt  }
0x54: {  	_ =	shalt  }
0x55: {  	_ =	shalt  }
0x56: {  	_ =	shalt  }
0x57: {  	_ =	shalt  }
0x58: {  	_ =	shalt  }
0x59: {  	_ =	shalt  }
0x5a: {  	_ =	shalt  }
0x5b: {  	_ =	shalt  }
0x5c: {  	_ =	shalt  }
0x5d: {  	_ =	shalt  }
0x5e: {  	_ =	shalt  }
0x5f: {  	_ =	shalt  }
0x60: {  	_ =	shalt  }
0x61: {  	_ =	shalt  }
0x62: {  	_ =	shalt  }
0x63: {  	_ =	shalt  }
0x64: {  	_ =	shalt  }
0x65: {  	_ =	shalt  }
0x66: {  	_ =	shalt  }
0x67: {  	_ =	shalt  }
0x68: {  	_ =	shalt  }
0x69: {  	_ =	shalt  }
0x6a: {  	_ =	shalt  }
0x6b: {  	_ =	shalt  }
0x6c: {  	_ =	shalt  }
0x6d: {  	_ =	shalt  }
0x6e: {  	_ =	shalt  }
0x6f: {  	_ =	shalt  }
0x70: {  	_ =	shalt  }
0x71: {  	_ =	shalt  }
0x72: {  	_ =	shalt  }
0x73: {  	_ =	shalt  }
0x74: {  	_ =	shalt  }
0x75: {  	_ =	shalt  }
0x76: {  	_ =	shalt  }
0x77: {  	_ =	shalt  }
0x78: {  	_ =	shalt  }
0x79: {  	_ =	shalt  }
0x7a: {  	_ =	shalt  }
0x7b: {  	_ =	shalt  }
0x7c: {  	_ =	shalt  }
0x7d: {  	_ =	shalt  }
0x7e: {  	_ =	shalt  }
0x7f: {  	_ =	shalt  }
0x80: {  	_ =	shalt  }
0x81: {  	_ =	shalt  }
0x82: {  	_ =	shalt  }
0x83: {  	_ =	shalt  }
0x84: {  	_ =	shalt  }
0x85: {  	_ =	shalt  }
0x86: {  	_ =	shalt  }
0x87: {  	_ =	shalt  }
.Lfunc_end0:
.L_simem_size_0:
called_computation_lowered:
.L_overlay_start_0:
0x88: {  	s2 =	sld [smem:$0x3FD9]  }
0x89: {  	s3 =	sld [smem:$0x3FFE];
	_ =	sdelay $0x1  }
0x8a: {  	s1 =	srdreg.scid  }
0x8b: {  	s0 =	sand.u32 $0x1, s1  }
0x8c: {  	s17 =	sshll.u32 s0, $0xA;
	s2 =	sadd.s32 s3, s2  }
0x8d: {  	s2 =	sadd.s32 s2, s17  }
0x8e: {  	[smem:$0x3FC6] =	sst s2  }
0x8f: {  	_ = 	snop  }
0x90: {  	s2 =	sld [smem:$0x3FC9]  }
0x91: {  	s18 =	sld [smem:$0x3FD0];
	(tm) =	ssettm $0x1  }
0x92: {  	s4 =	sld [smem:$0x3FFB];
	_ =	sdelay $0x3  }
0x93: {  	_ =	strace s4  }
0x94: {  	s4 =	sld [smem:$0x3FFC];
	_ =	sdelay $0x3  }
0x95: {  	_ =	strace s4  }
0x96: {  	s4 =	sld [smem:$0x3FFD];
	_ =	sdelay $0x3  }
0x97: {  	_ =	strace s4  }
0x98: {  	_ =	strace $0x8FFFFFFF  }
0x99: {  	s19 =	sld [smem:$0x3FDB];
	_ =	sdelay $0x1  }
0x9a: {  	s5 =	simm.s32 $_scs_section_size  }
0x9b: {  	s6 =	simm.s32 $_size__tile_overlayer_lowered;
	s7 =	simm.s32 $_tile_overlayer_lowered  }
0x9c: {  	s22 =	simm.s32 $0x1BFF;
	s21 =	sshll.u32 s7, $0x1;
	s4 =	sadd.s32 s5, s19  }
0x9d: {  	s8 =	simm.s32 $0x0;
	s20 =	sshll.u32 s6, $0x1;
	s6 =	sadd.s32 s21, s4  }
0x9e: {  	[timem:s8], [sflag:s22] =	dma.local [hbm:s6], s20  }
0x9f: {  	_ =	swait.ge [sflag:s22], s20  }
0xa0: {  	s5 =	ssub.s32 $0x0, s20;
	[sflag:s22] =	ssyncset.done $0x0  }
0xa1: {  	[sflag:s22] =	ssyncadd.s32 s5;
	_ =	sdelay $0x1  }
0xa2: {  	s23 =	simm.s32 $0x1B8B  }
0xa3: {  	_ =	swait.ge [sflag:s23], $0x1  }
0xa4: {  	[sflag:s23] =	ssyncset.done $0x0  }
0xa5: {  	s25 =	simm.s32 $0x1B8E;
	s24 =	sld [smem:$0x3FFE];
	[sflag:s23] =	ssyncadd.s32 $0xFFFFFFFF  }
0xa6: {  	s26 =	simm.s32 $execute0_lowered;
	[smem:$0x3FD2] =	sst s25  }
0xa7: {  	s6 =	sshll.u32 s26, $0x1;
	_ =	strace $0x80000046;
	[dreg:$0x1] =	wrdreg $0xFFFFFFFF  }
0xa8: {  	s28 =	simm.s32 $_size_execute0_lowered;
	s4 =	sadd.s32 s4, s6;
	[dreg:$0x0] =	wrdreg $0x0  }
0xa9: {  	s6 =	sshll.u32 s28, $0x1;
	[dreg:$0x2] =	wrdreg s4  }
0xaa: {  	[dreg:$0x3] =	wrdreg s6  }
0xab: {  	[dreg:$0x4] =	wrdreg $0xC0  }
0xac: {  	_ =	task [dreg:s8], $0x5FFFF  }
0xad: {  	[dreg:$0x1] =	wrdreg $0xFFFFFFFF  }
0xae: {  	[dreg:$0x0] =	wrdreg $0x60  }
0xaf: {  	[dreg:$0x2] =	wrdreg s2  }
0xb0: {  	[dreg:$0x3] =	wrdreg s24  }
0xb1: {  	[dreg:$0x4] =	wrdreg s18  }
0xb2: {  	[dreg:$0x5] =	wrdreg $0xBB800  }
0xb3: {  	[dreg:$0x6] =	wrdreg $0x9  }
0xb4: {  	_ =	task.clear_ibuf [dreg:s8], $0x7FFFF;
	_ =	strace $0x90000046  }
0xb5: {  	s29 =	simm.s32 $0x9;
	_ =	strace $0x80000048  }
0xb6: {  	_ =	swait.ge [sflag:s29], $0x1  }
0xb7: {  	[sflag:s29] =	ssyncadd.s32 $0xFFFFFFFF  }
0xb8: {  	_ =	strace $0x90000048  }
0xb9: {  	_ =	sfence  }
0xba: {  	s30 =	sld [smem:$0x0];
	_ =	sdelay $0x2  }
0xbb: {  	s31 =	sshll.u32 s1, $0xD;
	s1 =	sshrl.u32 s1, $0x2  }
0xbc: {  	s3 =	sand.u32 $0x4000, s31;
	s1 =	sadd.s32 s1, s30  }
0xbd: {  	s0 =	sor.u32 s3, s0;
	s1 =	sshll.u32 s1, $0x11  }
0xbe: {  	s0 =	sor.u32 s1, s0  }
0xbf: {  	s0 =	sadd.s32 $0x8F2B, s0  }
0xc0: {  	[sflag:s0] =	ssyncadd.remote.s32 $0x1  }
0xc1: {  	_ =	sfence.sel $0xFFFF  }
0xc2: {  	[dreg:$0x0] =	wrdreg $0xFFFFFFFF;
	(pc) =	sbr.abs _section_cstart, $3  }
0xc3: {  	[dreg:$0x1] =	wrdreg $0xFFFFFFFF  }
0xc4: {  	_ =	task.clear_ibuf [dreg:s8], $0x2FFFF;
	_ =	strace $0x9FFFFFFF  }
0xc5: {  	(tm) =	ssettm $0x7FFFFFFF  }
tec
execute0_lowered:
.L_overlay_start_1:
0x0: {  	(tag) =	ssettag $0x1  }
0x1: {  	s0 =	rddreg [dreg:$0x0]  }
0x2: {  	s1 =	rddreg [dreg:$0x1]  }
0x3: {  	s3 =	rddreg [dreg:$0x2]  }
0x4: {  	s2 =	rddreg [dreg:$0x3]  }
0x5: {  	s28 =	simm.s32 $0x0;
	s4 =	srdreg.scid;
	s6 =	stileid.u32  }
0x6: {  	s30 =	simm.s32 $0x28;
	s31 =	simm.s32 $0x50;
	[smem:$0x7FF] =	sst s28  }
0x7: {  	s5 =	sand.u32 $0x1, s4;
	s4 =	sadd.s32 $0x9E00, s1;
	s10 =	smul.u32 $0x4E000, s6  }
0x8: {  	s9 =	sshll.u32 s6, $0x1;
	s18 =	smul.u32 $0x2700, s6;
	s20 =	sshll.u32 s6, $0x6  }
0x9: {  	_ =	strace $0x80000047;
	s7 =	ssub.s32 $0x2, s5;
	s5 =	sor.u32 s5, s9  }
0xa: {  	s21 =	sor.u32 $0x1C07, s20;
	s8 =	sshrl.u32 s7, $0x1;
	s11 =	smul.u32 $0x1388, s5  }
0xb: {  	[dreg:$0x7] =	wrdreg s21;
	s7 =	ssub.s32 s7, s8;
	s8 =	sadd.s32 s0, s18  }
0xc: {  	s19 =	sshrl.u32 s10, $0x2;
	s0 =	sadd.s32 $0x27000, s0;
	[dreg:$0x6] =	wrdreg s8  }
0xd: {  	s5 =	sadd.s32 s19, s2;
	[dreg:$0x8] =	wrdreg s0;
	s22 =	sshrl.u32 s11, $0x3  }
0xe: {  	v0 =	vlaneseq.u32;
	s25 =	sadd.s32 $0x28, s11;
	[dreg:$0x5] =	wrdreg s11;
	s23 =	sadd.s32 s4, s22  }
0xf: {  	v1 =	vmul.u32 $0x11, v0;
	s24 =	sadd.s32 $0x4E20, s22;
	s12 =	sadd.s32 s1, s22;
	[dreg:$0x9] =	wrdreg s23  }
0x10: {  	s15 =	sadd.s32 $0xA, s22;
	s0 =	sadd.s32 s3, s22;
	[dreg:$0xa] =	wrdreg s12  }
0x11: {  	v2 =	vadd.s32 $0x1, v1;
	s19 =	sadd.s32 $0x4E2A, s22;
	s22 =	sadd.s32 $0xA0, s11;
	[dreg:$0x13] =	wrdreg s0  }
0x12: {  	[tilespmem:$0x1FED0] =	vst v2;
	v2 =	vadd.s32 $0x2, v1;
	s10 =	sshrl.u32 s25, $0x3;
	s25 =	sadd.s32 $0xC8, s11;
	[dreg:$0x16] =	wrdreg s22  }
0x13: {  	s29 =	simm.s32 $0x300;
	[tilespmem:$0x1FEE0] =	vst v2;
	v2 =	vadd.s32 $0x3, v1;
	s26 =	sadd.s32 s4, s24;
	[dreg:$0x1a] =	wrdreg s25  }
0x14: {  	p0 =	sne.s32 s6, $0x0;
	[tilespmem:$0x1FEF0] =	vst v2;
	v2 =	vadd.s32 $0x4, v1;
	s9 =	sadd.s32 s1, s24;
	[dreg:$0xb] =	wrdreg s26  }
0x15: {  	s6 =	simm.s32 $0x328;
	s14 =	sadd.s32 s4, s10;
	[tilespmem:$0x1FF00] =	vst v2;
	v2 =	vadd.s32 $0x5, v1;
	[dreg:$0xc] =	wrdreg s9  }
0x16: {  	s8 =	sadd.s32 $0x138000, s2;
	s10 =	sadd.s32 s1, s10;
	[dreg:$0xd] =	wrdreg s14;
	[tilespmem:$0x1FF10] =	vst v2;
	v2 =	vadd.s32 $0x6, v1  }
0x17: {  	v21 =	vadd.s32 $0x114, v1;
	v22 =	vadd.s32 $0x115, v1;
	s13 =	sadd.s32 $0x27128, s11;
	s17 =	sadd.s32 s4, s15;
	[dreg:$0xe] =	wrdreg s10;
	[tilespmem:$0x1FF20] =	vst v2;
	v2 =	vadd.s32 $0x7, v1  }
0x18: {  	v23 =	vadd.s32 $0x116, v1;
	v24 =	vadd.s32 $0x117, v1;
	s18 =	sadd.s32 s1, s15;
	s20 =	sadd.s32 s4, s19;
	[dreg:$0x11] =	wrdreg s17;
	[tilespmem:$0x1FF30] =	vst v2;
	v2 =	vadd.s32 $0x8, v1  }
0x19: {  	v25 =	vadd.s32 $0x118, v1;
	v26 =	vadd.s32 $0x119, v1;
	s21 =	sadd.s32 s1, s19;
	s23 =	smax.u32 s7, $0x1;
	[dreg:$0x12] =	wrdreg s18;
	[tilespmem:$0x1FF40] =	vst v2;
	v2 =	vadd.s32 $0x9, v1  }
0x1a: {  	v27 =	vadd.s32 $0x11A, v1;
	v28 =	vadd.s32 $0x11B, v1;
	s24 =	sshrl.u32 s5, $0x3;
	s0 =	sshrl.u32 @!p0 s8, $0x3;
	[dreg:$0x14] =	wrdreg s20;
	[tilespmem:$0x1FF50] =	vst v2;
	v2 =	vadd.s32 $0xA, v1  }
0x1b: {  	v29 =	vadd.s32 $0x11C, v1;
	v30 =	vadd.s32 $0x11D, v1;
	s15 =	simm.s32 $0x1;
	s19 =	simm.s32 $0x4000;
	[dreg:$0x15] =	wrdreg s21;
	[tilespmem:$0x1FF60] =	vst v2;
	v2 =	vadd.s32 $0xB, v1  }
0x1c: {  	v31 =	vadd.s32 $0x11E, v1;
	v32 =	vadd.s32 $0x11F, v1;
	s25 =	simm.s32 $0x9000;
	s7 =	simm.s32 $0x5;
	[dreg:$0x17] =	wrdreg s23;
	[tilespmem:$0x1FF70] =	vst v2;
	v2 =	vadd.s32 $0xC, v1  }
0x1d: {  	v33 =	vadd.s32 $0x220, v1;
	v34 =	vadd.s32 $0x221, v1;
	s8 =	simm.s32 $0x350;
	s12 =	simm.s32 $0x6;
	[dreg:$0x18] =	wrdreg s24;
	[tilespmem:$0x1FF80] =	vst v2;
	v2 =	vadd.s32 $0xD, v1  }
0x1e: {  	v35 =	vadd.s32 $0x222, v1;
	v36 =	vadd.s32 $0x223, v1;
	s5 =	simm.s32 $0x0;
	s9 =	sshrl.u32 s13, $0x3;
	[dreg:$0x19] =	wrdreg s0;
	[tilespmem:$0x1FF90] =	vst v2;
	v2 =	vadd.s32 $0xE, v1  }
0x1f: {  	v37 =	vadd.s32 $0x224, v1;
	v38 =	vadd.s32 $0x225, v1;
	s26 =	sadd.s32 $0xF0, s11;
	s21 =	simm.s32 $0x7;
	s0 =	simm.s32 $0x78;
	[tilespmem:$0x1FFA0] =	vst v2;
	v2 =	vadd.s32 $0xF, v1  }
0x20: {  	v39 =	vadd.s32 $0x226, v1;
	v40 =	vadd.s32 $0x227, v1;
	s17 =	simm.s32 $0x1800;
	s18 =	simm.s32 $0x2C00;
	s20 =	simm.s32 $0x2;
	[tilespmem:$0x1FFB0] =	vst v2;
	v2 =	vadd.s32 $0x110, v1  }
0x21: {  	v41 =	vadd.s32 $0x228, v1;
	s23 =	simm.s32 $0x6800;
	s24 =	simm.s32 $0x7C00;
	s10 =	simm.s32 $0xB800;
	[tilespmem:$0x1FFC0] =	vst v2;
	v2 =	vadd.s32 $0x111, v1  }
0x22: {  	v42 =	vadd.s32 $0x229, v1;
	v43 =	vadd.s32 $0x22A, v1;
	s11 =	simm.s32 $0x3;
	s16 =	sadd.s32 s4, s9;
	[dreg:$0x1b] =	wrdreg s26;
	[tilespmem:$0x1FFD0] =	vst v2;
	v2 =	vadd.s32 $0x112, v1  }
0x23: {  	v44 =	vadd.s32 $0x22B, v1;
	v45 =	vadd.s32 $0x22C, v1;
	s13 =	simm.s32 $0x4;
	s9 =	sadd.s32 s1, s9;
	[dreg:$0xf] =	wrdreg s16;
	[tilespmem:$0x1FFE0] =	vst v2;
	v2 =	vadd.s32 $0x113, v1  }
0x24: {  	v46 =	vadd.s32 $0x22D, v1;
	v47 =	vadd.s32 $0x22E, v1;
	v20 =	vmovc v1;
	v48 =	vadd.s32 $0x22F, v1;
	[dreg:$0x10] =	wrdreg s9;
	s16 =	simm.s32 $0x400;
	s9 =	simm.s32 $0x378;
	[tilespmem:$0x1FFF0] =	vst v2  }
.LBB2_1:
0x25: {  	[dreg:$0x1c] =	wrdreg s5  }
0x26: {  	s3 =	rddreg [dreg:$0x6]  }
0x27: {  	s5 =	rddreg [dreg:$0x7]  }
0x28: {  	s14 =	rddreg [dreg:$0x18]  }
0x29: {  	[spmem:s14], [sflag:s5] =	dma.local [hbm:s3], $0x2700  }
0x2a: {  	_ =	swait.ge [sflag:s21], $0x2700  }
0x2b: {  	[sflag:s21] =	ssyncset.done $0x0;
	s3 =	rddreg [dreg:$0x8]  }
0x2c: {  	s14 =	rddreg [dreg:$0x19];
	[sflag:s21] =	ssyncadd.s32 $0xFFFFD900  }
0x2d: {  	[spmem:s14], [sflag:s5] =	dma.local @!p0 [hbm:s3], $0x100  }
0x2e: {  	s3 =	simm.s32 @!p0 $0x7  }
0x2f: {  	_ =	swait.ge @!p0 [sflag:s3], $0x100  }
0x30: {  	[sflag:s3] =	ssyncset.done @!p0 $0x0  }
0x31: {  	[sflag:s3] =	ssyncadd.s32 @!p0 $0xFFFFFF00  }
0x32: {  	[bflag:$0x0] =	sbarrier.arrive $0xFFFF  }
0x33: {  	s21 =	rddreg [dreg:$0x9]  }
0x34: {  	[tilespmem:s28], [sflag:$0x1] =	stream.linear.gather [hbm4b:s21+s28], $0x28, $0x38;
	[tilespmem:$0x1F400] =	vst v63  }
0x35: {  	s22 =	rddreg [dreg:$0xa]  }
0x36: {  	[tilespmem:s30], [sflag:$0x1] =	stream.linear.gather [hbm4b:s22+s28], $0x28, $0x38;
	[tilespmem:$0x1F400] =	vst v63  }
0x37: {  	s26 =	rddreg [dreg:$0xb]  }
0x38: {  	[tilespmem:s31], [sflag:$0x1] =	stream.linear.gather [hbm4b:s26+s28], $0x28, $0x38;
	[tilespmem:$0x1F400] =	vst v63  }
0x39: {  	s5 =	rddreg [dreg:$0xc]  }
0x3a: {  	[tilespmem:s0], [sflag:$0x1] =	stream.linear.gather [hbm4b:s5+s28], $0x28, $0x38;
	[tilespmem:$0x1F400] =	vst v63  }
0x3b: {  	s14 =	rddreg [dreg:$0xd];
	s21 =	simm.s32 $0x100  }
0x3c: {  	[tilespmem:s21], [sflag:$0x2] =	stream.linear.gather [hbm4b:s14+s28], $0x28, $0x38;
	[tilespmem:$0x1F400] =	vst v63  }
0x3d: {  	s22 =	rddreg [dreg:$0xe];
	s26 =	simm.s32 $0x128  }
0x3e: {  	[tilespmem:s26], [sflag:$0x2] =	stream.linear.gather [hbm4b:s22+s28], $0x28, $0x38;
	[tilespmem:$0x1F400] =	vst v63  }
0x3f: {  	s14 =	rddreg [dreg:$0xf];
	s21 =	simm.s32 $0x150  }
0x40: {  	[tilespmem:s21], [sflag:$0x2] =	stream.linear.gather [hbm4b:s14+s28], $0x28, $0x38;
	[tilespmem:$0x1F400] =	vst v63  }
0x41: {  	s22 =	rddreg [dreg:$0x10];
	s26 =	simm.s32 $0x178  }
0x42: {  	[tilespmem:s26], [sflag:$0x2] =	stream.linear.gather [hbm4b:s22+s28], $0x28, $0x38;
	[tilespmem:$0x1F400] =	vst v63  }
0x43: {  	s14 =	rddreg [dreg:$0x11];
	s21 =	simm.s32 $0x200  }
0x44: {  	[tilespmem:s21], [sflag:$0x3] =	stream.linear.gather [hbm4b:s14+s28], $0x28, $0x38;
	[tilespmem:$0x1F400] =	vst v63  }
0x45: {  	s22 =	rddreg [dreg:$0x12];
	s26 =	simm.s32 $0x228  }
0x46: {  	[tilespmem:s26], [sflag:$0x3] =	stream.linear.gather [hbm4b:s22+s28], $0x28, $0x38;
	[tilespmem:$0x1F400] =	vst v63  }
0x47: {  	s14 =	rddreg [dreg:$0x14];
	s21 =	simm.s32 $0x250  }
0x48: {  	[tilespmem:s21], [sflag:$0x3] =	stream.linear.gather [hbm4b:s14+s28], $0x28, $0x38;
	[tilespmem:$0x1F400] =	vst v63  }
0x49: {  	s22 =	rddreg [dreg:$0x15];
	s26 =	simm.s32 $0x278  }
0x4a: {  	[tilespmem:s26], [sflag:$0x3] =	stream.linear.gather [hbm4b:s22+s28], $0x28, $0x38;
	[tilespmem:$0x1F400] =	vst v63  }
0x4b: {  	_ =	swait.ge [sflag:s15], $0xA0  }
0x4c: {  	[sflag:s15] =	ssyncset.done $0x0  }
0x4d: {  	[sflag:s15] =	ssyncadd.s32 $0xFFFFFF60  }
0x4e: {  	[tilespmem:s16], [sflag:$0x5] =	stream.indirect.gather [spmem:s2], $0x80, s28, s30, $0xb8;
	[tilespmem:$0x1F400] =	vst v63  }
0x4f: {  	_ = 	snop  }
0x50: {  	[tilespmem:s17], [sflag:$0x5] =	stream.indirect.gather [spmem:s2], $0x80, s30, s30, $0xb8;
	[tilespmem:$0x1F400] =	vst v63  }
0x51: {  	_ = 	snop  }
0x52: {  	[tilespmem:s18], [sflag:$0x5] =	stream.indirect.gather [spmem:s2], $0x80, s31, s30, $0xb8;
	[tilespmem:$0x1F400] =	vst v63  }
0x53: {  	s14 =	simm.s32 $0x0  }
0x54: {  	[tilespmem:s19], [sflag:$0x5] =	stream.indirect.gather [spmem:s2], $0x80, s0, s30, $0xb8;
	[tilespmem:$0x1F400] =	vst v63  }
.LBB2_2:
0x55: {  	_ =	swait.ge [sflag:s20], $0xA0  }
0x56: {  	[sflag:s20] =	ssyncset.done $0x0  }
0x57: {  	s3 =	simm.s32 $0x100;
	s5 =	simm.s32 $0x5400;
	[sflag:s20] =	ssyncadd.s32 $0xFFFFFF60  }
0x58: {  	[tilespmem:s5], [sflag:$0x6] =	stream.indirect.gather [spmem:s2], $0x80, s3, s30, $0xb8;
	[tilespmem:$0x1F400] =	vst v63  }
0x59: {  	s5 =	simm.s32 $0x128  }
0x5a: {  	[tilespmem:s23], [sflag:$0x6] =	stream.indirect.gather [spmem:s2], $0x80, s5, s30, $0xb8;
	[tilespmem:$0x1F400] =	vst v63  }
0x5b: {  	s21 =	simm.s32 $0x150  }
0x5c: {  	[tilespmem:s24], [sflag:$0x6] =	stream.indirect.gather [spmem:s2], $0x80, s21, s30, $0xb8;
	[tilespmem:$0x1F400] =	vst v63  }
0x5d: {  	s3 =	sshllo.u32 s14, $0x2;
	s21 =	simm.s32 $0x178  }
0x5e: {  	[tilespmem:s25], [sflag:$0x6] =	stream.indirect.gather [spmem:s2], $0x80, s21, s30, $0xb8;
	[tilespmem:$0x1F400] =	vst v63  }
0x5f: {  	s22 =	smul.u32 $0x28, s3;
	_ =	swait.ge [sflag:s7], $0x5000  }
0x60: {  	s26 =	rddreg [dreg:$0x5]  }
0x61: {  	s5 =	sadd.s32 s26, s22  }
0x62: {  	[sflag:s7] =	ssyncset.done $0x0;
	s22 =	sshrl.u32 s5, $0x3  }
0x63: {  	[sflag:s7] =	ssyncadd.s32 $0xFFFFB000;
	s5 =	simm.s32 $0x0;
	s26 =	sadd.s32 s4, s22  }
0x64: {  	[tilespmem:s29], [sflag:$0x4] =	stream.linear.gather [hbm4b:s26+s5], $0x28, $0x38;
	[tilespmem:$0x1F400] =	vst v63  }
0x65: {  	s28 =	sadd.s32 s1, s22;
	s22 =	sadd.s32 $0x4E20, s22  }
0x66: {  	[tilespmem:s6], [sflag:$0x4] =	stream.linear.gather [hbm4b:s28+s5], $0x28, $0x38;
	[tilespmem:$0x1F400] =	vst v63  }
0x67: {  	s21 =	sadd.s32 s4, s22  }
0x68: {  	[tilespmem:s8], [sflag:$0x4] =	stream.linear.gather [hbm4b:s21+s5], $0x28, $0x38;
	[tilespmem:$0x1F400] =	vst v63  }
0x69: {  	s22 =	sadd.s32 s1, s22;
	s28 =	simm.s32 $0x2C00  }
0x6a: {  	[tilespmem:s9], [sflag:$0x4] =	stream.linear.gather [hbm4b:s22+s5], $0x28, $0x38;
	[tilespmem:$0x1F400] =	vst v63  }
0x6b: {  	v1 =	vld [tilespmem:s28+$0xFFFFD800]  }
0x6c: {  	v2 =	vld [tilespmem:s28+$0xFFFFEC00]  }
0x6d: {  	v3 =	vld [tilespmem:s28+$0x0]  }
0x6e: {  	v4 =	vld [tilespmem:s28+$0x1400]  }
0x6f: {  	v5 =	vld [tilespmem:s28+$0xFFFFD810]  }
0x70: {  	v6 =	vld [tilespmem:s28+$0xFFFFEC10]  }
0x71: {  	v7 =	vld [tilespmem:s28+$0x10]  }
0x72: {  	v8 =	vld [tilespmem:s28+$0x1410]  }
0x73: {  	v9 =	vld [tilespmem:s28+$0xFFFFD820]  }
0x74: {  	v10 =	vld [tilespmem:s28+$0xFFFFEC20]  }
0x75: {  	v11 =	vld [tilespmem:s28+$0x20]  }
0x76: {  	v12 =	vld [tilespmem:s28+$0x1420]  }
0x77: {  	v13 =	vld [tilespmem:s28+$0xFFFFD830]  }
0x78: {  	v14 =	vld [tilespmem:s28+$0xFFFFEC30]  }
0x79: {  	v15 =	vld [tilespmem:s28+$0x30]  }
0x7a: {  	v16 =	vld [tilespmem:s28+$0x1430]  }
0x7b: {  	v49 =	vld [tilespmem:s28+$0xFFFFD840]  }
0x7c: {  	v50 =	vld [tilespmem:s28+$0xFFFFEC40]  }
0x7d: {  	v51 =	vld [tilespmem:s28+$0x40]  }
0x7e: {  	v53 =	vld [tilespmem:s28+$0x1440]  }
0x7f: {  	v52 =	vld [tilespmem:s28+$0xFFFFD850]  }
0x80: {  	v54 =	vld [tilespmem:s28+$0xFFFFEC50]  }
0x81: {  	v55 =	vld [tilespmem:s28+$0x50]  }
0x82: {  	v57 =	vld [tilespmem:s28+$0x1450]  }
0x83: {  	v56 =	vld [tilespmem:s28+$0xFFFFD860]  }
0x84: {  	v58 =	vld [tilespmem:s28+$0xFFFFEC60]  }
0x85: {  	v59 =	vld [tilespmem:s28+$0x60]  }
0x86: {  	v62 =	vld [tilespmem:s28+$0x1460]  }
0x87: {  	v60 =	vmul.f32 v2, v1;
	v61 =	vmul.f32 v4, v3;
	v2 =	vld [tilespmem:s28+$0xFFFFD870]  }
0x88: {  	v63 =	vmul.f32 v6, v5;
	v4 =	vmul.f32 v8, v7;
	v1 =	vld [tilespmem:s28+$0xFFFFEC70]  }
0x89: {  	v3 =	vmul.f32 v10, v9;
	v5 =	vmul.f32 v12, v11;
	v7 =	vld [tilespmem:s28+$0x70]  }
0x8a: {  	s26 =	simm.s32 $0x11;
	s22 =	simm.s32 $0x2C80;
	v6 =	vmul.f32 v14, v13;
	v8 =	vmul.f32 v16, v15;
	v9 =	vld [tilespmem:s28+$0x1470]  }
.LBB2_3:
0x8b: {  	v10 =	vld [tilespmem:s22+$0xFFFFD800];
	p1 =	sne.s32 s26, $0x297;
	v11 =	vmul.f32 v50, v49;
	v12 =	vmul.f32 v53, v51  }
0x8c: {  	v14 =	vmul.f32 v54, v52;
	v15 =	vmul.f32 v57, v55;
	v13 =	vld [tilespmem:s22+$0xFFFFEC00]  }
0x8d: {  	v49 =	vmul.f32 v58, v56;
	v50 =	vmul.f32 v62, v59;
	v16 =	vld [tilespmem:s22+$0x0]  }
0x8e: {  	v4 =	vadd.f32 v4, v63;
	v1 =	vmul.f32 v1, v2;
	v2 =	vadd.f32 v61, v60;
	v17 =	vld [tilespmem:s22+$0x1400]  }
0x8f: {  	v3 =	vadd.f32 v5, v3;
	v5 =	vadd.f32 v8, v6;
	v63 =	vld [tilespmem:s22+$0xFFFFD810];
	v7 =	vmul.f32 v9, v7  }
0x90: {  	v8 =	vadd.f32 v12, v11;
	v9 =	vadd.f32 v15, v14;
	v6 =	vld [tilespmem:s22+$0xFFFFEC10]  }
0x91: {  	v12 =	vadd.f32 v50, v49;
	v11 =	vld [tilespmem:s22+$0x10];
	v1 =	vadd.f32 v7, v1  }
0x92: {  	v3 =	vadd.f32 v5, v3;
	v2 =	vadd.f32 v4, v2;
	v7 =	vld [tilespmem:s22+$0x1410]  }
0x93: {  	v4 =	vadd.f32 v9, v8;
	v5 =	vld [tilespmem:s22+$0xFFFFD820];
	v1 =	vadd.f32 v1, v12  }
0x94: {  	v9 =	vadd.s32 s5, v0;
	s5 =	smov.u32 s26;
	v8 =	vld [tilespmem:s22+$0xFFFFEC20]  }
0x95: {  	v2 =	vadd.f32 v3, v2;
	v12 =	vld [tilespmem:s22+$0x20];
	v1 =	vadd.f32 v1, v4  }
0x96: {  	v14 =	vld [tilespmem:s22+$0x1420]  }
0x97: {  	v15 =	vld [tilespmem:s22+$0xFFFFD830];
	v1 =	vadd.f32 v1, v2  }
0x98: {  	v18 =	vld [tilespmem:s22+$0xFFFFEC30]  }
0x99: {  	v19 =	vld [tilespmem:s22+$0x30];
	[tilespmem:v9+s10+$0x0] =	vst.idx.msk $0xffff, v1  }
0x9a: {  	v9 =	vld [tilespmem:s22+$0x1430]  }
0x9b: {  	v49 =	vld [tilespmem:s22+$0xFFFFD840]  }
0x9c: {  	v50 =	vld [tilespmem:s22+$0xFFFFEC40]  }
0x9d: {  	v51 =	vld [tilespmem:s22+$0x40]  }
0x9e: {  	v53 =	vld [tilespmem:s22+$0x1440]  }
0x9f: {  	v52 =	vld [tilespmem:s22+$0xFFFFD850]  }
0xa0: {  	v54 =	vld [tilespmem:s22+$0xFFFFEC50]  }
0xa1: {  	v55 =	vld [tilespmem:s22+$0x50]  }
0xa2: {  	v57 =	vld [tilespmem:s22+$0x1450]  }
0xa3: {  	v56 =	vld [tilespmem:s22+$0xFFFFD860]  }
0xa4: {  	v58 =	vld [tilespmem:s22+$0xFFFFEC60]  }
0xa5: {  	v59 =	vld [tilespmem:s22+$0x60]  }
.Ltmp0:
0xa6: {  	v62 =	vld [tilespmem:s22+$0x1460];
	(pc) =	sbr.rel @p1 .LBB2_3-.Ltmp0, $4  }
0xa7: {  	v60 =	vmul.f32 v13, v10;
	v61 =	vmul.f32 v17, v16;
	v2 =	vld [tilespmem:s22+$0xFFFFD870]  }
0xa8: {  	v63 =	vmul.f32 v6, v63;
	v4 =	vmul.f32 v7, v11;
	v1 =	vld [tilespmem:s22+$0xFFFFEC70]  }
0xa9: {  	v3 =	vmul.f32 v8, v5;
	v5 =	vmul.f32 v14, v12;
	v7 =	vld [tilespmem:s22+$0x70]  }
0xaa: {  	s26 =	sadd.s32 $0x11, s26;
	v6 =	vmul.f32 v18, v15;
	v8 =	vmul.f32 v9, v19;
	v9 =	vld [tilespmem:s22+$0x1470];
	s22 =	sadd.s32 $0x80, s22  }
0xab: {  	v10 =	vmul.f32 v50, v49  }
0xac: {  	v11 =	vmul.f32 v53, v51;
	v12 =	vmul.f32 v54, v52  }
0xad: {  	v13 =	vmul.f32 v57, v55;
	v14 =	vmul.f32 v58, v56;
	v4 =	vadd.f32 v4, v63  }
0xae: {  	v15 =	vmul.f32 v62, v59;
	v3 =	vadd.f32 v5, v3;
	v5 =	vadd.f32 v8, v6  }
0xaf: {  	v1 =	vmul.f32 v1, v2;
	v2 =	vadd.f32 v61, v60;
	v7 =	vmul.f32 v9, v7  }
0xb0: {  	v6 =	vadd.f32 v11, v10;
	v8 =	vadd.f32 v13, v12  }
0xb1: {  	v9 =	vadd.f32 v15, v14;
	v1 =	vadd.f32 v7, v1  }
0xb2: {  	v3 =	vadd.f32 v5, v3;
	v2 =	vadd.f32 v4, v2  }
0xb3: {  	v4 =	vadd.f32 v8, v6;
	v1 =	vadd.f32 v1, v9  }
0xb4: {  	v5 =	vadd.s32 s5, v0  }
0xb5: {  	v2 =	vadd.f32 v3, v2;
	v1 =	vadd.f32 v1, v4;
	_ =	sdelay $0x1  }
0xb6: {  	v1 =	vadd.f32 v1, v2;
	_ =	sdelay $0x1  }
0xb7: {  	[tilespmem:v5+s10+$0x0] =	vst.idx.msk $0xffff, v1  }
0xb8: {  	v1 =	vld.idx.msk [tilespmem:v20+s10+$0x0], $0xffff  }
0xb9: {  	v2 =	vld [tilespmem:$0x1FED0]  }
0xba: {  	v3 =	vld [tilespmem:$0x1FEE0]  }
0xbb: {  	v4 =	vld [tilespmem:$0x1FEF0]  }
0xbc: {  	v5 =	vld [tilespmem:$0x1FF00]  }
0xbd: {  	v6 =	vld [tilespmem:$0x1FF10]  }
0xbe: {  	v7 =	vld [tilespmem:$0x1FF20]  }
0xbf: {  	v8 =	vld [tilespmem:$0x1FF30]  }
0xc0: {  	v9 =	vld [tilespmem:$0x1FF40]  }
0xc1: {  	v10 =	vld [tilespmem:$0x1FF50]  }
0xc2: {  	v11 =	vld [tilespmem:$0x1FF60]  }
0xc3: {  	v50 =	vld [tilespmem:$0x1FF70]  }
0xc4: {  	v51 =	vld [tilespmem:$0x1FF80]  }
0xc5: {  	v52 =	vld [tilespmem:$0x1FF90]  }
0xc6: {  	v53 =	vld [tilespmem:$0x1FFA0]  }
0xc7: {  	v16 =	vld [tilespmem:$0x1FFB0]  }
0xc8: {  	v2 =	vld.idx.msk [tilespmem:v2+s10+$0x0], $0xffff  }
0xc9: {  	v3 =	vld.idx.msk [tilespmem:v3+s10+$0x0], $0xffff  }
0xca: {  	v4 =	vld.idx.msk [tilespmem:v4+s10+$0x0], $0xffff  }
0xcb: {  	v5 =	vld.idx.msk [tilespmem:v5+s10+$0x0], $0xffff  }
0xcc: {  	v6 =	vld.idx.msk [tilespmem:v6+s10+$0x0], $0xffff  }
0xcd: {  	v7 =	vld.idx.msk [tilespmem:v7+s10+$0x0], $0xffff  }
0xce: {  	v8 =	vld.idx.msk [tilespmem:v8+s10+$0x0], $0xffff  }
0xcf: {  	v9 =	vld.idx.msk [tilespmem:v9+s10+$0x0], $0xffff  }
0xd0: {  	v10 =	vld.idx.msk [tilespmem:v10+s10+$0x0], $0xffff  }
0xd1: {  	v11 =	vld.idx.msk [tilespmem:v11+s10+$0x0], $0xffff  }
0xd2: {  	v12 =	vld.idx.msk [tilespmem:v50+s10+$0x0], $0xffff  }
0xd3: {  	v13 =	vld.idx.msk [tilespmem:v51+s10+$0x0], $0xffff  }
0xd4: {  	v14 =	vld.idx.msk [tilespmem:v52+s10+$0x0], $0xffff  }
0xd5: {  	v15 =	vld.idx.msk [tilespmem:v53+s10+$0x0], $0xffff  }
0xd6: {  	v16 =	vld.idx.msk [tilespmem:v16+s10+$0x0], $0xffff;
	_ =	sdelay $0x1  }
0xd7: {  	v1 =	vadd.f32 v2, v1;
	v2 =	vadd.f32 v4, v3  }
0xd8: {  	v3 =	vadd.f32 v6, v5;
	v4 =	vadd.f32 v8, v7  }
0xd9: {  	v5 =	vadd.f32 v10, v9;
	v6 =	vadd.f32 v12, v11  }
0xda: {  	v7 =	vadd.f32 v14, v13;
	v8 =	vadd.f32 v16, v15  }
0xdb: {  	v1 =	vadd.f32 v2, v1;
	v2 =	vadd.f32 v4, v3  }
0xdc: {  	v3 =	vadd.f32 v6, v5;
	v4 =	vadd.f32 v8, v7;
	_ =	sdelay $0x1  }
0xdd: {  	v1 =	vadd.f32 v2, v1;
	v2 =	vadd.f32 v4, v3  }
0xde: {  	v3 =	vld [tilespmem:$0x1FFE0]  }
0xdf: {  	s5 =	smul.u32 $0xA0, s14;
	v4 =	vld [tilespmem:$0x1FFF0];
	v1 =	vadd.f32 v2, v1  }
0xe0: {  	v2 =	vld [tilespmem:$0x1FFD0]  }
0xe1: {  	[tilespmem:s5+$0xA400] =	vst v1;
	v1 =	vld [tilespmem:$0x1FFC0]  }
0xe2: {  	v5 =	vld.idx.msk [tilespmem:v21+s10+$0x0], $0xffff  }
0xe3: {  	v6 =	vld.idx.msk [tilespmem:v22+s10+$0x0], $0xffff  }
0xe4: {  	v7 =	vld.idx.msk [tilespmem:v23+s10+$0x0], $0xffff  }
0xe5: {  	v8 =	vld.idx.msk [tilespmem:v24+s10+$0x0], $0xffff  }
0xe6: {  	v9 =	vld.idx.msk [tilespmem:v25+s10+$0x0], $0xffff  }
0xe7: {  	v10 =	vld.idx.msk [tilespmem:v26+s10+$0x0], $0xffff  }
0xe8: {  	v11 =	vld.idx.msk [tilespmem:v27+s10+$0x0], $0xffff  }
0xe9: {  	v54 =	vld.idx.msk [tilespmem:v28+s10+$0x0], $0xffff  }
0xea: {  	v55 =	vld.idx.msk [tilespmem:v29+s10+$0x0], $0xffff  }
0xeb: {  	v3 =	vld.idx.msk [tilespmem:v3+s10+$0x0], $0xffff  }
0xec: {  	v4 =	vld.idx.msk [tilespmem:v4+s10+$0x0], $0xffff  }
0xed: {  	v2 =	vld.idx.msk [tilespmem:v2+s10+$0x0], $0xffff  }
0xee: {  	v1 =	vld.idx.msk [tilespmem:v1+s10+$0x0], $0xffff  }
0xef: {  	v56 =	vld.idx.msk [tilespmem:v30+s10+$0x0], $0xffff  }
0xf0: {  	v57 =	vld.idx.msk [tilespmem:v31+s10+$0x0], $0xffff  }
0xf1: {  	v58 =	vld.idx.msk [tilespmem:v32+s10+$0x0], $0xffff;
	_ =	sdelay $0x1  }
0xf2: {  	v1 =	vadd.f32 v2, v1;
	v2 =	vadd.f32 v4, v3  }
0xf3: {  	v3 =	vadd.f32 v6, v5;
	v4 =	vadd.f32 v8, v7  }
0xf4: {  	v5 =	vadd.f32 v10, v9;
	v6 =	vadd.f32 v54, v11  }
0xf5: {  	v7 =	vadd.f32 v56, v55;
	v8 =	vadd.f32 v58, v57  }
0xf6: {  	v1 =	vadd.f32 v2, v1;
	v2 =	vadd.f32 v4, v3  }
0xf7: {  	v3 =	vadd.f32 v6, v5;
	v4 =	vadd.f32 v8, v7;
	_ =	sdelay $0x1  }
0xf8: {  	v1 =	vadd.f32 v2, v1;
	v2 =	vadd.f32 v4, v3;
	_ =	sdelay $0x1  }
0xf9: {  	v1 =	vadd.f32 v2, v1;
	_ =	sdelay $0x1  }
0xfa: {  	[tilespmem:s5+$0xA410] =	vst v1  }
0xfb: {  	v1 =	vld.idx.msk [tilespmem:v33+s10+$0x0], $0xffff  }
0xfc: {  	v2 =	vld.idx.msk [tilespmem:v34+s10+$0x0], $0xffff  }
0xfd: {  	v3 =	vld.idx.msk [tilespmem:v35+s10+$0x0], $0xffff  }
0xfe: {  	v4 =	vld.idx.msk [tilespmem:v36+s10+$0x0], $0xffff  }
0xff: {  	v5 =	vld.idx.msk [tilespmem:v37+s10+$0x0], $0xffff  }
0x100: {  	v6 =	vld.idx.msk [tilespmem:v38+s10+$0x0], $0xffff  }
0x101: {  	v7 =	vld.idx.msk [tilespmem:v39+s10+$0x0], $0xffff  }
0x102: {  	v8 =	vld.idx.msk [tilespmem:v40+s10+$0x0], $0xffff  }
0x103: {  	v9 =	vld.idx.msk [tilespmem:v41+s10+$0x0], $0xffff  }
0x104: {  	v10 =	vld.idx.msk [tilespmem:v42+s10+$0x0], $0xffff  }
0x105: {  	v11 =	vld.idx.msk [tilespmem:v43+s10+$0x0], $0xffff  }
0x106: {  	v59 =	vld.idx.msk [tilespmem:v44+s10+$0x0], $0xffff  }
0x107: {  	v60 =	vld.idx.msk [tilespmem:v45+s10+$0x0], $0xffff  }
0x108: {  	v61 =	vld.idx.msk [tilespmem:v46+s10+$0x0], $0xffff  }
0x109: {  	v62 =	vld.idx.msk [tilespmem:v47+s10+$0x0], $0xffff  }
0x10a: {  	v63 =	vld.idx.msk [tilespmem:v48+s10+$0x0], $0xffff;
	_ =	sdelay $0x1  }
0x10b: {  	v1 =	vadd.f32 v2, v1;
	v2 =	vadd.f32 v4, v3  }
0x10c: {  	v3 =	vadd.f32 v6, v5;
	v4 =	vadd.f32 v8, v7  }
0x10d: {  	v5 =	vadd.f32 v10, v9;
	v6 =	vadd.f32 v59, v11  }
0x10e: {  	v7 =	vadd.f32 v61, v60;
	v8 =	vadd.f32 v63, v62  }
0x10f: {  	v1 =	vadd.f32 v2, v1;
	v2 =	vadd.f32 v4, v3  }
0x110: {  	v3 =	vadd.f32 v6, v5;
	v4 =	vadd.f32 v8, v7;
	_ =	sdelay $0x1  }
0x111: {  	v1 =	vadd.f32 v2, v1;
	v2 =	vadd.f32 v4, v3;
	_ =	sdelay $0x1  }
0x112: {  	v1 =	vadd.f32 v2, v1;
	_ =	sdelay $0x1  }
0x113: {  	[tilespmem:s5+$0xA420] =	vst v1  }
0x114: {  	_ =	swait.ge [sflag:s11], $0xA0  }
0x115: {  	[sflag:s11] =	ssyncset.done $0x0  }
0x116: {  	s21 =	simm.s32 $0x200;
	[sflag:s11] =	ssyncadd.s32 $0xFFFFFF60  }
0x117: {  	[tilespmem:s16], [sflag:$0x5] =	stream.indirect.gather [spmem:s2], $0x80, s21, s30, $0xb8;
	[tilespmem:$0x1F400] =	vst v63  }
0x118: {  	s22 =	simm.s32 $0x228  }
0x119: {  	[tilespmem:s17], [sflag:$0x5] =	stream.indirect.gather [spmem:s2], $0x80, s22, s30, $0xb8;
	[tilespmem:$0x1F400] =	vst v63  }
0x11a: {  	s26 =	simm.s32 $0x250  }
0x11b: {  	[tilespmem:s18], [sflag:$0x5] =	stream.indirect.gather [spmem:s2], $0x80, s26, s30, $0xb8;
	[tilespmem:$0x1F400] =	vst v63  }
0x11c: {  	s22 =	simm.s32 $0x278  }
0x11d: {  	[tilespmem:s19], [sflag:$0x5] =	stream.indirect.gather [spmem:s2], $0x80, s22, s30, $0xb8;
	[tilespmem:$0x1F400] =	vst v63  }
0x11e: {  	_ =	swait.ge [sflag:s12], $0x5000  }
0x11f: {  	s26 =	rddreg [dreg:$0x16]  }
0x120: {  	s22 =	sadd.s32 s5, s26  }
0x121: {  	[sflag:s12] =	ssyncset.done $0x0;
	s26 =	sshrl.u32 s22, $0x3  }
0x122: {  	[sflag:s12] =	ssyncadd.s32 $0xFFFFB000;
	s22 =	simm.s32 $0x0;
	s28 =	sadd.s32 s4, s26  }
0x123: {  	[tilespmem:s22], [sflag:$0x1] =	stream.linear.gather [hbm4b:s28+s22], $0x28, $0x38;
	[tilespmem:$0x1F400] =	vst v63  }
0x124: {  	s28 =	sadd.s32 s1, s26;
	s26 =	sadd.s32 $0x4E20, s26  }
0x125: {  	[tilespmem:s30], [sflag:$0x1] =	stream.linear.gather [hbm4b:s28+s22], $0x28, $0x38;
	[tilespmem:$0x1F400] =	vst v63  }
0x126: {  	s28 =	sadd.s32 s4, s26  }
0x127: {  	[tilespmem:s31], [sflag:$0x1] =	stream.linear.gather [hbm4b:s28+s22], $0x28, $0x38;
	[tilespmem:$0x1F400] =	vst v63  }
0x128: {  	s21 =	simm.s32 $0x7C00;
	s26 =	sadd.s32 s1, s26  }
0x129: {  	[tilespmem:s0], [sflag:$0x1] =	stream.linear.gather [hbm4b:s26+s22], $0x28, $0x38;
	[tilespmem:$0x1F400] =	vst v63  }
0x12a: {  	v1 =	vld [tilespmem:s21+$0xFFFFD800]  }
0x12b: {  	v2 =	vld [tilespmem:s21+$0xFFFFEC00]  }
0x12c: {  	v3 =	vld [tilespmem:s21+$0x0]  }
0x12d: {  	v4 =	vld [tilespmem:s21+$0x1400]  }
0x12e: {  	v5 =	vld [tilespmem:s21+$0xFFFFD810]  }
0x12f: {  	v6 =	vld [tilespmem:s21+$0xFFFFEC10]  }
0x130: {  	v7 =	vld [tilespmem:s21+$0x10]  }
0x131: {  	v8 =	vld [tilespmem:s21+$0x1410]  }
0x132: {  	v9 =	vld [tilespmem:s21+$0xFFFFD820]  }
0x133: {  	v10 =	vld [tilespmem:s21+$0xFFFFEC20]  }
0x134: {  	v11 =	vld [tilespmem:s21+$0x20]  }
0x135: {  	v12 =	vld [tilespmem:s21+$0x1420]  }
0x136: {  	v13 =	vld [tilespmem:s21+$0xFFFFD830]  }
0x137: {  	v14 =	vld [tilespmem:s21+$0xFFFFEC30]  }
0x138: {  	v15 =	vld [tilespmem:s21+$0x30]  }
0x139: {  	v16 =	vld [tilespmem:s21+$0x1430]  }
0x13a: {  	v49 =	vld [tilespmem:s21+$0xFFFFD840]  }
0x13b: {  	v50 =	vld [tilespmem:s21+$0xFFFFEC40]  }
0x13c: {  	v51 =	vld [tilespmem:s21+$0x40]  }
0x13d: {  	v53 =	vld [tilespmem:s21+$0x1440]  }
0x13e: {  	v52 =	vld [tilespmem:s21+$0xFFFFD850]  }
0x13f: {  	v54 =	vld [tilespmem:s21+$0xFFFFEC50]  }
0x140: {  	v55 =	vld [tilespmem:s21+$0x50]  }
0x141: {  	v57 =	vld [tilespmem:s21+$0x1450]  }
0x142: {  	v56 =	vld [tilespmem:s21+$0xFFFFD860]  }
0x143: {  	v58 =	vld [tilespmem:s21+$0xFFFFEC60]  }
0x144: {  	v59 =	vld [tilespmem:s21+$0x60]  }
0x145: {  	v62 =	vld [tilespmem:s21+$0x1460]  }
0x146: {  	v60 =	vmul.f32 v2, v1;
	v61 =	vmul.f32 v4, v3;
	v2 =	vld [tilespmem:s21+$0xFFFFD870]  }
0x147: {  	v63 =	vmul.f32 v6, v5;
	v4 =	vmul.f32 v8, v7;
	v1 =	vld [tilespmem:s21+$0xFFFFEC70]  }
0x148: {  	v3 =	vmul.f32 v10, v9;
	v5 =	vmul.f32 v12, v11;
	v7 =	vld [tilespmem:s21+$0x70]  }
0x149: {  	s28 =	simm.s32 $0x11;
	s26 =	simm.s32 $0x7C80;
	v6 =	vmul.f32 v14, v13;
	v8 =	vmul.f32 v16, v15;
	v9 =	vld [tilespmem:s21+$0x1470]  }
.LBB2_5:
0x14a: {  	v10 =	vld [tilespmem:s26+$0xFFFFD800];
	p1 =	sne.s32 s28, $0x297;
	v11 =	vmul.f32 v50, v49;
	v12 =	vmul.f32 v53, v51  }
0x14b: {  	v14 =	vmul.f32 v54, v52;
	v15 =	vmul.f32 v57, v55;
	v13 =	vld [tilespmem:s26+$0xFFFFEC00]  }
0x14c: {  	v17 =	vmul.f32 v58, v56;
	v18 =	vmul.f32 v62, v59;
	v16 =	vld [tilespmem:s26+$0x0]  }
0x14d: {  	v4 =	vadd.f32 v4, v63;
	v1 =	vmul.f32 v1, v2;
	v2 =	vadd.f32 v61, v60;
	v19 =	vld [tilespmem:s26+$0x1400]  }
0x14e: {  	v3 =	vadd.f32 v5, v3;
	v5 =	vadd.f32 v8, v6;
	v63 =	vld [tilespmem:s26+$0xFFFFD810];
	v7 =	vmul.f32 v9, v7  }
0x14f: {  	v8 =	vadd.f32 v12, v11;
	v9 =	vadd.f32 v15, v14;
	v6 =	vld [tilespmem:s26+$0xFFFFEC10]  }
0x150: {  	v12 =	vadd.f32 v18, v17;
	v11 =	vld [tilespmem:s26+$0x10];
	v1 =	vadd.f32 v7, v1  }
0x151: {  	v3 =	vadd.f32 v5, v3;
	v2 =	vadd.f32 v4, v2;
	v7 =	vld [tilespmem:s26+$0x1410]  }
0x152: {  	v4 =	vadd.f32 v9, v8;
	v5 =	vld [tilespmem:s26+$0xFFFFD820];
	v1 =	vadd.f32 v1, v12  }
0x153: {  	v9 =	vadd.s32 s22, v0;
	s22 =	smov.u32 s28;
	v8 =	vld [tilespmem:s26+$0xFFFFEC20]  }
0x154: {  	v2 =	vadd.f32 v3, v2;
	v12 =	vld [tilespmem:s26+$0x20];
	v1 =	vadd.f32 v1, v4  }
0x155: {  	v14 =	vld [tilespmem:s26+$0x1420]  }
0x156: {  	v15 =	vld [tilespmem:s26+$0xFFFFD830];
	v1 =	vadd.f32 v1, v2  }
0x157: {  	v17 =	vld [tilespmem:s26+$0xFFFFEC30]  }
0x158: {  	v18 =	vld [tilespmem:s26+$0x30];
	[tilespmem:v9+s10+$0x0] =	vst.idx.msk $0xffff, v1  }
0x159: {  	v9 =	vld [tilespmem:s26+$0x1430]  }
0x15a: {  	v49 =	vld [tilespmem:s26+$0xFFFFD840]  }
0x15b: {  	v50 =	vld [tilespmem:s26+$0xFFFFEC40]  }
0x15c: {  	v51 =	vld [tilespmem:s26+$0x40]  }
0x15d: {  	v53 =	vld [tilespmem:s26+$0x1440]  }
0x15e: {  	v52 =	vld [tilespmem:s26+$0xFFFFD850]  }
0x15f: {  	v54 =	vld [tilespmem:s26+$0xFFFFEC50]  }
0x160: {  	v55 =	vld [tilespmem:s26+$0x50]  }
0x161: {  	v57 =	vld [tilespmem:s26+$0x1450]  }
0x162: {  	v56 =	vld [tilespmem:s26+$0xFFFFD860]  }
0x163: {  	v58 =	vld [tilespmem:s26+$0xFFFFEC60]  }
0x164: {  	v59 =	vld [tilespmem:s26+$0x60]  }
.Ltmp1:
0x165: {  	v62 =	vld [tilespmem:s26+$0x1460];
	(pc) =	sbr.rel @p1 .LBB2_5-.Ltmp1, $4  }
0x166: {  	v60 =	vmul.f32 v13, v10;
	v61 =	vmul.f32 v19, v16;
	v2 =	vld [tilespmem:s26+$0xFFFFD870]  }
0x167: {  	v63 =	vmul.f32 v6, v63;
	v4 =	vmul.f32 v7, v11;
	v1 =	vld [tilespmem:s26+$0xFFFFEC70]  }
0x168: {  	v3 =	vmul.f32 v8, v5;
	v5 =	vmul.f32 v14, v12;
	v7 =	vld [tilespmem:s26+$0x70]  }
0x169: {  	s28 =	sadd.s32 $0x11, s28;
	v6 =	vmul.f32 v17, v15;
	v8 =	vmul.f32 v9, v18;
	v9 =	vld [tilespmem:s26+$0x1470];
	s26 =	sadd.s32 $0x80, s26  }
0x16a: {  	v10 =	vmul.f32 v50, v49  }
0x16b: {  	v11 =	vmul.f32 v53, v51;
	v12 =	vmul.f32 v54, v52  }
0x16c: {  	v13 =	vmul.f32 v57, v55;
	v14 =	vmul.f32 v58, v56;
	v4 =	vadd.f32 v4, v63  }
0x16d: {  	v15 =	vmul.f32 v62, v59;
	v3 =	vadd.f32 v5, v3;
	v5 =	vadd.f32 v8, v6  }
0x16e: {  	v1 =	vmul.f32 v1, v2;
	v2 =	vadd.f32 v61, v60;
	v7 =	vmul.f32 v9, v7  }
0x16f: {  	v6 =	vadd.f32 v11, v10;
	v8 =	vadd.f32 v13, v12  }
0x170: {  	v9 =	vadd.f32 v15, v14;
	v1 =	vadd.f32 v7, v1  }
0x171: {  	v3 =	vadd.f32 v5, v3;
	v2 =	vadd.f32 v4, v2  }
0x172: {  	v4 =	vadd.f32 v8, v6;
	v1 =	vadd.f32 v1, v9  }
0x173: {  	v5 =	vadd.s32 s22, v0  }
0x174: {  	v2 =	vadd.f32 v3, v2;
	v1 =	vadd.f32 v1, v4;
	_ =	sdelay $0x1  }
0x175: {  	v1 =	vadd.f32 v1, v2;
	_ =	sdelay $0x1  }
0x176: {  	[tilespmem:v5+s10+$0x0] =	vst.idx.msk $0xffff, v1  }
0x177: {  	v1 =	vld.idx.msk [tilespmem:v20+s10+$0x0], $0xffff  }
0x178: {  	v2 =	vld [tilespmem:$0x1FED0]  }
0x179: {  	v3 =	vld [tilespmem:$0x1FEE0]  }
0x17a: {  	v4 =	vld [tilespmem:$0x1FEF0]  }
0x17b: {  	v5 =	vld [tilespmem:$0x1FF00]  }
0x17c: {  	v6 =	vld [tilespmem:$0x1FF10]  }
0x17d: {  	v7 =	vld [tilespmem:$0x1FF20]  }
0x17e: {  	v8 =	vld [tilespmem:$0x1FF30]  }
0x17f: {  	v9 =	vld [tilespmem:$0x1FF40]  }
0x180: {  	v10 =	vld [tilespmem:$0x1FF50]  }
0x181: {  	v11 =	vld [tilespmem:$0x1FF60]  }
0x182: {  	v50 =	vld [tilespmem:$0x1FF70]  }
0x183: {  	v51 =	vld [tilespmem:$0x1FF80]  }
0x184: {  	v52 =	vld [tilespmem:$0x1FF90]  }
0x185: {  	v53 =	vld [tilespmem:$0x1FFA0]  }
0x186: {  	v16 =	vld [tilespmem:$0x1FFB0]  }
0x187: {  	v2 =	vld.idx.msk [tilespmem:v2+s10+$0x0], $0xffff  }
0x188: {  	v3 =	vld.idx.msk [tilespmem:v3+s10+$0x0], $0xffff  }
0x189: {  	v4 =	vld.idx.msk [tilespmem:v4+s10+$0x0], $0xffff  }
0x18a: {  	v5 =	vld.idx.msk [tilespmem:v5+s10+$0x0], $0xffff  }
0x18b: {  	v6 =	vld.idx.msk [tilespmem:v6+s10+$0x0], $0xffff  }
0x18c: {  	v7 =	vld.idx.msk [tilespmem:v7+s10+$0x0], $0xffff  }
0x18d: {  	v8 =	vld.idx.msk [tilespmem:v8+s10+$0x0], $0xffff  }
0x18e: {  	v9 =	vld.idx.msk [tilespmem:v9+s10+$0x0], $0xffff  }
0x18f: {  	v10 =	vld.idx.msk [tilespmem:v10+s10+$0x0], $0xffff  }
0x190: {  	v11 =	vld.idx.msk [tilespmem:v11+s10+$0x0], $0xffff  }
0x191: {  	v12 =	vld.idx.msk [tilespmem:v50+s10+$0x0], $0xffff  }
0x192: {  	v13 =	vld.idx.msk [tilespmem:v51+s10+$0x0], $0xffff  }
0x193: {  	v14 =	vld.idx.msk [tilespmem:v52+s10+$0x0], $0xffff  }
0x194: {  	v15 =	vld.idx.msk [tilespmem:v53+s10+$0x0], $0xffff  }
0x195: {  	v16 =	vld.idx.msk [tilespmem:v16+s10+$0x0], $0xffff;
	_ =	sdelay $0x1  }
0x196: {  	v1 =	vadd.f32 v2, v1;
	v2 =	vadd.f32 v4, v3  }
0x197: {  	v3 =	vadd.f32 v6, v5;
	v4 =	vadd.f32 v8, v7  }
0x198: {  	v5 =	vadd.f32 v10, v9;
	v6 =	vadd.f32 v12, v11  }
0x199: {  	v7 =	vadd.f32 v14, v13;
	v8 =	vadd.f32 v16, v15  }
0x19a: {  	v1 =	vadd.f32 v2, v1;
	v2 =	vadd.f32 v4, v3  }
0x19b: {  	v3 =	vadd.f32 v6, v5;
	v4 =	vadd.f32 v8, v7;
	_ =	sdelay $0x1  }
0x19c: {  	v1 =	vadd.f32 v2, v1;
	v2 =	vadd.f32 v4, v3  }
0x19d: {  	v3 =	vld [tilespmem:$0x1FFE0]  }
0x19e: {  	v4 =	vld [tilespmem:$0x1FFF0];
	v1 =	vadd.f32 v2, v1  }
0x19f: {  	v2 =	vld [tilespmem:$0x1FFD0]  }
0x1a0: {  	[tilespmem:s5+$0xA428] =	vst v1;
	v1 =	vld [tilespmem:$0x1FFC0]  }
0x1a1: {  	v5 =	vld.idx.msk [tilespmem:v21+s10+$0x0], $0xffff  }
0x1a2: {  	v6 =	vld.idx.msk [tilespmem:v22+s10+$0x0], $0xffff  }
0x1a3: {  	v7 =	vld.idx.msk [tilespmem:v23+s10+$0x0], $0xffff  }
0x1a4: {  	v8 =	vld.idx.msk [tilespmem:v24+s10+$0x0], $0xffff  }
0x1a5: {  	v9 =	vld.idx.msk [tilespmem:v25+s10+$0x0], $0xffff  }
0x1a6: {  	v10 =	vld.idx.msk [tilespmem:v26+s10+$0x0], $0xffff  }
0x1a7: {  	v11 =	vld.idx.msk [tilespmem:v27+s10+$0x0], $0xffff  }
0x1a8: {  	v54 =	vld.idx.msk [tilespmem:v28+s10+$0x0], $0xffff  }
0x1a9: {  	v55 =	vld.idx.msk [tilespmem:v29+s10+$0x0], $0xffff  }
0x1aa: {  	v3 =	vld.idx.msk [tilespmem:v3+s10+$0x0], $0xffff  }
0x1ab: {  	v4 =	vld.idx.msk [tilespmem:v4+s10+$0x0], $0xffff  }
0x1ac: {  	v2 =	vld.idx.msk [tilespmem:v2+s10+$0x0], $0xffff  }
0x1ad: {  	v1 =	vld.idx.msk [tilespmem:v1+s10+$0x0], $0xffff  }
0x1ae: {  	v56 =	vld.idx.msk [tilespmem:v30+s10+$0x0], $0xffff  }
0x1af: {  	v57 =	vld.idx.msk [tilespmem:v31+s10+$0x0], $0xffff  }
0x1b0: {  	v58 =	vld.idx.msk [tilespmem:v32+s10+$0x0], $0xffff;
	_ =	sdelay $0x1  }
0x1b1: {  	v1 =	vadd.f32 v2, v1;
	v2 =	vadd.f32 v4, v3  }
0x1b2: {  	v3 =	vadd.f32 v6, v5;
	v4 =	vadd.f32 v8, v7  }
0x1b3: {  	v5 =	vadd.f32 v10, v9;
	v6 =	vadd.f32 v54, v11  }
0x1b4: {  	v7 =	vadd.f32 v56, v55;
	v8 =	vadd.f32 v58, v57  }
0x1b5: {  	v1 =	vadd.f32 v2, v1;
	v2 =	vadd.f32 v4, v3  }
0x1b6: {  	v3 =	vadd.f32 v6, v5;
	v4 =	vadd.f32 v8, v7;
	_ =	sdelay $0x1  }
0x1b7: {  	v1 =	vadd.f32 v2, v1;
	v2 =	vadd.f32 v4, v3;
	_ =	sdelay $0x1  }
0x1b8: {  	v1 =	vadd.f32 v2, v1;
	_ =	sdelay $0x1  }
0x1b9: {  	[tilespmem:s5+$0xA438] =	vst v1  }
0x1ba: {  	v1 =	vld.idx.msk [tilespmem:v33+s10+$0x0], $0xffff  }
0x1bb: {  	v2 =	vld.idx.msk [tilespmem:v34+s10+$0x0], $0xffff  }
0x1bc: {  	v3 =	vld.idx.msk [tilespmem:v35+s10+$0x0], $0xffff  }
0x1bd: {  	v4 =	vld.idx.msk [tilespmem:v36+s10+$0x0], $0xffff  }
0x1be: {  	v5 =	vld.idx.msk [tilespmem:v37+s10+$0x0], $0xffff  }
0x1bf: {  	v6 =	vld.idx.msk [tilespmem:v38+s10+$0x0], $0xffff  }
0x1c0: {  	v7 =	vld.idx.msk [tilespmem:v39+s10+$0x0], $0xffff  }
0x1c1: {  	v8 =	vld.idx.msk [tilespmem:v40+s10+$0x0], $0xffff  }
0x1c2: {  	v9 =	vld.idx.msk [tilespmem:v41+s10+$0x0], $0xffff  }
0x1c3: {  	v10 =	vld.idx.msk [tilespmem:v42+s10+$0x0], $0xffff  }
0x1c4: {  	v11 =	vld.idx.msk [tilespmem:v43+s10+$0x0], $0xffff  }
0x1c5: {  	v59 =	vld.idx.msk [tilespmem:v44+s10+$0x0], $0xffff  }
0x1c6: {  	v60 =	vld.idx.msk [tilespmem:v45+s10+$0x0], $0xffff  }
0x1c7: {  	v61 =	vld.idx.msk [tilespmem:v46+s10+$0x0], $0xffff  }
0x1c8: {  	v62 =	vld.idx.msk [tilespmem:v47+s10+$0x0], $0xffff  }
0x1c9: {  	v63 =	vld.idx.msk [tilespmem:v48+s10+$0x0], $0xffff;
	_ =	sdelay $0x1  }
0x1ca: {  	v1 =	vadd.f32 v2, v1;
	v2 =	vadd.f32 v4, v3  }
0x1cb: {  	v3 =	vadd.f32 v6, v5;
	v4 =	vadd.f32 v8, v7  }
0x1cc: {  	v5 =	vadd.f32 v10, v9;
	v6 =	vadd.f32 v59, v11  }
0x1cd: {  	v7 =	vadd.f32 v61, v60;
	v8 =	vadd.f32 v63, v62  }
0x1ce: {  	v1 =	vadd.f32 v2, v1;
	v2 =	vadd.f32 v4, v3  }
0x1cf: {  	v3 =	vadd.f32 v6, v5;
	v4 =	vadd.f32 v8, v7;
	_ =	sdelay $0x1  }
0x1d0: {  	v1 =	vadd.f32 v2, v1;
	v2 =	vadd.f32 v4, v3;
	_ =	sdelay $0x1  }
0x1d1: {  	v1 =	vadd.f32 v2, v1;
	_ =	sdelay $0x1  }
0x1d2: {  	[tilespmem:s5+$0xA448] =	vst v1  }
0x1d3: {  	_ =	swait.ge [sflag:s13], $0xA0  }
0x1d4: {  	[sflag:s13] =	ssyncset.done $0x0  }
0x1d5: {  	s21 =	simm.s32 $0x5400;
	[sflag:s13] =	ssyncadd.s32 $0xFFFFFF60  }
0x1d6: {  	[tilespmem:s21], [sflag:$0x6] =	stream.indirect.gather [spmem:s2], $0x80, s29, s30, $0xb8;
	[tilespmem:$0x1F400] =	vst v63  }
0x1d7: {  	_ = 	snop  }
0x1d8: {  	[tilespmem:s23], [sflag:$0x6] =	stream.indirect.gather [spmem:s2], $0x80, s6, s30, $0xb8;
	[tilespmem:$0x1F400] =	vst v63  }
0x1d9: {  	_ = 	snop  }
0x1da: {  	[tilespmem:s24], [sflag:$0x6] =	stream.indirect.gather [spmem:s2], $0x80, s8, s30, $0xb8;
	[tilespmem:$0x1F400] =	vst v63  }
0x1db: {  	_ = 	snop  }
0x1dc: {  	[tilespmem:s25], [sflag:$0x6] =	stream.indirect.gather [spmem:s2], $0x80, s9, s30, $0xb8;
	[tilespmem:$0x1F400] =	vst v63  }
0x1dd: {  	_ =	swait.ge [sflag:s7], $0x5000  }
0x1de: {  	p1 =	seq.s32 s14, $0x1E;
	s21 =	rddreg [dreg:$0x1a]  }
0x1df: {  	s22 =	sadd.s32 @!p1 s5, s21  }
0x1e0: {  	s28 =	simm.s32 @!p1 $0x0;
	[sflag:s7] =	ssyncset.done $0x0;
	s22 =	sshrl.u32 @!p1 s22, $0x3  }
0x1e1: {  	[sflag:s7] =	ssyncadd.s32 $0xFFFFB000;
	s21 =	simm.s32 @!p1 $0x100;
	s26 =	sadd.s32 @!p1 s4, s22  }
0x1e2: {  	[tilespmem:s21], [sflag:$0x2] =	stream.linear.gather @!p1 [hbm4b:s26+s28], $0x28, $0x38;
	[tilespmem:$0x1F400] =	vst v63  }
0x1e3: {  	s21 =	sadd.s32 @!p1 s1, s22;
	s26 =	simm.s32 @!p1 $0x128  }
0x1e4: {  	[tilespmem:s26], [sflag:$0x2] =	stream.linear.gather @!p1 [hbm4b:s21+s28], $0x28, $0x38;
	[tilespmem:$0x1F400] =	vst v63  }
0x1e5: {  	s21 =	sadd.s32 @!p1 $0x4E20, s22  }
0x1e6: {  	s26 =	simm.s32 @!p1 $0x150;
	s22 =	sadd.s32 @!p1 s4, s21  }
0x1e7: {  	[tilespmem:s26], [sflag:$0x2] =	stream.linear.gather @!p1 [hbm4b:s22+s28], $0x28, $0x38;
	[tilespmem:$0x1F400] =	vst v63  }
0x1e8: {  	s21 =	sadd.s32 @!p1 s1, s21;
	s22 =	simm.s32 @!p1 $0x178;
	s26 =	simm.s32 $0x2C00  }
0x1e9: {  	[tilespmem:s22], [sflag:$0x2] =	stream.linear.gather @!p1 [hbm4b:s21+s28], $0x28, $0x38;
	[tilespmem:$0x1F400] =	vst v63  }
0x1ea: {  	v1 =	vld [tilespmem:s26+$0xFFFFD800]  }
0x1eb: {  	v2 =	vld [tilespmem:s26+$0xFFFFEC00]  }
0x1ec: {  	v3 =	vld [tilespmem:s26+$0x0]  }
0x1ed: {  	v4 =	vld [tilespmem:s26+$0x1400]  }
0x1ee: {  	v5 =	vld [tilespmem:s26+$0xFFFFD810]  }
0x1ef: {  	v6 =	vld [tilespmem:s26+$0xFFFFEC10]  }
0x1f0: {  	v7 =	vld [tilespmem:s26+$0x10]  }
0x1f1: {  	v8 =	vld [tilespmem:s26+$0x1410]  }
0x1f2: {  	v9 =	vld [tilespmem:s26+$0xFFFFD820]  }
0x1f3: {  	v10 =	vld [tilespmem:s26+$0xFFFFEC20]  }
0x1f4: {  	v11 =	vld [tilespmem:s26+$0x20]  }
0x1f5: {  	v12 =	vld [tilespmem:s26+$0x1420]  }
0x1f6: {  	v13 =	vld [tilespmem:s26+$0xFFFFD830]  }
0x1f7: {  	v14 =	vld [tilespmem:s26+$0xFFFFEC30]  }
0x1f8: {  	v15 =	vld [tilespmem:s26+$0x30]  }
0x1f9: {  	v16 =	vld [tilespmem:s26+$0x1430]  }
0x1fa: {  	v49 =	vld [tilespmem:s26+$0xFFFFD840]  }
0x1fb: {  	v50 =	vld [tilespmem:s26+$0xFFFFEC40]  }
0x1fc: {  	v51 =	vld [tilespmem:s26+$0x40]  }
0x1fd: {  	v53 =	vld [tilespmem:s26+$0x1440]  }
0x1fe: {  	v52 =	vld [tilespmem:s26+$0xFFFFD850]  }
0x1ff: {  	v54 =	vld [tilespmem:s26+$0xFFFFEC50]  }
0x200: {  	v55 =	vld [tilespmem:s26+$0x50]  }
0x201: {  	v57 =	vld [tilespmem:s26+$0x1450]  }
0x202: {  	v56 =	vld [tilespmem:s26+$0xFFFFD860]  }
0x203: {  	v58 =	vld [tilespmem:s26+$0xFFFFEC60]  }
0x204: {  	v59 =	vld [tilespmem:s26+$0x60]  }
0x205: {  	v62 =	vld [tilespmem:s26+$0x1460]  }
0x206: {  	v60 =	vmul.f32 v2, v1;
	v61 =	vmul.f32 v4, v3;
	v2 =	vld [tilespmem:s26+$0xFFFFD870]  }
0x207: {  	v63 =	vmul.f32 v6, v5;
	v4 =	vmul.f32 v8, v7;
	v1 =	vld [tilespmem:s26+$0xFFFFEC70]  }
0x208: {  	v3 =	vmul.f32 v10, v9;
	v5 =	vmul.f32 v12, v11;
	v7 =	vld [tilespmem:s26+$0x70]  }
0x209: {  	s22 =	simm.s32 $0x0;
	s28 =	simm.s32 $0x11;
	v6 =	vmul.f32 v14, v13;
	v8 =	vmul.f32 v16, v15;
	v9 =	vld [tilespmem:s26+$0x1470];
	s26 =	simm.s32 $0x2C80  }
.LBB2_7:
0x20a: {  	v10 =	vld [tilespmem:s26+$0xFFFFD800];
	p2 =	sne.s32 s28, $0x297;
	v11 =	vmul.f32 v50, v49;
	v12 =	vmul.f32 v53, v51  }
0x20b: {  	v14 =	vmul.f32 v54, v52;
	v15 =	vmul.f32 v57, v55;
	v13 =	vld [tilespmem:s26+$0xFFFFEC00]  }
0x20c: {  	v17 =	vmul.f32 v58, v56;
	v18 =	vmul.f32 v62, v59;
	v16 =	vld [tilespmem:s26+$0x0]  }
0x20d: {  	v4 =	vadd.f32 v4, v63;
	v1 =	vmul.f32 v1, v2;
	v2 =	vadd.f32 v61, v60;
	v19 =	vld [tilespmem:s26+$0x1400]  }
0x20e: {  	v3 =	vadd.f32 v5, v3;
	v5 =	vadd.f32 v8, v6;
	v63 =	vld [tilespmem:s26+$0xFFFFD810];
	v7 =	vmul.f32 v9, v7  }
0x20f: {  	v8 =	vadd.f32 v12, v11;
	v9 =	vadd.f32 v15, v14;
	v6 =	vld [tilespmem:s26+$0xFFFFEC10]  }
0x210: {  	v12 =	vadd.f32 v18, v17;
	v11 =	vld [tilespmem:s26+$0x10];
	v1 =	vadd.f32 v7, v1  }
0x211: {  	v3 =	vadd.f32 v5, v3;
	v2 =	vadd.f32 v4, v2;
	v7 =	vld [tilespmem:s26+$0x1410]  }
0x212: {  	v4 =	vadd.f32 v9, v8;
	v5 =	vld [tilespmem:s26+$0xFFFFD820];
	v1 =	vadd.f32 v1, v12  }
0x213: {  	v9 =	vadd.s32 s22, v0;
	s22 =	smov.u32 s28;
	v8 =	vld [tilespmem:s26+$0xFFFFEC20]  }
0x214: {  	v2 =	vadd.f32 v3, v2;
	v12 =	vld [tilespmem:s26+$0x20];
	v1 =	vadd.f32 v1, v4  }
0x215: {  	v14 =	vld [tilespmem:s26+$0x1420]  }
0x216: {  	v15 =	vld [tilespmem:s26+$0xFFFFD830];
	v1 =	vadd.f32 v1, v2  }
0x217: {  	v17 =	vld [tilespmem:s26+$0xFFFFEC30]  }
0x218: {  	v18 =	vld [tilespmem:s26+$0x30];
	[tilespmem:v9+s10+$0x0] =	vst.idx.msk $0xffff, v1  }
0x219: {  	v9 =	vld [tilespmem:s26+$0x1430]  }
0x21a: {  	v49 =	vld [tilespmem:s26+$0xFFFFD840]  }
0x21b: {  	v50 =	vld [tilespmem:s26+$0xFFFFEC40]  }
0x21c: {  	v51 =	vld [tilespmem:s26+$0x40]  }
0x21d: {  	v53 =	vld [tilespmem:s26+$0x1440]  }
0x21e: {  	v52 =	vld [tilespmem:s26+$0xFFFFD850]  }
0x21f: {  	v54 =	vld [tilespmem:s26+$0xFFFFEC50]  }
0x220: {  	v55 =	vld [tilespmem:s26+$0x50]  }
0x221: {  	v57 =	vld [tilespmem:s26+$0x1450]  }
0x222: {  	v56 =	vld [tilespmem:s26+$0xFFFFD860]  }
0x223: {  	v58 =	vld [tilespmem:s26+$0xFFFFEC60]  }
0x224: {  	v59 =	vld [tilespmem:s26+$0x60]  }
.Ltmp2:
0x225: {  	v62 =	vld [tilespmem:s26+$0x1460];
	(pc) =	sbr.rel @p2 .LBB2_7-.Ltmp2, $4  }
0x226: {  	v60 =	vmul.f32 v13, v10;
	v61 =	vmul.f32 v19, v16;
	v2 =	vld [tilespmem:s26+$0xFFFFD870]  }
0x227: {  	v63 =	vmul.f32 v6, v63;
	v4 =	vmul.f32 v7, v11;
	v1 =	vld [tilespmem:s26+$0xFFFFEC70]  }
0x228: {  	v3 =	vmul.f32 v8, v5;
	v5 =	vmul.f32 v14, v12;
	v7 =	vld [tilespmem:s26+$0x70]  }
0x229: {  	s28 =	sadd.s32 $0x11, s28;
	v6 =	vmul.f32 v17, v15;
	v8 =	vmul.f32 v9, v18;
	v9 =	vld [tilespmem:s26+$0x1470];
	s26 =	sadd.s32 $0x80, s26  }
0x22a: {  	v10 =	vmul.f32 v50, v49  }
0x22b: {  	v11 =	vmul.f32 v53, v51;
	v12 =	vmul.f32 v54, v52  }
0x22c: {  	v13 =	vmul.f32 v57, v55;
	v14 =	vmul.f32 v58, v56;
	v4 =	vadd.f32 v4, v63  }
0x22d: {  	v15 =	vmul.f32 v62, v59;
	v3 =	vadd.f32 v5, v3;
	v5 =	vadd.f32 v8, v6  }
0x22e: {  	v1 =	vmul.f32 v1, v2;
	v2 =	vadd.f32 v61, v60;
	v7 =	vmul.f32 v9, v7  }
0x22f: {  	v6 =	vadd.f32 v11, v10;
	v8 =	vadd.f32 v13, v12  }
0x230: {  	v9 =	vadd.f32 v15, v14;
	v1 =	vadd.f32 v7, v1  }
0x231: {  	v3 =	vadd.f32 v5, v3;
	v2 =	vadd.f32 v4, v2  }
0x232: {  	v4 =	vadd.f32 v8, v6;
	v1 =	vadd.f32 v1, v9  }
0x233: {  	v5 =	vadd.s32 s22, v0  }
0x234: {  	v2 =	vadd.f32 v3, v2;
	v1 =	vadd.f32 v1, v4;
	_ =	sdelay $0x1  }
0x235: {  	v1 =	vadd.f32 v1, v2;
	_ =	sdelay $0x1  }
0x236: {  	[tilespmem:v5+s10+$0x0] =	vst.idx.msk $0xffff, v1  }
0x237: {  	v1 =	vld.idx.msk [tilespmem:v20+s10+$0x0], $0xffff  }
0x238: {  	v2 =	vld [tilespmem:$0x1FED0]  }
0x239: {  	v3 =	vld [tilespmem:$0x1FEE0]  }
0x23a: {  	v4 =	vld [tilespmem:$0x1FEF0]  }
0x23b: {  	v5 =	vld [tilespmem:$0x1FF00]  }
0x23c: {  	v6 =	vld [tilespmem:$0x1FF10]  }
0x23d: {  	v7 =	vld [tilespmem:$0x1FF20]  }
0x23e: {  	v8 =	vld [tilespmem:$0x1FF30]  }
0x23f: {  	v9 =	vld [tilespmem:$0x1FF40]  }
0x240: {  	v10 =	vld [tilespmem:$0x1FF50]  }
0x241: {  	v11 =	vld [tilespmem:$0x1FF60]  }
0x242: {  	v50 =	vld [tilespmem:$0x1FF70]  }
0x243: {  	v51 =	vld [tilespmem:$0x1FF80]  }
0x244: {  	v52 =	vld [tilespmem:$0x1FF90]  }
0x245: {  	v53 =	vld [tilespmem:$0x1FFA0]  }
0x246: {  	v16 =	vld [tilespmem:$0x1FFB0]  }
0x247: {  	v2 =	vld.idx.msk [tilespmem:v2+s10+$0x0], $0xffff  }
0x248: {  	v3 =	vld.idx.msk [tilespmem:v3+s10+$0x0], $0xffff  }
0x249: {  	v4 =	vld.idx.msk [tilespmem:v4+s10+$0x0], $0xffff  }
0x24a: {  	v5 =	vld.idx.msk [tilespmem:v5+s10+$0x0], $0xffff  }
0x24b: {  	v6 =	vld.idx.msk [tilespmem:v6+s10+$0x0], $0xffff  }
0x24c: {  	v7 =	vld.idx.msk [tilespmem:v7+s10+$0x0], $0xffff  }
0x24d: {  	v8 =	vld.idx.msk [tilespmem:v8+s10+$0x0], $0xffff  }
0x24e: {  	v9 =	vld.idx.msk [tilespmem:v9+s10+$0x0], $0xffff  }
0x24f: {  	v10 =	vld.idx.msk [tilespmem:v10+s10+$0x0], $0xffff  }
0x250: {  	v11 =	vld.idx.msk [tilespmem:v11+s10+$0x0], $0xffff  }
0x251: {  	v12 =	vld.idx.msk [tilespmem:v50+s10+$0x0], $0xffff  }
0x252: {  	v13 =	vld.idx.msk [tilespmem:v51+s10+$0x0], $0xffff  }
0x253: {  	v14 =	vld.idx.msk [tilespmem:v52+s10+$0x0], $0xffff  }
0x254: {  	v15 =	vld.idx.msk [tilespmem:v53+s10+$0x0], $0xffff  }
0x255: {  	v16 =	vld.idx.msk [tilespmem:v16+s10+$0x0], $0xffff;
	_ =	sdelay $0x1  }
0x256: {  	v1 =	vadd.f32 v2, v1;
	v2 =	vadd.f32 v4, v3  }
0x257: {  	v3 =	vadd.f32 v6, v5;
	v4 =	vadd.f32 v8, v7  }
0x258: {  	v5 =	vadd.f32 v10, v9;
	v6 =	vadd.f32 v12, v11  }
0x259: {  	v7 =	vadd.f32 v14, v13;
	v8 =	vadd.f32 v16, v15  }
0x25a: {  	v1 =	vadd.f32 v2, v1;
	v2 =	vadd.f32 v4, v3  }
0x25b: {  	v3 =	vadd.f32 v6, v5;
	v4 =	vadd.f32 v8, v7;
	_ =	sdelay $0x1  }
0x25c: {  	v1 =	vadd.f32 v2, v1;
	v2 =	vadd.f32 v4, v3  }
0x25d: {  	v3 =	vld [tilespmem:$0x1FFE0]  }
0x25e: {  	v4 =	vld [tilespmem:$0x1FFF0];
	v1 =	vadd.f32 v2, v1  }
0x25f: {  	v2 =	vld [tilespmem:$0x1FFD0]  }
0x260: {  	[tilespmem:s5+$0xA450] =	vst v1;
	v1 =	vld [tilespmem:$0x1FFC0]  }
0x261: {  	v5 =	vld.idx.msk [tilespmem:v21+s10+$0x0], $0xffff  }
0x262: {  	v6 =	vld.idx.msk [tilespmem:v22+s10+$0x0], $0xffff  }
0x263: {  	v7 =	vld.idx.msk [tilespmem:v23+s10+$0x0], $0xffff  }
0x264: {  	v8 =	vld.idx.msk [tilespmem:v24+s10+$0x0], $0xffff  }
0x265: {  	v9 =	vld.idx.msk [tilespmem:v25+s10+$0x0], $0xffff  }
0x266: {  	v10 =	vld.idx.msk [tilespmem:v26+s10+$0x0], $0xffff  }
0x267: {  	v11 =	vld.idx.msk [tilespmem:v27+s10+$0x0], $0xffff  }
0x268: {  	v54 =	vld.idx.msk [tilespmem:v28+s10+$0x0], $0xffff  }
0x269: {  	v55 =	vld.idx.msk [tilespmem:v29+s10+$0x0], $0xffff  }
0x26a: {  	v3 =	vld.idx.msk [tilespmem:v3+s10+$0x0], $0xffff  }
0x26b: {  	v4 =	vld.idx.msk [tilespmem:v4+s10+$0x0], $0xffff  }
0x26c: {  	v2 =	vld.idx.msk [tilespmem:v2+s10+$0x0], $0xffff  }
0x26d: {  	v1 =	vld.idx.msk [tilespmem:v1+s10+$0x0], $0xffff  }
0x26e: {  	v56 =	vld.idx.msk [tilespmem:v30+s10+$0x0], $0xffff  }
0x26f: {  	v57 =	vld.idx.msk [tilespmem:v31+s10+$0x0], $0xffff  }
0x270: {  	v58 =	vld.idx.msk [tilespmem:v32+s10+$0x0], $0xffff;
	_ =	sdelay $0x1  }
0x271: {  	v1 =	vadd.f32 v2, v1;
	v2 =	vadd.f32 v4, v3  }
0x272: {  	v3 =	vadd.f32 v6, v5;
	v4 =	vadd.f32 v8, v7  }
0x273: {  	v5 =	vadd.f32 v10, v9;
	v6 =	vadd.f32 v54, v11  }
0x274: {  	v7 =	vadd.f32 v56, v55;
	v8 =	vadd.f32 v58, v57  }
0x275: {  	v1 =	vadd.f32 v2, v1;
	v2 =	vadd.f32 v4, v3  }
0x276: {  	v3 =	vadd.f32 v6, v5;
	v4 =	vadd.f32 v8, v7;
	_ =	sdelay $0x1  }
0x277: {  	v1 =	vadd.f32 v2, v1;
	v2 =	vadd.f32 v4, v3;
	_ =	sdelay $0x1  }
0x278: {  	v1 =	vadd.f32 v2, v1;
	_ =	sdelay $0x1  }
0x279: {  	[tilespmem:s5+$0xA460] =	vst v1  }
0x27a: {  	v1 =	vld.idx.msk [tilespmem:v33+s10+$0x0], $0xffff  }
0x27b: {  	v2 =	vld.idx.msk [tilespmem:v34+s10+$0x0], $0xffff  }
0x27c: {  	v3 =	vld.idx.msk [tilespmem:v35+s10+$0x0], $0xffff  }
0x27d: {  	v4 =	vld.idx.msk [tilespmem:v36+s10+$0x0], $0xffff  }
0x27e: {  	v5 =	vld.idx.msk [tilespmem:v37+s10+$0x0], $0xffff  }
0x27f: {  	v6 =	vld.idx.msk [tilespmem:v38+s10+$0x0], $0xffff  }
0x280: {  	v7 =	vld.idx.msk [tilespmem:v39+s10+$0x0], $0xffff  }
0x281: {  	v8 =	vld.idx.msk [tilespmem:v40+s10+$0x0], $0xffff  }
0x282: {  	v9 =	vld.idx.msk [tilespmem:v41+s10+$0x0], $0xffff  }
0x283: {  	v10 =	vld.idx.msk [tilespmem:v42+s10+$0x0], $0xffff  }
0x284: {  	v11 =	vld.idx.msk [tilespmem:v43+s10+$0x0], $0xffff  }
0x285: {  	v59 =	vld.idx.msk [tilespmem:v44+s10+$0x0], $0xffff  }
0x286: {  	v60 =	vld.idx.msk [tilespmem:v45+s10+$0x0], $0xffff  }
0x287: {  	v61 =	vld.idx.msk [tilespmem:v46+s10+$0x0], $0xffff  }
0x288: {  	v62 =	vld.idx.msk [tilespmem:v47+s10+$0x0], $0xffff  }
0x289: {  	v63 =	vld.idx.msk [tilespmem:v48+s10+$0x0], $0xffff;
	_ =	sdelay $0x1  }
0x28a: {  	v1 =	vadd.f32 v2, v1;
	v2 =	vadd.f32 v4, v3  }
0x28b: {  	v3 =	vadd.f32 v6, v5;
	v4 =	vadd.f32 v8, v7  }
0x28c: {  	v5 =	vadd.f32 v10, v9;
	v6 =	vadd.f32 v59, v11  }
0x28d: {  	v7 =	vadd.f32 v61, v60;
	v8 =	vadd.f32 v63, v62  }
0x28e: {  	v1 =	vadd.f32 v2, v1;
	v2 =	vadd.f32 v4, v3  }
0x28f: {  	v3 =	vadd.f32 v6, v5;
	v4 =	vadd.f32 v8, v7;
	_ =	sdelay $0x1  }
0x290: {  	v1 =	vadd.f32 v2, v1;
	v2 =	vadd.f32 v4, v3;
	_ =	sdelay $0x1  }
0x291: {  	v1 =	vadd.f32 v2, v1;
	_ =	sdelay $0x1  }
0x292: {  	[tilespmem:s5+$0xA470] =	vst v1  }
0x293: {  	_ =	swait.ge [sflag:s15], $0xA0  }
0x294: {  	[sflag:s15] =	ssyncset.done $0x0  }
0x295: {  	s28 =	simm.s32 $0x0;
	[sflag:s15] =	ssyncadd.s32 $0xFFFFFF60  }
0x296: {  	[tilespmem:s16], [sflag:$0x5] =	stream.indirect.gather [spmem:s2], $0x80, s28, s30, $0xb8;
	[tilespmem:$0x1F400] =	vst v63  }
0x297: {  	_ = 	snop  }
0x298: {  	[tilespmem:s17], [sflag:$0x5] =	stream.indirect.gather [spmem:s2], $0x80, s30, s30, $0xb8;
	[tilespmem:$0x1F400] =	vst v63  }
0x299: {  	_ = 	snop  }
0x29a: {  	[tilespmem:s18], [sflag:$0x5] =	stream.indirect.gather [spmem:s2], $0x80, s31, s30, $0xb8;
	[tilespmem:$0x1F400] =	vst v63  }
0x29b: {  	_ = 	snop  }
0x29c: {  	[tilespmem:s19], [sflag:$0x5] =	stream.indirect.gather [spmem:s2], $0x80, s0, s30, $0xb8;
	[tilespmem:$0x1F400] =	vst v63  }
0x29d: {  	_ =	swait.ge [sflag:s12], $0x5000  }
0x29e: {  	s21 =	rddreg [dreg:$0x1b]  }
0x29f: {  	s5 =	sadd.s32 @!p1 s5, s21  }
0x2a0: {  	s26 =	simm.s32 @!p1 $0x200;
	[sflag:s12] =	ssyncset.done $0x0;
	s5 =	sshrl.u32 @!p1 s5, $0x3  }
0x2a1: {  	s22 =	simm.s32 @!p1 $0x0;
	[sflag:s12] =	ssyncadd.s32 $0xFFFFB000;
	s21 =	sadd.s32 @!p1 s4, s5  }
0x2a2: {  	[tilespmem:s26], [sflag:$0x3] =	stream.linear.gather @!p1 [hbm4b:s21+s22], $0x28, $0x38;
	[tilespmem:$0x1F400] =	vst v63  }
0x2a3: {  	s21 =	sadd.s32 @!p1 s1, s5;
	s26 =	simm.s32 @!p1 $0x228;
	s5 =	sadd.s32 @!p1 $0x4E20, s5  }
0x2a4: {  	[tilespmem:s26], [sflag:$0x3] =	stream.linear.gather @!p1 [hbm4b:s21+s22], $0x28, $0x38;
	[tilespmem:$0x1F400] =	vst v63  }
0x2a5: {  	s21 =	sadd.s32 @!p1 s4, s5;
	s26 =	simm.s32 @!p1 $0x250  }
0x2a6: {  	[tilespmem:s26], [sflag:$0x3] =	stream.linear.gather @!p1 [hbm4b:s21+s22], $0x28, $0x38;
	[tilespmem:$0x1F400] =	vst v63  }
0x2a7: {  	s5 =	sadd.s32 @!p1 s1, s5;
	s21 =	simm.s32 @!p1 $0x278;
	s26 =	simm.s32 $0x7C00  }
0x2a8: {  	[tilespmem:s21], [sflag:$0x3] =	stream.linear.gather @!p1 [hbm4b:s5+s22], $0x28, $0x38;
	[tilespmem:$0x1F400] =	vst v63  }
0x2a9: {  	v1 =	vld [tilespmem:s26+$0xFFFFD800]  }
0x2aa: {  	v2 =	vld [tilespmem:s26+$0xFFFFEC00]  }
0x2ab: {  	v3 =	vld [tilespmem:s26+$0x0]  }
0x2ac: {  	v4 =	vld [tilespmem:s26+$0x1400]  }
0x2ad: {  	v5 =	vld [tilespmem:s26+$0xFFFFD810]  }
0x2ae: {  	v6 =	vld [tilespmem:s26+$0xFFFFEC10]  }
0x2af: {  	v7 =	vld [tilespmem:s26+$0x10]  }
0x2b0: {  	v8 =	vld [tilespmem:s26+$0x1410]  }
0x2b1: {  	v9 =	vld [tilespmem:s26+$0xFFFFD820]  }
0x2b2: {  	v10 =	vld [tilespmem:s26+$0xFFFFEC20]  }
0x2b3: {  	v11 =	vld [tilespmem:s26+$0x20]  }
0x2b4: {  	v12 =	vld [tilespmem:s26+$0x1420]  }
0x2b5: {  	v13 =	vld [tilespmem:s26+$0xFFFFD830]  }
0x2b6: {  	v14 =	vld [tilespmem:s26+$0xFFFFEC30]  }
0x2b7: {  	v15 =	vld [tilespmem:s26+$0x30]  }
0x2b8: {  	v16 =	vld [tilespmem:s26+$0x1430]  }
0x2b9: {  	v49 =	vld [tilespmem:s26+$0xFFFFD840]  }
0x2ba: {  	v50 =	vld [tilespmem:s26+$0xFFFFEC40]  }
0x2bb: {  	v51 =	vld [tilespmem:s26+$0x40]  }
0x2bc: {  	v53 =	vld [tilespmem:s26+$0x1440]  }
0x2bd: {  	v52 =	vld [tilespmem:s26+$0xFFFFD850]  }
0x2be: {  	v54 =	vld [tilespmem:s26+$0xFFFFEC50]  }
0x2bf: {  	v55 =	vld [tilespmem:s26+$0x50]  }
0x2c0: {  	v57 =	vld [tilespmem:s26+$0x1450]  }
0x2c1: {  	v56 =	vld [tilespmem:s26+$0xFFFFD860]  }
0x2c2: {  	v58 =	vld [tilespmem:s26+$0xFFFFEC60]  }
0x2c3: {  	v59 =	vld [tilespmem:s26+$0x60]  }
0x2c4: {  	v62 =	vld [tilespmem:s26+$0x1460]  }
0x2c5: {  	v60 =	vmul.f32 v2, v1;
	v61 =	vmul.f32 v4, v3;
	v2 =	vld [tilespmem:s26+$0xFFFFD870]  }
0x2c6: {  	v63 =	vmul.f32 v6, v5;
	v4 =	vmul.f32 v8, v7;
	v1 =	vld [tilespmem:s26+$0xFFFFEC70]  }
0x2c7: {  	v3 =	vmul.f32 v10, v9;
	v5 =	vmul.f32 v12, v11;
	v7 =	vld [tilespmem:s26+$0x70]  }
0x2c8: {  	s5 =	simm.s32 $0x0;
	s22 =	simm.s32 $0x7C80;
	v6 =	vmul.f32 v14, v13;
	v8 =	vmul.f32 v16, v15;
	v9 =	vld [tilespmem:s26+$0x1470];
	s26 =	simm.s32 $0x11  }
.LBB2_9:
0x2c9: {  	v10 =	vld [tilespmem:s22+$0xFFFFD800];
	p1 =	sne.s32 s26, $0x297;
	v11 =	vmul.f32 v50, v49;
	v12 =	vmul.f32 v53, v51  }
0x2ca: {  	v14 =	vmul.f32 v54, v52;
	v15 =	vmul.f32 v57, v55;
	v13 =	vld [tilespmem:s22+$0xFFFFEC00]  }
0x2cb: {  	v17 =	vmul.f32 v58, v56;
	v18 =	vmul.f32 v62, v59;
	v16 =	vld [tilespmem:s22+$0x0]  }
0x2cc: {  	v4 =	vadd.f32 v4, v63;
	v1 =	vmul.f32 v1, v2;
	v2 =	vadd.f32 v61, v60;
	v19 =	vld [tilespmem:s22+$0x1400]  }
0x2cd: {  	v3 =	vadd.f32 v5, v3;
	v5 =	vadd.f32 v8, v6;
	v63 =	vld [tilespmem:s22+$0xFFFFD810];
	v7 =	vmul.f32 v9, v7  }
0x2ce: {  	v8 =	vadd.f32 v12, v11;
	v9 =	vadd.f32 v15, v14;
	v6 =	vld [tilespmem:s22+$0xFFFFEC10]  }
0x2cf: {  	v12 =	vadd.f32 v18, v17;
	v11 =	vld [tilespmem:s22+$0x10];
	v1 =	vadd.f32 v7, v1  }
0x2d0: {  	v3 =	vadd.f32 v5, v3;
	v2 =	vadd.f32 v4, v2;
	v7 =	vld [tilespmem:s22+$0x1410]  }
0x2d1: {  	v4 =	vadd.f32 v9, v8;
	v5 =	vld [tilespmem:s22+$0xFFFFD820];
	v1 =	vadd.f32 v1, v12  }
0x2d2: {  	v9 =	vadd.s32 s5, v0;
	s5 =	smov.u32 s26;
	v8 =	vld [tilespmem:s22+$0xFFFFEC20]  }
0x2d3: {  	v2 =	vadd.f32 v3, v2;
	v12 =	vld [tilespmem:s22+$0x20];
	v1 =	vadd.f32 v1, v4  }
0x2d4: {  	v14 =	vld [tilespmem:s22+$0x1420]  }
0x2d5: {  	v15 =	vld [tilespmem:s22+$0xFFFFD830];
	v1 =	vadd.f32 v1, v2  }
0x2d6: {  	v17 =	vld [tilespmem:s22+$0xFFFFEC30]  }
0x2d7: {  	v18 =	vld [tilespmem:s22+$0x30];
	[tilespmem:v9+s10+$0x0] =	vst.idx.msk $0xffff, v1  }
0x2d8: {  	v9 =	vld [tilespmem:s22+$0x1430]  }
0x2d9: {  	v49 =	vld [tilespmem:s22+$0xFFFFD840]  }
0x2da: {  	v50 =	vld [tilespmem:s22+$0xFFFFEC40]  }
0x2db: {  	v51 =	vld [tilespmem:s22+$0x40]  }
0x2dc: {  	v53 =	vld [tilespmem:s22+$0x1440]  }
0x2dd: {  	v52 =	vld [tilespmem:s22+$0xFFFFD850]  }
0x2de: {  	v54 =	vld [tilespmem:s22+$0xFFFFEC50]  }
0x2df: {  	v55 =	vld [tilespmem:s22+$0x50]  }
0x2e0: {  	v57 =	vld [tilespmem:s22+$0x1450]  }
0x2e1: {  	v56 =	vld [tilespmem:s22+$0xFFFFD860]  }
0x2e2: {  	v58 =	vld [tilespmem:s22+$0xFFFFEC60]  }
0x2e3: {  	v59 =	vld [tilespmem:s22+$0x60]  }
.Ltmp3:
0x2e4: {  	v62 =	vld [tilespmem:s22+$0x1460];
	(pc) =	sbr.rel @p1 .LBB2_9-.Ltmp3, $4  }
0x2e5: {  	v60 =	vmul.f32 v13, v10;
	v61 =	vmul.f32 v19, v16;
	v2 =	vld [tilespmem:s22+$0xFFFFD870]  }
0x2e6: {  	v63 =	vmul.f32 v6, v63;
	v4 =	vmul.f32 v7, v11;
	v1 =	vld [tilespmem:s22+$0xFFFFEC70]  }
0x2e7: {  	v3 =	vmul.f32 v8, v5;
	v5 =	vmul.f32 v14, v12;
	v7 =	vld [tilespmem:s22+$0x70]  }
0x2e8: {  	s26 =	sadd.s32 $0x11, s26;
	v6 =	vmul.f32 v17, v15;
	v8 =	vmul.f32 v9, v18;
	v9 =	vld [tilespmem:s22+$0x1470];
	s22 =	sadd.s32 $0x80, s22  }
0x2e9: {  	v10 =	vmul.f32 v50, v49  }
0x2ea: {  	v11 =	vmul.f32 v53, v51;
	v12 =	vmul.f32 v54, v52  }
0x2eb: {  	v13 =	vmul.f32 v57, v55;
	v14 =	vmul.f32 v58, v56;
	v4 =	vadd.f32 v4, v63  }
0x2ec: {  	v15 =	vmul.f32 v62, v59;
	v3 =	vadd.f32 v5, v3;
	v50 =	vadd.f32 v8, v6  }
0x2ed: {  	v1 =	vmul.f32 v1, v2;
	v2 =	vadd.f32 v61, v60;
	v7 =	vmul.f32 v9, v7  }
0x2ee: {  	v51 =	vadd.f32 v11, v10;
	v52 =	vadd.f32 v13, v12  }
0x2ef: {  	v53 =	vadd.f32 v15, v14;
	v1 =	vadd.f32 v7, v1  }
0x2f0: {  	v3 =	vadd.f32 v50, v3;
	v2 =	vadd.f32 v4, v2  }
0x2f1: {  	v54 =	vadd.f32 v52, v51;
	v1 =	vadd.f32 v1, v53  }
0x2f2: {  	v55 =	vadd.s32 s5, v0  }
0x2f3: {  	v2 =	vadd.f32 v3, v2;
	v1 =	vadd.f32 v1, v54;
	_ =	sdelay $0x1  }
0x2f4: {  	v1 =	vadd.f32 v1, v2;
	_ =	sdelay $0x1  }
0x2f5: {  	[tilespmem:v55+s10+$0x0] =	vst.idx.msk $0xffff, v1  }
0x2f6: {  	v1 =	vld.idx.msk [tilespmem:v20+s10+$0x0], $0xffff  }
0x2f7: {  	v2 =	vld [tilespmem:$0x1FED0]  }
0x2f8: {  	v3 =	vld [tilespmem:$0x1FEE0]  }
0x2f9: {  	v56 =	vld [tilespmem:$0x1FEF0]  }
0x2fa: {  	v5 =	vld [tilespmem:$0x1FF00]  }
0x2fb: {  	v57 =	vld [tilespmem:$0x1FF10]  }
0x2fc: {  	v58 =	vld [tilespmem:$0x1FF20]  }
0x2fd: {  	v59 =	vld [tilespmem:$0x1FF30]  }
0x2fe: {  	v60 =	vld [tilespmem:$0x1FF40]  }
0x2ff: {  	v61 =	vld [tilespmem:$0x1FF50]  }
0x300: {  	v62 =	vld [tilespmem:$0x1FF60]  }
0x301: {  	v63 =	vld [tilespmem:$0x1FF70]  }
0x302: {  	v16 =	vld [tilespmem:$0x1FF80]  }
0x303: {  	v17 =	vld [tilespmem:$0x1FF90]  }
0x304: {  	v49 =	vld [tilespmem:$0x1FFA0]  }
0x305: {  	v2 =	vld.idx.msk [tilespmem:v2+s10+$0x0], $0xffff  }
0x306: {  	v3 =	vld.idx.msk [tilespmem:v3+s10+$0x0], $0xffff  }
0x307: {  	v4 =	vld.idx.msk [tilespmem:v56+s10+$0x0], $0xffff  }
0x308: {  	v5 =	vld.idx.msk [tilespmem:v5+s10+$0x0], $0xffff  }
0x309: {  	v6 =	vld.idx.msk [tilespmem:v57+s10+$0x0], $0xffff  }
0x30a: {  	v7 =	vld.idx.msk [tilespmem:v58+s10+$0x0], $0xffff  }
0x30b: {  	v13 =	vld.idx.msk [tilespmem:v16+s10+$0x0], $0xffff  }
0x30c: {  	v16 =	vld [tilespmem:$0x1FFB0]  }
0x30d: {  	v8 =	vld.idx.msk [tilespmem:v59+s10+$0x0], $0xffff  }
0x30e: {  	v9 =	vld.idx.msk [tilespmem:v60+s10+$0x0], $0xffff  }
0x30f: {  	v10 =	vld.idx.msk [tilespmem:v61+s10+$0x0], $0xffff  }
0x310: {  	v11 =	vld.idx.msk [tilespmem:v62+s10+$0x0], $0xffff  }
0x311: {  	v12 =	vld.idx.msk [tilespmem:v63+s10+$0x0], $0xffff  }
0x312: {  	v14 =	vld.idx.msk [tilespmem:v17+s10+$0x0], $0xffff  }
0x313: {  	v15 =	vld.idx.msk [tilespmem:v49+s10+$0x0], $0xffff  }
0x314: {  	v16 =	vld.idx.msk [tilespmem:v16+s10+$0x0], $0xffff;
	_ =	sdelay $0x1  }
0x315: {  	v1 =	vadd.f32 v2, v1;
	v2 =	vadd.f32 v4, v3  }
0x316: {  	v3 =	vadd.f32 v6, v5;
	v50 =	vadd.f32 v8, v7  }
0x317: {  	v51 =	vadd.f32 v10, v9;
	v52 =	vadd.f32 v12, v11  }
0x318: {  	v53 =	vadd.f32 v14, v13;
	v54 =	vadd.f32 v16, v15  }
0x319: {  	v56 =	vld [tilespmem:$0x1FFF0];
	v1 =	vadd.f32 v2, v1;
	v2 =	vadd.f32 v50, v3  }
0x31a: {  	v3 =	vadd.f32 v52, v51;
	v55 =	vadd.f32 v54, v53;
	_ =	sdelay $0x1  }
0x31b: {  	v1 =	vadd.f32 v2, v1;
	v2 =	vadd.f32 v55, v3  }
0x31c: {  	s3 =	smul.u32 $0xA0, s3  }
0x31d: {  	v3 =	vld [tilespmem:$0x1FFE0];
	v1 =	vadd.f32 v2, v1  }
0x31e: {  	s3 =	sshra.s32 s3, $0x2;
	v2 =	vld [tilespmem:$0x1FFD0]  }
0x31f: {  	[tilespmem:s3+$0xA400] =	vst v1;
	v1 =	vld [tilespmem:$0x1FFC0]  }
0x320: {  	v4 =	vld.idx.msk [tilespmem:v56+s10+$0x0], $0xffff  }
0x321: {  	v57 =	vld.idx.msk [tilespmem:v21+s10+$0x0], $0xffff  }
0x322: {  	v58 =	vld.idx.msk [tilespmem:v22+s10+$0x0], $0xffff  }
0x323: {  	v59 =	vld.idx.msk [tilespmem:v23+s10+$0x0], $0xffff  }
0x324: {  	v60 =	vld.idx.msk [tilespmem:v24+s10+$0x0], $0xffff  }
0x325: {  	v61 =	vld.idx.msk [tilespmem:v25+s10+$0x0], $0xffff  }
0x326: {  	v62 =	vld.idx.msk [tilespmem:v26+s10+$0x0], $0xffff  }
0x327: {  	v63 =	vld.idx.msk [tilespmem:v27+s10+$0x0], $0xffff  }
0x328: {  	v49 =	vld.idx.msk [tilespmem:v28+s10+$0x0], $0xffff  }
0x329: {  	v50 =	vld.idx.msk [tilespmem:v29+s10+$0x0], $0xffff  }
0x32a: {  	v51 =	vld.idx.msk [tilespmem:v30+s10+$0x0], $0xffff  }
0x32b: {  	v52 =	vld.idx.msk [tilespmem:v31+s10+$0x0], $0xffff  }
0x32c: {  	v2 =	vld.idx.msk [tilespmem:v2+s10+$0x0], $0xffff  }
0x32d: {  	v1 =	vld.idx.msk [tilespmem:v1+s10+$0x0], $0xffff  }
0x32e: {  	v3 =	vld.idx.msk [tilespmem:v3+s10+$0x0], $0xffff  }
0x32f: {  	v53 =	vld.idx.msk [tilespmem:v32+s10+$0x0], $0xffff;
	_ =	sdelay $0x1  }
0x330: {  	v54 =	vadd.f32 v60, v59;
	v55 =	vadd.f32 v62, v61  }
0x331: {  	v56 =	vadd.f32 v49, v63;
	v1 =	vadd.f32 v2, v1  }
0x332: {  	v2 =	vadd.f32 v4, v3;
	v3 =	vadd.f32 v58, v57  }
0x333: {  	v57 =	vadd.f32 v51, v50;
	v58 =	vadd.f32 v53, v52  }
0x334: {  	v1 =	vadd.f32 v2, v1;
	v2 =	vadd.f32 v54, v3  }
0x335: {  	v3 =	vadd.f32 v56, v55;
	v59 =	vadd.f32 v58, v57;
	_ =	sdelay $0x1  }
0x336: {  	v1 =	vadd.f32 v2, v1;
	v2 =	vadd.f32 v59, v3;
	_ =	sdelay $0x1  }
0x337: {  	v1 =	vadd.f32 v2, v1;
	_ =	sdelay $0x1  }
0x338: {  	[tilespmem:s3+$0xA410] =	vst v1  }
0x339: {  	v1 =	vld.idx.msk [tilespmem:v33+s10+$0x0], $0xffff  }
0x33a: {  	v2 =	vld.idx.msk [tilespmem:v34+s10+$0x0], $0xffff  }
0x33b: {  	v3 =	vld.idx.msk [tilespmem:v35+s10+$0x0], $0xffff  }
0x33c: {  	v60 =	vld.idx.msk [tilespmem:v36+s10+$0x0], $0xffff  }
0x33d: {  	v61 =	vld.idx.msk [tilespmem:v37+s10+$0x0], $0xffff  }
0x33e: {  	v62 =	vld.idx.msk [tilespmem:v38+s10+$0x0], $0xffff  }
0x33f: {  	v63 =	vld.idx.msk [tilespmem:v39+s10+$0x0], $0xffff  }
0x340: {  	v49 =	vld.idx.msk [tilespmem:v40+s10+$0x0], $0xffff  }
0x341: {  	v50 =	vld.idx.msk [tilespmem:v41+s10+$0x0], $0xffff  }
0x342: {  	v51 =	vld.idx.msk [tilespmem:v42+s10+$0x0], $0xffff  }
0x343: {  	v52 =	vld.idx.msk [tilespmem:v43+s10+$0x0], $0xffff  }
0x344: {  	v53 =	vld.idx.msk [tilespmem:v44+s10+$0x0], $0xffff  }
0x345: {  	v54 =	vld.idx.msk [tilespmem:v45+s10+$0x0], $0xffff  }
0x346: {  	v55 =	vld.idx.msk [tilespmem:v46+s10+$0x0], $0xffff  }
0x347: {  	v56 =	vld.idx.msk [tilespmem:v47+s10+$0x0], $0xffff  }
0x348: {  	v57 =	vld.idx.msk [tilespmem:v48+s10+$0x0], $0xffff;
	_ =	sdelay $0x1  }
0x349: {  	v1 =	vadd.f32 v2, v1;
	v2 =	vadd.f32 v60, v3  }
0x34a: {  	v3 =	vadd.f32 v62, v61;
	v58 =	vadd.f32 v49, v63  }
0x34b: {  	v59 =	vadd.f32 v51, v50;
	v60 =	vadd.f32 v53, v52  }
0x34c: {  	v61 =	vadd.f32 v55, v54;
	v62 =	vadd.f32 v57, v56  }
0x34d: {  	v1 =	vadd.f32 v2, v1;
	v2 =	vadd.f32 v58, v3  }
0x34e: {  	s14 =	sadd.s32 $0x1, s14;
	v3 =	vadd.f32 v60, v59;
	v63 =	vadd.f32 v62, v61  }
0x34f: {  	p1 =	sne.s32 s14, $0x1F  }
.Ltmp4:
0x350: {  	v1 =	vadd.f32 v2, v1;
	v2 =	vadd.f32 v63, v3;
	(pc) =	sbr.rel @p1 .LBB2_2-.Ltmp4, $3  }
0x351: {  	_ = 	snop  }
0x352: {  	v1 =	vadd.f32 v2, v1;
	_ =	sdelay $0x1  }
0x353: {  	[tilespmem:s3+$0xA420] =	vst v1  }
0x354: {  	_ =	swait.ge [sflag:s7], $0x5000  }
0x355: {  	[sflag:s7] =	ssyncset.done $0x0  }
0x356: {  	s5 =	simm.s32 $0x2C00;
	[sflag:s7] =	ssyncadd.s32 $0xFFFFB000  }
0x357: {  	v1 =	vld [tilespmem:s5+$0xFFFFD800]  }
0x358: {  	v2 =	vld [tilespmem:s5+$0xFFFFEC00]  }
0x359: {  	v3 =	vld [tilespmem:s5+$0x0]  }
0x35a: {  	v4 =	vld [tilespmem:s5+$0x1400]  }
0x35b: {  	v5 =	vld [tilespmem:s5+$0xFFFFD810]  }
0x35c: {  	v6 =	vld [tilespmem:s5+$0xFFFFEC10]  }
0x35d: {  	v7 =	vld [tilespmem:s5+$0x10]  }
0x35e: {  	v8 =	vld [tilespmem:s5+$0x1410]  }
0x35f: {  	v9 =	vld [tilespmem:s5+$0xFFFFD820]  }
0x360: {  	v10 =	vld [tilespmem:s5+$0xFFFFEC20]  }
0x361: {  	v11 =	vld [tilespmem:s5+$0x20]  }
0x362: {  	v12 =	vld [tilespmem:s5+$0x1420]  }
0x363: {  	v13 =	vld [tilespmem:s5+$0xFFFFD830]  }
0x364: {  	v14 =	vld [tilespmem:s5+$0xFFFFEC30]  }
0x365: {  	v15 =	vld [tilespmem:s5+$0x30]  }
0x366: {  	v16 =	vld [tilespmem:s5+$0x1430]  }
0x367: {  	v49 =	vld [tilespmem:s5+$0xFFFFD840]  }
0x368: {  	v50 =	vld [tilespmem:s5+$0xFFFFEC40]  }
0x369: {  	v51 =	vld [tilespmem:s5+$0x40]  }
0x36a: {  	v53 =	vld [tilespmem:s5+$0x1440]  }
0x36b: {  	v52 =	vld [tilespmem:s5+$0xFFFFD850]  }
0x36c: {  	v54 =	vld [tilespmem:s5+$0xFFFFEC50]  }
0x36d: {  	v55 =	vld [tilespmem:s5+$0x50]  }
0x36e: {  	v57 =	vld [tilespmem:s5+$0x1450]  }
0x36f: {  	v56 =	vld [tilespmem:s5+$0xFFFFD860]  }
0x370: {  	v58 =	vld [tilespmem:s5+$0xFFFFEC60]  }
0x371: {  	v59 =	vld [tilespmem:s5+$0x60]  }
0x372: {  	v62 =	vld [tilespmem:s5+$0x1460]  }
0x373: {  	v60 =	vmul.f32 v2, v1;
	v61 =	vmul.f32 v4, v3;
	v2 =	vld [tilespmem:s5+$0xFFFFD870]  }
0x374: {  	v63 =	vmul.f32 v6, v5;
	v4 =	vmul.f32 v8, v7;
	v1 =	vld [tilespmem:s5+$0xFFFFEC70]  }
0x375: {  	v3 =	vmul.f32 v10, v9;
	v5 =	vmul.f32 v12, v11;
	v6 =	vld [tilespmem:s5+$0x70]  }
0x376: {  	s3 =	simm.s32 $0x0;
	s14 =	simm.s32 $0x11;
	v7 =	vmul.f32 v14, v13;
	v8 =	vmul.f32 v16, v15;
	v9 =	vld [tilespmem:s5+$0x1470];
	s5 =	simm.s32 $0x2C80  }
.LBB2_12:
0x377: {  	v10 =	vld [tilespmem:s5+$0xFFFFD800];
	p1 =	sne.s32 s14, $0x297;
	v11 =	vmul.f32 v50, v49;
	v12 =	vmul.f32 v53, v51  }
0x378: {  	v14 =	vmul.f32 v54, v52;
	v15 =	vmul.f32 v57, v55;
	v13 =	vld [tilespmem:s5+$0xFFFFEC00]  }
0x379: {  	v17 =	vmul.f32 v58, v56;
	v18 =	vmul.f32 v62, v59;
	v16 =	vld [tilespmem:s5+$0x0]  }
0x37a: {  	v4 =	vadd.f32 v4, v63;
	v1 =	vmul.f32 v1, v2;
	v2 =	vadd.f32 v61, v60;
	v19 =	vld [tilespmem:s5+$0x1400]  }
0x37b: {  	v3 =	vadd.f32 v5, v3;
	v5 =	vadd.f32 v8, v7;
	v63 =	vld [tilespmem:s5+$0xFFFFD810];
	v6 =	vmul.f32 v9, v6  }
0x37c: {  	v8 =	vadd.f32 v12, v11;
	v9 =	vadd.f32 v15, v14;
	v7 =	vld [tilespmem:s5+$0xFFFFEC10]  }
0x37d: {  	v12 =	vadd.f32 v18, v17;
	v11 =	vld [tilespmem:s5+$0x10];
	v1 =	vadd.f32 v6, v1  }
0x37e: {  	v3 =	vadd.f32 v5, v3;
	v2 =	vadd.f32 v4, v2;
	v6 =	vld [tilespmem:s5+$0x1410]  }
0x37f: {  	v4 =	vadd.f32 v9, v8;
	v5 =	vld [tilespmem:s5+$0xFFFFD820];
	v1 =	vadd.f32 v1, v12  }
0x380: {  	v9 =	vadd.s32 s3, v0;
	s3 =	smov.u32 s14;
	v8 =	vld [tilespmem:s5+$0xFFFFEC20]  }
0x381: {  	v2 =	vadd.f32 v3, v2;
	v12 =	vld [tilespmem:s5+$0x20];
	v1 =	vadd.f32 v1, v4  }
0x382: {  	v14 =	vld [tilespmem:s5+$0x1420]  }
0x383: {  	v15 =	vld [tilespmem:s5+$0xFFFFD830];
	v1 =	vadd.f32 v1, v2  }
0x384: {  	v17 =	vld [tilespmem:s5+$0xFFFFEC30]  }
0x385: {  	v18 =	vld [tilespmem:s5+$0x30];
	[tilespmem:v9+s10+$0x0] =	vst.idx.msk $0xffff, v1  }
0x386: {  	v9 =	vld [tilespmem:s5+$0x1430]  }
0x387: {  	v49 =	vld [tilespmem:s5+$0xFFFFD840]  }
0x388: {  	v50 =	vld [tilespmem:s5+$0xFFFFEC40]  }
0x389: {  	v51 =	vld [tilespmem:s5+$0x40]  }
0x38a: {  	v53 =	vld [tilespmem:s5+$0x1440]  }
0x38b: {  	v52 =	vld [tilespmem:s5+$0xFFFFD850]  }
0x38c: {  	v54 =	vld [tilespmem:s5+$0xFFFFEC50]  }
0x38d: {  	v55 =	vld [tilespmem:s5+$0x50]  }
0x38e: {  	v57 =	vld [tilespmem:s5+$0x1450]  }
0x38f: {  	v56 =	vld [tilespmem:s5+$0xFFFFD860]  }
0x390: {  	v58 =	vld [tilespmem:s5+$0xFFFFEC60]  }
0x391: {  	v59 =	vld [tilespmem:s5+$0x60]  }
.Ltmp5:
0x392: {  	v62 =	vld [tilespmem:s5+$0x1460];
	(pc) =	sbr.rel @p1 .LBB2_12-.Ltmp5, $4  }
0x393: {  	v60 =	vmul.f32 v13, v10;
	v61 =	vmul.f32 v19, v16;
	v2 =	vld [tilespmem:s5+$0xFFFFD870]  }
0x394: {  	v63 =	vmul.f32 v7, v63;
	v4 =	vmul.f32 v6, v11;
	v1 =	vld [tilespmem:s5+$0xFFFFEC70]  }
0x395: {  	v3 =	vmul.f32 v8, v5;
	v5 =	vmul.f32 v14, v12;
	v6 =	vld [tilespmem:s5+$0x70]  }
0x396: {  	s14 =	sadd.s32 $0x11, s14;
	v7 =	vmul.f32 v17, v15;
	v8 =	vmul.f32 v9, v18;
	v9 =	vld [tilespmem:s5+$0x1470];
	s5 =	sadd.s32 $0x80, s5  }
0x397: {  	v10 =	vmul.f32 v50, v49  }
0x398: {  	v11 =	vmul.f32 v53, v51;
	v12 =	vmul.f32 v54, v52  }
0x399: {  	v13 =	vmul.f32 v57, v55;
	v14 =	vmul.f32 v58, v56;
	v4 =	vadd.f32 v4, v63  }
0x39a: {  	v15 =	vmul.f32 v62, v59;
	v3 =	vadd.f32 v5, v3;
	v50 =	vadd.f32 v8, v7  }
0x39b: {  	v1 =	vmul.f32 v1, v2;
	v2 =	vadd.f32 v61, v60;
	v6 =	vmul.f32 v9, v6  }
0x39c: {  	v51 =	vadd.f32 v11, v10;
	v52 =	vadd.f32 v13, v12  }
0x39d: {  	v53 =	vadd.f32 v15, v14;
	v1 =	vadd.f32 v6, v1  }
0x39e: {  	v3 =	vadd.f32 v50, v3;
	v2 =	vadd.f32 v4, v2  }
0x39f: {  	v54 =	vadd.f32 v52, v51;
	v1 =	vadd.f32 v1, v53  }
0x3a0: {  	v55 =	vadd.s32 s3, v0  }
0x3a1: {  	v2 =	vadd.f32 v3, v2;
	v1 =	vadd.f32 v1, v54;
	_ =	sdelay $0x1  }
0x3a2: {  	v1 =	vadd.f32 v1, v2;
	_ =	sdelay $0x1  }
0x3a3: {  	[tilespmem:v55+s10+$0x0] =	vst.idx.msk $0xffff, v1  }
0x3a4: {  	v1 =	vld.idx.msk [tilespmem:v20+s10+$0x0], $0xffff  }
0x3a5: {  	v2 =	vld [tilespmem:$0x1FED0]  }
0x3a6: {  	v3 =	vld [tilespmem:$0x1FEE0]  }
0x3a7: {  	v56 =	vld [tilespmem:$0x1FEF0]  }
0x3a8: {  	v5 =	vld [tilespmem:$0x1FF00]  }
0x3a9: {  	v57 =	vld [tilespmem:$0x1FF10]  }
0x3aa: {  	v58 =	vld [tilespmem:$0x1FF20]  }
0x3ab: {  	v59 =	vld [tilespmem:$0x1FF30]  }
0x3ac: {  	v60 =	vld [tilespmem:$0x1FF40]  }
0x3ad: {  	v61 =	vld [tilespmem:$0x1FF50]  }
0x3ae: {  	v62 =	vld [tilespmem:$0x1FF60]  }
0x3af: {  	v63 =	vld [tilespmem:$0x1FF70]  }
0x3b0: {  	v16 =	vld [tilespmem:$0x1FF80]  }
0x3b1: {  	v17 =	vld [tilespmem:$0x1FF90]  }
0x3b2: {  	v49 =	vld [tilespmem:$0x1FFA0]  }
0x3b3: {  	v2 =	vld.idx.msk [tilespmem:v2+s10+$0x0], $0xffff  }
0x3b4: {  	v3 =	vld.idx.msk [tilespmem:v3+s10+$0x0], $0xffff  }
0x3b5: {  	v4 =	vld.idx.msk [tilespmem:v56+s10+$0x0], $0xffff  }
0x3b6: {  	v5 =	vld.idx.msk [tilespmem:v5+s10+$0x0], $0xffff  }
0x3b7: {  	v6 =	vld.idx.msk [tilespmem:v57+s10+$0x0], $0xffff  }
0x3b8: {  	v7 =	vld.idx.msk [tilespmem:v58+s10+$0x0], $0xffff  }
0x3b9: {  	v13 =	vld.idx.msk [tilespmem:v16+s10+$0x0], $0xffff  }
0x3ba: {  	v16 =	vld [tilespmem:$0x1FFB0]  }
0x3bb: {  	v8 =	vld.idx.msk [tilespmem:v59+s10+$0x0], $0xffff  }
0x3bc: {  	v9 =	vld.idx.msk [tilespmem:v60+s10+$0x0], $0xffff  }
0x3bd: {  	v10 =	vld.idx.msk [tilespmem:v61+s10+$0x0], $0xffff  }
0x3be: {  	v11 =	vld.idx.msk [tilespmem:v62+s10+$0x0], $0xffff  }
0x3bf: {  	v12 =	vld.idx.msk [tilespmem:v63+s10+$0x0], $0xffff  }
0x3c0: {  	v14 =	vld.idx.msk [tilespmem:v17+s10+$0x0], $0xffff  }
0x3c1: {  	v15 =	vld.idx.msk [tilespmem:v49+s10+$0x0], $0xffff  }
0x3c2: {  	v16 =	vld.idx.msk [tilespmem:v16+s10+$0x0], $0xffff;
	_ =	sdelay $0x1  }
0x3c3: {  	v1 =	vadd.f32 v2, v1;
	v2 =	vadd.f32 v4, v3  }
0x3c4: {  	v3 =	vadd.f32 v6, v5;
	v50 =	vadd.f32 v8, v7  }
0x3c5: {  	v51 =	vadd.f32 v10, v9;
	v52 =	vadd.f32 v12, v11  }
0x3c6: {  	v53 =	vadd.f32 v14, v13;
	v54 =	vadd.f32 v16, v15  }
0x3c7: {  	v56 =	vld [tilespmem:$0x1FFF0];
	v1 =	vadd.f32 v2, v1;
	v2 =	vadd.f32 v50, v3  }
0x3c8: {  	v3 =	vadd.f32 v52, v51;
	v55 =	vadd.f32 v54, v53;
	_ =	sdelay $0x1  }
0x3c9: {  	v1 =	vadd.f32 v2, v1;
	v2 =	vadd.f32 v55, v3;
	_ =	sdelay $0x1  }
0x3ca: {  	v3 =	vld [tilespmem:$0x1FFE0];
	v1 =	vadd.f32 v2, v1  }
0x3cb: {  	v2 =	vld [tilespmem:$0x1FFD0]  }
0x3cc: {  	[tilespmem:$0xB760] =	vst v1;
	v1 =	vld [tilespmem:$0x1FFC0]  }
0x3cd: {  	v4 =	vld.idx.msk [tilespmem:v56+s10+$0x0], $0xffff  }
0x3ce: {  	v57 =	vld.idx.msk [tilespmem:v21+s10+$0x0], $0xffff  }
0x3cf: {  	v58 =	vld.idx.msk [tilespmem:v22+s10+$0x0], $0xffff  }
0x3d0: {  	v59 =	vld.idx.msk [tilespmem:v23+s10+$0x0], $0xffff  }
0x3d1: {  	v60 =	vld.idx.msk [tilespmem:v24+s10+$0x0], $0xffff  }
0x3d2: {  	v61 =	vld.idx.msk [tilespmem:v25+s10+$0x0], $0xffff  }
0x3d3: {  	v62 =	vld.idx.msk [tilespmem:v26+s10+$0x0], $0xffff  }
0x3d4: {  	v63 =	vld.idx.msk [tilespmem:v27+s10+$0x0], $0xffff  }
0x3d5: {  	v49 =	vld.idx.msk [tilespmem:v28+s10+$0x0], $0xffff  }
0x3d6: {  	v50 =	vld.idx.msk [tilespmem:v29+s10+$0x0], $0xffff  }
0x3d7: {  	v51 =	vld.idx.msk [tilespmem:v30+s10+$0x0], $0xffff  }
0x3d8: {  	v52 =	vld.idx.msk [tilespmem:v31+s10+$0x0], $0xffff  }
0x3d9: {  	v2 =	vld.idx.msk [tilespmem:v2+s10+$0x0], $0xffff  }
0x3da: {  	v1 =	vld.idx.msk [tilespmem:v1+s10+$0x0], $0xffff  }
0x3db: {  	v3 =	vld.idx.msk [tilespmem:v3+s10+$0x0], $0xffff  }
0x3dc: {  	v53 =	vld.idx.msk [tilespmem:v32+s10+$0x0], $0xffff;
	_ =	sdelay $0x1  }
0x3dd: {  	v54 =	vadd.f32 v60, v59;
	v55 =	vadd.f32 v62, v61  }
0x3de: {  	v56 =	vadd.f32 v49, v63;
	v1 =	vadd.f32 v2, v1  }
0x3df: {  	v2 =	vadd.f32 v4, v3;
	v3 =	vadd.f32 v58, v57  }
0x3e0: {  	v57 =	vadd.f32 v51, v50;
	v58 =	vadd.f32 v53, v52  }
0x3e1: {  	v1 =	vadd.f32 v2, v1;
	v2 =	vadd.f32 v54, v3  }
0x3e2: {  	v3 =	vadd.f32 v56, v55;
	v59 =	vadd.f32 v58, v57;
	_ =	sdelay $0x1  }
0x3e3: {  	v1 =	vadd.f32 v2, v1;
	v2 =	vadd.f32 v59, v3;
	_ =	sdelay $0x1  }
0x3e4: {  	v1 =	vadd.f32 v2, v1;
	_ =	sdelay $0x1  }
0x3e5: {  	[tilespmem:$0xB770] =	vst v1  }
0x3e6: {  	v1 =	vld.idx.msk [tilespmem:v33+s10+$0x0], $0xffff  }
0x3e7: {  	v2 =	vld.idx.msk [tilespmem:v34+s10+$0x0], $0xffff  }
0x3e8: {  	v3 =	vld.idx.msk [tilespmem:v35+s10+$0x0], $0xffff  }
0x3e9: {  	v60 =	vld.idx.msk [tilespmem:v36+s10+$0x0], $0xffff  }
0x3ea: {  	v61 =	vld.idx.msk [tilespmem:v37+s10+$0x0], $0xffff  }
0x3eb: {  	v62 =	vld.idx.msk [tilespmem:v38+s10+$0x0], $0xffff  }
0x3ec: {  	v63 =	vld.idx.msk [tilespmem:v39+s10+$0x0], $0xffff  }
0x3ed: {  	v49 =	vld.idx.msk [tilespmem:v40+s10+$0x0], $0xffff  }
0x3ee: {  	v50 =	vld.idx.msk [tilespmem:v41+s10+$0x0], $0xffff  }
0x3ef: {  	v51 =	vld.idx.msk [tilespmem:v42+s10+$0x0], $0xffff  }
0x3f0: {  	v52 =	vld.idx.msk [tilespmem:v43+s10+$0x0], $0xffff  }
0x3f1: {  	v53 =	vld.idx.msk [tilespmem:v44+s10+$0x0], $0xffff  }
0x3f2: {  	v54 =	vld.idx.msk [tilespmem:v45+s10+$0x0], $0xffff  }
0x3f3: {  	v55 =	vld.idx.msk [tilespmem:v46+s10+$0x0], $0xffff  }
0x3f4: {  	v56 =	vld.idx.msk [tilespmem:v47+s10+$0x0], $0xffff  }
0x3f5: {  	v57 =	vld.idx.msk [tilespmem:v48+s10+$0x0], $0xffff;
	_ =	sdelay $0x1  }
0x3f6: {  	v1 =	vadd.f32 v2, v1;
	v2 =	vadd.f32 v60, v3  }
0x3f7: {  	v3 =	vadd.f32 v62, v61;
	v58 =	vadd.f32 v49, v63  }
0x3f8: {  	v59 =	vadd.f32 v51, v50;
	v60 =	vadd.f32 v53, v52  }
0x3f9: {  	v61 =	vadd.f32 v55, v54;
	v62 =	vadd.f32 v57, v56  }
0x3fa: {  	v1 =	vadd.f32 v2, v1;
	v2 =	vadd.f32 v58, v3  }
0x3fb: {  	v3 =	vadd.f32 v60, v59;
	v63 =	vadd.f32 v62, v61;
	_ =	sdelay $0x1  }
0x3fc: {  	v1 =	vadd.f32 v2, v1;
	v2 =	vadd.f32 v63, v3;
	_ =	sdelay $0x1  }
0x3fd: {  	v1 =	vadd.f32 v2, v1;
	_ =	sdelay $0x1  }
0x3fe: {  	s5 =	simm.s32 $0xA400;
	s21 =	rddreg [dreg:$0x13];
	[tilespmem:$0xB780] =	vst v1  }
0x3ff: {  	[hbm4b:s21+s28] =	stream.linear.scatter [tilespmem:s5], [sflag:$0x7], $0x1388, $0x38;
	[tilespmem:$0x1F400] =	vst v63  }
0x400: {  	s21 =	simm.s32 $0x7  }
0x401: {  	_ =	swait.ge [sflag:s21], $0x1388  }
0x402: {  	s22 =	rddreg [dreg:$0x1c]  }
0x403: {  	s26 =	rddreg [dreg:$0x17];
	s5 =	sadd.s32 $0x1, s22  }
0x404: {  	p1 =	sne.s32 s5, s26  }
.Ltmp6:
0x405: {  	_ = 	snop;
	(pc) =	sbr.rel @p1 .LBB2_1-.Ltmp6, $3  }
0x406: {  	_ =	sdelay $0x1  }
0x407: {  	[sflag:s21] =	ssyncset.done $0x0  }
0x408: {  	[sflag:s21] =	ssyncadd.s32 $0xFFFFEC78  }
0x409: {  	_ =	sfence.sel $0x180000  }
0x40a: {  	[bflag:$0x0] =	sbarrier.arrive $0xFFFF  }
0x40b: {  	_ =	strace $0x90000047  }
0x40c: {  	[bflag:$0x2] =	sbarrier.arrive $0xFFFF  }
0x40d: {  	s0 =	rddreg [dreg:$0x4]  }
0x40e: {  	s0 =	sadd.s32 @!p0 $0x100000, s0  }
0x40f: {  	[sflag:s0] =	ssyncadd.tile.s32 @!p0 $0x1;
	_ =	shalt  }
.Lfunc_end2:
_tile_overlayer_lowered:
.L_overlay_start_2:
0x410: {  	(tag) =	ssettag $0x2  }
0x411: {  	s0 =	rddreg [dreg:$0x0];
	s2 =	stileid.u32  }
0x412: {  	s1 =	rddreg [dreg:$0x1];
	p0 =	sne.s32 s2, $0x0  }
0x413: {  	s3 =	rddreg [dreg:$0x2];
	[bflag:$0x3] =	sbarrier.arrive $0xFFFF;
	s2 =	simm.s32 @!p0 $0x1C07  }
0x414: {  	[timem:s3], [sflag:s2] =	dma.local @!p0 [hbm:s0], s1  }
0x415: {  	s0 =	simm.s32 @!p0 $0x7  }
0x416: {  	_ =	swait.ge @!p0 [sflag:s0], s1  }
0x417: {  	s1 =	ssub.s32 @!p0 $0x0, s1;
	[sflag:s0] =	ssyncset.done @!p0 $0x0  }
0x418: {  	[sflag:s0] =	ssyncadd.s32 @!p0 s1  }
0x419: {  	[bflag:$0x3] =	sbarrier.arrive $0xFFFF  }
0x41a: {  	_ =	shalt  }

</sc_bundles>
